<compile_context>
chip_gen: v7x
topology: tpu7x:2x2x1
jax: 0.10.2.dev20260603
libtpu: 0.0.44.dev20260713+nightly
codegen_flags: <defaults>
</compile_context>

<pallas_src>
import functools

import jax
import jax.numpy as jnp
from jax import lax
from jax.experimental import pallas as pl
from jax.experimental.pallas import tpu as pltpu
from jax.experimental.pallas import tpu_sc as plsc

EMBED = 32
N_PIECE = 13
N_PIECE_PAD = 16
N_POS = 64
BATCH = 16384
BCHUNK = 1024
BQUARTER = BATCH // 4
NCH = BQUARTER // BCHUNK
LANES = 16
TROW = EMBED * N_PIECE_PAD

_DNUMS = lax.GatherDimensionNumbers(
    offset_dims=(), collapsed_slice_dims=(0,), start_index_map=(0,)
)


def _dyn_gather(vec, idx):
    return lax.gather(
        vec,
        idx.reshape(LANES, 1),
        dimension_numbers=_DNUMS,
        slice_sizes=(1,),
        mode=lax.GatherScatterMode.PROMISE_IN_BOUNDS,
    )


def _sc_lookup(board_t, piece_pad_t, pos_t):
    mesh = plsc.VectorSubcoreMesh(core_axis_name="c", subcore_axis_name="s")

    @functools.partial(
        pl.kernel,
        out_type=jax.ShapeDtypeStruct((8, 8, EMBED, BATCH), jnp.float32),
        mesh=mesh,
        compiler_params=pltpu.CompilerParams(use_tc_tiling_on_sc=True),
        scratch_types=[
            pltpu.VMEM((EMBED, N_PIECE_PAD), jnp.float32),
            pltpu.VMEM((EMBED, N_POS), jnp.float32),
            pltpu.VMEM((8 * TROW,), jnp.float32),
            pltpu.VMEM((8, BCHUNK), jnp.int32),
            pltpu.VMEM((EMBED, BCHUNK), jnp.float32),
            pltpu.VMEM((EMBED, BCHUNK), jnp.float32),
            pltpu.SemaphoreType.DMA,
            pltpu.SemaphoreType.DMA,
            pltpu.SemaphoreType.DMA,
        ],
    )
    def k(board_hbm, piece_hbm, pos_hbm, out_hbm,
          pbuf, qbuf, tbuf, bb, ob0, ob1, os0, os1, bsem):
        wid = lax.axis_index("s") * 2 + lax.axis_index("c")
        r = wid // 4
        bq = wid % 4
        bbase = bq * BQUARTER

        def board_slab(g):
            return board_hbm.at[r, :, pl.ds(bbase + g * BCHUNK, BCHUNK)]

        pltpu.async_copy(board_slab(0), bb, bsem)

        off = (r // 2) * LANES
        pltpu.sync_copy(piece_hbm, pbuf)
        pltpu.sync_copy(pos_hbm, qbuf)
        lane0 = r * 8 - off
        lanes = [
            jnp.full((LANES,), 0, jnp.int32) + (lane0 + c) for c in range(8)
        ]

        def build_row(d, carry):
            piece_vec = pbuf[d, :]
            pos_vec = qbuf[d, pl.ds(off, LANES)]
            for c in range(8):
                tbuf[pl.ds(c * TROW + d * N_PIECE_PAD, LANES)] = (
                    piece_vec + _dyn_gather(pos_vec, lanes[c])
                )
            return carry

        lax.fori_loop(0, EMBED, build_row, 0)

        def fill_chunk(ob, c):
            tvecs = [
                tbuf[pl.ds((c * EMBED + d) * N_PIECE_PAD, LANES)]
                for d in range(EMBED)
            ]

            @plsc.parallel_loop(0, BCHUNK // LANES, unroll=1)
            def _fill(kk):
                bv = bb[c, pl.ds(kk * LANES, LANES)]
                for d in range(EMBED):
                    ob[d, pl.ds(kk * LANES, LANES)] = _dyn_gather(tvecs[d], bv)

        def out_slice(c, g):
            return out_hbm.at[r, c, :, pl.ds(bbase + g * BCHUNK, BCHUNK)]

        obs = (ob0, ob1)
        sems = (os0, os1)

        def loop_body(g, carry):
            @pl.when(g == 0)
            def _():
                pltpu.make_async_copy(board_slab(0), bb, bsem).wait()

            @pl.when(g > 0)
            def _():
                pltpu.sync_copy(board_slab(g), bb)
            for c in range(8):
                buf = c % 2

                def _wait():
                    pltpu.make_async_copy(obs[buf], out_slice(0, 0), sems[buf]).wait()

                if c < 2:
                    pl.when(g > 0)(_wait)
                else:
                    _wait()
                fill_chunk(obs[buf], c)
                pltpu.async_copy(obs[buf], out_slice(c, g), sems[buf])
            return carry

        lax.fori_loop(0, NCH, loop_body, 0)
        pltpu.make_async_copy(ob0, out_slice(0, 0), os0).wait()
        pltpu.make_async_copy(ob1, out_slice(0, 0), os1).wait()

    return k(board_t, piece_pad_t, pos_t)


def kernel(board, piece_table, position_table):
    board_t = jnp.transpose(board.astype(jnp.int32), (1, 2, 0))
    piece_pad_t = jnp.pad(piece_table, ((0, N_PIECE_PAD - N_PIECE), (0, 0))).T
    pos_t = position_table.T
    out_t = _sc_lookup(board_t, piece_pad_t, pos_t)
    return jnp.transpose(out_t, (3, 0, 1, 2))

# --- scband reference (transcript-rebuilt; emitter-appended) ---
"""Pipeline reference for scband-chess-embedding-77653008712190 (READ-ONLY COPY).

The authoritative reference and input builder live on the scoring server;
editing this copy changes nothing except your own understanding.
"""

import jax, jax.numpy as jnp
import numpy as np

EMBED_DIM = 32
BATCH = 16384

def setup_inputs(seed: int = 0) -> dict:
    key = jax.random.key(seed)
    k1, k2, k3 = jax.random.split(key, 3)
    board = jax.random.randint(k1, (BATCH, 8, 8), 0, 13, dtype=jnp.int64)
    piece_table = jax.random.normal(k2, (13, EMBED_DIM), dtype=jnp.float32)
    position_table = jax.random.normal(k3, (64, EMBED_DIM), dtype=jnp.float32)
    return {"board": board, "piece_table": piece_table, "position_table": position_table}

def reference(board, piece_table, position_table):
    # piece embedding lookup: gather rows of piece_table by board indices
    piece_features = jnp.take(piece_table, board, axis=0)  # [B, 8, 8, D]
    # position embedding: fixed arange(64) reshaped to 8x8
    pos_idx = jnp.arange(64).reshape(8, 8)
    position_features = jnp.take(position_table, pos_idx, axis=0)  # [8, 8, D]
    return piece_features + position_features

if __name__ == "__main__":
    import jax
    _d = setup_inputs()
    print(jax.jit(kernel)(*tuple(_d.values())))

</pallas_src>

<mosaic_0001>
#map = affine_map<(d0, d1) -> (0, 0, 0)>
#map1 = affine_map<(d0, d1) -> (0, 0)>
#map2 = affine_map<(d0, d1) -> (0, 0, 0, 0)>
module attributes {stable_mosaic.version = 14 : i64} {
  func.func @k(%arg0: i32, %arg1: i32, %arg2: memref<8x8x16384xi32, #tpu.memory_space<hbm>>, %arg3: memref<32x16xf32, #tpu.memory_space<hbm>>, %arg4: memref<32x64xf32, #tpu.memory_space<hbm>>, %arg5: memref<8x8x32x16384xf32, #tpu.memory_space<hbm>>, %arg6: memref<32x16xf32, #tpu.memory_space<vmem>>, %arg7: memref<32x64xf32, #tpu.memory_space<vmem>>, %arg8: memref<4096xf32, #tpu.memory_space<vmem>>, %arg9: memref<8x1024xi32, #tpu.memory_space<vmem>>, %arg10: memref<32x1024xf32, #tpu.memory_space<vmem>>, %arg11: memref<32x1024xf32, #tpu.memory_space<vmem>>, %arg12: memref<!tpu.dma_semaphore, #tpu.memory_space<semaphore_mem>>, %arg13: memref<!tpu.dma_semaphore, #tpu.memory_space<semaphore_mem>>, %arg14: memref<!tpu.dma_semaphore, #tpu.memory_space<semaphore_mem>>) attributes {dimension_semantics = [#tpu.dimension_semantics<core_parallel>, #tpu.dimension_semantics<subcore_parallel>], iteration_bounds = array<i64: 2, 16>, scalar_prefetch = 0 : i64, scratch_operands = 9 : i64, tpu.core_type = #tpu.core_type<sc_vector_subcore>, window_params = [{transform_indices = #map}, {transform_indices = #map1}, {transform_indices = #map1}, {transform_indices = #map2}]} {
    %mul3A = arith.constant 2 : i32
    %mul3A_0 = arith.muli %arg1, %mul3A : i32
    %add3A = arith.addi %mul3A_0, %arg0 : i32
    %jit3A = arith.constant 4 : i32
    %div3A = arith.divsi %add3A, %jit3A : i32
    %sign3A = arith.constant 0 : i32
    %sign3A_1 = arith.cmpi sgt, %add3A, %sign3A : i32
    %sign3A_2 = arith.extui %sign3A_1 : i1 to i32
    %sign3A_3 = arith.constant 0 : i32
    %sign3A_4 = arith.cmpi slt, %add3A, %sign3A_3 : i32
    %sign3A_5 = arith.extui %sign3A_4 : i1 to i32
    %sign3A_6 = arith.subi %sign3A_2, %sign3A_5 : i32
    %sign3A_7 = arith.constant 0 : i32
    %sign3A_8 = arith.cmpi sgt, %jit3A, %sign3A_7 : i32
    %sign3A_9 = arith.extui %sign3A_8 : i1 to i32
    %sign3A_10 = arith.constant 0 : i32
    %sign3A_11 = arith.cmpi slt, %jit3A, %sign3A_10 : i32
    %sign3A_12 = arith.extui %sign3A_11 : i1 to i32
    %sign3A_13 = arith.subi %sign3A_9, %sign3A_12 : i32
    %ne3A = arith.cmpi ne, %sign3A_6, %sign3A_13 : i32
    %rem3A = arith.remsi %add3A, %jit3A : i32
    %ne3A_14 = arith.constant 0 : i32
    %ne3A_15 = arith.cmpi ne, %rem3A, %ne3A_14 : i32
    %and3A = arith.andi %ne3A, %ne3A_15 : i1
    %sub3A = arith.constant 1 : i32
    %sub3A_16 = arith.subi %div3A, %sub3A : i32
    %select_n3A = arith.select %and3A, %sub3A_16, %div3A : i32
    %jit3A_17 = arith.constant 4 : i32
    %eq3A = arith.constant 0 : i32
    %eq3A_18 = arith.cmpi eq, %jit3A_17, %eq3A : i32
    %jit3A_19 = arith.constant 1 : i32
    %select_n3A_20 = arith.select %eq3A_18, %jit3A_19, %jit3A_17 : i32
    %rem3A_21 = arith.remsi %add3A, %select_n3A_20 : i32
    %ne3A_22 = arith.constant 0 : i32
    %ne3A_23 = arith.cmpi ne, %rem3A_21, %ne3A_22 : i32
    %lt3A = arith.constant 0 : i32
    %lt3A_24 = arith.cmpi slt, %rem3A_21, %lt3A : i32
    %lt3A_25 = arith.constant 0 : i32
    %lt3A_26 = arith.cmpi slt, %select_n3A_20, %lt3A_25 : i32
    %ne3A_27 = arith.xori %lt3A_24, %lt3A_26 : i1
    %and3A_28 = arith.andi %ne3A_27, %ne3A_23 : i1
    %add3A_29 = arith.addi %rem3A_21, %select_n3A_20 : i32
    %select_n3A_30 = arith.select %and3A_28, %add3A_29, %rem3A_21 : i32
    %mul3A_31 = arith.constant 4096 : i32
    %mul3A_32 = arith.muli %select_n3A_30, %mul3A_31 : i32
    %add3A_33 = arith.constant 0 : i32
    %add3A_34 = arith.addi %mul3A_32, %add3A_33 : i32
    %dma_start3A = arith.constant 0 : i32
    %dma_start3A_35 = tpu.memref_slice %arg2[%select_n3A, %dma_start3A, %add3A_34] : memref<8x8x16384xi32, #tpu.memory_space<hbm>> -> memref<1x8x1024xi32, #tpu.memory_space<hbm>>
    %dma_start3A_36 = tpu.memref_squeeze %dma_start3A_35 : memref<1x8x1024xi32, #tpu.memory_space<hbm>> -> memref<8x1024xi32, #tpu.memory_space<hbm>>
    %dma_start3A_37 = arith.constant 0 : i32
    %dma_start3A_38 = tpu.memref_slice %arg2[%select_n3A, %dma_start3A_37, %add3A_34] : memref<8x8x16384xi32, #tpu.memory_space<hbm>> -> memref<1x8x1024xi32, #tpu.memory_space<hbm>>
    %dma_start3A_39 = tpu.memref_squeeze %dma_start3A_38 : memref<1x8x1024xi32, #tpu.memory_space<hbm>> -> memref<8x1024xi32, #tpu.memory_space<hbm>>
    tpu.enqueue_dma source(%dma_start3A_39 : memref<8x1024xi32, #tpu.memory_space<hbm>>) target(%arg9 : memref<8x1024xi32, #tpu.memory_space<vmem>>) target_semaphore(%arg14 : memref<!tpu.dma_semaphore, #tpu.memory_space<semaphore_mem>>)
    %jit3A_40 = arith.constant 2 : i32
    %div3A_41 = arith.divsi %select_n3A, %jit3A_40 : i32
    %sign3A_42 = arith.constant 0 : i32
    %sign3A_43 = arith.cmpi sgt, %select_n3A, %sign3A_42 : i32
    %sign3A_44 = arith.extui %sign3A_43 : i1 to i32
    %sign3A_45 = arith.constant 0 : i32
    %sign3A_46 = arith.cmpi slt, %select_n3A, %sign3A_45 : i32
    %sign3A_47 = arith.extui %sign3A_46 : i1 to i32
    %sign3A_48 = arith.subi %sign3A_44, %sign3A_47 : i32
    %sign3A_49 = arith.constant 0 : i32
    %sign3A_50 = arith.cmpi sgt, %jit3A_40, %sign3A_49 : i32
    %sign3A_51 = arith.extui %sign3A_50 : i1 to i32
    %sign3A_52 = arith.constant 0 : i32
    %sign3A_53 = arith.cmpi slt, %jit3A_40, %sign3A_52 : i32
    %sign3A_54 = arith.extui %sign3A_53 : i1 to i32
    %sign3A_55 = arith.subi %sign3A_51, %sign3A_54 : i32
    %ne3A_56 = arith.cmpi ne, %sign3A_48, %sign3A_55 : i32
    %rem3A_57 = arith.remsi %select_n3A, %jit3A_40 : i32
    %ne3A_58 = arith.constant 0 : i32
    %ne3A_59 = arith.cmpi ne, %rem3A_57, %ne3A_58 : i32
    %and3A_60 = arith.andi %ne3A_56, %ne3A_59 : i1
    %sub3A_61 = arith.constant 1 : i32
    %sub3A_62 = arith.subi %div3A_41, %sub3A_61 : i32
    %select_n3A_63 = arith.select %and3A_60, %sub3A_62, %div3A_41 : i32
    %mul3A_64 = arith.constant 16 : i32
    %mul3A_65 = arith.muli %select_n3A_63, %mul3A_64 : i32
    "tpu.region"() ({
      %run_scoped3A = tpu.sem_alloc : memref<!tpu.dma_semaphore, #tpu.memory_space<semaphore_mem>>
      tpu.enqueue_dma source(%arg3 : memref<32x16xf32, #tpu.memory_space<hbm>>) target(%arg6 : memref<32x16xf32, #tpu.memory_space<vmem>>) target_semaphore(%run_scoped3A : memref<!tpu.dma_semaphore, #tpu.memory_space<semaphore_mem>>)
      tpu.wait_dma2 semaphore(%run_scoped3A : memref<!tpu.dma_semaphore, #tpu.memory_space<semaphore_mem>>) src(%arg3 : memref<32x16xf32, #tpu.memory_space<hbm>>) dst(%arg6 : memref<32x16xf32, #tpu.memory_space<vmem>>)
      tpu.yield
    }) : () -> ()
    "tpu.region"() ({
      %run_scoped3A = tpu.sem_alloc : memref<!tpu.dma_semaphore, #tpu.memory_space<semaphore_mem>>
      tpu.enqueue_dma source(%arg4 : memref<32x64xf32, #tpu.memory_space<hbm>>) target(%arg7 : memref<32x64xf32, #tpu.memory_space<vmem>>) target_semaphore(%run_scoped3A : memref<!tpu.dma_semaphore, #tpu.memory_space<semaphore_mem>>)
      tpu.wait_dma2 semaphore(%run_scoped3A : memref<!tpu.dma_semaphore, #tpu.memory_space<semaphore_mem>>) src(%arg4 : memref<32x64xf32, #tpu.memory_space<hbm>>) dst(%arg7 : memref<32x64xf32, #tpu.memory_space<vmem>>)
      tpu.yield
    }) : () -> ()
    %mul3A_66 = arith.constant 8 : i32
    %mul3A_67 = arith.muli %select_n3A, %mul3A_66 : i32
    %sub3A_68 = arith.subi %mul3A_67, %mul3A_65 : i32
    %broadcast_in_dim3A = arith.constant 0 : i32
    %broadcast_in_dim3A_69 = vector.broadcast %broadcast_in_dim3A : i32 to vector<16xi32>
    %add3A_70 = arith.constant 0 : i32
    %add3A_71 = arith.addi %sub3A_68, %add3A_70 : i32
    %add3A_72 = vector.broadcast %add3A_71 : i32 to vector<16xi32>
    %add3A_73 = arith.addi %broadcast_in_dim3A_69, %add3A_72 : vector<16xi32>
    %broadcast_in_dim3A_74 = arith.constant 0 : i32
    %broadcast_in_dim3A_75 = vector.broadcast %broadcast_in_dim3A_74 : i32 to vector<16xi32>
    %add3A_76 = arith.constant 1 : i32
    %add3A_77 = arith.addi %sub3A_68, %add3A_76 : i32
    %add3A_78 = vector.broadcast %add3A_77 : i32 to vector<16xi32>
    %add3A_79 = arith.addi %broadcast_in_dim3A_75, %add3A_78 : vector<16xi32>
    %broadcast_in_dim3A_80 = arith.constant 0 : i32
    %broadcast_in_dim3A_81 = vector.broadcast %broadcast_in_dim3A_80 : i32 to vector<16xi32>
    %add3A_82 = arith.constant 2 : i32
    %add3A_83 = arith.addi %sub3A_68, %add3A_82 : i32
    %add3A_84 = vector.broadcast %add3A_83 : i32 to vector<16xi32>
    %add3A_85 = arith.addi %broadcast_in_dim3A_81, %add3A_84 : vector<16xi32>
    %broadcast_in_dim3A_86 = arith.constant 0 : i32
    %broadcast_in_dim3A_87 = vector.broadcast %broadcast_in_dim3A_86 : i32 to vector<16xi32>
    %add3A_88 = arith.constant 3 : i32
    %add3A_89 = arith.addi %sub3A_68, %add3A_88 : i32
    %add3A_90 = vector.broadcast %add3A_89 : i32 to vector<16xi32>
    %add3A_91 = arith.addi %broadcast_in_dim3A_87, %add3A_90 : vector<16xi32>
    %broadcast_in_dim3A_92 = arith.constant 0 : i32
    %broadcast_in_dim3A_93 = vector.broadcast %broadcast_in_dim3A_92 : i32 to vector<16xi32>
    %add3A_94 = arith.constant 4 : i32
    %add3A_95 = arith.addi %sub3A_68, %add3A_94 : i32
    %add3A_96 = vector.broadcast %add3A_95 : i32 to vector<16xi32>
    %add3A_97 = arith.addi %broadcast_in_dim3A_93, %add3A_96 : vector<16xi32>
    %broadcast_in_dim3A_98 = arith.constant 0 : i32
    %broadcast_in_dim3A_99 = vector.broadcast %broadcast_in_dim3A_98 : i32 to vector<16xi32>
    %add3A_100 = arith.constant 5 : i32
    %add3A_101 = arith.addi %sub3A_68, %add3A_100 : i32
    %add3A_102 = vector.broadcast %add3A_101 : i32 to vector<16xi32>
    %add3A_103 = arith.addi %broadcast_in_dim3A_99, %add3A_102 : vector<16xi32>
    %broadcast_in_dim3A_104 = arith.constant 0 : i32
    %broadcast_in_dim3A_105 = vector.broadcast %broadcast_in_dim3A_104 : i32 to vector<16xi32>
    %add3A_106 = arith.constant 6 : i32
    %add3A_107 = arith.addi %sub3A_68, %add3A_106 : i32
    %add3A_108 = vector.broadcast %add3A_107 : i32 to vector<16xi32>
    %add3A_109 = arith.addi %broadcast_in_dim3A_105, %add3A_108 : vector<16xi32>
    %broadcast_in_dim3A_110 = arith.constant 0 : i32
    %broadcast_in_dim3A_111 = vector.broadcast %broadcast_in_dim3A_110 : i32 to vector<16xi32>
    %add3A_112 = arith.constant 7 : i32
    %add3A_113 = arith.addi %sub3A_68, %add3A_112 : i32
    %add3A_114 = vector.broadcast %add3A_113 : i32 to vector<16xi32>
    %add3A_115 = arith.addi %broadcast_in_dim3A_111, %add3A_114 : vector<16xi32>
    %scan3A = arith.constant 0 : i32
    %scan3A_116 = arith.constant 0 : i32
    %scan3A_117 = arith.constant 32 : i32
    %scan3A_118 = arith.addi %scan3A_116, %scan3A_117 : i32
    %scan3A_119 = arith.constant 1 : i32
    scf.for %scan3A_144 = %scan3A_116 to %scan3A_118 step %scan3A_119  : i32 {
      %get3A = arith.index_cast %scan3A_144 : i32 to index
      %get3A_145 = arith.constant 0 : index
      %get3A_146 = tpu.vector_load %arg6[%get3A, %get3A_145] {strides = array<i32>} : memref<32x16xf32, #tpu.memory_space<vmem>>, vector<1x16xf32>,
      %get3A_147 = vector.shape_cast %get3A_146 : vector<1x16xf32> to vector<16xf32>
      %get3A_148 = arith.index_cast %scan3A_144 : i32 to index
      %get3A_149 = arith.index_cast %mul3A_65 : i32 to index
      %get3A_150 = tpu.vector_load %arg7[%get3A_148, %get3A_149] {strides = array<i32>} : memref<32x64xf32, #tpu.memory_space<vmem>>, vector<1x16xf32>,
      %get3A_151 = vector.shape_cast %get3A_150 : vector<1x16xf32> to vector<16xf32>
      %reshape3A = vector.shape_cast %add3A_73 : vector<16xi32> to vector<16x1xi32>
      %gather3A = vector.shape_cast %reshape3A : vector<16x1xi32> to vector<16xi32>
      %gather3A_152 = tpu.dynamic_gather %get3A_151[%gather3A] in [0] : vector<16xf32>, vector<16xi32> -> vector<16xf32>
      %add3A_153 = arith.addf %get3A_147, %gather3A_152 : vector<16xf32>
      %mul3A_154 = arith.constant 16 : i32
      %mul3A_155 = arith.muli %scan3A_144, %mul3A_154 : i32
      %add3A_156 = arith.constant 0 : i32
      %add3A_157 = arith.addi %add3A_156, %mul3A_155 : i32
      %swap3A = arith.index_cast %add3A_157 : i32 to index
      %swap3A_158 = tpu.vector_load %arg8[%swap3A] {strides = array<i32>} : memref<4096xf32, #tpu.memory_space<vmem>>, vector<16xf32>,
      %swap3A_159 = vector.shape_cast %swap3A_158 : vector<16xf32> to vector<16xf32>
      %swap3A_160 = vector.shape_cast %add3A_153 : vector<16xf32> to vector<16xf32>
      tpu.vector_store %arg8[%swap3A], %swap3A_160 {strides = array<i32>} : memref<4096xf32, #tpu.memory_space<vmem>>, vector<16xf32>,
      %reshape3A_161 = vector.shape_cast %add3A_79 : vector<16xi32> to vector<16x1xi32>
      %gather3A_162 = vector.shape_cast %reshape3A_161 : vector<16x1xi32> to vector<16xi32>
      %gather3A_163 = tpu.dynamic_gather %get3A_151[%gather3A_162] in [0] : vector<16xf32>, vector<16xi32> -> vector<16xf32>
      %add3A_164 = arith.addf %get3A_147, %gather3A_163 : vector<16xf32>
      %mul3A_165 = arith.constant 16 : i32
      %mul3A_166 = arith.muli %scan3A_144, %mul3A_165 : i32
      %add3A_167 = arith.constant 512 : i32
      %add3A_168 = arith.addi %add3A_167, %mul3A_166 : i32
      %swap3A_169 = arith.index_cast %add3A_168 : i32 to index
      %swap3A_170 = tpu.vector_load %arg8[%swap3A_169] {strides = array<i32>} : memref<4096xf32, #tpu.memory_space<vmem>>, vector<16xf32>,
      %swap3A_171 = vector.shape_cast %swap3A_170 : vector<16xf32> to vector<16xf32>
      %swap3A_172 = vector.shape_cast %add3A_164 : vector<16xf32> to vector<16xf32>
      tpu.vector_store %arg8[%swap3A_169], %swap3A_172 {strides = array<i32>} : memref<4096xf32, #tpu.memory_space<vmem>>, vector<16xf32>,
      %reshape3A_173 = vector.shape_cast %add3A_85 : vector<16xi32> to vector<16x1xi32>
      %gather3A_174 = vector.shape_cast %reshape3A_173 : vector<16x1xi32> to vector<16xi32>
      %gather3A_175 = tpu.dynamic_gather %get3A_151[%gather3A_174] in [0] : vector<16xf32>, vector<16xi32> -> vector<16xf32>
      %add3A_176 = arith.addf %get3A_147, %gather3A_175 : vector<16xf32>
      %mul3A_177 = arith.constant 16 : i32
      %mul3A_178 = arith.muli %scan3A_144, %mul3A_177 : i32
      %add3A_179 = arith.constant 1024 : i32
      %add3A_180 = arith.addi %add3A_179, %mul3A_178 : i32
      %swap3A_181 = arith.index_cast %add3A_180 : i32 to index
      %swap3A_182 = tpu.vector_load %arg8[%swap3A_181] {strides = array<i32>} : memref<4096xf32, #tpu.memory_space<vmem>>, vector<16xf32>,
      %swap3A_183 = vector.shape_cast %swap3A_182 : vector<16xf32> to vector<16xf32>
      %swap3A_184 = vector.shape_cast %add3A_176 : vector<16xf32> to vector<16xf32>
      tpu.vector_store %arg8[%swap3A_181], %swap3A_184 {strides = array<i32>} : memref<4096xf32, #tpu.memory_space<vmem>>, vector<16xf32>,
      %reshape3A_185 = vector.shape_cast %add3A_91 : vector<16xi32> to vector<16x1xi32>
      %gather3A_186 = vector.shape_cast %reshape3A_185 : vector<16x1xi32> to vector<16xi32>
      %gather3A_187 = tpu.dynamic_gather %get3A_151[%gather3A_186] in [0] : vector<16xf32>, vector<16xi32> -> vector<16xf32>
      %add3A_188 = arith.addf %get3A_147, %gather3A_187 : vector<16xf32>
      %mul3A_189 = arith.constant 16 : i32
      %mul3A_190 = arith.muli %scan3A_144, %mul3A_189 : i32
      %add3A_191 = arith.constant 1536 : i32
      %add3A_192 = arith.addi %add3A_191, %mul3A_190 : i32
      %swap3A_193 = arith.index_cast %add3A_192 : i32 to index
      %swap3A_194 = tpu.vector_load %arg8[%swap3A_193] {strides = array<i32>} : memref<4096xf32, #tpu.memory_space<vmem>>, vector<16xf32>,
      %swap3A_195 = vector.shape_cast %swap3A_194 : vector<16xf32> to vector<16xf32>
      %swap3A_196 = vector.shape_cast %add3A_188 : vector<16xf32> to vector<16xf32>
      tpu.vector_store %arg8[%swap3A_193], %swap3A_196 {strides = array<i32>} : memref<4096xf32, #tpu.memory_space<vmem>>, vector<16xf32>,
      %reshape3A_197 = vector.shape_cast %add3A_97 : vector<16xi32> to vector<16x1xi32>
      %gather3A_198 = vector.shape_cast %reshape3A_197 : vector<16x1xi32> to vector<16xi32>
      %gather3A_199 = tpu.dynamic_gather %get3A_151[%gather3A_198] in [0] : vector<16xf32>, vector<16xi32> -> vector<16xf32>
      %add3A_200 = arith.addf %get3A_147, %gather3A_199 : vector<16xf32>
      %mul3A_201 = arith.constant 16 : i32
      %mul3A_202 = arith.muli %scan3A_144, %mul3A_201 : i32
      %add3A_203 = arith.constant 2048 : i32
      %add3A_204 = arith.addi %add3A_203, %mul3A_202 : i32
      %swap3A_205 = arith.index_cast %add3A_204 : i32 to index
      %swap3A_206 = tpu.vector_load %arg8[%swap3A_205] {strides = array<i32>} : memref<4096xf32, #tpu.memory_space<vmem>>, vector<16xf32>,
      %swap3A_207 = vector.shape_cast %swap3A_206 : vector<16xf32> to vector<16xf32>
      %swap3A_208 = vector.shape_cast %add3A_200 : vector<16xf32> to vector<16xf32>
      tpu.vector_store %arg8[%swap3A_205], %swap3A_208 {strides = array<i32>} : memref<4096xf32, #tpu.memory_space<vmem>>, vector<16xf32>,
      %reshape3A_209 = vector.shape_cast %add3A_103 : vector<16xi32> to vector<16x1xi32>
      %gather3A_210 = vector.shape_cast %reshape3A_209 : vector<16x1xi32> to vector<16xi32>
      %gather3A_211 = tpu.dynamic_gather %get3A_151[%gather3A_210] in [0] : vector<16xf32>, vector<16xi32> -> vector<16xf32>
      %add3A_212 = arith.addf %get3A_147, %gather3A_211 : vector<16xf32>
      %mul3A_213 = arith.constant 16 : i32
      %mul3A_214 = arith.muli %scan3A_144, %mul3A_213 : i32
      %add3A_215 = arith.constant 2560 : i32
      %add3A_216 = arith.addi %add3A_215, %mul3A_214 : i32
      %swap3A_217 = arith.index_cast %add3A_216 : i32 to index
      %swap3A_218 = tpu.vector_load %arg8[%swap3A_217] {strides = array<i32>} : memref<4096xf32, #tpu.memory_space<vmem>>, vector<16xf32>,
      %swap3A_219 = vector.shape_cast %swap3A_218 : vector<16xf32> to vector<16xf32>
      %swap3A_220 = vector.shape_cast %add3A_212 : vector<16xf32> to vector<16xf32>
      tpu.vector_store %arg8[%swap3A_217], %swap3A_220 {strides = array<i32>} : memref<4096xf32, #tpu.memory_space<vmem>>, vector<16xf32>,
      %reshape3A_221 = vector.shape_cast %add3A_109 : vector<16xi32> to vector<16x1xi32>
      %gather3A_222 = vector.shape_cast %reshape3A_221 : vector<16x1xi32> to vector<16xi32>
      %gather3A_223 = tpu.dynamic_gather %get3A_151[%gather3A_222] in [0] : vector<16xf32>, vector<16xi32> -> vector<16xf32>
      %add3A_224 = arith.addf %get3A_147, %gather3A_223 : vector<16xf32>
      %mul3A_225 = arith.constant 16 : i32
      %mul3A_226 = arith.muli %scan3A_144, %mul3A_225 : i32
      %add3A_227 = arith.constant 3072 : i32
      %add3A_228 = arith.addi %add3A_227, %mul3A_226 : i32
      %swap3A_229 = arith.index_cast %add3A_228 : i32 to index
      %swap3A_230 = tpu.vector_load %arg8[%swap3A_229] {strides = array<i32>} : memref<4096xf32, #tpu.memory_space<vmem>>, vector<16xf32>,
      %swap3A_231 = vector.shape_cast %swap3A_230 : vector<16xf32> to vector<16xf32>
      %swap3A_232 = vector.shape_cast %add3A_224 : vector<16xf32> to vector<16xf32>
      tpu.vector_store %arg8[%swap3A_229], %swap3A_232 {strides = array<i32>} : memref<4096xf32, #tpu.memory_space<vmem>>, vector<16xf32>,
      %reshape3A_233 = vector.shape_cast %add3A_115 : vector<16xi32> to vector<16x1xi32>
      %gather3A_234 = vector.shape_cast %reshape3A_233 : vector<16x1xi32> to vector<16xi32>
      %gather3A_235 = tpu.dynamic_gather %get3A_151[%gather3A_234] in [0] : vector<16xf32>, vector<16xi32> -> vector<16xf32>
      %add3A_236 = arith.addf %get3A_147, %gather3A_235 : vector<16xf32>
      %mul3A_237 = arith.constant 16 : i32
      %mul3A_238 = arith.muli %scan3A_144, %mul3A_237 : i32
      %add3A_239 = arith.constant 3584 : i32
      %add3A_240 = arith.addi %add3A_239, %mul3A_238 : i32
      %swap3A_241 = arith.index_cast %add3A_240 : i32 to index
      %swap3A_242 = tpu.vector_load %arg8[%swap3A_241] {strides = array<i32>} : memref<4096xf32, #tpu.memory_space<vmem>>, vector<16xf32>,
      %swap3A_243 = vector.shape_cast %swap3A_242 : vector<16xf32> to vector<16xf32>
      %swap3A_244 = vector.shape_cast %add3A_236 : vector<16xf32> to vector<16xf32>
      tpu.vector_store %arg8[%swap3A_241], %swap3A_244 {strides = array<i32>} : memref<4096xf32, #tpu.memory_space<vmem>>, vector<16xf32>,
    }
    %scan3A_120 = arith.constant 32 : i32
    %scan3A_121 = arith.constant 0 : i32
    %scan3A_122 = arith.constant 0 : i32
    %scan3A_123 = arith.constant 4 : i32
    %scan3A_124 = arith.addi %scan3A_122, %scan3A_123 : i32
    %scan3A_125 = arith.constant 1 : i32
    scf.for %scan3A_144 = %scan3A_122 to %scan3A_124 step %scan3A_125  : i32 {
      %eq3A_145 = arith.constant 0 : i32
      %eq3A_146 = arith.cmpi eq, %scan3A_144, %eq3A_145 : i32
      %convert_element_type3A = arith.extui %eq3A_146 : i1 to i32
      %cond3A = arith.constant 0 : i32
      %cond3A_147 = arith.cmpi ne, %convert_element_type3A, %cond3A : i32
      scf.if %cond3A_147 {
        %add3A_1086 = arith.constant 0 : i32
        %add3A_1087 = arith.addi %mul3A_32, %add3A_1086 : i32
        %dma_wait3A_1088 = arith.constant 0 : i32
        %dma_wait3A_1089 = tpu.memref_slice %arg2[%select_n3A, %dma_wait3A_1088, %add3A_1087] : memref<8x8x16384xi32, #tpu.memory_space<hbm>> -> memref<1x8x1024xi32, #tpu.memory_space<hbm>>
        %dma_wait3A_1090 = tpu.memref_squeeze %dma_wait3A_1089 : memref<1x8x1024xi32, #tpu.memory_space<hbm>> -> memref<8x1024xi32, #tpu.memory_space<hbm>>
        %dma_wait3A_1091 = arith.constant 0 : i32
        %dma_wait3A_1092 = tpu.memref_slice %arg2[%select_n3A, %dma_wait3A_1091, %add3A_1087] : memref<8x8x16384xi32, #tpu.memory_space<hbm>> -> memref<1x8x1024xi32, #tpu.memory_space<hbm>>
        %dma_wait3A_1093 = tpu.memref_squeeze %dma_wait3A_1092 : memref<1x8x1024xi32, #tpu.memory_space<hbm>> -> memref<8x1024xi32, #tpu.memory_space<hbm>>
        tpu.wait_dma2 semaphore(%arg14 : memref<!tpu.dma_semaphore, #tpu.memory_space<semaphore_mem>>) src(%dma_wait3A_1093 : memref<8x1024xi32, #tpu.memory_space<hbm>>) dst(%arg9 : memref<8x1024xi32, #tpu.memory_space<vmem>>)
      } else {
      }
      %gt3A = arith.constant 0 : i32
      %gt3A_148 = arith.cmpi sgt, %scan3A_144, %gt3A : i32
      %convert_element_type3A_149 = arith.extui %gt3A_148 : i1 to i32
      %cond3A_150 = arith.constant 0 : i32
      %cond3A_151 = arith.cmpi ne, %convert_element_type3A_149, %cond3A_150 : i32
      scf.if %cond3A_151 {
        %mul3A_1086 = arith.constant 1024 : i32
        %mul3A_1087 = arith.muli %scan3A_144, %mul3A_1086 : i32
        %add3A_1088 = arith.addi %mul3A_32, %mul3A_1087 : i32
        "tpu.region"() ({
          %run_scoped3A = tpu.sem_alloc : memref<!tpu.dma_semaphore, #tpu.memory_space<semaphore_mem>>
          %dma_start3A_1089 = arith.constant 0 : i32
          %dma_start3A_1090 = tpu.memref_slice %arg2[%select_n3A, %dma_start3A_1089, %add3A_1088] : memref<8x8x16384xi32, #tpu.memory_space<hbm>> -> memref<1x8x1024xi32, #tpu.memory_space<hbm>>
          %dma_start3A_1091 = tpu.memref_squeeze %dma_start3A_1090 : memref<1x8x1024xi32, #tpu.memory_space<hbm>> -> memref<8x1024xi32, #tpu.memory_space<hbm>>
          %dma_start3A_1092 = arith.constant 0 : i32
          %dma_start3A_1093 = tpu.memref_slice %arg2[%select_n3A, %dma_start3A_1092, %add3A_1088] : memref<8x8x16384xi32, #tpu.memory_space<hbm>> -> memref<1x8x1024xi32, #tpu.memory_space<hbm>>
          %dma_start3A_1094 = tpu.memref_squeeze %dma_start3A_1093 : memref<1x8x1024xi32, #tpu.memory_space<hbm>> -> memref<8x1024xi32, #tpu.memory_space<hbm>>
          tpu.enqueue_dma source(%dma_start3A_1094 : memref<8x1024xi32, #tpu.memory_space<hbm>>) target(%arg9 : memref<8x1024xi32, #tpu.memory_space<vmem>>) target_semaphore(%run_scoped3A : memref<!tpu.dma_semaphore, #tpu.memory_space<semaphore_mem>>)
          %dma_wait3A_1095 = arith.constant 0 : i32
          %dma_wait3A_1096 = tpu.memref_slice %arg2[%select_n3A, %dma_wait3A_1095, %add3A_1088] : memref<8x8x16384xi32, #tpu.memory_space<hbm>> -> memref<1x8x1024xi32, #tpu.memory_space<hbm>>
          %dma_wait3A_1097 = tpu.memref_squeeze %dma_wait3A_1096 : memref<1x8x1024xi32, #tpu.memory_space<hbm>> -> memref<8x1024xi32, #tpu.memory_space<hbm>>
          %dma_wait3A_1098 = arith.constant 0 : i32
          %dma_wait3A_1099 = tpu.memref_slice %arg2[%select_n3A, %dma_wait3A_1098, %add3A_1088] : memref<8x8x16384xi32, #tpu.memory_space<hbm>> -> memref<1x8x1024xi32, #tpu.memory_space<hbm>>
          %dma_wait3A_1100 = tpu.memref_squeeze %dma_wait3A_1099 : memref<1x8x1024xi32, #tpu.memory_space<hbm>> -> memref<8x1024xi32, #tpu.memory_space<hbm>>
          tpu.wait_dma2 semaphore(%run_scoped3A : memref<!tpu.dma_semaphore, #tpu.memory_space<semaphore_mem>>) src(%dma_wait3A_1100 : memref<8x1024xi32, #tpu.memory_space<hbm>>) dst(%arg9 : memref<8x1024xi32, #tpu.memory_space<vmem>>)
          tpu.yield
        }) : () -> ()
      } else {
      }
      %gt3A_152 = arith.constant 0 : i32
      %gt3A_153 = arith.cmpi sgt, %scan3A_144, %gt3A_152 : i32
      %convert_element_type3A_154 = arith.extui %gt3A_153 : i1 to i32
      %cond3A_155 = arith.constant 0 : i32
      %cond3A_156 = arith.cmpi ne, %convert_element_type3A_154, %cond3A_155 : i32
      scf.if %cond3A_156 {
        %add3A_1086 = arith.constant 0 : i32
        %add3A_1087 = arith.addi %mul3A_32, %add3A_1086 : i32
        %dma_wait3A_1088 = arith.constant 0 : i32
        %dma_wait3A_1089 = arith.constant 0 : i32
        %dma_wait3A_1090 = tpu.memref_slice %arg5[%select_n3A, %dma_wait3A_1088, %dma_wait3A_1089, %add3A_1087] : memref<8x8x32x16384xf32, #tpu.memory_space<hbm>> -> memref<1x1x32x1024xf32, #tpu.memory_space<hbm>>
        %dma_wait3A_1091 = tpu.memref_squeeze %dma_wait3A_1090 : memref<1x1x32x1024xf32, #tpu.memory_space<hbm>> -> memref<32x1024xf32, #tpu.memory_space<hbm>>
        %dma_wait3A_1092 = arith.constant 0 : i32
        %dma_wait3A_1093 = tpu.memref_slice %arg5[%select_n3A, %dma_wait3A_1088, %dma_wait3A_1092, %add3A_1087] : memref<8x8x32x16384xf32, #tpu.memory_space<hbm>> -> memref<1x1x32x1024xf32, #tpu.memory_space<hbm>>
        %dma_wait3A_1094 = tpu.memref_squeeze %dma_wait3A_1093 : memref<1x1x32x1024xf32, #tpu.memory_space<hbm>> -> memref<32x1024xf32, #tpu.memory_space<hbm>>
        tpu.wait_dma2 semaphore(%arg12 : memref<!tpu.dma_semaphore, #tpu.memory_space<semaphore_mem>>) src(%arg10 : memref<32x1024xf32, #tpu.memory_space<vmem>>) dst(%dma_wait3A_1094 : memref<32x1024xf32, #tpu.memory_space<hbm>>)
      } else {
      }
      %get3A = arith.constant 0 : index
      %get3A_157 = tpu.vector_load %arg8[%get3A] {strides = array<i32>} : memref<4096xf32, #tpu.memory_space<vmem>>, vector<16xf32>,
      %get3A_158 = vector.shape_cast %get3A_157 : vector<16xf32> to vector<16xf32>
      %get3A_159 = arith.constant 16 : index
      %get3A_160 = tpu.vector_load %arg8[%get3A_159] {strides = array<i32>} : memref<4096xf32, #tpu.memory_space<vmem>>, vector<16xf32>,
      %get3A_161 = vector.shape_cast %get3A_160 : vector<16xf32> to vector<16xf32>
      %get3A_162 = arith.constant 32 : index
      %get3A_163 = tpu.vector_load %arg8[%get3A_162] {strides = array<i32>} : memref<4096xf32, #tpu.memory_space<vmem>>, vector<16xf32>,
      %get3A_164 = vector.shape_cast %get3A_163 : vector<16xf32> to vector<16xf32>
      %get3A_165 = arith.constant 48 : index
      %get3A_166 = tpu.vector_load %arg8[%get3A_165] {strides = array<i32>} : memref<4096xf32, #tpu.memory_space<vmem>>, vector<16xf32>,
      %get3A_167 = vector.shape_cast %get3A_166 : vector<16xf32> to vector<16xf32>
      %get3A_168 = arith.constant 64 : index
      %get3A_169 = tpu.vector_load %arg8[%get3A_168] {strides = array<i32>} : memref<4096xf32, #tpu.memory_space<vmem>>, vector<16xf32>,
      %get3A_170 = vector.shape_cast %get3A_169 : vector<16xf32> to vector<16xf32>
      %get3A_171 = arith.constant 80 : index
      %get3A_172 = tpu.vector_load %arg8[%get3A_171] {strides = array<i32>} : memref<4096xf32, #tpu.memory_space<vmem>>, vector<16xf32>,
      %get3A_173 = vector.shape_cast %get3A_172 : vector<16xf32> to vector<16xf32>
      %get3A_174 = arith.constant 96 : index
      %get3A_175 = tpu.vector_load %arg8[%get3A_174] {strides = array<i32>} : memref<4096xf32, #tpu.memory_space<vmem>>, vector<16xf32>,
      %get3A_176 = vector.shape_cast %get3A_175 : vector<16xf32> to vector<16xf32>
      %get3A_177 = arith.constant 112 : index
      %get3A_178 = tpu.vector_load %arg8[%get3A_177] {strides = array<i32>} : memref<4096xf32, #tpu.memory_space<vmem>>, vector<16xf32>,
      %get3A_179 = vector.shape_cast %get3A_178 : vector<16xf32> to vector<16xf32>
      %get3A_180 = arith.constant 128 : index
      %get3A_181 = tpu.vector_load %arg8[%get3A_180] {strides = array<i32>} : memref<4096xf32, #tpu.memory_space<vmem>>, vector<16xf32>,
      %get3A_182 = vector.shape_cast %get3A_181 : vector<16xf32> to vector<16xf32>
      %get3A_183 = arith.constant 144 : index
      %get3A_184 = tpu.vector_load %arg8[%get3A_183] {strides = array<i32>} : memref<4096xf32, #tpu.memory_space<vmem>>, vector<16xf32>,
      %get3A_185 = vector.shape_cast %get3A_184 : vector<16xf32> to vector<16xf32>
      %get3A_186 = arith.constant 160 : index
      %get3A_187 = tpu.vector_load %arg8[%get3A_186] {strides = array<i32>} : memref<4096xf32, #tpu.memory_space<vmem>>, vector<16xf32>,
      %get3A_188 = vector.shape_cast %get3A_187 : vector<16xf32> to vector<16xf32>
      %get3A_189 = arith.constant 176 : index
      %get3A_190 = tpu.vector_load %arg8[%get3A_189] {strides = array<i32>} : memref<4096xf32, #tpu.memory_space<vmem>>, vector<16xf32>,
      %get3A_191 = vector.shape_cast %get3A_190 : vector<16xf32> to vector<16xf32>
      %get3A_192 = arith.constant 192 : index
      %get3A_193 = tpu.vector_load %arg8[%get3A_192] {strides = array<i32>} : memref<4096xf32, #tpu.memory_space<vmem>>, vector<16xf32>,
      %get3A_194 = vector.shape_cast %get3A_193 : vector<16xf32> to vector<16xf32>
      %get3A_195 = arith.constant 208 : index
      %get3A_196 = tpu.vector_load %arg8[%get3A_195] {strides = array<i32>} : memref<4096xf32, #tpu.memory_space<vmem>>, vector<16xf32>,
      %get3A_197 = vector.shape_cast %get3A_196 : vector<16xf32> to vector<16xf32>
      %get3A_198 = arith.constant 224 : index
      %get3A_199 = tpu.vector_load %arg8[%get3A_198] {strides = array<i32>} : memref<4096xf32, #tpu.memory_space<vmem>>, vector<16xf32>,
      %get3A_200 = vector.shape_cast %get3A_199 : vector<16xf32> to vector<16xf32>
      %get3A_201 = arith.constant 240 : index
      %get3A_202 = tpu.vector_load %arg8[%get3A_201] {strides = array<i32>} : memref<4096xf32, #tpu.memory_space<vmem>>, vector<16xf32>,
      %get3A_203 = vector.shape_cast %get3A_202 : vector<16xf32> to vector<16xf32>
      %get3A_204 = arith.constant 256 : index
      %get3A_205 = tpu.vector_load %arg8[%get3A_204] {strides = array<i32>} : memref<4096xf32, #tpu.memory_space<vmem>>, vector<16xf32>,
      %get3A_206 = vector.shape_cast %get3A_205 : vector<16xf32> to vector<16xf32>
      %get3A_207 = arith.constant 272 : index
      %get3A_208 = tpu.vector_load %arg8[%get3A_207] {strides = array<i32>} : memref<4096xf32, #tpu.memory_space<vmem>>, vector<16xf32>,
      %get3A_209 = vector.shape_cast %get3A_208 : vector<16xf32> to vector<16xf32>
      %get3A_210 = arith.constant 288 : index
      %get3A_211 = tpu.vector_load %arg8[%get3A_210] {strides = array<i32>} : memref<4096xf32, #tpu.memory_space<vmem>>, vector<16xf32>,
      %get3A_212 = vector.shape_cast %get3A_211 : vector<16xf32> to vector<16xf32>
      %get3A_213 = arith.constant 304 : index
      %get3A_214 = tpu.vector_load %arg8[%get3A_213] {strides = array<i32>} : memref<4096xf32, #tpu.memory_space<vmem>>, vector<16xf32>,
      %get3A_215 = vector.shape_cast %get3A_214 : vector<16xf32> to vector<16xf32>
      %get3A_216 = arith.constant 320 : index
      %get3A_217 = tpu.vector_load %arg8[%get3A_216] {strides = array<i32>} : memref<4096xf32, #tpu.memory_space<vmem>>, vector<16xf32>,
      %get3A_218 = vector.shape_cast %get3A_217 : vector<16xf32> to vector<16xf32>
      %get3A_219 = arith.constant 336 : index
      %get3A_220 = tpu.vector_load %arg8[%get3A_219] {strides = array<i32>} : memref<4096xf32, #tpu.memory_space<vmem>>, vector<16xf32>,
      %get3A_221 = vector.shape_cast %get3A_220 : vector<16xf32> to vector<16xf32>
      %get3A_222 = arith.constant 352 : index
      %get3A_223 = tpu.vector_load %arg8[%get3A_222] {strides = array<i32>} : memref<4096xf32, #tpu.memory_space<vmem>>, vector<16xf32>,
      %get3A_224 = vector.shape_cast %get3A_223 : vector<16xf32> to vector<16xf32>
      %get3A_225 = arith.constant 368 : index
      %get3A_226 = tpu.vector_load %arg8[%get3A_225] {strides = array<i32>} : memref<4096xf32, #tpu.memory_space<vmem>>, vector<16xf32>,
      %get3A_227 = vector.shape_cast %get3A_226 : vector<16xf32> to vector<16xf32>
      %get3A_228 = arith.constant 384 : index
      %get3A_229 = tpu.vector_load %arg8[%get3A_228] {strides = array<i32>} : memref<4096xf32, #tpu.memory_space<vmem>>, vector<16xf32>,
      %get3A_230 = vector.shape_cast %get3A_229 : vector<16xf32> to vector<16xf32>
      %get3A_231 = arith.constant 400 : index
      %get3A_232 = tpu.vector_load %arg8[%get3A_231] {strides = array<i32>} : memref<4096xf32, #tpu.memory_space<vmem>>, vector<16xf32>,
      %get3A_233 = vector.shape_cast %get3A_232 : vector<16xf32> to vector<16xf32>
      %get3A_234 = arith.constant 416 : index
      %get3A_235 = tpu.vector_load %arg8[%get3A_234] {strides = array<i32>} : memref<4096xf32, #tpu.memory_space<vmem>>, vector<16xf32>,
      %get3A_236 = vector.shape_cast %get3A_235 : vector<16xf32> to vector<16xf32>
      %get3A_237 = arith.constant 432 : index
      %get3A_238 = tpu.vector_load %arg8[%get3A_237] {strides = array<i32>} : memref<4096xf32, #tpu.memory_space<vmem>>, vector<16xf32>,
      %get3A_239 = vector.shape_cast %get3A_238 : vector<16xf32> to vector<16xf32>
      %get3A_240 = arith.constant 448 : index
      %get3A_241 = tpu.vector_load %arg8[%get3A_240] {strides = array<i32>} : memref<4096xf32, #tpu.memory_space<vmem>>, vector<16xf32>,
      %get3A_242 = vector.shape_cast %get3A_241 : vector<16xf32> to vector<16xf32>
      %get3A_243 = arith.constant 464 : index
      %get3A_244 = tpu.vector_load %arg8[%get3A_243] {strides = array<i32>} : memref<4096xf32, #tpu.memory_space<vmem>>, vector<16xf32>,
      %get3A_245 = vector.shape_cast %get3A_244 : vector<16xf32> to vector<16xf32>
      %get3A_246 = arith.constant 480 : index
      %get3A_247 = tpu.vector_load %arg8[%get3A_246] {strides = array<i32>} : memref<4096xf32, #tpu.memory_space<vmem>>, vector<16xf32>,
      %get3A_248 = vector.shape_cast %get3A_247 : vector<16xf32> to vector<16xf32>
      %get3A_249 = arith.constant 496 : index
      %get3A_250 = tpu.vector_load %arg8[%get3A_249] {strides = array<i32>} : memref<4096xf32, #tpu.memory_space<vmem>>, vector<16xf32>,
      %get3A_251 = vector.shape_cast %get3A_250 : vector<16xf32> to vector<16xf32>
      %parallel_loop3A = arith.constant 0 : i32
      %parallel_loop3A_252 = arith.constant 64 : i32
      %parallel_loop3A_253 = arith.constant 1 : i32
      scf.for %parallel_loop3A_1086 = %parallel_loop3A to %parallel_loop3A_252 step %parallel_loop3A_253  : i32 {
        %parallel_loop3A_1087 = arith.constant 16 : i32
        %parallel_loop3A_1088 = arith.muli %parallel_loop3A_1086, %parallel_loop3A_1087 : i32
        %parallel_loop3A_1089 = arith.constant 0 : i32
        %parallel_loop3A_1090 = arith.index_cast %parallel_loop3A_1089 : i32 to index
        %parallel_loop3A_1091 = arith.index_cast %parallel_loop3A_1088 : i32 to index
        %parallel_loop3A_1092 = tpu.vector_load %arg9[%parallel_loop3A_1090, %parallel_loop3A_1091] {strides = array<i32>} : memref<8x1024xi32, #tpu.memory_space<vmem>>, vector<1x16xi32>,
        %parallel_loop3A_1093 = vector.shape_cast %parallel_loop3A_1092 : vector<1x16xi32> to vector<16xi32>
        %parallel_loop3A_1094 = vector.shape_cast %parallel_loop3A_1093 : vector<16xi32> to vector<16x1xi32>
        %parallel_loop3A_1095 = vector.shape_cast %parallel_loop3A_1094 : vector<16x1xi32> to vector<16xi32>
        %parallel_loop3A_1096 = tpu.dynamic_gather %get3A_158[%parallel_loop3A_1095] in [0] : vector<16xf32>, vector<16xi32> -> vector<16xf32>
        %parallel_loop3A_1097 = arith.constant 16 : i32
        %parallel_loop3A_1098 = arith.muli %parallel_loop3A_1086, %parallel_loop3A_1097 : i32
        %parallel_loop3A_1099 = arith.constant 0 : i32
        %parallel_loop3A_1100 = arith.index_cast %parallel_loop3A_1099 : i32 to index
        %parallel_loop3A_1101 = arith.index_cast %parallel_loop3A_1098 : i32 to index
        %parallel_loop3A_1102 = tpu.vector_load %arg10[%parallel_loop3A_1100, %parallel_loop3A_1101] {strides = array<i32>} : memref<32x1024xf32, #tpu.memory_space<vmem>>, vector<1x16xf32>,
        %parallel_loop3A_1103 = vector.shape_cast %parallel_loop3A_1102 : vector<1x16xf32> to vector<16xf32>
        %parallel_loop3A_1104 = vector.shape_cast %parallel_loop3A_1096 : vector<16xf32> to vector<1x16xf32>
        tpu.vector_store %arg10[%parallel_loop3A_1100, %parallel_loop3A_1101], %parallel_loop3A_1104 {strides = array<i32>} : memref<32x1024xf32, #tpu.memory_space<vmem>>, vector<1x16xf32>,
        %parallel_loop3A_1105 = vector.shape_cast %parallel_loop3A_1093 : vector<16xi32> to vector<16x1xi32>
        %parallel_loop3A_1106 = vector.shape_cast %parallel_loop3A_1105 : vector<16x1xi32> to vector<16xi32>
        %parallel_loop3A_1107 = tpu.dynamic_gather %get3A_161[%parallel_loop3A_1106] in [0] : vector<16xf32>, vector<16xi32> -> vector<16xf32>
        %parallel_loop3A_1108 = arith.constant 16 : i32
        %parallel_loop3A_1109 = arith.muli %parallel_loop3A_1086, %parallel_loop3A_1108 : i32
        %parallel_loop3A_1110 = arith.constant 1 : i32
        %parallel_loop3A_1111 = arith.index_cast %parallel_loop3A_1110 : i32 to index
        %parallel_loop3A_1112 = arith.index_cast %parallel_loop3A_1109 : i32 to index
        %parallel_loop3A_1113 = tpu.vector_load %arg10[%parallel_loop3A_1111, %parallel_loop3A_1112] {strides = array<i32>} : memref<32x1024xf32, #tpu.memory_space<vmem>>, vector<1x16xf32>,
        %parallel_loop3A_1114 = vector.shape_cast %parallel_loop3A_1113 : vector<1x16xf32> to vector<16xf32>
        %parallel_loop3A_1115 = vector.shape_cast %parallel_loop3A_1107 : vector<16xf32> to vector<1x16xf32>
        tpu.vector_store %arg10[%parallel_loop3A_1111, %parallel_loop3A_1112], %parallel_loop3A_1115 {strides = array<i32>} : memref<32x1024xf32, #tpu.memory_space<vmem>>, vector<1x16xf32>,
        %parallel_loop3A_1116 = vector.shape_cast %parallel_loop3A_1093 : vector<16xi32> to vector<16x1xi32>
        %parallel_loop3A_1117 = vector.shape_cast %parallel_loop3A_1116 : vector<16x1xi32> to vector<16xi32>
        %parallel_loop3A_1118 = tpu.dynamic_gather %get3A_164[%parallel_loop3A_1117] in [0] : vector<16xf32>, vector<16xi32> -> vector<16xf32>
        %parallel_loop3A_1119 = arith.constant 16 : i32
        %parallel_loop3A_1120 = arith.muli %parallel_loop3A_1086, %parallel_loop3A_1119 : i32
        %parallel_loop3A_1121 = arith.constant 2 : i32
        %parallel_loop3A_1122 = arith.index_cast %parallel_loop3A_1121 : i32 to index
        %parallel_loop3A_1123 = arith.index_cast %parallel_loop3A_1120 : i32 to index
        %parallel_loop3A_1124 = tpu.vector_load %arg10[%parallel_loop3A_1122, %parallel_loop3A_1123] {strides = array<i32>} : memref<32x1024xf32, #tpu.memory_space<vmem>>, vector<1x16xf32>,
        %parallel_loop3A_1125 = vector.shape_cast %parallel_loop3A_1124 : vector<1x16xf32> to vector<16xf32>
        %parallel_loop3A_1126 = vector.shape_cast %parallel_loop3A_1118 : vector<16xf32> to vector<1x16xf32>
        tpu.vector_store %arg10[%parallel_loop3A_1122, %parallel_loop3A_1123], %parallel_loop3A_1126 {strides = array<i32>} : memref<32x1024xf32, #tpu.memory_space<vmem>>, vector<1x16xf32>,
        %parallel_loop3A_1127 = vector.shape_cast %parallel_loop3A_1093 : vector<16xi32> to vector<16x1xi32>
        %parallel_loop3A_1128 = vector.shape_cast %parallel_loop3A_1127 : vector<16x1xi32> to vector<16xi32>
        %parallel_loop3A_1129 = tpu.dynamic_gather %get3A_167[%parallel_loop3A_1128] in [0] : vector<16xf32>, vector<16xi32> -> vector<16xf32>
        %parallel_loop3A_1130 = arith.constant 16 : i32
        %parallel_loop3A_1131 = arith.muli %parallel_loop3A_1086, %parallel_loop3A_1130 : i32
        %parallel_loop3A_1132 = arith.constant 3 : i32
        %parallel_loop3A_1133 = arith.index_cast %parallel_loop3A_1132 : i32 to index
        %parallel_loop3A_1134 = arith.index_cast %parallel_loop3A_1131 : i32 to index
        %parallel_loop3A_1135 = tpu.vector_load %arg10[%parallel_loop3A_1133, %parallel_loop3A_1134] {strides = array<i32>} : memref<32x1024xf32, #tpu.memory_space<vmem>>, vector<1x16xf32>,
        %parallel_loop3A_1136 = vector.shape_cast %parallel_loop3A_1135 : vector<1x16xf32> to vector<16xf32>
        %parallel_loop3A_1137 = vector.shape_cast %parallel_loop3A_1129 : vector<16xf32> to vector<1x16xf32>
        tpu.vector_store %arg10[%parallel_loop3A_1133, %parallel_loop3A_1134], %parallel_loop3A_1137 {strides = array<i32>} : memref<32x1024xf32, #tpu.memory_space<vmem>>, vector<1x16xf32>,
        %parallel_loop3A_1138 = vector.shape_cast %parallel_loop3A_1093 : vector<16xi32> to vector<16x1xi32>
        %parallel_loop3A_1139 = vector.shape_cast %parallel_loop3A_1138 : vector<16x1xi32> to vector<16xi32>
        %parallel_loop3A_1140 = tpu.dynamic_gather %get3A_170[%parallel_loop3A_1139] in [0] : vector<16xf32>, vector<16xi32> -> vector<16xf32>
        %parallel_loop3A_1141 = arith.constant 16 : i32
        %parallel_loop3A_1142 = arith.muli %parallel_loop3A_1086, %parallel_loop3A_1141 : i32
        %parallel_loop3A_1143 = arith.constant 4 : i32
        %parallel_loop3A_1144 = arith.index_cast %parallel_loop3A_1143 : i32 to index
        %parallel_loop3A_1145 = arith.index_cast %parallel_loop3A_1142 : i32 to index
        %parallel_loop3A_1146 = tpu.vector_load %arg10[%parallel_loop3A_1144, %parallel_loop3A_1145] {strides = array<i32>} : memref<32x1024xf32, #tpu.memory_space<vmem>>, vector<1x16xf32>,
        %parallel_loop3A_1147 = vector.shape_cast %parallel_loop3A_1146 : vector<1x16xf32> to vector<16xf32>
        %parallel_loop3A_1148 = vector.shape_cast %parallel_loop3A_1140 : vector<16xf32> to vector<1x16xf32>
        tpu.vector_store %arg10[%parallel_loop3A_1144, %parallel_loop3A_1145], %parallel_loop3A_1148 {strides = array<i32>} : memref<32x1024xf32, #tpu.memory_space<vmem>>, vector<1x16xf32>,
        %parallel_loop3A_1149 = vector.shape_cast %parallel_loop3A_1093 : vector<16xi32> to vector<16x1xi32>
        %parallel_loop3A_1150 = vector.shape_cast %parallel_loop3A_1149 : vector<16x1xi32> to vector<16xi32>
        %parallel_loop3A_1151 = tpu.dynamic_gather %get3A_173[%parallel_loop3A_1150] in [0] : vector<16xf32>, vector<16xi32> -> vector<16xf32>
        %parallel_loop3A_1152 = arith.constant 16 : i32
        %parallel_loop3A_1153 = arith.muli %parallel_loop3A_1086, %parallel_loop3A_1152 : i32
        %parallel_loop3A_1154 = arith.constant 5 : i32
        %parallel_loop3A_1155 = arith.index_cast %parallel_loop3A_1154 : i32 to index
        %parallel_loop3A_1156 = arith.index_cast %parallel_loop3A_1153 : i32 to index
        %parallel_loop3A_1157 = tpu.vector_load %arg10[%parallel_loop3A_1155, %parallel_loop3A_1156] {strides = array<i32>} : memref<32x1024xf32, #tpu.memory_space<vmem>>, vector<1x16xf32>,
        %parallel_loop3A_1158 = vector.shape_cast %parallel_loop3A_1157 : vector<1x16xf32> to vector<16xf32>
        %parallel_loop3A_1159 = vector.shape_cast %parallel_loop3A_1151 : vector<16xf32> to vector<1x16xf32>
        tpu.vector_store %arg10[%parallel_loop3A_1155, %parallel_loop3A_1156], %parallel_loop3A_1159 {strides = array<i32>} : memref<32x1024xf32, #tpu.memory_space<vmem>>, vector<1x16xf32>,
        %parallel_loop3A_1160 = vector.shape_cast %parallel_loop3A_1093 : vector<16xi32> to vector<16x1xi32>
        %parallel_loop3A_1161 = vector.shape_cast %parallel_loop3A_1160 : vector<16x1xi32> to vector<16xi32>
        %parallel_loop3A_1162 = tpu.dynamic_gather %get3A_176[%parallel_loop3A_1161] in [0] : vector<16xf32>, vector<16xi32> -> vector<16xf32>
        %parallel_loop3A_1163 = arith.constant 16 : i32
        %parallel_loop3A_1164 = arith.muli %parallel_loop3A_1086, %parallel_loop3A_1163 : i32
        %parallel_loop3A_1165 = arith.constant 6 : i32
        %parallel_loop3A_1166 = arith.index_cast %parallel_loop3A_1165 : i32 to index
        %parallel_loop3A_1167 = arith.index_cast %parallel_loop3A_1164 : i32 to index
        %parallel_loop3A_1168 = tpu.vector_load %arg10[%parallel_loop3A_1166, %parallel_loop3A_1167] {strides = array<i32>} : memref<32x1024xf32, #tpu.memory_space<vmem>>, vector<1x16xf32>,
        %parallel_loop3A_1169 = vector.shape_cast %parallel_loop3A_1168 : vector<1x16xf32> to vector<16xf32>
        %parallel_loop3A_1170 = vector.shape_cast %parallel_loop3A_1162 : vector<16xf32> to vector<1x16xf32>
        tpu.vector_store %arg10[%parallel_loop3A_1166, %parallel_loop3A_1167], %parallel_loop3A_1170 {strides = array<i32>} : memref<32x1024xf32, #tpu.memory_space<vmem>>, vector<1x16xf32>,
        %parallel_loop3A_1171 = vector.shape_cast %parallel_loop3A_1093 : vector<16xi32> to vector<16x1xi32>
        %parallel_loop3A_1172 = vector.shape_cast %parallel_loop3A_1171 : vector<16x1xi32> to vector<16xi32>
        %parallel_loop3A_1173 = tpu.dynamic_gather %get3A_179[%parallel_loop3A_1172] in [0] : vector<16xf32>, vector<16xi32> -> vector<16xf32>
        %parallel_loop3A_1174 = arith.constant 16 : i32
        %parallel_loop3A_1175 = arith.muli %parallel_loop3A_1086, %parallel_loop3A_1174 : i32
        %parallel_loop3A_1176 = arith.constant 7 : i32
        %parallel_loop3A_1177 = arith.index_cast %parallel_loop3A_1176 : i32 to index
        %parallel_loop3A_1178 = arith.index_cast %parallel_loop3A_1175 : i32 to index
        %parallel_loop3A_1179 = tpu.vector_load %arg10[%parallel_loop3A_1177, %parallel_loop3A_1178] {strides = array<i32>} : memref<32x1024xf32, #tpu.memory_space<vmem>>, vector<1x16xf32>,
        %parallel_loop3A_1180 = vector.shape_cast %parallel_loop3A_1179 : vector<1x16xf32> to vector<16xf32>
        %parallel_loop3A_1181 = vector.shape_cast %parallel_loop3A_1173 : vector<16xf32> to vector<1x16xf32>
        tpu.vector_store %arg10[%parallel_loop3A_1177, %parallel_loop3A_1178], %parallel_loop3A_1181 {strides = array<i32>} : memref<32x1024xf32, #tpu.memory_space<vmem>>, vector<1x16xf32>,
        %parallel_loop3A_1182 = vector.shape_cast %parallel_loop3A_1093 : vector<16xi32> to vector<16x1xi32>
        %parallel_loop3A_1183 = vector.shape_cast %parallel_loop3A_1182 : vector<16x1xi32> to vector<16xi32>
        %parallel_loop3A_1184 = tpu.dynamic_gather %get3A_182[%parallel_loop3A_1183] in [0] : vector<16xf32>, vector<16xi32> -> vector<16xf32>
        %parallel_loop3A_1185 = arith.constant 16 : i32
        %parallel_loop3A_1186 = arith.muli %parallel_loop3A_1086, %parallel_loop3A_1185 : i32
        %parallel_loop3A_1187 = arith.constant 8 : i32
        %parallel_loop3A_1188 = arith.index_cast %parallel_loop3A_1187 : i32 to index
        %parallel_loop3A_1189 = arith.index_cast %parallel_loop3A_1186 : i32 to index
        %parallel_loop3A_1190 = tpu.vector_load %arg10[%parallel_loop3A_1188, %parallel_loop3A_1189] {strides = array<i32>} : memref<32x1024xf32, #tpu.memory_space<vmem>>, vector<1x16xf32>,
        %parallel_loop3A_1191 = vector.shape_cast %parallel_loop3A_1190 : vector<1x16xf32> to vector<16xf32>
        %parallel_loop3A_1192 = vector.shape_cast %parallel_loop3A_1184 : vector<16xf32> to vector<1x16xf32>
        tpu.vector_store %arg10[%parallel_loop3A_1188, %parallel_loop3A_1189], %parallel_loop3A_1192 {strides = array<i32>} : memref<32x1024xf32, #tpu.memory_space<vmem>>, vector<1x16xf32>,
        %parallel_loop3A_1193 = vector.shape_cast %parallel_loop3A_1093 : vector<16xi32> to vector<16x1xi32>
        %parallel_loop3A_1194 = vector.shape_cast %parallel_loop3A_1193 : vector<16x1xi32> to vector<16xi32>
        %parallel_loop3A_1195 = tpu.dynamic_gather %get3A_185[%parallel_loop3A_1194] in [0] : vector<16xf32>, vector<16xi32> -> vector<16xf32>
        %parallel_loop3A_1196 = arith.constant 16 : i32
        %parallel_loop3A_1197 = arith.muli %parallel_loop3A_1086, %parallel_loop3A_1196 : i32
        %parallel_loop3A_1198 = arith.constant 9 : i32
        %parallel_loop3A_1199 = arith.index_cast %parallel_loop3A_1198 : i32 to index
        %parallel_loop3A_1200 = arith.index_cast %parallel_loop3A_1197 : i32 to index
        %parallel_loop3A_1201 = tpu.vector_load %arg10[%parallel_loop3A_1199, %parallel_loop3A_1200] {strides = array<i32>} : memref<32x1024xf32, #tpu.memory_space<vmem>>, vector<1x16xf32>,
        %parallel_loop3A_1202 = vector.shape_cast %parallel_loop3A_1201 : vector<1x16xf32> to vector<16xf32>
        %parallel_loop3A_1203 = vector.shape_cast %parallel_loop3A_1195 : vector<16xf32> to vector<1x16xf32>
        tpu.vector_store %arg10[%parallel_loop3A_1199, %parallel_loop3A_1200], %parallel_loop3A_1203 {strides = array<i32>} : memref<32x1024xf32, #tpu.memory_space<vmem>>, vector<1x16xf32>,
        %parallel_loop3A_1204 = vector.shape_cast %parallel_loop3A_1093 : vector<16xi32> to vector<16x1xi32>
        %parallel_loop3A_1205 = vector.shape_cast %parallel_loop3A_1204 : vector<16x1xi32> to vector<16xi32>
        %parallel_loop3A_1206 = tpu.dynamic_gather %get3A_188[%parallel_loop3A_1205] in [0] : vector<16xf32>, vector<16xi32> -> vector<16xf32>
        %parallel_loop3A_1207 = arith.constant 16 : i32
        %parallel_loop3A_1208 = arith.muli %parallel_loop3A_1086, %parallel_loop3A_1207 : i32
        %parallel_loop3A_1209 = arith.constant 10 : i32
        %parallel_loop3A_1210 = arith.index_cast %parallel_loop3A_1209 : i32 to index
        %parallel_loop3A_1211 = arith.index_cast %parallel_loop3A_1208 : i32 to index
        %parallel_loop3A_1212 = tpu.vector_load %arg10[%parallel_loop3A_1210, %parallel_loop3A_1211] {strides = array<i32>} : memref<32x1024xf32, #tpu.memory_space<vmem>>, vector<1x16xf32>,
        %parallel_loop3A_1213 = vector.shape_cast %parallel_loop3A_1212 : vector<1x16xf32> to vector<16xf32>
        %parallel_loop3A_1214 = vector.shape_cast %parallel_loop3A_1206 : vector<16xf32> to vector<1x16xf32>
        tpu.vector_store %arg10[%parallel_loop3A_1210, %parallel_loop3A_1211], %parallel_loop3A_1214 {strides = array<i32>} : memref<32x1024xf32, #tpu.memory_space<vmem>>, vector<1x16xf32>,
        %parallel_loop3A_1215 = vector.shape_cast %parallel_loop3A_1093 : vector<16xi32> to vector<16x1xi32>
        %parallel_loop3A_1216 = vector.shape_cast %parallel_loop3A_1215 : vector<16x1xi32> to vector<16xi32>
        %parallel_loop3A_1217 = tpu.dynamic_gather %get3A_191[%parallel_loop3A_1216] in [0] : vector<16xf32>, vector<16xi32> -> vector<16xf32>
        %parallel_loop3A_1218 = arith.constant 16 : i32
        %parallel_loop3A_1219 = arith.muli %parallel_loop3A_1086, %parallel_loop3A_1218 : i32
        %parallel_loop3A_1220 = arith.constant 11 : i32
        %parallel_loop3A_1221 = arith.index_cast %parallel_loop3A_1220 : i32 to index
        %parallel_loop3A_1222 = arith.index_cast %parallel_loop3A_1219 : i32 to index
        %parallel_loop3A_1223 = tpu.vector_load %arg10[%parallel_loop3A_1221, %parallel_loop3A_1222] {strides = array<i32>} : memref<32x1024xf32, #tpu.memory_space<vmem>>, vector<1x16xf32>,
        %parallel_loop3A_1224 = vector.shape_cast %parallel_loop3A_1223 : vector<1x16xf32> to vector<16xf32>
        %parallel_loop3A_1225 = vector.shape_cast %parallel_loop3A_1217 : vector<16xf32> to vector<1x16xf32>
        tpu.vector_store %arg10[%parallel_loop3A_1221, %parallel_loop3A_1222], %parallel_loop3A_1225 {strides = array<i32>} : memref<32x1024xf32, #tpu.memory_space<vmem>>, vector<1x16xf32>,
        %parallel_loop3A_1226 = vector.shape_cast %parallel_loop3A_1093 : vector<16xi32> to vector<16x1xi32>
        %parallel_loop3A_1227 = vector.shape_cast %parallel_loop3A_1226 : vector<16x1xi32> to vector<16xi32>
        %parallel_loop3A_1228 = tpu.dynamic_gather %get3A_194[%parallel_loop3A_1227] in [0] : vector<16xf32>, vector<16xi32> -> vector<16xf32>
        %parallel_loop3A_1229 = arith.constant 16 : i32
        %parallel_loop3A_1230 = arith.muli %parallel_loop3A_1086, %parallel_loop3A_1229 : i32
        %parallel_loop3A_1231 = arith.constant 12 : i32
        %parallel_loop3A_1232 = arith.index_cast %parallel_loop3A_1231 : i32 to index
        %parallel_loop3A_1233 = arith.index_cast %parallel_loop3A_1230 : i32 to index
        %parallel_loop3A_1234 = tpu.vector_load %arg10[%parallel_loop3A_1232, %parallel_loop3A_1233] {strides = array<i32>} : memref<32x1024xf32, #tpu.memory_space<vmem>>, vector<1x16xf32>,
        %parallel_loop3A_1235 = vector.shape_cast %parallel_loop3A_1234 : vector<1x16xf32> to vector<16xf32>
        %parallel_loop3A_1236 = vector.shape_cast %parallel_loop3A_1228 : vector<16xf32> to vector<1x16xf32>
        tpu.vector_store %arg10[%parallel_loop3A_1232, %parallel_loop3A_1233], %parallel_loop3A_1236 {strides = array<i32>} : memref<32x1024xf32, #tpu.memory_space<vmem>>, vector<1x16xf32>,
        %parallel_loop3A_1237 = vector.shape_cast %parallel_loop3A_1093 : vector<16xi32> to vector<16x1xi32>
        %parallel_loop3A_1238 = vector.shape_cast %parallel_loop3A_1237 : vector<16x1xi32> to vector<16xi32>
        %parallel_loop3A_1239 = tpu.dynamic_gather %get3A_197[%parallel_loop3A_1238] in [0] : vector<16xf32>, vector<16xi32> -> vector<16xf32>
        %parallel_loop3A_1240 = arith.constant 16 : i32
        %parallel_loop3A_1241 = arith.muli %parallel_loop3A_1086, %parallel_loop3A_1240 : i32
        %parallel_loop3A_1242 = arith.constant 13 : i32
        %parallel_loop3A_1243 = arith.index_cast %parallel_loop3A_1242 : i32 to index
        %parallel_loop3A_1244 = arith.index_cast %parallel_loop3A_1241 : i32 to index
        %parallel_loop3A_1245 = tpu.vector_load %arg10[%parallel_loop3A_1243, %parallel_loop3A_1244] {strides = array<i32>} : memref<32x1024xf32, #tpu.memory_space<vmem>>, vector<1x16xf32>,
        %parallel_loop3A_1246 = vector.shape_cast %parallel_loop3A_1245 : vector<1x16xf32> to vector<16xf32>
        %parallel_loop3A_1247 = vector.shape_cast %parallel_loop3A_1239 : vector<16xf32> to vector<1x16xf32>
        tpu.vector_store %arg10[%parallel_loop3A_1243, %parallel_loop3A_1244], %parallel_loop3A_1247 {strides = array<i32>} : memref<32x1024xf32, #tpu.memory_space<vmem>>, vector<1x16xf32>,
        %parallel_loop3A_1248 = vector.shape_cast %parallel_loop3A_1093 : vector<16xi32> to vector<16x1xi32>
        %parallel_loop3A_1249 = vector.shape_cast %parallel_loop3A_1248 : vector<16x1xi32> to vector<16xi32>
        %parallel_loop3A_1250 = tpu.dynamic_gather %get3A_200[%parallel_loop3A_1249] in [0] : vector<16xf32>, vector<16xi32> -> vector<16xf32>
        %parallel_loop3A_1251 = arith.constant 16 : i32
        %parallel_loop3A_1252 = arith.muli %parallel_loop3A_1086, %parallel_loop3A_1251 : i32
        %parallel_loop3A_1253 = arith.constant 14 : i32
        %parallel_loop3A_1254 = arith.index_cast %parallel_loop3A_1253 : i32 to index
        %parallel_loop3A_1255 = arith.index_cast %parallel_loop3A_1252 : i32 to index
        %parallel_loop3A_1256 = tpu.vector_load %arg10[%parallel_loop3A_1254, %parallel_loop3A_1255] {strides = array<i32>} : memref<32x1024xf32, #tpu.memory_space<vmem>>, vector<1x16xf32>,
        %parallel_loop3A_1257 = vector.shape_cast %parallel_loop3A_1256 : vector<1x16xf32> to vector<16xf32>
        %parallel_loop3A_1258 = vector.shape_cast %parallel_loop3A_1250 : vector<16xf32> to vector<1x16xf32>
        tpu.vector_store %arg10[%parallel_loop3A_1254, %parallel_loop3A_1255], %parallel_loop3A_1258 {strides = array<i32>} : memref<32x1024xf32, #tpu.memory_space<vmem>>, vector<1x16xf32>,
        %parallel_loop3A_1259 = vector.shape_cast %parallel_loop3A_1093 : vector<16xi32> to vector<16x1xi32>
        %parallel_loop3A_1260 = vector.shape_cast %parallel_loop3A_1259 : vector<16x1xi32> to vector<16xi32>
        %parallel_loop3A_1261 = tpu.dynamic_gather %get3A_203[%parallel_loop3A_1260] in [0] : vector<16xf32>, vector<16xi32> -> vector<16xf32>
        %parallel_loop3A_1262 = arith.constant 16 : i32
        %parallel_loop3A_1263 = arith.muli %parallel_loop3A_1086, %parallel_loop3A_1262 : i32
        %parallel_loop3A_1264 = arith.constant 15 : i32
        %parallel_loop3A_1265 = arith.index_cast %parallel_loop3A_1264 : i32 to index
        %parallel_loop3A_1266 = arith.index_cast %parallel_loop3A_1263 : i32 to index
        %parallel_loop3A_1267 = tpu.vector_load %arg10[%parallel_loop3A_1265, %parallel_loop3A_1266] {strides = array<i32>} : memref<32x1024xf32, #tpu.memory_space<vmem>>, vector<1x16xf32>,
        %parallel_loop3A_1268 = vector.shape_cast %parallel_loop3A_1267 : vector<1x16xf32> to vector<16xf32>
        %parallel_loop3A_1269 = vector.shape_cast %parallel_loop3A_1261 : vector<16xf32> to vector<1x16xf32>
        tpu.vector_store %arg10[%parallel_loop3A_1265, %parallel_loop3A_1266], %parallel_loop3A_1269 {strides = array<i32>} : memref<32x1024xf32, #tpu.memory_space<vmem>>, vector<1x16xf32>,
        %parallel_loop3A_1270 = vector.shape_cast %parallel_loop3A_1093 : vector<16xi32> to vector<16x1xi32>
        %parallel_loop3A_1271 = vector.shape_cast %parallel_loop3A_1270 : vector<16x1xi32> to vector<16xi32>
        %parallel_loop3A_1272 = tpu.dynamic_gather %get3A_206[%parallel_loop3A_1271] in [0] : vector<16xf32>, vector<16xi32> -> vector<16xf32>
        %parallel_loop3A_1273 = arith.constant 16 : i32
        %parallel_loop3A_1274 = arith.muli %parallel_loop3A_1086, %parallel_loop3A_1273 : i32
        %parallel_loop3A_1275 = arith.constant 16 : i32
        %parallel_loop3A_1276 = arith.index_cast %parallel_loop3A_1275 : i32 to index
        %parallel_loop3A_1277 = arith.index_cast %parallel_loop3A_1274 : i32 to index
        %parallel_loop3A_1278 = tpu.vector_load %arg10[%parallel_loop3A_1276, %parallel_loop3A_1277] {strides = array<i32>} : memref<32x1024xf32, #tpu.memory_space<vmem>>, vector<1x16xf32>,
        %parallel_loop3A_1279 = vector.shape_cast %parallel_loop3A_1278 : vector<1x16xf32> to vector<16xf32>
        %parallel_loop3A_1280 = vector.shape_cast %parallel_loop3A_1272 : vector<16xf32> to vector<1x16xf32>
        tpu.vector_store %arg10[%parallel_loop3A_1276, %parallel_loop3A_1277], %parallel_loop3A_1280 {strides = array<i32>} : memref<32x1024xf32, #tpu.memory_space<vmem>>, vector<1x16xf32>,
        %parallel_loop3A_1281 = vector.shape_cast %parallel_loop3A_1093 : vector<16xi32> to vector<16x1xi32>
        %parallel_loop3A_1282 = vector.shape_cast %parallel_loop3A_1281 : vector<16x1xi32> to vector<16xi32>
        %parallel_loop3A_1283 = tpu.dynamic_gather %get3A_209[%parallel_loop3A_1282] in [0] : vector<16xf32>, vector<16xi32> -> vector<16xf32>
        %parallel_loop3A_1284 = arith.constant 16 : i32
        %parallel_loop3A_1285 = arith.muli %parallel_loop3A_1086, %parallel_loop3A_1284 : i32
        %parallel_loop3A_1286 = arith.constant 17 : i32
        %parallel_loop3A_1287 = arith.index_cast %parallel_loop3A_1286 : i32 to index
        %parallel_loop3A_1288 = arith.index_cast %parallel_loop3A_1285 : i32 to index
        %parallel_loop3A_1289 = tpu.vector_load %arg10[%parallel_loop3A_1287, %parallel_loop3A_1288] {strides = array<i32>} : memref<32x1024xf32, #tpu.memory_space<vmem>>, vector<1x16xf32>,
        %parallel_loop3A_1290 = vector.shape_cast %parallel_loop3A_1289 : vector<1x16xf32> to vector<16xf32>
        %parallel_loop3A_1291 = vector.shape_cast %parallel_loop3A_1283 : vector<16xf32> to vector<1x16xf32>
        tpu.vector_store %arg10[%parallel_loop3A_1287, %parallel_loop3A_1288], %parallel_loop3A_1291 {strides = array<i32>} : memref<32x1024xf32, #tpu.memory_space<vmem>>, vector<1x16xf32>,
        %parallel_loop3A_1292 = vector.shape_cast %parallel_loop3A_1093 : vector<16xi32> to vector<16x1xi32>
        %parallel_loop3A_1293 = vector.shape_cast %parallel_loop3A_1292 : vector<16x1xi32> to vector<16xi32>
        %parallel_loop3A_1294 = tpu.dynamic_gather %get3A_212[%parallel_loop3A_1293] in [0] : vector<16xf32>, vector<16xi32> -> vector<16xf32>
        %parallel_loop3A_1295 = arith.constant 16 : i32
        %parallel_loop3A_1296 = arith.muli %parallel_loop3A_1086, %parallel_loop3A_1295 : i32
        %parallel_loop3A_1297 = arith.constant 18 : i32
        %parallel_loop3A_1298 = arith.index_cast %parallel_loop3A_1297 : i32 to index
        %parallel_loop3A_1299 = arith.index_cast %parallel_loop3A_1296 : i32 to index
        %parallel_loop3A_1300 = tpu.vector_load %arg10[%parallel_loop3A_1298, %parallel_loop3A_1299] {strides = array<i32>} : memref<32x1024xf32, #tpu.memory_space<vmem>>, vector<1x16xf32>,
        %parallel_loop3A_1301 = vector.shape_cast %parallel_loop3A_1300 : vector<1x16xf32> to vector<16xf32>
        %parallel_loop3A_1302 = vector.shape_cast %parallel_loop3A_1294 : vector<16xf32> to vector<1x16xf32>
        tpu.vector_store %arg10[%parallel_loop3A_1298, %parallel_loop3A_1299], %parallel_loop3A_1302 {strides = array<i32>} : memref<32x1024xf32, #tpu.memory_space<vmem>>, vector<1x16xf32>,
        %parallel_loop3A_1303 = vector.shape_cast %parallel_loop3A_1093 : vector<16xi32> to vector<16x1xi32>
        %parallel_loop3A_1304 = vector.shape_cast %parallel_loop3A_1303 : vector<16x1xi32> to vector<16xi32>
        %parallel_loop3A_1305 = tpu.dynamic_gather %get3A_215[%parallel_loop3A_1304] in [0] : vector<16xf32>, vector<16xi32> -> vector<16xf32>
        %parallel_loop3A_1306 = arith.constant 16 : i32
        %parallel_loop3A_1307 = arith.muli %parallel_loop3A_1086, %parallel_loop3A_1306 : i32
        %parallel_loop3A_1308 = arith.constant 19 : i32
        %parallel_loop3A_1309 = arith.index_cast %parallel_loop3A_1308 : i32 to index
        %parallel_loop3A_1310 = arith.index_cast %parallel_loop3A_1307 : i32 to index
        %parallel_loop3A_1311 = tpu.vector_load %arg10[%parallel_loop3A_1309, %parallel_loop3A_1310] {strides = array<i32>} : memref<32x1024xf32, #tpu.memory_space<vmem>>, vector<1x16xf32>,
        %parallel_loop3A_1312 = vector.shape_cast %parallel_loop3A_1311 : vector<1x16xf32> to vector<16xf32>
        %parallel_loop3A_1313 = vector.shape_cast %parallel_loop3A_1305 : vector<16xf32> to vector<1x16xf32>
        tpu.vector_store %arg10[%parallel_loop3A_1309, %parallel_loop3A_1310], %parallel_loop3A_1313 {strides = array<i32>} : memref<32x1024xf32, #tpu.memory_space<vmem>>, vector<1x16xf32>,
        %parallel_loop3A_1314 = vector.shape_cast %parallel_loop3A_1093 : vector<16xi32> to vector<16x1xi32>
        %parallel_loop3A_1315 = vector.shape_cast %parallel_loop3A_1314 : vector<16x1xi32> to vector<16xi32>
        %parallel_loop3A_1316 = tpu.dynamic_gather %get3A_218[%parallel_loop3A_1315] in [0] : vector<16xf32>, vector<16xi32> -> vector<16xf32>
        %parallel_loop3A_1317 = arith.constant 16 : i32
        %parallel_loop3A_1318 = arith.muli %parallel_loop3A_1086, %parallel_loop3A_1317 : i32
        %parallel_loop3A_1319 = arith.constant 20 : i32
        %parallel_loop3A_1320 = arith.index_cast %parallel_loop3A_1319 : i32 to index
        %parallel_loop3A_1321 = arith.index_cast %parallel_loop3A_1318 : i32 to index
        %parallel_loop3A_1322 = tpu.vector_load %arg10[%parallel_loop3A_1320, %parallel_loop3A_1321] {strides = array<i32>} : memref<32x1024xf32, #tpu.memory_space<vmem>>, vector<1x16xf32>,
        %parallel_loop3A_1323 = vector.shape_cast %parallel_loop3A_1322 : vector<1x16xf32> to vector<16xf32>
        %parallel_loop3A_1324 = vector.shape_cast %parallel_loop3A_1316 : vector<16xf32> to vector<1x16xf32>
        tpu.vector_store %arg10[%parallel_loop3A_1320, %parallel_loop3A_1321], %parallel_loop3A_1324 {strides = array<i32>} : memref<32x1024xf32, #tpu.memory_space<vmem>>, vector<1x16xf32>,
        %parallel_loop3A_1325 = vector.shape_cast %parallel_loop3A_1093 : vector<16xi32> to vector<16x1xi32>
        %parallel_loop3A_1326 = vector.shape_cast %parallel_loop3A_1325 : vector<16x1xi32> to vector<16xi32>
        %parallel_loop3A_1327 = tpu.dynamic_gather %get3A_221[%parallel_loop3A_1326] in [0] : vector<16xf32>, vector<16xi32> -> vector<16xf32>
        %parallel_loop3A_1328 = arith.constant 16 : i32
        %parallel_loop3A_1329 = arith.muli %parallel_loop3A_1086, %parallel_loop3A_1328 : i32
        %parallel_loop3A_1330 = arith.constant 21 : i32
        %parallel_loop3A_1331 = arith.index_cast %parallel_loop3A_1330 : i32 to index
        %parallel_loop3A_1332 = arith.index_cast %parallel_loop3A_1329 : i32 to index
        %parallel_loop3A_1333 = tpu.vector_load %arg10[%parallel_loop3A_1331, %parallel_loop3A_1332] {strides = array<i32>} : memref<32x1024xf32, #tpu.memory_space<vmem>>, vector<1x16xf32>,
        %parallel_loop3A_1334 = vector.shape_cast %parallel_loop3A_1333 : vector<1x16xf32> to vector<16xf32>
        %parallel_loop3A_1335 = vector.shape_cast %parallel_loop3A_1327 : vector<16xf32> to vector<1x16xf32>
        tpu.vector_store %arg10[%parallel_loop3A_1331, %parallel_loop3A_1332], %parallel_loop3A_1335 {strides = array<i32>} : memref<32x1024xf32, #tpu.memory_space<vmem>>, vector<1x16xf32>,
        %parallel_loop3A_1336 = vector.shape_cast %parallel_loop3A_1093 : vector<16xi32> to vector<16x1xi32>
        %parallel_loop3A_1337 = vector.shape_cast %parallel_loop3A_1336 : vector<16x1xi32> to vector<16xi32>
        %parallel_loop3A_1338 = tpu.dynamic_gather %get3A_224[%parallel_loop3A_1337] in [0] : vector<16xf32>, vector<16xi32> -> vector<16xf32>
        %parallel_loop3A_1339 = arith.constant 16 : i32
        %parallel_loop3A_1340 = arith.muli %parallel_loop3A_1086, %parallel_loop3A_1339 : i32
        %parallel_loop3A_1341 = arith.constant 22 : i32
        %parallel_loop3A_1342 = arith.index_cast %parallel_loop3A_1341 : i32 to index
        %parallel_loop3A_1343 = arith.index_cast %parallel_loop3A_1340 : i32 to index
        %parallel_loop3A_1344 = tpu.vector_load %arg10[%parallel_loop3A_1342, %parallel_loop3A_1343] {strides = array<i32>} : memref<32x1024xf32, #tpu.memory_space<vmem>>, vector<1x16xf32>,
        %parallel_loop3A_1345 = vector.shape_cast %parallel_loop3A_1344 : vector<1x16xf32> to vector<16xf32>
        %parallel_loop3A_1346 = vector.shape_cast %parallel_loop3A_1338 : vector<16xf32> to vector<1x16xf32>
        tpu.vector_store %arg10[%parallel_loop3A_1342, %parallel_loop3A_1343], %parallel_loop3A_1346 {strides = array<i32>} : memref<32x1024xf32, #tpu.memory_space<vmem>>, vector<1x16xf32>,
        %parallel_loop3A_1347 = vector.shape_cast %parallel_loop3A_1093 : vector<16xi32> to vector<16x1xi32>
        %parallel_loop3A_1348 = vector.shape_cast %parallel_loop3A_1347 : vector<16x1xi32> to vector<16xi32>
        %parallel_loop3A_1349 = tpu.dynamic_gather %get3A_227[%parallel_loop3A_1348] in [0] : vector<16xf32>, vector<16xi32> -> vector<16xf32>
        %parallel_loop3A_1350 = arith.constant 16 : i32
        %parallel_loop3A_1351 = arith.muli %parallel_loop3A_1086, %parallel_loop3A_1350 : i32
        %parallel_loop3A_1352 = arith.constant 23 : i32
        %parallel_loop3A_1353 = arith.index_cast %parallel_loop3A_1352 : i32 to index
        %parallel_loop3A_1354 = arith.index_cast %parallel_loop3A_1351 : i32 to index
        %parallel_loop3A_1355 = tpu.vector_load %arg10[%parallel_loop3A_1353, %parallel_loop3A_1354] {strides = array<i32>} : memref<32x1024xf32, #tpu.memory_space<vmem>>, vector<1x16xf32>,
        %parallel_loop3A_1356 = vector.shape_cast %parallel_loop3A_1355 : vector<1x16xf32> to vector<16xf32>
        %parallel_loop3A_1357 = vector.shape_cast %parallel_loop3A_1349 : vector<16xf32> to vector<1x16xf32>
        tpu.vector_store %arg10[%parallel_loop3A_1353, %parallel_loop3A_1354], %parallel_loop3A_1357 {strides = array<i32>} : memref<32x1024xf32, #tpu.memory_space<vmem>>, vector<1x16xf32>,
        %parallel_loop3A_1358 = vector.shape_cast %parallel_loop3A_1093 : vector<16xi32> to vector<16x1xi32>
        %parallel_loop3A_1359 = vector.shape_cast %parallel_loop3A_1358 : vector<16x1xi32> to vector<16xi32>
        %parallel_loop3A_1360 = tpu.dynamic_gather %get3A_230[%parallel_loop3A_1359] in [0] : vector<16xf32>, vector<16xi32> -> vector<16xf32>
        %parallel_loop3A_1361 = arith.constant 16 : i32
        %parallel_loop3A_1362 = arith.muli %parallel_loop3A_1086, %parallel_loop3A_1361 : i32
        %parallel_loop3A_1363 = arith.constant 24 : i32
        %parallel_loop3A_1364 = arith.index_cast %parallel_loop3A_1363 : i32 to index
        %parallel_loop3A_1365 = arith.index_cast %parallel_loop3A_1362 : i32 to index
        %parallel_loop3A_1366 = tpu.vector_load %arg10[%parallel_loop3A_1364, %parallel_loop3A_1365] {strides = array<i32>} : memref<32x1024xf32, #tpu.memory_space<vmem>>, vector<1x16xf32>,
        %parallel_loop3A_1367 = vector.shape_cast %parallel_loop3A_1366 : vector<1x16xf32> to vector<16xf32>
        %parallel_loop3A_1368 = vector.shape_cast %parallel_loop3A_1360 : vector<16xf32> to vector<1x16xf32>
        tpu.vector_store %arg10[%parallel_loop3A_1364, %parallel_loop3A_1365], %parallel_loop3A_1368 {strides = array<i32>} : memref<32x1024xf32, #tpu.memory_space<vmem>>, vector<1x16xf32>,
        %parallel_loop3A_1369 = vector.shape_cast %parallel_loop3A_1093 : vector<16xi32> to vector<16x1xi32>
        %parallel_loop3A_1370 = vector.shape_cast %parallel_loop3A_1369 : vector<16x1xi32> to vector<16xi32>
        %parallel_loop3A_1371 = tpu.dynamic_gather %get3A_233[%parallel_loop3A_1370] in [0] : vector<16xf32>, vector<16xi32> -> vector<16xf32>
        %parallel_loop3A_1372 = arith.constant 16 : i32
        %parallel_loop3A_1373 = arith.muli %parallel_loop3A_1086, %parallel_loop3A_1372 : i32
        %parallel_loop3A_1374 = arith.constant 25 : i32
        %parallel_loop3A_1375 = arith.index_cast %parallel_loop3A_1374 : i32 to index
        %parallel_loop3A_1376 = arith.index_cast %parallel_loop3A_1373 : i32 to index
        %parallel_loop3A_1377 = tpu.vector_load %arg10[%parallel_loop3A_1375, %parallel_loop3A_1376] {strides = array<i32>} : memref<32x1024xf32, #tpu.memory_space<vmem>>, vector<1x16xf32>,
        %parallel_loop3A_1378 = vector.shape_cast %parallel_loop3A_1377 : vector<1x16xf32> to vector<16xf32>
        %parallel_loop3A_1379 = vector.shape_cast %parallel_loop3A_1371 : vector<16xf32> to vector<1x16xf32>
        tpu.vector_store %arg10[%parallel_loop3A_1375, %parallel_loop3A_1376], %parallel_loop3A_1379 {strides = array<i32>} : memref<32x1024xf32, #tpu.memory_space<vmem>>, vector<1x16xf32>,
        %parallel_loop3A_1380 = vector.shape_cast %parallel_loop3A_1093 : vector<16xi32> to vector<16x1xi32>
        %parallel_loop3A_1381 = vector.shape_cast %parallel_loop3A_1380 : vector<16x1xi32> to vector<16xi32>
        %parallel_loop3A_1382 = tpu.dynamic_gather %get3A_236[%parallel_loop3A_1381] in [0] : vector<16xf32>, vector<16xi32> -> vector<16xf32>
        %parallel_loop3A_1383 = arith.constant 16 : i32
        %parallel_loop3A_1384 = arith.muli %parallel_loop3A_1086, %parallel_loop3A_1383 : i32
        %parallel_loop3A_1385 = arith.constant 26 : i32
        %parallel_loop3A_1386 = arith.index_cast %parallel_loop3A_1385 : i32 to index
        %parallel_loop3A_1387 = arith.index_cast %parallel_loop3A_1384 : i32 to index
        %parallel_loop3A_1388 = tpu.vector_load %arg10[%parallel_loop3A_1386, %parallel_loop3A_1387] {strides = array<i32>} : memref<32x1024xf32, #tpu.memory_space<vmem>>, vector<1x16xf32>,
        %parallel_loop3A_1389 = vector.shape_cast %parallel_loop3A_1388 : vector<1x16xf32> to vector<16xf32>
        %parallel_loop3A_1390 = vector.shape_cast %parallel_loop3A_1382 : vector<16xf32> to vector<1x16xf32>
        tpu.vector_store %arg10[%parallel_loop3A_1386, %parallel_loop3A_1387], %parallel_loop3A_1390 {strides = array<i32>} : memref<32x1024xf32, #tpu.memory_space<vmem>>, vector<1x16xf32>,
        %parallel_loop3A_1391 = vector.shape_cast %parallel_loop3A_1093 : vector<16xi32> to vector<16x1xi32>
        %parallel_loop3A_1392 = vector.shape_cast %parallel_loop3A_1391 : vector<16x1xi32> to vector<16xi32>
        %parallel_loop3A_1393 = tpu.dynamic_gather %get3A_239[%parallel_loop3A_1392] in [0] : vector<16xf32>, vector<16xi32> -> vector<16xf32>
        %parallel_loop3A_1394 = arith.constant 16 : i32
        %parallel_loop3A_1395 = arith.muli %parallel_loop3A_1086, %parallel_loop3A_1394 : i32
        %parallel_loop3A_1396 = arith.constant 27 : i32
        %parallel_loop3A_1397 = arith.index_cast %parallel_loop3A_1396 : i32 to index
        %parallel_loop3A_1398 = arith.index_cast %parallel_loop3A_1395 : i32 to index
        %parallel_loop3A_1399 = tpu.vector_load %arg10[%parallel_loop3A_1397, %parallel_loop3A_1398] {strides = array<i32>} : memref<32x1024xf32, #tpu.memory_space<vmem>>, vector<1x16xf32>,
        %parallel_loop3A_1400 = vector.shape_cast %parallel_loop3A_1399 : vector<1x16xf32> to vector<16xf32>
        %parallel_loop3A_1401 = vector.shape_cast %parallel_loop3A_1393 : vector<16xf32> to vector<1x16xf32>
        tpu.vector_store %arg10[%parallel_loop3A_1397, %parallel_loop3A_1398], %parallel_loop3A_1401 {strides = array<i32>} : memref<32x1024xf32, #tpu.memory_space<vmem>>, vector<1x16xf32>,
        %parallel_loop3A_1402 = vector.shape_cast %parallel_loop3A_1093 : vector<16xi32> to vector<16x1xi32>
        %parallel_loop3A_1403 = vector.shape_cast %parallel_loop3A_1402 : vector<16x1xi32> to vector<16xi32>
        %parallel_loop3A_1404 = tpu.dynamic_gather %get3A_242[%parallel_loop3A_1403] in [0] : vector<16xf32>, vector<16xi32> -> vector<16xf32>
        %parallel_loop3A_1405 = arith.constant 16 : i32
        %parallel_loop3A_1406 = arith.muli %parallel_loop3A_1086, %parallel_loop3A_1405 : i32
        %parallel_loop3A_1407 = arith.constant 28 : i32
        %parallel_loop3A_1408 = arith.index_cast %parallel_loop3A_1407 : i32 to index
        %parallel_loop3A_1409 = arith.index_cast %parallel_loop3A_1406 : i32 to index
        %parallel_loop3A_1410 = tpu.vector_load %arg10[%parallel_loop3A_1408, %parallel_loop3A_1409] {strides = array<i32>} : memref<32x1024xf32, #tpu.memory_space<vmem>>, vector<1x16xf32>,
        %parallel_loop3A_1411 = vector.shape_cast %parallel_loop3A_1410 : vector<1x16xf32> to vector<16xf32>
        %parallel_loop3A_1412 = vector.shape_cast %parallel_loop3A_1404 : vector<16xf32> to vector<1x16xf32>
        tpu.vector_store %arg10[%parallel_loop3A_1408, %parallel_loop3A_1409], %parallel_loop3A_1412 {strides = array<i32>} : memref<32x1024xf32, #tpu.memory_space<vmem>>, vector<1x16xf32>,
        %parallel_loop3A_1413 = vector.shape_cast %parallel_loop3A_1093 : vector<16xi32> to vector<16x1xi32>
        %parallel_loop3A_1414 = vector.shape_cast %parallel_loop3A_1413 : vector<16x1xi32> to vector<16xi32>
        %parallel_loop3A_1415 = tpu.dynamic_gather %get3A_245[%parallel_loop3A_1414] in [0] : vector<16xf32>, vector<16xi32> -> vector<16xf32>
        %parallel_loop3A_1416 = arith.constant 16 : i32
        %parallel_loop3A_1417 = arith.muli %parallel_loop3A_1086, %parallel_loop3A_1416 : i32
        %parallel_loop3A_1418 = arith.constant 29 : i32
        %parallel_loop3A_1419 = arith.index_cast %parallel_loop3A_1418 : i32 to index
        %parallel_loop3A_1420 = arith.index_cast %parallel_loop3A_1417 : i32 to index
        %parallel_loop3A_1421 = tpu.vector_load %arg10[%parallel_loop3A_1419, %parallel_loop3A_1420] {strides = array<i32>} : memref<32x1024xf32, #tpu.memory_space<vmem>>, vector<1x16xf32>,
        %parallel_loop3A_1422 = vector.shape_cast %parallel_loop3A_1421 : vector<1x16xf32> to vector<16xf32>
        %parallel_loop3A_1423 = vector.shape_cast %parallel_loop3A_1415 : vector<16xf32> to vector<1x16xf32>
        tpu.vector_store %arg10[%parallel_loop3A_1419, %parallel_loop3A_1420], %parallel_loop3A_1423 {strides = array<i32>} : memref<32x1024xf32, #tpu.memory_space<vmem>>, vector<1x16xf32>,
        %parallel_loop3A_1424 = vector.shape_cast %parallel_loop3A_1093 : vector<16xi32> to vector<16x1xi32>
        %parallel_loop3A_1425 = vector.shape_cast %parallel_loop3A_1424 : vector<16x1xi32> to vector<16xi32>
        %parallel_loop3A_1426 = tpu.dynamic_gather %get3A_248[%parallel_loop3A_1425] in [0] : vector<16xf32>, vector<16xi32> -> vector<16xf32>
        %parallel_loop3A_1427 = arith.constant 16 : i32
        %parallel_loop3A_1428 = arith.muli %parallel_loop3A_1086, %parallel_loop3A_1427 : i32
        %parallel_loop3A_1429 = arith.constant 30 : i32
        %parallel_loop3A_1430 = arith.index_cast %parallel_loop3A_1429 : i32 to index
        %parallel_loop3A_1431 = arith.index_cast %parallel_loop3A_1428 : i32 to index
        %parallel_loop3A_1432 = tpu.vector_load %arg10[%parallel_loop3A_1430, %parallel_loop3A_1431] {strides = array<i32>} : memref<32x1024xf32, #tpu.memory_space<vmem>>, vector<1x16xf32>,
        %parallel_loop3A_1433 = vector.shape_cast %parallel_loop3A_1432 : vector<1x16xf32> to vector<16xf32>
        %parallel_loop3A_1434 = vector.shape_cast %parallel_loop3A_1426 : vector<16xf32> to vector<1x16xf32>
        tpu.vector_store %arg10[%parallel_loop3A_1430, %parallel_loop3A_1431], %parallel_loop3A_1434 {strides = array<i32>} : memref<32x1024xf32, #tpu.memory_space<vmem>>, vector<1x16xf32>,
        %parallel_loop3A_1435 = vector.shape_cast %parallel_loop3A_1093 : vector<16xi32> to vector<16x1xi32>
        %parallel_loop3A_1436 = vector.shape_cast %parallel_loop3A_1435 : vector<16x1xi32> to vector<16xi32>
        %parallel_loop3A_1437 = tpu.dynamic_gather %get3A_251[%parallel_loop3A_1436] in [0] : vector<16xf32>, vector<16xi32> -> vector<16xf32>
        %parallel_loop3A_1438 = arith.constant 16 : i32
        %parallel_loop3A_1439 = arith.muli %parallel_loop3A_1086, %parallel_loop3A_1438 : i32
        %parallel_loop3A_1440 = arith.constant 31 : i32
        %parallel_loop3A_1441 = arith.index_cast %parallel_loop3A_1440 : i32 to index
        %parallel_loop3A_1442 = arith.index_cast %parallel_loop3A_1439 : i32 to index
        %parallel_loop3A_1443 = tpu.vector_load %arg10[%parallel_loop3A_1441, %parallel_loop3A_1442] {strides = array<i32>} : memref<32x1024xf32, #tpu.memory_space<vmem>>, vector<1x16xf32>,
        %parallel_loop3A_1444 = vector.shape_cast %parallel_loop3A_1443 : vector<1x16xf32> to vector<16xf32>
        %parallel_loop3A_1445 = vector.shape_cast %parallel_loop3A_1437 : vector<16xf32> to vector<1x16xf32>
        tpu.vector_store %arg10[%parallel_loop3A_1441, %parallel_loop3A_1442], %parallel_loop3A_1445 {strides = array<i32>} : memref<32x1024xf32, #tpu.memory_space<vmem>>, vector<1x16xf32>,
      } {sc.loop_unroll_factor = 1 : i64, sc.parallel_access}
      %mul3A_254 = arith.constant 1024 : i32
      %mul3A_255 = arith.muli %scan3A_144, %mul3A_254 : i32
      %add3A_256 = arith.addi %mul3A_32, %mul3A_255 : i32
      %dma_start3A_257 = arith.constant 0 : i32
      %dma_start3A_258 = arith.constant 0 : i32
      %dma_start3A_259 = tpu.memref_slice %arg5[%select_n3A, %dma_start3A_257, %dma_start3A_258, %add3A_256] : memref<8x8x32x16384xf32, #tpu.memory_space<hbm>> -> memref<1x1x32x1024xf32, #tpu.memory_space<hbm>>
      %dma_start3A_260 = tpu.memref_squeeze %dma_start3A_259 : memref<1x1x32x1024xf32, #tpu.memory_space<hbm>> -> memref<32x1024xf32, #tpu.memory_space<hbm>>
      %dma_start3A_261 = arith.constant 0 : i32
      %dma_start3A_262 = tpu.memref_slice %arg5[%select_n3A, %dma_start3A_257, %dma_start3A_261, %add3A_256] : memref<8x8x32x16384xf32, #tpu.memory_space<hbm>> -> memref<1x1x32x1024xf32, #tpu.memory_space<hbm>>
      %dma_start3A_263 = tpu.memref_squeeze %dma_start3A_262 : memref<1x1x32x1024xf32, #tpu.memory_space<hbm>> -> memref<32x1024xf32, #tpu.memory_space<hbm>>
      tpu.enqueue_dma source(%arg10 : memref<32x1024xf32, #tpu.memory_space<vmem>>) target(%dma_start3A_263 : memref<32x1024xf32, #tpu.memory_space<hbm>>) target_semaphore(%arg12 : memref<!tpu.dma_semaphore, #tpu.memory_space<semaphore_mem>>)
      %gt3A_264 = arith.constant 0 : i32
      %gt3A_265 = arith.cmpi sgt, %scan3A_144, %gt3A_264 : i32
      %convert_element_type3A_266 = arith.extui %gt3A_265 : i1 to i32
      %cond3A_267 = arith.constant 0 : i32
      %cond3A_268 = arith.cmpi ne, %convert_element_type3A_266, %cond3A_267 : i32
      scf.if %cond3A_268 {
        %add3A_1086 = arith.constant 0 : i32
        %add3A_1087 = arith.addi %mul3A_32, %add3A_1086 : i32
        %dma_wait3A_1088 = arith.constant 0 : i32
        %dma_wait3A_1089 = arith.constant 0 : i32
        %dma_wait3A_1090 = tpu.memref_slice %arg5[%select_n3A, %dma_wait3A_1088, %dma_wait3A_1089, %add3A_1087] : memref<8x8x32x16384xf32, #tpu.memory_space<hbm>> -> memref<1x1x32x1024xf32, #tpu.memory_space<hbm>>
        %dma_wait3A_1091 = tpu.memref_squeeze %dma_wait3A_1090 : memref<1x1x32x1024xf32, #tpu.memory_space<hbm>> -> memref<32x1024xf32, #tpu.memory_space<hbm>>
        %dma_wait3A_1092 = arith.constant 0 : i32
        %dma_wait3A_1093 = tpu.memref_slice %arg5[%select_n3A, %dma_wait3A_1088, %dma_wait3A_1092, %add3A_1087] : memref<8x8x32x16384xf32, #tpu.memory_space<hbm>> -> memref<1x1x32x1024xf32, #tpu.memory_space<hbm>>
        %dma_wait3A_1094 = tpu.memref_squeeze %dma_wait3A_1093 : memref<1x1x32x1024xf32, #tpu.memory_space<hbm>> -> memref<32x1024xf32, #tpu.memory_space<hbm>>
        tpu.wait_dma2 semaphore(%arg13 : memref<!tpu.dma_semaphore, #tpu.memory_space<semaphore_mem>>) src(%arg11 : memref<32x1024xf32, #tpu.memory_space<vmem>>) dst(%dma_wait3A_1094 : memref<32x1024xf32, #tpu.memory_space<hbm>>)
      } else {
      }
      %get3A_269 = arith.constant 512 : index
      %get3A_270 = tpu.vector_load %arg8[%get3A_269] {strides = array<i32>} : memref<4096xf32, #tpu.memory_space<vmem>>, vector<16xf32>,
      %get3A_271 = vector.shape_cast %get3A_270 : vector<16xf32> to vector<16xf32>
      %get3A_272 = arith.constant 528 : index
      %get3A_273 = tpu.vector_load %arg8[%get3A_272] {strides = array<i32>} : memref<4096xf32, #tpu.memory_space<vmem>>, vector<16xf32>,
      %get3A_274 = vector.shape_cast %get3A_273 : vector<16xf32> to vector<16xf32>
      %get3A_275 = arith.constant 544 : index
      %get3A_276 = tpu.vector_load %arg8[%get3A_275] {strides = array<i32>} : memref<4096xf32, #tpu.memory_space<vmem>>, vector<16xf32>,
      %get3A_277 = vector.shape_cast %get3A_276 : vector<16xf32> to vector<16xf32>
      %get3A_278 = arith.constant 560 : index
      %get3A_279 = tpu.vector_load %arg8[%get3A_278] {strides = array<i32>} : memref<4096xf32, #tpu.memory_space<vmem>>, vector<16xf32>,
      %get3A_280 = vector.shape_cast %get3A_279 : vector<16xf32> to vector<16xf32>
      %get3A_281 = arith.constant 576 : index
      %get3A_282 = tpu.vector_load %arg8[%get3A_281] {strides = array<i32>} : memref<4096xf32, #tpu.memory_space<vmem>>, vector<16xf32>,
      %get3A_283 = vector.shape_cast %get3A_282 : vector<16xf32> to vector<16xf32>
      %get3A_284 = arith.constant 592 : index
      %get3A_285 = tpu.vector_load %arg8[%get3A_284] {strides = array<i32>} : memref<4096xf32, #tpu.memory_space<vmem>>, vector<16xf32>,
      %get3A_286 = vector.shape_cast %get3A_285 : vector<16xf32> to vector<16xf32>
      %get3A_287 = arith.constant 608 : index
      %get3A_288 = tpu.vector_load %arg8[%get3A_287] {strides = array<i32>} : memref<4096xf32, #tpu.memory_space<vmem>>, vector<16xf32>,
      %get3A_289 = vector.shape_cast %get3A_288 : vector<16xf32> to vector<16xf32>
      %get3A_290 = arith.constant 624 : index
      %get3A_291 = tpu.vector_load %arg8[%get3A_290] {strides = array<i32>} : memref<4096xf32, #tpu.memory_space<vmem>>, vector<16xf32>,
      %get3A_292 = vector.shape_cast %get3A_291 : vector<16xf32> to vector<16xf32>
      %get3A_293 = arith.constant 640 : index
      %get3A_294 = tpu.vector_load %arg8[%get3A_293] {strides = array<i32>} : memref<4096xf32, #tpu.memory_space<vmem>>, vector<16xf32>,
      %get3A_295 = vector.shape_cast %get3A_294 : vector<16xf32> to vector<16xf32>
      %get3A_296 = arith.constant 656 : index
      %get3A_297 = tpu.vector_load %arg8[%get3A_296] {strides = array<i32>} : memref<4096xf32, #tpu.memory_space<vmem>>, vector<16xf32>,
      %get3A_298 = vector.shape_cast %get3A_297 : vector<16xf32> to vector<16xf32>
      %get3A_299 = arith.constant 672 : index
      %get3A_300 = tpu.vector_load %arg8[%get3A_299] {strides = array<i32>} : memref<4096xf32, #tpu.memory_space<vmem>>, vector<16xf32>,
      %get3A_301 = vector.shape_cast %get3A_300 : vector<16xf32> to vector<16xf32>
      %get3A_302 = arith.constant 688 : index
      %get3A_303 = tpu.vector_load %arg8[%get3A_302] {strides = array<i32>} : memref<4096xf32, #tpu.memory_space<vmem>>, vector<16xf32>,
      %get3A_304 = vector.shape_cast %get3A_303 : vector<16xf32> to vector<16xf32>
      %get3A_305 = arith.constant 704 : index
      %get3A_306 = tpu.vector_load %arg8[%get3A_305] {strides = array<i32>} : memref<4096xf32, #tpu.memory_space<vmem>>, vector<16xf32>,
      %get3A_307 = vector.shape_cast %get3A_306 : vector<16xf32> to vector<16xf32>
      %get3A_308 = arith.constant 720 : index
      %get3A_309 = tpu.vector_load %arg8[%get3A_308] {strides = array<i32>} : memref<4096xf32, #tpu.memory_space<vmem>>, vector<16xf32>,
      %get3A_310 = vector.shape_cast %get3A_309 : vector<16xf32> to vector<16xf32>
      %get3A_311 = arith.constant 736 : index
      %get3A_312 = tpu.vector_load %arg8[%get3A_311] {strides = array<i32>} : memref<4096xf32, #tpu.memory_space<vmem>>, vector<16xf32>,
      %get3A_313 = vector.shape_cast %get3A_312 : vector<16xf32> to vector<16xf32>
      %get3A_314 = arith.constant 752 : index
      %get3A_315 = tpu.vector_load %arg8[%get3A_314] {strides = array<i32>} : memref<4096xf32, #tpu.memory_space<vmem>>, vector<16xf32>,
      %get3A_316 = vector.shape_cast %get3A_315 : vector<16xf32> to vector<16xf32>
      %get3A_317 = arith.constant 768 : index
      %get3A_318 = tpu.vector_load %arg8[%get3A_317] {strides = array<i32>} : memref<4096xf32, #tpu.memory_space<vmem>>, vector<16xf32>,
      %get3A_319 = vector.shape_cast %get3A_318 : vector<16xf32> to vector<16xf32>
      %get3A_320 = arith.constant 784 : index
      %get3A_321 = tpu.vector_load %arg8[%get3A_320] {strides = array<i32>} : memref<4096xf32, #tpu.memory_space<vmem>>, vector<16xf32>,
      %get3A_322 = vector.shape_cast %get3A_321 : vector<16xf32> to vector<16xf32>
      %get3A_323 = arith.constant 800 : index
      %get3A_324 = tpu.vector_load %arg8[%get3A_323] {strides = array<i32>} : memref<4096xf32, #tpu.memory_space<vmem>>, vector<16xf32>,
      %get3A_325 = vector.shape_cast %get3A_324 : vector<16xf32> to vector<16xf32>
      %get3A_326 = arith.constant 816 : index
      %get3A_327 = tpu.vector_load %arg8[%get3A_326] {strides = array<i32>} : memref<4096xf32, #tpu.memory_space<vmem>>, vector<16xf32>,
      %get3A_328 = vector.shape_cast %get3A_327 : vector<16xf32> to vector<16xf32>
      %get3A_329 = arith.constant 832 : index
      %get3A_330 = tpu.vector_load %arg8[%get3A_329] {strides = array<i32>} : memref<4096xf32, #tpu.memory_space<vmem>>, vector<16xf32>,
      %get3A_331 = vector.shape_cast %get3A_330 : vector<16xf32> to vector<16xf32>
      %get3A_332 = arith.constant 848 : index
      %get3A_333 = tpu.vector_load %arg8[%get3A_332] {strides = array<i32>} : memref<4096xf32, #tpu.memory_space<vmem>>, vector<16xf32>,
      %get3A_334 = vector.shape_cast %get3A_333 : vector<16xf32> to vector<16xf32>
      %get3A_335 = arith.constant 864 : index
      %get3A_336 = tpu.vector_load %arg8[%get3A_335] {strides = array<i32>} : memref<4096xf32, #tpu.memory_space<vmem>>, vector<16xf32>,
      %get3A_337 = vector.shape_cast %get3A_336 : vector<16xf32> to vector<16xf32>
      %get3A_338 = arith.constant 880 : index
      %get3A_339 = tpu.vector_load %arg8[%get3A_338] {strides = array<i32>} : memref<4096xf32, #tpu.memory_space<vmem>>, vector<16xf32>,
      %get3A_340 = vector.shape_cast %get3A_339 : vector<16xf32> to vector<16xf32>
      %get3A_341 = arith.constant 896 : index
      %get3A_342 = tpu.vector_load %arg8[%get3A_341] {strides = array<i32>} : memref<4096xf32, #tpu.memory_space<vmem>>, vector<16xf32>,
      %get3A_343 = vector.shape_cast %get3A_342 : vector<16xf32> to vector<16xf32>
      %get3A_344 = arith.constant 912 : index
      %get3A_345 = tpu.vector_load %arg8[%get3A_344] {strides = array<i32>} : memref<4096xf32, #tpu.memory_space<vmem>>, vector<16xf32>,
      %get3A_346 = vector.shape_cast %get3A_345 : vector<16xf32> to vector<16xf32>
      %get3A_347 = arith.constant 928 : index
      %get3A_348 = tpu.vector_load %arg8[%get3A_347] {strides = array<i32>} : memref<4096xf32, #tpu.memory_space<vmem>>, vector<16xf32>,
      %get3A_349 = vector.shape_cast %get3A_348 : vector<16xf32> to vector<16xf32>
      %get3A_350 = arith.constant 944 : index
      %get3A_351 = tpu.vector_load %arg8[%get3A_350] {strides = array<i32>} : memref<4096xf32, #tpu.memory_space<vmem>>, vector<16xf32>,
      %get3A_352 = vector.shape_cast %get3A_351 : vector<16xf32> to vector<16xf32>
      %get3A_353 = arith.constant 960 : index
      %get3A_354 = tpu.vector_load %arg8[%get3A_353] {strides = array<i32>} : memref<4096xf32, #tpu.memory_space<vmem>>, vector<16xf32>,
      %get3A_355 = vector.shape_cast %get3A_354 : vector<16xf32> to vector<16xf32>
      %get3A_356 = arith.constant 976 : index
      %get3A_357 = tpu.vector_load %arg8[%get3A_356] {strides = array<i32>} : memref<4096xf32, #tpu.memory_space<vmem>>, vector<16xf32>,
      %get3A_358 = vector.shape_cast %get3A_357 : vector<16xf32> to vector<16xf32>
      %get3A_359 = arith.constant 992 : index
      %get3A_360 = tpu.vector_load %arg8[%get3A_359] {strides = array<i32>} : memref<4096xf32, #tpu.memory_space<vmem>>, vector<16xf32>,
      %get3A_361 = vector.shape_cast %get3A_360 : vector<16xf32> to vector<16xf32>
      %get3A_362 = arith.constant 1008 : index
      %get3A_363 = tpu.vector_load %arg8[%get3A_362] {strides = array<i32>} : memref<4096xf32, #tpu.memory_space<vmem>>, vector<16xf32>,
      %get3A_364 = vector.shape_cast %get3A_363 : vector<16xf32> to vector<16xf32>
      %parallel_loop3A_365 = arith.constant 0 : i32
      %parallel_loop3A_366 = arith.constant 64 : i32
      %parallel_loop3A_367 = arith.constant 1 : i32
      scf.for %parallel_loop3A_1086 = %parallel_loop3A_365 to %parallel_loop3A_366 step %parallel_loop3A_367  : i32 {
        %parallel_loop3A_1087 = arith.constant 16 : i32
        %parallel_loop3A_1088 = arith.muli %parallel_loop3A_1086, %parallel_loop3A_1087 : i32
        %parallel_loop3A_1089 = arith.constant 1 : i32
        %parallel_loop3A_1090 = arith.index_cast %parallel_loop3A_1089 : i32 to index
        %parallel_loop3A_1091 = arith.index_cast %parallel_loop3A_1088 : i32 to index
        %parallel_loop3A_1092 = tpu.vector_load %arg9[%parallel_loop3A_1090, %parallel_loop3A_1091] {strides = array<i32>} : memref<8x1024xi32, #tpu.memory_space<vmem>>, vector<1x16xi32>,
        %parallel_loop3A_1093 = vector.shape_cast %parallel_loop3A_1092 : vector<1x16xi32> to vector<16xi32>
        %parallel_loop3A_1094 = vector.shape_cast %parallel_loop3A_1093 : vector<16xi32> to vector<16x1xi32>
        %parallel_loop3A_1095 = vector.shape_cast %parallel_loop3A_1094 : vector<16x1xi32> to vector<16xi32>
        %parallel_loop3A_1096 = tpu.dynamic_gather %get3A_271[%parallel_loop3A_1095] in [0] : vector<16xf32>, vector<16xi32> -> vector<16xf32>
        %parallel_loop3A_1097 = arith.constant 16 : i32
        %parallel_loop3A_1098 = arith.muli %parallel_loop3A_1086, %parallel_loop3A_1097 : i32
        %parallel_loop3A_1099 = arith.constant 0 : i32
        %parallel_loop3A_1100 = arith.index_cast %parallel_loop3A_1099 : i32 to index
        %parallel_loop3A_1101 = arith.index_cast %parallel_loop3A_1098 : i32 to index
        %parallel_loop3A_1102 = tpu.vector_load %arg11[%parallel_loop3A_1100, %parallel_loop3A_1101] {strides = array<i32>} : memref<32x1024xf32, #tpu.memory_space<vmem>>, vector<1x16xf32>,
        %parallel_loop3A_1103 = vector.shape_cast %parallel_loop3A_1102 : vector<1x16xf32> to vector<16xf32>
        %parallel_loop3A_1104 = vector.shape_cast %parallel_loop3A_1096 : vector<16xf32> to vector<1x16xf32>
        tpu.vector_store %arg11[%parallel_loop3A_1100, %parallel_loop3A_1101], %parallel_loop3A_1104 {strides = array<i32>} : memref<32x1024xf32, #tpu.memory_space<vmem>>, vector<1x16xf32>,
        %parallel_loop3A_1105 = vector.shape_cast %parallel_loop3A_1093 : vector<16xi32> to vector<16x1xi32>
        %parallel_loop3A_1106 = vector.shape_cast %parallel_loop3A_1105 : vector<16x1xi32> to vector<16xi32>
        %parallel_loop3A_1107 = tpu.dynamic_gather %get3A_274[%parallel_loop3A_1106] in [0] : vector<16xf32>, vector<16xi32> -> vector<16xf32>
        %parallel_loop3A_1108 = arith.constant 16 : i32
        %parallel_loop3A_1109 = arith.muli %parallel_loop3A_1086, %parallel_loop3A_1108 : i32
        %parallel_loop3A_1110 = arith.constant 1 : i32
        %parallel_loop3A_1111 = arith.index_cast %parallel_loop3A_1110 : i32 to index
        %parallel_loop3A_1112 = arith.index_cast %parallel_loop3A_1109 : i32 to index
        %parallel_loop3A_1113 = tpu.vector_load %arg11[%parallel_loop3A_1111, %parallel_loop3A_1112] {strides = array<i32>} : memref<32x1024xf32, #tpu.memory_space<vmem>>, vector<1x16xf32>,
        %parallel_loop3A_1114 = vector.shape_cast %parallel_loop3A_1113 : vector<1x16xf32> to vector<16xf32>
        %parallel_loop3A_1115 = vector.shape_cast %parallel_loop3A_1107 : vector<16xf32> to vector<1x16xf32>
        tpu.vector_store %arg11[%parallel_loop3A_1111, %parallel_loop3A_1112], %parallel_loop3A_1115 {strides = array<i32>} : memref<32x1024xf32, #tpu.memory_space<vmem>>, vector<1x16xf32>,
        %parallel_loop3A_1116 = vector.shape_cast %parallel_loop3A_1093 : vector<16xi32> to vector<16x1xi32>
        %parallel_loop3A_1117 = vector.shape_cast %parallel_loop3A_1116 : vector<16x1xi32> to vector<16xi32>
        %parallel_loop3A_1118 = tpu.dynamic_gather %get3A_277[%parallel_loop3A_1117] in [0] : vector<16xf32>, vector<16xi32> -> vector<16xf32>
        %parallel_loop3A_1119 = arith.constant 16 : i32
        %parallel_loop3A_1120 = arith.muli %parallel_loop3A_1086, %parallel_loop3A_1119 : i32
        %parallel_loop3A_1121 = arith.constant 2 : i32
        %parallel_loop3A_1122 = arith.index_cast %parallel_loop3A_1121 : i32 to index
        %parallel_loop3A_1123 = arith.index_cast %parallel_loop3A_1120 : i32 to index
        %parallel_loop3A_1124 = tpu.vector_load %arg11[%parallel_loop3A_1122, %parallel_loop3A_1123] {strides = array<i32>} : memref<32x1024xf32, #tpu.memory_space<vmem>>, vector<1x16xf32>,
        %parallel_loop3A_1125 = vector.shape_cast %parallel_loop3A_1124 : vector<1x16xf32> to vector<16xf32>
        %parallel_loop3A_1126 = vector.shape_cast %parallel_loop3A_1118 : vector<16xf32> to vector<1x16xf32>
        tpu.vector_store %arg11[%parallel_loop3A_1122, %parallel_loop3A_1123], %parallel_loop3A_1126 {strides = array<i32>} : memref<32x1024xf32, #tpu.memory_space<vmem>>, vector<1x16xf32>,
        %parallel_loop3A_1127 = vector.shape_cast %parallel_loop3A_1093 : vector<16xi32> to vector<16x1xi32>
        %parallel_loop3A_1128 = vector.shape_cast %parallel_loop3A_1127 : vector<16x1xi32> to vector<16xi32>
        %parallel_loop3A_1129 = tpu.dynamic_gather %get3A_280[%parallel_loop3A_1128] in [0] : vector<16xf32>, vector<16xi32> -> vector<16xf32>
        %parallel_loop3A_1130 = arith.constant 16 : i32
        %parallel_loop3A_1131 = arith.muli %parallel_loop3A_1086, %parallel_loop3A_1130 : i32
        %parallel_loop3A_1132 = arith.constant 3 : i32
        %parallel_loop3A_1133 = arith.index_cast %parallel_loop3A_1132 : i32 to index
        %parallel_loop3A_1134 = arith.index_cast %parallel_loop3A_1131 : i32 to index
        %parallel_loop3A_1135 = tpu.vector_load %arg11[%parallel_loop3A_1133, %parallel_loop3A_1134] {strides = array<i32>} : memref<32x1024xf32, #tpu.memory_space<vmem>>, vector<1x16xf32>,
        %parallel_loop3A_1136 = vector.shape_cast %parallel_loop3A_1135 : vector<1x16xf32> to vector<16xf32>
        %parallel_loop3A_1137 = vector.shape_cast %parallel_loop3A_1129 : vector<16xf32> to vector<1x16xf32>
        tpu.vector_store %arg11[%parallel_loop3A_1133, %parallel_loop3A_1134], %parallel_loop3A_1137 {strides = array<i32>} : memref<32x1024xf32, #tpu.memory_space<vmem>>, vector<1x16xf32>,
        %parallel_loop3A_1138 = vector.shape_cast %parallel_loop3A_1093 : vector<16xi32> to vector<16x1xi32>
        %parallel_loop3A_1139 = vector.shape_cast %parallel_loop3A_1138 : vector<16x1xi32> to vector<16xi32>
        %parallel_loop3A_1140 = tpu.dynamic_gather %get3A_283[%parallel_loop3A_1139] in [0] : vector<16xf32>, vector<16xi32> -> vector<16xf32>
        %parallel_loop3A_1141 = arith.constant 16 : i32
        %parallel_loop3A_1142 = arith.muli %parallel_loop3A_1086, %parallel_loop3A_1141 : i32
        %parallel_loop3A_1143 = arith.constant 4 : i32
        %parallel_loop3A_1144 = arith.index_cast %parallel_loop3A_1143 : i32 to index
        %parallel_loop3A_1145 = arith.index_cast %parallel_loop3A_1142 : i32 to index
        %parallel_loop3A_1146 = tpu.vector_load %arg11[%parallel_loop3A_1144, %parallel_loop3A_1145] {strides = array<i32>} : memref<32x1024xf32, #tpu.memory_space<vmem>>, vector<1x16xf32>,
        %parallel_loop3A_1147 = vector.shape_cast %parallel_loop3A_1146 : vector<1x16xf32> to vector<16xf32>
        %parallel_loop3A_1148 = vector.shape_cast %parallel_loop3A_1140 : vector<16xf32> to vector<1x16xf32>
        tpu.vector_store %arg11[%parallel_loop3A_1144, %parallel_loop3A_1145], %parallel_loop3A_1148 {strides = array<i32>} : memref<32x1024xf32, #tpu.memory_space<vmem>>, vector<1x16xf32>,
        %parallel_loop3A_1149 = vector.shape_cast %parallel_loop3A_1093 : vector<16xi32> to vector<16x1xi32>
        %parallel_loop3A_1150 = vector.shape_cast %parallel_loop3A_1149 : vector<16x1xi32> to vector<16xi32>
        %parallel_loop3A_1151 = tpu.dynamic_gather %get3A_286[%parallel_loop3A_1150] in [0] : vector<16xf32>, vector<16xi32> -> vector<16xf32>
        %parallel_loop3A_1152 = arith.constant 16 : i32
        %parallel_loop3A_1153 = arith.muli %parallel_loop3A_1086, %parallel_loop3A_1152 : i32
        %parallel_loop3A_1154 = arith.constant 5 : i32
        %parallel_loop3A_1155 = arith.index_cast %parallel_loop3A_1154 : i32 to index
        %parallel_loop3A_1156 = arith.index_cast %parallel_loop3A_1153 : i32 to index
        %parallel_loop3A_1157 = tpu.vector_load %arg11[%parallel_loop3A_1155, %parallel_loop3A_1156] {strides = array<i32>} : memref<32x1024xf32, #tpu.memory_space<vmem>>, vector<1x16xf32>,
        %parallel_loop3A_1158 = vector.shape_cast %parallel_loop3A_1157 : vector<1x16xf32> to vector<16xf32>
        %parallel_loop3A_1159 = vector.shape_cast %parallel_loop3A_1151 : vector<16xf32> to vector<1x16xf32>
        tpu.vector_store %arg11[%parallel_loop3A_1155, %parallel_loop3A_1156], %parallel_loop3A_1159 {strides = array<i32>} : memref<32x1024xf32, #tpu.memory_space<vmem>>, vector<1x16xf32>,
        %parallel_loop3A_1160 = vector.shape_cast %parallel_loop3A_1093 : vector<16xi32> to vector<16x1xi32>
        %parallel_loop3A_1161 = vector.shape_cast %parallel_loop3A_1160 : vector<16x1xi32> to vector<16xi32>
        %parallel_loop3A_1162 = tpu.dynamic_gather %get3A_289[%parallel_loop3A_1161] in [0] : vector<16xf32>, vector<16xi32> -> vector<16xf32>
        %parallel_loop3A_1163 = arith.constant 16 : i32
        %parallel_loop3A_1164 = arith.muli %parallel_loop3A_1086, %parallel_loop3A_1163 : i32
        %parallel_loop3A_1165 = arith.constant 6 : i32
        %parallel_loop3A_1166 = arith.index_cast %parallel_loop3A_1165 : i32 to index
        %parallel_loop3A_1167 = arith.index_cast %parallel_loop3A_1164 : i32 to index
        %parallel_loop3A_1168 = tpu.vector_load %arg11[%parallel_loop3A_1166, %parallel_loop3A_1167] {strides = array<i32>} : memref<32x1024xf32, #tpu.memory_space<vmem>>, vector<1x16xf32>,
        %parallel_loop3A_1169 = vector.shape_cast %parallel_loop3A_1168 : vector<1x16xf32> to vector<16xf32>
        %parallel_loop3A_1170 = vector.shape_cast %parallel_loop3A_1162 : vector<16xf32> to vector<1x16xf32>
        tpu.vector_store %arg11[%parallel_loop3A_1166, %parallel_loop3A_1167], %parallel_loop3A_1170 {strides = array<i32>} : memref<32x1024xf32, #tpu.memory_space<vmem>>, vector<1x16xf32>,
        %parallel_loop3A_1171 = vector.shape_cast %parallel_loop3A_1093 : vector<16xi32> to vector<16x1xi32>
        %parallel_loop3A_1172 = vector.shape_cast %parallel_loop3A_1171 : vector<16x1xi32> to vector<16xi32>
        %parallel_loop3A_1173 = tpu.dynamic_gather %get3A_292[%parallel_loop3A_1172] in [0] : vector<16xf32>, vector<16xi32> -> vector<16xf32>
        %parallel_loop3A_1174 = arith.constant 16 : i32
        %parallel_loop3A_1175 = arith.muli %parallel_loop3A_1086, %parallel_loop3A_1174 : i32
        %parallel_loop3A_1176 = arith.constant 7 : i32
        %parallel_loop3A_1177 = arith.index_cast %parallel_loop3A_1176 : i32 to index
        %parallel_loop3A_1178 = arith.index_cast %parallel_loop3A_1175 : i32 to index
        %parallel_loop3A_1179 = tpu.vector_load %arg11[%parallel_loop3A_1177, %parallel_loop3A_1178] {strides = array<i32>} : memref<32x1024xf32, #tpu.memory_space<vmem>>, vector<1x16xf32>,
        %parallel_loop3A_1180 = vector.shape_cast %parallel_loop3A_1179 : vector<1x16xf32> to vector<16xf32>
        %parallel_loop3A_1181 = vector.shape_cast %parallel_loop3A_1173 : vector<16xf32> to vector<1x16xf32>
        tpu.vector_store %arg11[%parallel_loop3A_1177, %parallel_loop3A_1178], %parallel_loop3A_1181 {strides = array<i32>} : memref<32x1024xf32, #tpu.memory_space<vmem>>, vector<1x16xf32>,
        %parallel_loop3A_1182 = vector.shape_cast %parallel_loop3A_1093 : vector<16xi32> to vector<16x1xi32>
        %parallel_loop3A_1183 = vector.shape_cast %parallel_loop3A_1182 : vector<16x1xi32> to vector<16xi32>
        %parallel_loop3A_1184 = tpu.dynamic_gather %get3A_295[%parallel_loop3A_1183] in [0] : vector<16xf32>, vector<16xi32> -> vector<16xf32>
        %parallel_loop3A_1185 = arith.constant 16 : i32
        %parallel_loop3A_1186 = arith.muli %parallel_loop3A_1086, %parallel_loop3A_1185 : i32
        %parallel_loop3A_1187 = arith.constant 8 : i32
        %parallel_loop3A_1188 = arith.index_cast %parallel_loop3A_1187 : i32 to index
        %parallel_loop3A_1189 = arith.index_cast %parallel_loop3A_1186 : i32 to index
        %parallel_loop3A_1190 = tpu.vector_load %arg11[%parallel_loop3A_1188, %parallel_loop3A_1189] {strides = array<i32>} : memref<32x1024xf32, #tpu.memory_space<vmem>>, vector<1x16xf32>,
        %parallel_loop3A_1191 = vector.shape_cast %parallel_loop3A_1190 : vector<1x16xf32> to vector<16xf32>
        %parallel_loop3A_1192 = vector.shape_cast %parallel_loop3A_1184 : vector<16xf32> to vector<1x16xf32>
        tpu.vector_store %arg11[%parallel_loop3A_1188, %parallel_loop3A_1189], %parallel_loop3A_1192 {strides = array<i32>} : memref<32x1024xf32, #tpu.memory_space<vmem>>, vector<1x16xf32>,
        %parallel_loop3A_1193 = vector.shape_cast %parallel_loop3A_1093 : vector<16xi32> to vector<16x1xi32>
        %parallel_loop3A_1194 = vector.shape_cast %parallel_loop3A_1193 : vector<16x1xi32> to vector<16xi32>
        %parallel_loop3A_1195 = tpu.dynamic_gather %get3A_298[%parallel_loop3A_1194] in [0] : vector<16xf32>, vector<16xi32> -> vector<16xf32>
        %parallel_loop3A_1196 = arith.constant 16 : i32
        %parallel_loop3A_1197 = arith.muli %parallel_loop3A_1086, %parallel_loop3A_1196 : i32
        %parallel_loop3A_1198 = arith.constant 9 : i32
        %parallel_loop3A_1199 = arith.index_cast %parallel_loop3A_1198 : i32 to index
        %parallel_loop3A_1200 = arith.index_cast %parallel_loop3A_1197 : i32 to index
        %parallel_loop3A_1201 = tpu.vector_load %arg11[%parallel_loop3A_1199, %parallel_loop3A_1200] {strides = array<i32>} : memref<32x1024xf32, #tpu.memory_space<vmem>>, vector<1x16xf32>,
        %parallel_loop3A_1202 = vector.shape_cast %parallel_loop3A_1201 : vector<1x16xf32> to vector<16xf32>
        %parallel_loop3A_1203 = vector.shape_cast %parallel_loop3A_1195 : vector<16xf32> to vector<1x16xf32>
        tpu.vector_store %arg11[%parallel_loop3A_1199, %parallel_loop3A_1200], %parallel_loop3A_1203 {strides = array<i32>} : memref<32x1024xf32, #tpu.memory_space<vmem>>, vector<1x16xf32>,
        %parallel_loop3A_1204 = vector.shape_cast %parallel_loop3A_1093 : vector<16xi32> to vector<16x1xi32>
        %parallel_loop3A_1205 = vector.shape_cast %parallel_loop3A_1204 : vector<16x1xi32> to vector<16xi32>
        %parallel_loop3A_1206 = tpu.dynamic_gather %get3A_301[%parallel_loop3A_1205] in [0] : vector<16xf32>, vector<16xi32> -> vector<16xf32>
        %parallel_loop3A_1207 = arith.constant 16 : i32
        %parallel_loop3A_1208 = arith.muli %parallel_loop3A_1086, %parallel_loop3A_1207 : i32
        %parallel_loop3A_1209 = arith.constant 10 : i32
        %parallel_loop3A_1210 = arith.index_cast %parallel_loop3A_1209 : i32 to index
        %parallel_loop3A_1211 = arith.index_cast %parallel_loop3A_1208 : i32 to index
        %parallel_loop3A_1212 = tpu.vector_load %arg11[%parallel_loop3A_1210, %parallel_loop3A_1211] {strides = array<i32>} : memref<32x1024xf32, #tpu.memory_space<vmem>>, vector<1x16xf32>,
        %parallel_loop3A_1213 = vector.shape_cast %parallel_loop3A_1212 : vector<1x16xf32> to vector<16xf32>
        %parallel_loop3A_1214 = vector.shape_cast %parallel_loop3A_1206 : vector<16xf32> to vector<1x16xf32>
        tpu.vector_store %arg11[%parallel_loop3A_1210, %parallel_loop3A_1211], %parallel_loop3A_1214 {strides = array<i32>} : memref<32x1024xf32, #tpu.memory_space<vmem>>, vector<1x16xf32>,
        %parallel_loop3A_1215 = vector.shape_cast %parallel_loop3A_1093 : vector<16xi32> to vector<16x1xi32>
        %parallel_loop3A_1216 = vector.shape_cast %parallel_loop3A_1215 : vector<16x1xi32> to vector<16xi32>
        %parallel_loop3A_1217 = tpu.dynamic_gather %get3A_304[%parallel_loop3A_1216] in [0] : vector<16xf32>, vector<16xi32> -> vector<16xf32>
        %parallel_loop3A_1218 = arith.constant 16 : i32
        %parallel_loop3A_1219 = arith.muli %parallel_loop3A_1086, %parallel_loop3A_1218 : i32
        %parallel_loop3A_1220 = arith.constant 11 : i32
        %parallel_loop3A_1221 = arith.index_cast %parallel_loop3A_1220 : i32 to index
        %parallel_loop3A_1222 = arith.index_cast %parallel_loop3A_1219 : i32 to index
        %parallel_loop3A_1223 = tpu.vector_load %arg11[%parallel_loop3A_1221, %parallel_loop3A_1222] {strides = array<i32>} : memref<32x1024xf32, #tpu.memory_space<vmem>>, vector<1x16xf32>,
        %parallel_loop3A_1224 = vector.shape_cast %parallel_loop3A_1223 : vector<1x16xf32> to vector<16xf32>
        %parallel_loop3A_1225 = vector.shape_cast %parallel_loop3A_1217 : vector<16xf32> to vector<1x16xf32>
        tpu.vector_store %arg11[%parallel_loop3A_1221, %parallel_loop3A_1222], %parallel_loop3A_1225 {strides = array<i32>} : memref<32x1024xf32, #tpu.memory_space<vmem>>, vector<1x16xf32>,
        %parallel_loop3A_1226 = vector.shape_cast %parallel_loop3A_1093 : vector<16xi32> to vector<16x1xi32>
        %parallel_loop3A_1227 = vector.shape_cast %parallel_loop3A_1226 : vector<16x1xi32> to vector<16xi32>
        %parallel_loop3A_1228 = tpu.dynamic_gather %get3A_307[%parallel_loop3A_1227] in [0] : vector<16xf32>, vector<16xi32> -> vector<16xf32>
        %parallel_loop3A_1229 = arith.constant 16 : i32
        %parallel_loop3A_1230 = arith.muli %parallel_loop3A_1086, %parallel_loop3A_1229 : i32
        %parallel_loop3A_1231 = arith.constant 12 : i32
        %parallel_loop3A_1232 = arith.index_cast %parallel_loop3A_1231 : i32 to index
        %parallel_loop3A_1233 = arith.index_cast %parallel_loop3A_1230 : i32 to index
        %parallel_loop3A_1234 = tpu.vector_load %arg11[%parallel_loop3A_1232, %parallel_loop3A_1233] {strides = array<i32>} : memref<32x1024xf32, #tpu.memory_space<vmem>>, vector<1x16xf32>,
        %parallel_loop3A_1235 = vector.shape_cast %parallel_loop3A_1234 : vector<1x16xf32> to vector<16xf32>
        %parallel_loop3A_1236 = vector.shape_cast %parallel_loop3A_1228 : vector<16xf32> to vector<1x16xf32>
        tpu.vector_store %arg11[%parallel_loop3A_1232, %parallel_loop3A_1233], %parallel_loop3A_1236 {strides = array<i32>} : memref<32x1024xf32, #tpu.memory_space<vmem>>, vector<1x16xf32>,
        %parallel_loop3A_1237 = vector.shape_cast %parallel_loop3A_1093 : vector<16xi32> to vector<16x1xi32>
        %parallel_loop3A_1238 = vector.shape_cast %parallel_loop3A_1237 : vector<16x1xi32> to vector<16xi32>
        %parallel_loop3A_1239 = tpu.dynamic_gather %get3A_310[%parallel_loop3A_1238] in [0] : vector<16xf32>, vector<16xi32> -> vector<16xf32>
        %parallel_loop3A_1240 = arith.constant 16 : i32
        %parallel_loop3A_1241 = arith.muli %parallel_loop3A_1086, %parallel_loop3A_1240 : i32
        %parallel_loop3A_1242 = arith.constant 13 : i32
        %parallel_loop3A_1243 = arith.index_cast %parallel_loop3A_1242 : i32 to index
        %parallel_loop3A_1244 = arith.index_cast %parallel_loop3A_1241 : i32 to index
        %parallel_loop3A_1245 = tpu.vector_load %arg11[%parallel_loop3A_1243, %parallel_loop3A_1244] {strides = array<i32>} : memref<32x1024xf32, #tpu.memory_space<vmem>>, vector<1x16xf32>,
        %parallel_loop3A_1246 = vector.shape_cast %parallel_loop3A_1245 : vector<1x16xf32> to vector<16xf32>
        %parallel_loop3A_1247 = vector.shape_cast %parallel_loop3A_1239 : vector<16xf32> to vector<1x16xf32>
        tpu.vector_store %arg11[%parallel_loop3A_1243, %parallel_loop3A_1244], %parallel_loop3A_1247 {strides = array<i32>} : memref<32x1024xf32, #tpu.memory_space<vmem>>, vector<1x16xf32>,
        %parallel_loop3A_1248 = vector.shape_cast %parallel_loop3A_1093 : vector<16xi32> to vector<16x1xi32>
        %parallel_loop3A_1249 = vector.shape_cast %parallel_loop3A_1248 : vector<16x1xi32> to vector<16xi32>
        %parallel_loop3A_1250 = tpu.dynamic_gather %get3A_313[%parallel_loop3A_1249] in [0] : vector<16xf32>, vector<16xi32> -> vector<16xf32>
        %parallel_loop3A_1251 = arith.constant 16 : i32
        %parallel_loop3A_1252 = arith.muli %parallel_loop3A_1086, %parallel_loop3A_1251 : i32
        %parallel_loop3A_1253 = arith.constant 14 : i32
        %parallel_loop3A_1254 = arith.index_cast %parallel_loop3A_1253 : i32 to index
        %parallel_loop3A_1255 = arith.index_cast %parallel_loop3A_1252 : i32 to index
        %parallel_loop3A_1256 = tpu.vector_load %arg11[%parallel_loop3A_1254, %parallel_loop3A_1255] {strides = array<i32>} : memref<32x1024xf32, #tpu.memory_space<vmem>>, vector<1x16xf32>,
        %parallel_loop3A_1257 = vector.shape_cast %parallel_loop3A_1256 : vector<1x16xf32> to vector<16xf32>
        %parallel_loop3A_1258 = vector.shape_cast %parallel_loop3A_1250 : vector<16xf32> to vector<1x16xf32>
        tpu.vector_store %arg11[%parallel_loop3A_1254, %parallel_loop3A_1255], %parallel_loop3A_1258 {strides = array<i32>} : memref<32x1024xf32, #tpu.memory_space<vmem>>, vector<1x16xf32>,
        %parallel_loop3A_1259 = vector.shape_cast %parallel_loop3A_1093 : vector<16xi32> to vector<16x1xi32>
        %parallel_loop3A_1260 = vector.shape_cast %parallel_loop3A_1259 : vector<16x1xi32> to vector<16xi32>
        %parallel_loop3A_1261 = tpu.dynamic_gather %get3A_316[%parallel_loop3A_1260] in [0] : vector<16xf32>, vector<16xi32> -> vector<16xf32>
        %parallel_loop3A_1262 = arith.constant 16 : i32
        %parallel_loop3A_1263 = arith.muli %parallel_loop3A_1086, %parallel_loop3A_1262 : i32
        %parallel_loop3A_1264 = arith.constant 15 : i32
        %parallel_loop3A_1265 = arith.index_cast %parallel_loop3A_1264 : i32 to index
        %parallel_loop3A_1266 = arith.index_cast %parallel_loop3A_1263 : i32 to index
        %parallel_loop3A_1267 = tpu.vector_load %arg11[%parallel_loop3A_1265, %parallel_loop3A_1266] {strides = array<i32>} : memref<32x1024xf32, #tpu.memory_space<vmem>>, vector<1x16xf32>,
        %parallel_loop3A_1268 = vector.shape_cast %parallel_loop3A_1267 : vector<1x16xf32> to vector<16xf32>
        %parallel_loop3A_1269 = vector.shape_cast %parallel_loop3A_1261 : vector<16xf32> to vector<1x16xf32>
        tpu.vector_store %arg11[%parallel_loop3A_1265, %parallel_loop3A_1266], %parallel_loop3A_1269 {strides = array<i32>} : memref<32x1024xf32, #tpu.memory_space<vmem>>, vector<1x16xf32>,
        %parallel_loop3A_1270 = vector.shape_cast %parallel_loop3A_1093 : vector<16xi32> to vector<16x1xi32>
        %parallel_loop3A_1271 = vector.shape_cast %parallel_loop3A_1270 : vector<16x1xi32> to vector<16xi32>
        %parallel_loop3A_1272 = tpu.dynamic_gather %get3A_319[%parallel_loop3A_1271] in [0] : vector<16xf32>, vector<16xi32> -> vector<16xf32>
        %parallel_loop3A_1273 = arith.constant 16 : i32
        %parallel_loop3A_1274 = arith.muli %parallel_loop3A_1086, %parallel_loop3A_1273 : i32
        %parallel_loop3A_1275 = arith.constant 16 : i32
        %parallel_loop3A_1276 = arith.index_cast %parallel_loop3A_1275 : i32 to index
        %parallel_loop3A_1277 = arith.index_cast %parallel_loop3A_1274 : i32 to index
        %parallel_loop3A_1278 = tpu.vector_load %arg11[%parallel_loop3A_1276, %parallel_loop3A_1277] {strides = array<i32>} : memref<32x1024xf32, #tpu.memory_space<vmem>>, vector<1x16xf32>,
        %parallel_loop3A_1279 = vector.shape_cast %parallel_loop3A_1278 : vector<1x16xf32> to vector<16xf32>
        %parallel_loop3A_1280 = vector.shape_cast %parallel_loop3A_1272 : vector<16xf32> to vector<1x16xf32>
        tpu.vector_store %arg11[%parallel_loop3A_1276, %parallel_loop3A_1277], %parallel_loop3A_1280 {strides = array<i32>} : memref<32x1024xf32, #tpu.memory_space<vmem>>, vector<1x16xf32>,
        %parallel_loop3A_1281 = vector.shape_cast %parallel_loop3A_1093 : vector<16xi32> to vector<16x1xi32>
        %parallel_loop3A_1282 = vector.shape_cast %parallel_loop3A_1281 : vector<16x1xi32> to vector<16xi32>
        %parallel_loop3A_1283 = tpu.dynamic_gather %get3A_322[%parallel_loop3A_1282] in [0] : vector<16xf32>, vector<16xi32> -> vector<16xf32>
        %parallel_loop3A_1284 = arith.constant 16 : i32
        %parallel_loop3A_1285 = arith.muli %parallel_loop3A_1086, %parallel_loop3A_1284 : i32
        %parallel_loop3A_1286 = arith.constant 17 : i32
        %parallel_loop3A_1287 = arith.index_cast %parallel_loop3A_1286 : i32 to index
        %parallel_loop3A_1288 = arith.index_cast %parallel_loop3A_1285 : i32 to index
        %parallel_loop3A_1289 = tpu.vector_load %arg11[%parallel_loop3A_1287, %parallel_loop3A_1288] {strides = array<i32>} : memref<32x1024xf32, #tpu.memory_space<vmem>>, vector<1x16xf32>,
        %parallel_loop3A_1290 = vector.shape_cast %parallel_loop3A_1289 : vector<1x16xf32> to vector<16xf32>
        %parallel_loop3A_1291 = vector.shape_cast %parallel_loop3A_1283 : vector<16xf32> to vector<1x16xf32>
        tpu.vector_store %arg11[%parallel_loop3A_1287, %parallel_loop3A_1288], %parallel_loop3A_1291 {strides = array<i32>} : memref<32x1024xf32, #tpu.memory_space<vmem>>, vector<1x16xf32>,
        %parallel_loop3A_1292 = vector.shape_cast %parallel_loop3A_1093 : vector<16xi32> to vector<16x1xi32>
        %parallel_loop3A_1293 = vector.shape_cast %parallel_loop3A_1292 : vector<16x1xi32> to vector<16xi32>
        %parallel_loop3A_1294 = tpu.dynamic_gather %get3A_325[%parallel_loop3A_1293] in [0] : vector<16xf32>, vector<16xi32> -> vector<16xf32>
        %parallel_loop3A_1295 = arith.constant 16 : i32
        %parallel_loop3A_1296 = arith.muli %parallel_loop3A_1086, %parallel_loop3A_1295 : i32
        %parallel_loop3A_1297 = arith.constant 18 : i32
        %parallel_loop3A_1298 = arith.index_cast %parallel_loop3A_1297 : i32 to index
        %parallel_loop3A_1299 = arith.index_cast %parallel_loop3A_1296 : i32 to index
        %parallel_loop3A_1300 = tpu.vector_load %arg11[%parallel_loop3A_1298, %parallel_loop3A_1299] {strides = array<i32>} : memref<32x1024xf32, #tpu.memory_space<vmem>>, vector<1x16xf32>,
        %parallel_loop3A_1301 = vector.shape_cast %parallel_loop3A_1300 : vector<1x16xf32> to vector<16xf32>
        %parallel_loop3A_1302 = vector.shape_cast %parallel_loop3A_1294 : vector<16xf32> to vector<1x16xf32>
        tpu.vector_store %arg11[%parallel_loop3A_1298, %parallel_loop3A_1299], %parallel_loop3A_1302 {strides = array<i32>} : memref<32x1024xf32, #tpu.memory_space<vmem>>, vector<1x16xf32>,
        %parallel_loop3A_1303 = vector.shape_cast %parallel_loop3A_1093 : vector<16xi32> to vector<16x1xi32>
        %parallel_loop3A_1304 = vector.shape_cast %parallel_loop3A_1303 : vector<16x1xi32> to vector<16xi32>
        %parallel_loop3A_1305 = tpu.dynamic_gather %get3A_328[%parallel_loop3A_1304] in [0] : vector<16xf32>, vector<16xi32> -> vector<16xf32>
        %parallel_loop3A_1306 = arith.constant 16 : i32
        %parallel_loop3A_1307 = arith.muli %parallel_loop3A_1086, %parallel_loop3A_1306 : i32
        %parallel_loop3A_1308 = arith.constant 19 : i32
        %parallel_loop3A_1309 = arith.index_cast %parallel_loop3A_1308 : i32 to index
        %parallel_loop3A_1310 = arith.index_cast %parallel_loop3A_1307 : i32 to index
        %parallel_loop3A_1311 = tpu.vector_load %arg11[%parallel_loop3A_1309, %parallel_loop3A_1310] {strides = array<i32>} : memref<32x1024xf32, #tpu.memory_space<vmem>>, vector<1x16xf32>,
        %parallel_loop3A_1312 = vector.shape_cast %parallel_loop3A_1311 : vector<1x16xf32> to vector<16xf32>
        %parallel_loop3A_1313 = vector.shape_cast %parallel_loop3A_1305 : vector<16xf32> to vector<1x16xf32>
        tpu.vector_store %arg11[%parallel_loop3A_1309, %parallel_loop3A_1310], %parallel_loop3A_1313 {strides = array<i32>} : memref<32x1024xf32, #tpu.memory_space<vmem>>, vector<1x16xf32>,
        %parallel_loop3A_1314 = vector.shape_cast %parallel_loop3A_1093 : vector<16xi32> to vector<16x1xi32>
        %parallel_loop3A_1315 = vector.shape_cast %parallel_loop3A_1314 : vector<16x1xi32> to vector<16xi32>
        %parallel_loop3A_1316 = tpu.dynamic_gather %get3A_331[%parallel_loop3A_1315] in [0] : vector<16xf32>, vector<16xi32> -> vector<16xf32>
        %parallel_loop3A_1317 = arith.constant 16 : i32
        %parallel_loop3A_1318 = arith.muli %parallel_loop3A_1086, %parallel_loop3A_1317 : i32
        %parallel_loop3A_1319 = arith.constant 20 : i32
        %parallel_loop3A_1320 = arith.index_cast %parallel_loop3A_1319 : i32 to index
        %parallel_loop3A_1321 = arith.index_cast %parallel_loop3A_1318 : i32 to index
        %parallel_loop3A_1322 = tpu.vector_load %arg11[%parallel_loop3A_1320, %parallel_loop3A_1321] {strides = array<i32>} : memref<32x1024xf32, #tpu.memory_space<vmem>>, vector<1x16xf32>,
        %parallel_loop3A_1323 = vector.shape_cast %parallel_loop3A_1322 : vector<1x16xf32> to vector<16xf32>
        %parallel_loop3A_1324 = vector.shape_cast %parallel_loop3A_1316 : vector<16xf32> to vector<1x16xf32>
        tpu.vector_store %arg11[%parallel_loop3A_1320, %parallel_loop3A_1321], %parallel_loop3A_1324 {strides = array<i32>} : memref<32x1024xf32, #tpu.memory_space<vmem>>, vector<1x16xf32>,
        %parallel_loop3A_1325 = vector.shape_cast %parallel_loop3A_1093 : vector<16xi32> to vector<16x1xi32>
        %parallel_loop3A_1326 = vector.shape_cast %parallel_loop3A_1325 : vector<16x1xi32> to vector<16xi32>
        %parallel_loop3A_1327 = tpu.dynamic_gather %get3A_334[%parallel_loop3A_1326] in [0] : vector<16xf32>, vector<16xi32> -> vector<16xf32>
        %parallel_loop3A_1328 = arith.constant 16 : i32
        %parallel_loop3A_1329 = arith.muli %parallel_loop3A_1086, %parallel_loop3A_1328 : i32
        %parallel_loop3A_1330 = arith.constant 21 : i32
        %parallel_loop3A_1331 = arith.index_cast %parallel_loop3A_1330 : i32 to index
        %parallel_loop3A_1332 = arith.index_cast %parallel_loop3A_1329 : i32 to index
        %parallel_loop3A_1333 = tpu.vector_load %arg11[%parallel_loop3A_1331, %parallel_loop3A_1332] {strides = array<i32>} : memref<32x1024xf32, #tpu.memory_space<vmem>>, vector<1x16xf32>,
        %parallel_loop3A_1334 = vector.shape_cast %parallel_loop3A_1333 : vector<1x16xf32> to vector<16xf32>
        %parallel_loop3A_1335 = vector.shape_cast %parallel_loop3A_1327 : vector<16xf32> to vector<1x16xf32>
        tpu.vector_store %arg11[%parallel_loop3A_1331, %parallel_loop3A_1332], %parallel_loop3A_1335 {strides = array<i32>} : memref<32x1024xf32, #tpu.memory_space<vmem>>, vector<1x16xf32>,
        %parallel_loop3A_1336 = vector.shape_cast %parallel_loop3A_1093 : vector<16xi32> to vector<16x1xi32>
        %parallel_loop3A_1337 = vector.shape_cast %parallel_loop3A_1336 : vector<16x1xi32> to vector<16xi32>
        %parallel_loop3A_1338 = tpu.dynamic_gather %get3A_337[%parallel_loop3A_1337] in [0] : vector<16xf32>, vector<16xi32> -> vector<16xf32>
        %parallel_loop3A_1339 = arith.constant 16 : i32
        %parallel_loop3A_1340 = arith.muli %parallel_loop3A_1086, %parallel_loop3A_1339 : i32
        %parallel_loop3A_1341 = arith.constant 22 : i32
        %parallel_loop3A_1342 = arith.index_cast %parallel_loop3A_1341 : i32 to index
        %parallel_loop3A_1343 = arith.index_cast %parallel_loop3A_1340 : i32 to index
        %parallel_loop3A_1344 = tpu.vector_load %arg11[%parallel_loop3A_1342, %parallel_loop3A_1343] {strides = array<i32>} : memref<32x1024xf32, #tpu.memory_space<vmem>>, vector<1x16xf32>,
        %parallel_loop3A_1345 = vector.shape_cast %parallel_loop3A_1344 : vector<1x16xf32> to vector<16xf32>
        %parallel_loop3A_1346 = vector.shape_cast %parallel_loop3A_1338 : vector<16xf32> to vector<1x16xf32>
        tpu.vector_store %arg11[%parallel_loop3A_1342, %parallel_loop3A_1343], %parallel_loop3A_1346 {strides = array<i32>} : memref<32x1024xf32, #tpu.memory_space<vmem>>, vector<1x16xf32>,
        %parallel_loop3A_1347 = vector.shape_cast %parallel_loop3A_1093 : vector<16xi32> to vector<16x1xi32>
        %parallel_loop3A_1348 = vector.shape_cast %parallel_loop3A_1347 : vector<16x1xi32> to vector<16xi32>
        %parallel_loop3A_1349 = tpu.dynamic_gather %get3A_340[%parallel_loop3A_1348] in [0] : vector<16xf32>, vector<16xi32> -> vector<16xf32>
        %parallel_loop3A_1350 = arith.constant 16 : i32
        %parallel_loop3A_1351 = arith.muli %parallel_loop3A_1086, %parallel_loop3A_1350 : i32
        %parallel_loop3A_1352 = arith.constant 23 : i32
        %parallel_loop3A_1353 = arith.index_cast %parallel_loop3A_1352 : i32 to index
        %parallel_loop3A_1354 = arith.index_cast %parallel_loop3A_1351 : i32 to index
        %parallel_loop3A_1355 = tpu.vector_load %arg11[%parallel_loop3A_1353, %parallel_loop3A_1354] {strides = array<i32>} : memref<32x1024xf32, #tpu.memory_space<vmem>>, vector<1x16xf32>,
        %parallel_loop3A_1356 = vector.shape_cast %parallel_loop3A_1355 : vector<1x16xf32> to vector<16xf32>
        %parallel_loop3A_1357 = vector.shape_cast %parallel_loop3A_1349 : vector<16xf32> to vector<1x16xf32>
        tpu.vector_store %arg11[%parallel_loop3A_1353, %parallel_loop3A_1354], %parallel_loop3A_1357 {strides = array<i32>} : memref<32x1024xf32, #tpu.memory_space<vmem>>, vector<1x16xf32>,
        %parallel_loop3A_1358 = vector.shape_cast %parallel_loop3A_1093 : vector<16xi32> to vector<16x1xi32>
        %parallel_loop3A_1359 = vector.shape_cast %parallel_loop3A_1358 : vector<16x1xi32> to vector<16xi32>
        %parallel_loop3A_1360 = tpu.dynamic_gather %get3A_343[%parallel_loop3A_1359] in [0] : vector<16xf32>, vector<16xi32> -> vector<16xf32>
        %parallel_loop3A_1361 = arith.constant 16 : i32
        %parallel_loop3A_1362 = arith.muli %parallel_loop3A_1086, %parallel_loop3A_1361 : i32
        %parallel_loop3A_1363 = arith.constant 24 : i32
        %parallel_loop3A_1364 = arith.index_cast %parallel_loop3A_1363 : i32 to index
        %parallel_loop3A_1365 = arith.index_cast %parallel_loop3A_1362 : i32 to index
        %parallel_loop3A_1366 = tpu.vector_load %arg11[%parallel_loop3A_1364, %parallel_loop3A_1365] {strides = array<i32>} : memref<32x1024xf32, #tpu.memory_space<vmem>>, vector<1x16xf32>,
        %parallel_loop3A_1367 = vector.shape_cast %parallel_loop3A_1366 : vector<1x16xf32> to vector<16xf32>
        %parallel_loop3A_1368 = vector.shape_cast %parallel_loop3A_1360 : vector<16xf32> to vector<1x16xf32>
        tpu.vector_store %arg11[%parallel_loop3A_1364, %parallel_loop3A_1365], %parallel_loop3A_1368 {strides = array<i32>} : memref<32x1024xf32, #tpu.memory_space<vmem>>, vector<1x16xf32>,
        %parallel_loop3A_1369 = vector.shape_cast %parallel_loop3A_1093 : vector<16xi32> to vector<16x1xi32>
        %parallel_loop3A_1370 = vector.shape_cast %parallel_loop3A_1369 : vector<16x1xi32> to vector<16xi32>
        %parallel_loop3A_1371 = tpu.dynamic_gather %get3A_346[%parallel_loop3A_1370] in [0] : vector<16xf32>, vector<16xi32> -> vector<16xf32>
        %parallel_loop3A_1372 = arith.constant 16 : i32
        %parallel_loop3A_1373 = arith.muli %parallel_loop3A_1086, %parallel_loop3A_1372 : i32
        %parallel_loop3A_1374 = arith.constant 25 : i32
        %parallel_loop3A_1375 = arith.index_cast %parallel_loop3A_1374 : i32 to index
        %parallel_loop3A_1376 = arith.index_cast %parallel_loop3A_1373 : i32 to index
        %parallel_loop3A_1377 = tpu.vector_load %arg11[%parallel_loop3A_1375, %parallel_loop3A_1376] {strides = array<i32>} : memref<32x1024xf32, #tpu.memory_space<vmem>>, vector<1x16xf32>,
        %parallel_loop3A_1378 = vector.shape_cast %parallel_loop3A_1377 : vector<1x16xf32> to vector<16xf32>
        %parallel_loop3A_1379 = vector.shape_cast %parallel_loop3A_1371 : vector<16xf32> to vector<1x16xf32>
        tpu.vector_store %arg11[%parallel_loop3A_1375, %parallel_loop3A_1376], %parallel_loop3A_1379 {strides = array<i32>} : memref<32x1024xf32, #tpu.memory_space<vmem>>, vector<1x16xf32>,
        %parallel_loop3A_1380 = vector.shape_cast %parallel_loop3A_1093 : vector<16xi32> to vector<16x1xi32>
        %parallel_loop3A_1381 = vector.shape_cast %parallel_loop3A_1380 : vector<16x1xi32> to vector<16xi32>
        %parallel_loop3A_1382 = tpu.dynamic_gather %get3A_349[%parallel_loop3A_1381] in [0] : vector<16xf32>, vector<16xi32> -> vector<16xf32>
        %parallel_loop3A_1383 = arith.constant 16 : i32
        %parallel_loop3A_1384 = arith.muli %parallel_loop3A_1086, %parallel_loop3A_1383 : i32
        %parallel_loop3A_1385 = arith.constant 26 : i32
        %parallel_loop3A_1386 = arith.index_cast %parallel_loop3A_1385 : i32 to index
        %parallel_loop3A_1387 = arith.index_cast %parallel_loop3A_1384 : i32 to index
        %parallel_loop3A_1388 = tpu.vector_load %arg11[%parallel_loop3A_1386, %parallel_loop3A_1387] {strides = array<i32>} : memref<32x1024xf32, #tpu.memory_space<vmem>>, vector<1x16xf32>,
        %parallel_loop3A_1389 = vector.shape_cast %parallel_loop3A_1388 : vector<1x16xf32> to vector<16xf32>
        %parallel_loop3A_1390 = vector.shape_cast %parallel_loop3A_1382 : vector<16xf32> to vector<1x16xf32>
        tpu.vector_store %arg11[%parallel_loop3A_1386, %parallel_loop3A_1387], %parallel_loop3A_1390 {strides = array<i32>} : memref<32x1024xf32, #tpu.memory_space<vmem>>, vector<1x16xf32>,
        %parallel_loop3A_1391 = vector.shape_cast %parallel_loop3A_1093 : vector<16xi32> to vector<16x1xi32>
        %parallel_loop3A_1392 = vector.shape_cast %parallel_loop3A_1391 : vector<16x1xi32> to vector<16xi32>
        %parallel_loop3A_1393 = tpu.dynamic_gather %get3A_352[%parallel_loop3A_1392] in [0] : vector<16xf32>, vector<16xi32> -> vector<16xf32>
        %parallel_loop3A_1394 = arith.constant 16 : i32
        %parallel_loop3A_1395 = arith.muli %parallel_loop3A_1086, %parallel_loop3A_1394 : i32
        %parallel_loop3A_1396 = arith.constant 27 : i32
        %parallel_loop3A_1397 = arith.index_cast %parallel_loop3A_1396 : i32 to index
        %parallel_loop3A_1398 = arith.index_cast %parallel_loop3A_1395 : i32 to index
        %parallel_loop3A_1399 = tpu.vector_load %arg11[%parallel_loop3A_1397, %parallel_loop3A_1398] {strides = array<i32>} : memref<32x1024xf32, #tpu.memory_space<vmem>>, vector<1x16xf32>,
        %parallel_loop3A_1400 = vector.shape_cast %parallel_loop3A_1399 : vector<1x16xf32> to vector<16xf32>
        %parallel_loop3A_1401 = vector.shape_cast %parallel_loop3A_1393 : vector<16xf32> to vector<1x16xf32>
        tpu.vector_store %arg11[%parallel_loop3A_1397, %parallel_loop3A_1398], %parallel_loop3A_1401 {strides = array<i32>} : memref<32x1024xf32, #tpu.memory_space<vmem>>, vector<1x16xf32>,
        %parallel_loop3A_1402 = vector.shape_cast %parallel_loop3A_1093 : vector<16xi32> to vector<16x1xi32>
        %parallel_loop3A_1403 = vector.shape_cast %parallel_loop3A_1402 : vector<16x1xi32> to vector<16xi32>
        %parallel_loop3A_1404 = tpu.dynamic_gather %get3A_355[%parallel_loop3A_1403] in [0] : vector<16xf32>, vector<16xi32> -> vector<16xf32>
        %parallel_loop3A_1405 = arith.constant 16 : i32
        %parallel_loop3A_1406 = arith.muli %parallel_loop3A_1086, %parallel_loop3A_1405 : i32
        %parallel_loop3A_1407 = arith.constant 28 : i32
        %parallel_loop3A_1408 = arith.index_cast %parallel_loop3A_1407 : i32 to index
        %parallel_loop3A_1409 = arith.index_cast %parallel_loop3A_1406 : i32 to index
        %parallel_loop3A_1410 = tpu.vector_load %arg11[%parallel_loop3A_1408, %parallel_loop3A_1409] {strides = array<i32>} : memref<32x1024xf32, #tpu.memory_space<vmem>>, vector<1x16xf32>,
        %parallel_loop3A_1411 = vector.shape_cast %parallel_loop3A_1410 : vector<1x16xf32> to vector<16xf32>
        %parallel_loop3A_1412 = vector.shape_cast %parallel_loop3A_1404 : vector<16xf32> to vector<1x16xf32>
        tpu.vector_store %arg11[%parallel_loop3A_1408, %parallel_loop3A_1409], %parallel_loop3A_1412 {strides = array<i32>} : memref<32x1024xf32, #tpu.memory_space<vmem>>, vector<1x16xf32>,
        %parallel_loop3A_1413 = vector.shape_cast %parallel_loop3A_1093 : vector<16xi32> to vector<16x1xi32>
        %parallel_loop3A_1414 = vector.shape_cast %parallel_loop3A_1413 : vector<16x1xi32> to vector<16xi32>
        %parallel_loop3A_1415 = tpu.dynamic_gather %get3A_358[%parallel_loop3A_1414] in [0] : vector<16xf32>, vector<16xi32> -> vector<16xf32>
        %parallel_loop3A_1416 = arith.constant 16 : i32
        %parallel_loop3A_1417 = arith.muli %parallel_loop3A_1086, %parallel_loop3A_1416 : i32
        %parallel_loop3A_1418 = arith.constant 29 : i32
        %parallel_loop3A_1419 = arith.index_cast %parallel_loop3A_1418 : i32 to index
        %parallel_loop3A_1420 = arith.index_cast %parallel_loop3A_1417 : i32 to index
        %parallel_loop3A_1421 = tpu.vector_load %arg11[%parallel_loop3A_1419, %parallel_loop3A_1420] {strides = array<i32>} : memref<32x1024xf32, #tpu.memory_space<vmem>>, vector<1x16xf32>,
        %parallel_loop3A_1422 = vector.shape_cast %parallel_loop3A_1421 : vector<1x16xf32> to vector<16xf32>
        %parallel_loop3A_1423 = vector.shape_cast %parallel_loop3A_1415 : vector<16xf32> to vector<1x16xf32>
        tpu.vector_store %arg11[%parallel_loop3A_1419, %parallel_loop3A_1420], %parallel_loop3A_1423 {strides = array<i32>} : memref<32x1024xf32, #tpu.memory_space<vmem>>, vector<1x16xf32>,
        %parallel_loop3A_1424 = vector.shape_cast %parallel_loop3A_1093 : vector<16xi32> to vector<16x1xi32>
        %parallel_loop3A_1425 = vector.shape_cast %parallel_loop3A_1424 : vector<16x1xi32> to vector<16xi32>
        %parallel_loop3A_1426 = tpu.dynamic_gather %get3A_361[%parallel_loop3A_1425] in [0] : vector<16xf32>, vector<16xi32> -> vector<16xf32>
        %parallel_loop3A_1427 = arith.constant 16 : i32
        %parallel_loop3A_1428 = arith.muli %parallel_loop3A_1086, %parallel_loop3A_1427 : i32
        %parallel_loop3A_1429 = arith.constant 30 : i32
        %parallel_loop3A_1430 = arith.index_cast %parallel_loop3A_1429 : i32 to index
        %parallel_loop3A_1431 = arith.index_cast %parallel_loop3A_1428 : i32 to index
        %parallel_loop3A_1432 = tpu.vector_load %arg11[%parallel_loop3A_1430, %parallel_loop3A_1431] {strides = array<i32>} : memref<32x1024xf32, #tpu.memory_space<vmem>>, vector<1x16xf32>,
        %parallel_loop3A_1433 = vector.shape_cast %parallel_loop3A_1432 : vector<1x16xf32> to vector<16xf32>
        %parallel_loop3A_1434 = vector.shape_cast %parallel_loop3A_1426 : vector<16xf32> to vector<1x16xf32>
        tpu.vector_store %arg11[%parallel_loop3A_1430, %parallel_loop3A_1431], %parallel_loop3A_1434 {strides = array<i32>} : memref<32x1024xf32, #tpu.memory_space<vmem>>, vector<1x16xf32>,
        %parallel_loop3A_1435 = vector.shape_cast %parallel_loop3A_1093 : vector<16xi32> to vector<16x1xi32>
        %parallel_loop3A_1436 = vector.shape_cast %parallel_loop3A_1435 : vector<16x1xi32> to vector<16xi32>
        %parallel_loop3A_1437 = tpu.dynamic_gather %get3A_364[%parallel_loop3A_1436] in [0] : vector<16xf32>, vector<16xi32> -> vector<16xf32>
        %parallel_loop3A_1438 = arith.constant 16 : i32
        %parallel_loop3A_1439 = arith.muli %parallel_loop3A_1086, %parallel_loop3A_1438 : i32
        %parallel_loop3A_1440 = arith.constant 31 : i32
        %parallel_loop3A_1441 = arith.index_cast %parallel_loop3A_1440 : i32 to index
        %parallel_loop3A_1442 = arith.index_cast %parallel_loop3A_1439 : i32 to index
        %parallel_loop3A_1443 = tpu.vector_load %arg11[%parallel_loop3A_1441, %parallel_loop3A_1442] {strides = array<i32>} : memref<32x1024xf32, #tpu.memory_space<vmem>>, vector<1x16xf32>,
        %parallel_loop3A_1444 = vector.shape_cast %parallel_loop3A_1443 : vector<1x16xf32> to vector<16xf32>
        %parallel_loop3A_1445 = vector.shape_cast %parallel_loop3A_1437 : vector<16xf32> to vector<1x16xf32>
        tpu.vector_store %arg11[%parallel_loop3A_1441, %parallel_loop3A_1442], %parallel_loop3A_1445 {strides = array<i32>} : memref<32x1024xf32, #tpu.memory_space<vmem>>, vector<1x16xf32>,
      } {sc.loop_unroll_factor = 1 : i64, sc.parallel_access}
      %mul3A_368 = arith.constant 1024 : i32
      %mul3A_369 = arith.muli %scan3A_144, %mul3A_368 : i32
      %add3A_370 = arith.addi %mul3A_32, %mul3A_369 : i32
      %dma_start3A_371 = arith.constant 1 : i32
      %dma_start3A_372 = arith.constant 0 : i32
      %dma_start3A_373 = tpu.memref_slice %arg5[%select_n3A, %dma_start3A_371, %dma_start3A_372, %add3A_370] : memref<8x8x32x16384xf32, #tpu.memory_space<hbm>> -> memref<1x1x32x1024xf32, #tpu.memory_space<hbm>>
      %dma_start3A_374 = tpu.memref_squeeze %dma_start3A_373 : memref<1x1x32x1024xf32, #tpu.memory_space<hbm>> -> memref<32x1024xf32, #tpu.memory_space<hbm>>
      %dma_start3A_375 = arith.constant 0 : i32
      %dma_start3A_376 = tpu.memref_slice %arg5[%select_n3A, %dma_start3A_371, %dma_start3A_375, %add3A_370] : memref<8x8x32x16384xf32, #tpu.memory_space<hbm>> -> memref<1x1x32x1024xf32, #tpu.memory_space<hbm>>
      %dma_start3A_377 = tpu.memref_squeeze %dma_start3A_376 : memref<1x1x32x1024xf32, #tpu.memory_space<hbm>> -> memref<32x1024xf32, #tpu.memory_space<hbm>>
      tpu.enqueue_dma source(%arg11 : memref<32x1024xf32, #tpu.memory_space<vmem>>) target(%dma_start3A_377 : memref<32x1024xf32, #tpu.memory_space<hbm>>) target_semaphore(%arg13 : memref<!tpu.dma_semaphore, #tpu.memory_space<semaphore_mem>>)
      %add3A_378 = arith.constant 0 : i32
      %add3A_379 = arith.addi %mul3A_32, %add3A_378 : i32
      %dma_wait3A_380 = arith.constant 0 : i32
      %dma_wait3A_381 = arith.constant 0 : i32
      %dma_wait3A_382 = tpu.memref_slice %arg5[%select_n3A, %dma_wait3A_380, %dma_wait3A_381, %add3A_379] : memref<8x8x32x16384xf32, #tpu.memory_space<hbm>> -> memref<1x1x32x1024xf32, #tpu.memory_space<hbm>>
      %dma_wait3A_383 = tpu.memref_squeeze %dma_wait3A_382 : memref<1x1x32x1024xf32, #tpu.memory_space<hbm>> -> memref<32x1024xf32, #tpu.memory_space<hbm>>
      %dma_wait3A_384 = arith.constant 0 : i32
      %dma_wait3A_385 = tpu.memref_slice %arg5[%select_n3A, %dma_wait3A_380, %dma_wait3A_384, %add3A_379] : memref<8x8x32x16384xf32, #tpu.memory_space<hbm>> -> memref<1x1x32x1024xf32, #tpu.memory_space<hbm>>
      %dma_wait3A_386 = tpu.memref_squeeze %dma_wait3A_385 : memref<1x1x32x1024xf32, #tpu.memory_space<hbm>> -> memref<32x1024xf32, #tpu.memory_space<hbm>>
      tpu.wait_dma2 semaphore(%arg12 : memref<!tpu.dma_semaphore, #tpu.memory_space<semaphore_mem>>) src(%arg10 : memref<32x1024xf32, #tpu.memory_space<vmem>>) dst(%dma_wait3A_386 : memref<32x1024xf32, #tpu.memory_space<hbm>>)
      %get3A_387 = arith.constant 1024 : index
      %get3A_388 = tpu.vector_load %arg8[%get3A_387] {strides = array<i32>} : memref<4096xf32, #tpu.memory_space<vmem>>, vector<16xf32>,
      %get3A_389 = vector.shape_cast %get3A_388 : vector<16xf32> to vector<16xf32>
      %get3A_390 = arith.constant 1040 : index
      %get3A_391 = tpu.vector_load %arg8[%get3A_390] {strides = array<i32>} : memref<4096xf32, #tpu.memory_space<vmem>>, vector<16xf32>,
      %get3A_392 = vector.shape_cast %get3A_391 : vector<16xf32> to vector<16xf32>
      %get3A_393 = arith.constant 1056 : index
      %get3A_394 = tpu.vector_load %arg8[%get3A_393] {strides = array<i32>} : memref<4096xf32, #tpu.memory_space<vmem>>, vector<16xf32>,
      %get3A_395 = vector.shape_cast %get3A_394 : vector<16xf32> to vector<16xf32>
      %get3A_396 = arith.constant 1072 : index
      %get3A_397 = tpu.vector_load %arg8[%get3A_396] {strides = array<i32>} : memref<4096xf32, #tpu.memory_space<vmem>>, vector<16xf32>,
      %get3A_398 = vector.shape_cast %get3A_397 : vector<16xf32> to vector<16xf32>
      %get3A_399 = arith.constant 1088 : index
      %get3A_400 = tpu.vector_load %arg8[%get3A_399] {strides = array<i32>} : memref<4096xf32, #tpu.memory_space<vmem>>, vector<16xf32>,
      %get3A_401 = vector.shape_cast %get3A_400 : vector<16xf32> to vector<16xf32>
      %get3A_402 = arith.constant 1104 : index
      %get3A_403 = tpu.vector_load %arg8[%get3A_402] {strides = array<i32>} : memref<4096xf32, #tpu.memory_space<vmem>>, vector<16xf32>,
      %get3A_404 = vector.shape_cast %get3A_403 : vector<16xf32> to vector<16xf32>
      %get3A_405 = arith.constant 1120 : index
      %get3A_406 = tpu.vector_load %arg8[%get3A_405] {strides = array<i32>} : memref<4096xf32, #tpu.memory_space<vmem>>, vector<16xf32>,
      %get3A_407 = vector.shape_cast %get3A_406 : vector<16xf32> to vector<16xf32>
      %get3A_408 = arith.constant 1136 : index
      %get3A_409 = tpu.vector_load %arg8[%get3A_408] {strides = array<i32>} : memref<4096xf32, #tpu.memory_space<vmem>>, vector<16xf32>,
      %get3A_410 = vector.shape_cast %get3A_409 : vector<16xf32> to vector<16xf32>
      %get3A_411 = arith.constant 1152 : index
      %get3A_412 = tpu.vector_load %arg8[%get3A_411] {strides = array<i32>} : memref<4096xf32, #tpu.memory_space<vmem>>, vector<16xf32>,
      %get3A_413 = vector.shape_cast %get3A_412 : vector<16xf32> to vector<16xf32>
      %get3A_414 = arith.constant 1168 : index
      %get3A_415 = tpu.vector_load %arg8[%get3A_414] {strides = array<i32>} : memref<4096xf32, #tpu.memory_space<vmem>>, vector<16xf32>,
      %get3A_416 = vector.shape_cast %get3A_415 : vector<16xf32> to vector<16xf32>
      %get3A_417 = arith.constant 1184 : index
      %get3A_418 = tpu.vector_load %arg8[%get3A_417] {strides = array<i32>} : memref<4096xf32, #tpu.memory_space<vmem>>, vector<16xf32>,
      %get3A_419 = vector.shape_cast %get3A_418 : vector<16xf32> to vector<16xf32>
      %get3A_420 = arith.constant 1200 : index
      %get3A_421 = tpu.vector_load %arg8[%get3A_420] {strides = array<i32>} : memref<4096xf32, #tpu.memory_space<vmem>>, vector<16xf32>,
      %get3A_422 = vector.shape_cast %get3A_421 : vector<16xf32> to vector<16xf32>
      %get3A_423 = arith.constant 1216 : index
      %get3A_424 = tpu.vector_load %arg8[%get3A_423] {strides = array<i32>} : memref<4096xf32, #tpu.memory_space<vmem>>, vector<16xf32>,
      %get3A_425 = vector.shape_cast %get3A_424 : vector<16xf32> to vector<16xf32>
      %get3A_426 = arith.constant 1232 : index
      %get3A_427 = tpu.vector_load %arg8[%get3A_426] {strides = array<i32>} : memref<4096xf32, #tpu.memory_space<vmem>>, vector<16xf32>,
      %get3A_428 = vector.shape_cast %get3A_427 : vector<16xf32> to vector<16xf32>
      %get3A_429 = arith.constant 1248 : index
      %get3A_430 = tpu.vector_load %arg8[%get3A_429] {strides = array<i32>} : memref<4096xf32, #tpu.memory_space<vmem>>, vector<16xf32>,
      %get3A_431 = vector.shape_cast %get3A_430 : vector<16xf32> to vector<16xf32>
      %get3A_432 = arith.constant 1264 : index
      %get3A_433 = tpu.vector_load %arg8[%get3A_432] {strides = array<i32>} : memref<4096xf32, #tpu.memory_space<vmem>>, vector<16xf32>,
      %get3A_434 = vector.shape_cast %get3A_433 : vector<16xf32> to vector<16xf32>
      %get3A_435 = arith.constant 1280 : index
      %get3A_436 = tpu.vector_load %arg8[%get3A_435] {strides = array<i32>} : memref<4096xf32, #tpu.memory_space<vmem>>, vector<16xf32>,
      %get3A_437 = vector.shape_cast %get3A_436 : vector<16xf32> to vector<16xf32>
      %get3A_438 = arith.constant 1296 : index
      %get3A_439 = tpu.vector_load %arg8[%get3A_438] {strides = array<i32>} : memref<4096xf32, #tpu.memory_space<vmem>>, vector<16xf32>,
      %get3A_440 = vector.shape_cast %get3A_439 : vector<16xf32> to vector<16xf32>
      %get3A_441 = arith.constant 1312 : index
      %get3A_442 = tpu.vector_load %arg8[%get3A_441] {strides = array<i32>} : memref<4096xf32, #tpu.memory_space<vmem>>, vector<16xf32>,
      %get3A_443 = vector.shape_cast %get3A_442 : vector<16xf32> to vector<16xf32>
      %get3A_444 = arith.constant 1328 : index
      %get3A_445 = tpu.vector_load %arg8[%get3A_444] {strides = array<i32>} : memref<4096xf32, #tpu.memory_space<vmem>>, vector<16xf32>,
      %get3A_446 = vector.shape_cast %get3A_445 : vector<16xf32> to vector<16xf32>
      %get3A_447 = arith.constant 1344 : index
      %get3A_448 = tpu.vector_load %arg8[%get3A_447] {strides = array<i32>} : memref<4096xf32, #tpu.memory_space<vmem>>, vector<16xf32>,
      %get3A_449 = vector.shape_cast %get3A_448 : vector<16xf32> to vector<16xf32>
      %get3A_450 = arith.constant 1360 : index
      %get3A_451 = tpu.vector_load %arg8[%get3A_450] {strides = array<i32>} : memref<4096xf32, #tpu.memory_space<vmem>>, vector<16xf32>,
      %get3A_452 = vector.shape_cast %get3A_451 : vector<16xf32> to vector<16xf32>
      %get3A_453 = arith.constant 1376 : index
      %get3A_454 = tpu.vector_load %arg8[%get3A_453] {strides = array<i32>} : memref<4096xf32, #tpu.memory_space<vmem>>, vector<16xf32>,
      %get3A_455 = vector.shape_cast %get3A_454 : vector<16xf32> to vector<16xf32>
      %get3A_456 = arith.constant 1392 : index
      %get3A_457 = tpu.vector_load %arg8[%get3A_456] {strides = array<i32>} : memref<4096xf32, #tpu.memory_space<vmem>>, vector<16xf32>,
      %get3A_458 = vector.shape_cast %get3A_457 : vector<16xf32> to vector<16xf32>
      %get3A_459 = arith.constant 1408 : index
      %get3A_460 = tpu.vector_load %arg8[%get3A_459] {strides = array<i32>} : memref<4096xf32, #tpu.memory_space<vmem>>, vector<16xf32>,
      %get3A_461 = vector.shape_cast %get3A_460 : vector<16xf32> to vector<16xf32>
      %get3A_462 = arith.constant 1424 : index
      %get3A_463 = tpu.vector_load %arg8[%get3A_462] {strides = array<i32>} : memref<4096xf32, #tpu.memory_space<vmem>>, vector<16xf32>,
      %get3A_464 = vector.shape_cast %get3A_463 : vector<16xf32> to vector<16xf32>
      %get3A_465 = arith.constant 1440 : index
      %get3A_466 = tpu.vector_load %arg8[%get3A_465] {strides = array<i32>} : memref<4096xf32, #tpu.memory_space<vmem>>, vector<16xf32>,
      %get3A_467 = vector.shape_cast %get3A_466 : vector<16xf32> to vector<16xf32>
      %get3A_468 = arith.constant 1456 : index
      %get3A_469 = tpu.vector_load %arg8[%get3A_468] {strides = array<i32>} : memref<4096xf32, #tpu.memory_space<vmem>>, vector<16xf32>,
      %get3A_470 = vector.shape_cast %get3A_469 : vector<16xf32> to vector<16xf32>
      %get3A_471 = arith.constant 1472 : index
      %get3A_472 = tpu.vector_load %arg8[%get3A_471] {strides = array<i32>} : memref<4096xf32, #tpu.memory_space<vmem>>, vector<16xf32>,
      %get3A_473 = vector.shape_cast %get3A_472 : vector<16xf32> to vector<16xf32>
      %get3A_474 = arith.constant 1488 : index
      %get3A_475 = tpu.vector_load %arg8[%get3A_474] {strides = array<i32>} : memref<4096xf32, #tpu.memory_space<vmem>>, vector<16xf32>,
      %get3A_476 = vector.shape_cast %get3A_475 : vector<16xf32> to vector<16xf32>
      %get3A_477 = arith.constant 1504 : index
      %get3A_478 = tpu.vector_load %arg8[%get3A_477] {strides = array<i32>} : memref<4096xf32, #tpu.memory_space<vmem>>, vector<16xf32>,
      %get3A_479 = vector.shape_cast %get3A_478 : vector<16xf32> to vector<16xf32>
      %get3A_480 = arith.constant 1520 : index
      %get3A_481 = tpu.vector_load %arg8[%get3A_480] {strides = array<i32>} : memref<4096xf32, #tpu.memory_space<vmem>>, vector<16xf32>,
      %get3A_482 = vector.shape_cast %get3A_481 : vector<16xf32> to vector<16xf32>
      %parallel_loop3A_483 = arith.constant 0 : i32
      %parallel_loop3A_484 = arith.constant 64 : i32
      %parallel_loop3A_485 = arith.constant 1 : i32
      scf.for %parallel_loop3A_1086 = %parallel_loop3A_483 to %parallel_loop3A_484 step %parallel_loop3A_485  : i32 {
        %parallel_loop3A_1087 = arith.constant 16 : i32
        %parallel_loop3A_1088 = arith.muli %parallel_loop3A_1086, %parallel_loop3A_1087 : i32
        %parallel_loop3A_1089 = arith.constant 2 : i32
        %parallel_loop3A_1090 = arith.index_cast %parallel_loop3A_1089 : i32 to index
        %parallel_loop3A_1091 = arith.index_cast %parallel_loop3A_1088 : i32 to index
        %parallel_loop3A_1092 = tpu.vector_load %arg9[%parallel_loop3A_1090, %parallel_loop3A_1091] {strides = array<i32>} : memref<8x1024xi32, #tpu.memory_space<vmem>>, vector<1x16xi32>,
        %parallel_loop3A_1093 = vector.shape_cast %parallel_loop3A_1092 : vector<1x16xi32> to vector<16xi32>
        %parallel_loop3A_1094 = vector.shape_cast %parallel_loop3A_1093 : vector<16xi32> to vector<16x1xi32>
        %parallel_loop3A_1095 = vector.shape_cast %parallel_loop3A_1094 : vector<16x1xi32> to vector<16xi32>
        %parallel_loop3A_1096 = tpu.dynamic_gather %get3A_389[%parallel_loop3A_1095] in [0] : vector<16xf32>, vector<16xi32> -> vector<16xf32>
        %parallel_loop3A_1097 = arith.constant 16 : i32
        %parallel_loop3A_1098 = arith.muli %parallel_loop3A_1086, %parallel_loop3A_1097 : i32
        %parallel_loop3A_1099 = arith.constant 0 : i32
        %parallel_loop3A_1100 = arith.index_cast %parallel_loop3A_1099 : i32 to index
        %parallel_loop3A_1101 = arith.index_cast %parallel_loop3A_1098 : i32 to index
        %parallel_loop3A_1102 = tpu.vector_load %arg10[%parallel_loop3A_1100, %parallel_loop3A_1101] {strides = array<i32>} : memref<32x1024xf32, #tpu.memory_space<vmem>>, vector<1x16xf32>,
        %parallel_loop3A_1103 = vector.shape_cast %parallel_loop3A_1102 : vector<1x16xf32> to vector<16xf32>
        %parallel_loop3A_1104 = vector.shape_cast %parallel_loop3A_1096 : vector<16xf32> to vector<1x16xf32>
        tpu.vector_store %arg10[%parallel_loop3A_1100, %parallel_loop3A_1101], %parallel_loop3A_1104 {strides = array<i32>} : memref<32x1024xf32, #tpu.memory_space<vmem>>, vector<1x16xf32>,
        %parallel_loop3A_1105 = vector.shape_cast %parallel_loop3A_1093 : vector<16xi32> to vector<16x1xi32>
        %parallel_loop3A_1106 = vector.shape_cast %parallel_loop3A_1105 : vector<16x1xi32> to vector<16xi32>
        %parallel_loop3A_1107 = tpu.dynamic_gather %get3A_392[%parallel_loop3A_1106] in [0] : vector<16xf32>, vector<16xi32> -> vector<16xf32>
        %parallel_loop3A_1108 = arith.constant 16 : i32
        %parallel_loop3A_1109 = arith.muli %parallel_loop3A_1086, %parallel_loop3A_1108 : i32
        %parallel_loop3A_1110 = arith.constant 1 : i32
        %parallel_loop3A_1111 = arith.index_cast %parallel_loop3A_1110 : i32 to index
        %parallel_loop3A_1112 = arith.index_cast %parallel_loop3A_1109 : i32 to index
        %parallel_loop3A_1113 = tpu.vector_load %arg10[%parallel_loop3A_1111, %parallel_loop3A_1112] {strides = array<i32>} : memref<32x1024xf32, #tpu.memory_space<vmem>>, vector<1x16xf32>,
        %parallel_loop3A_1114 = vector.shape_cast %parallel_loop3A_1113 : vector<1x16xf32> to vector<16xf32>
        %parallel_loop3A_1115 = vector.shape_cast %parallel_loop3A_1107 : vector<16xf32> to vector<1x16xf32>
        tpu.vector_store %arg10[%parallel_loop3A_1111, %parallel_loop3A_1112], %parallel_loop3A_1115 {strides = array<i32>} : memref<32x1024xf32, #tpu.memory_space<vmem>>, vector<1x16xf32>,
        %parallel_loop3A_1116 = vector.shape_cast %parallel_loop3A_1093 : vector<16xi32> to vector<16x1xi32>
        %parallel_loop3A_1117 = vector.shape_cast %parallel_loop3A_1116 : vector<16x1xi32> to vector<16xi32>
        %parallel_loop3A_1118 = tpu.dynamic_gather %get3A_395[%parallel_loop3A_1117] in [0] : vector<16xf32>, vector<16xi32> -> vector<16xf32>
        %parallel_loop3A_1119 = arith.constant 16 : i32
        %parallel_loop3A_1120 = arith.muli %parallel_loop3A_1086, %parallel_loop3A_1119 : i32
        %parallel_loop3A_1121 = arith.constant 2 : i32
        %parallel_loop3A_1122 = arith.index_cast %parallel_loop3A_1121 : i32 to index
        %parallel_loop3A_1123 = arith.index_cast %parallel_loop3A_1120 : i32 to index
        %parallel_loop3A_1124 = tpu.vector_load %arg10[%parallel_loop3A_1122, %parallel_loop3A_1123] {strides = array<i32>} : memref<32x1024xf32, #tpu.memory_space<vmem>>, vector<1x16xf32>,
        %parallel_loop3A_1125 = vector.shape_cast %parallel_loop3A_1124 : vector<1x16xf32> to vector<16xf32>
        %parallel_loop3A_1126 = vector.shape_cast %parallel_loop3A_1118 : vector<16xf32> to vector<1x16xf32>
        tpu.vector_store %arg10[%parallel_loop3A_1122, %parallel_loop3A_1123], %parallel_loop3A_1126 {strides = array<i32>} : memref<32x1024xf32, #tpu.memory_space<vmem>>, vector<1x16xf32>,
        %parallel_loop3A_1127 = vector.shape_cast %parallel_loop3A_1093 : vector<16xi32> to vector<16x1xi32>
        %parallel_loop3A_1128 = vector.shape_cast %parallel_loop3A_1127 : vector<16x1xi32> to vector<16xi32>
        %parallel_loop3A_1129 = tpu.dynamic_gather %get3A_398[%parallel_loop3A_1128] in [0] : vector<16xf32>, vector<16xi32> -> vector<16xf32>
        %parallel_loop3A_1130 = arith.constant 16 : i32
        %parallel_loop3A_1131 = arith.muli %parallel_loop3A_1086, %parallel_loop3A_1130 : i32
        %parallel_loop3A_1132 = arith.constant 3 : i32
        %parallel_loop3A_1133 = arith.index_cast %parallel_loop3A_1132 : i32 to index
        %parallel_loop3A_1134 = arith.index_cast %parallel_loop3A_1131 : i32 to index
        %parallel_loop3A_1135 = tpu.vector_load %arg10[%parallel_loop3A_1133, %parallel_loop3A_1134] {strides = array<i32>} : memref<32x1024xf32, #tpu.memory_space<vmem>>, vector<1x16xf32>,
        %parallel_loop3A_1136 = vector.shape_cast %parallel_loop3A_1135 : vector<1x16xf32> to vector<16xf32>
        %parallel_loop3A_1137 = vector.shape_cast %parallel_loop3A_1129 : vector<16xf32> to vector<1x16xf32>
        tpu.vector_store %arg10[%parallel_loop3A_1133, %parallel_loop3A_1134], %parallel_loop3A_1137 {strides = array<i32>} : memref<32x1024xf32, #tpu.memory_space<vmem>>, vector<1x16xf32>,
        %parallel_loop3A_1138 = vector.shape_cast %parallel_loop3A_1093 : vector<16xi32> to vector<16x1xi32>
        %parallel_loop3A_1139 = vector.shape_cast %parallel_loop3A_1138 : vector<16x1xi32> to vector<16xi32>
        %parallel_loop3A_1140 = tpu.dynamic_gather %get3A_401[%parallel_loop3A_1139] in [0] : vector<16xf32>, vector<16xi32> -> vector<16xf32>
        %parallel_loop3A_1141 = arith.constant 16 : i32
        %parallel_loop3A_1142 = arith.muli %parallel_loop3A_1086, %parallel_loop3A_1141 : i32
        %parallel_loop3A_1143 = arith.constant 4 : i32
        %parallel_loop3A_1144 = arith.index_cast %parallel_loop3A_1143 : i32 to index
        %parallel_loop3A_1145 = arith.index_cast %parallel_loop3A_1142 : i32 to index
        %parallel_loop3A_1146 = tpu.vector_load %arg10[%parallel_loop3A_1144, %parallel_loop3A_1145] {strides = array<i32>} : memref<32x1024xf32, #tpu.memory_space<vmem>>, vector<1x16xf32>,
        %parallel_loop3A_1147 = vector.shape_cast %parallel_loop3A_1146 : vector<1x16xf32> to vector<16xf32>
        %parallel_loop3A_1148 = vector.shape_cast %parallel_loop3A_1140 : vector<16xf32> to vector<1x16xf32>
        tpu.vector_store %arg10[%parallel_loop3A_1144, %parallel_loop3A_1145], %parallel_loop3A_1148 {strides = array<i32>} : memref<32x1024xf32, #tpu.memory_space<vmem>>, vector<1x16xf32>,
        %parallel_loop3A_1149 = vector.shape_cast %parallel_loop3A_1093 : vector<16xi32> to vector<16x1xi32>
        %parallel_loop3A_1150 = vector.shape_cast %parallel_loop3A_1149 : vector<16x1xi32> to vector<16xi32>
        %parallel_loop3A_1151 = tpu.dynamic_gather %get3A_404[%parallel_loop3A_1150] in [0] : vector<16xf32>, vector<16xi32> -> vector<16xf32>
        %parallel_loop3A_1152 = arith.constant 16 : i32
        %parallel_loop3A_1153 = arith.muli %parallel_loop3A_1086, %parallel_loop3A_1152 : i32
        %parallel_loop3A_1154 = arith.constant 5 : i32
        %parallel_loop3A_1155 = arith.index_cast %parallel_loop3A_1154 : i32 to index
        %parallel_loop3A_1156 = arith.index_cast %parallel_loop3A_1153 : i32 to index
        %parallel_loop3A_1157 = tpu.vector_load %arg10[%parallel_loop3A_1155, %parallel_loop3A_1156] {strides = array<i32>} : memref<32x1024xf32, #tpu.memory_space<vmem>>, vector<1x16xf32>,
        %parallel_loop3A_1158 = vector.shape_cast %parallel_loop3A_1157 : vector<1x16xf32> to vector<16xf32>
        %parallel_loop3A_1159 = vector.shape_cast %parallel_loop3A_1151 : vector<16xf32> to vector<1x16xf32>
        tpu.vector_store %arg10[%parallel_loop3A_1155, %parallel_loop3A_1156], %parallel_loop3A_1159 {strides = array<i32>} : memref<32x1024xf32, #tpu.memory_space<vmem>>, vector<1x16xf32>,
        %parallel_loop3A_1160 = vector.shape_cast %parallel_loop3A_1093 : vector<16xi32> to vector<16x1xi32>
        %parallel_loop3A_1161 = vector.shape_cast %parallel_loop3A_1160 : vector<16x1xi32> to vector<16xi32>
        %parallel_loop3A_1162 = tpu.dynamic_gather %get3A_407[%parallel_loop3A_1161] in [0] : vector<16xf32>, vector<16xi32> -> vector<16xf32>
        %parallel_loop3A_1163 = arith.constant 16 : i32
        %parallel_loop3A_1164 = arith.muli %parallel_loop3A_1086, %parallel_loop3A_1163 : i32
        %parallel_loop3A_1165 = arith.constant 6 : i32
        %parallel_loop3A_1166 = arith.index_cast %parallel_loop3A_1165 : i32 to index
        %parallel_loop3A_1167 = arith.index_cast %parallel_loop3A_1164 : i32 to index
        %parallel_loop3A_1168 = tpu.vector_load %arg10[%parallel_loop3A_1166, %parallel_loop3A_1167] {strides = array<i32>} : memref<32x1024xf32, #tpu.memory_space<vmem>>, vector<1x16xf32>,
        %parallel_loop3A_1169 = vector.shape_cast %parallel_loop3A_1168 : vector<1x16xf32> to vector<16xf32>
        %parallel_loop3A_1170 = vector.shape_cast %parallel_loop3A_1162 : vector<16xf32> to vector<1x16xf32>
        tpu.vector_store %arg10[%parallel_loop3A_1166, %parallel_loop3A_1167], %parallel_loop3A_1170 {strides = array<i32>} : memref<32x1024xf32, #tpu.memory_space<vmem>>, vector<1x16xf32>,
        %parallel_loop3A_1171 = vector.shape_cast %parallel_loop3A_1093 : vector<16xi32> to vector<16x1xi32>
        %parallel_loop3A_1172 = vector.shape_cast %parallel_loop3A_1171 : vector<16x1xi32> to vector<16xi32>
        %parallel_loop3A_1173 = tpu.dynamic_gather %get3A_410[%parallel_loop3A_1172] in [0] : vector<16xf32>, vector<16xi32> -> vector<16xf32>
        %parallel_loop3A_1174 = arith.constant 16 : i32
        %parallel_loop3A_1175 = arith.muli %parallel_loop3A_1086, %parallel_loop3A_1174 : i32
        %parallel_loop3A_1176 = arith.constant 7 : i32
        %parallel_loop3A_1177 = arith.index_cast %parallel_loop3A_1176 : i32 to index
        %parallel_loop3A_1178 = arith.index_cast %parallel_loop3A_1175 : i32 to index
        %parallel_loop3A_1179 = tpu.vector_load %arg10[%parallel_loop3A_1177, %parallel_loop3A_1178] {strides = array<i32>} : memref<32x1024xf32, #tpu.memory_space<vmem>>, vector<1x16xf32>,
        %parallel_loop3A_1180 = vector.shape_cast %parallel_loop3A_1179 : vector<1x16xf32> to vector<16xf32>
        %parallel_loop3A_1181 = vector.shape_cast %parallel_loop3A_1173 : vector<16xf32> to vector<1x16xf32>
        tpu.vector_store %arg10[%parallel_loop3A_1177, %parallel_loop3A_1178], %parallel_loop3A_1181 {strides = array<i32>} : memref<32x1024xf32, #tpu.memory_space<vmem>>, vector<1x16xf32>,
        %parallel_loop3A_1182 = vector.shape_cast %parallel_loop3A_1093 : vector<16xi32> to vector<16x1xi32>
        %parallel_loop3A_1183 = vector.shape_cast %parallel_loop3A_1182 : vector<16x1xi32> to vector<16xi32>
        %parallel_loop3A_1184 = tpu.dynamic_gather %get3A_413[%parallel_loop3A_1183] in [0] : vector<16xf32>, vector<16xi32> -> vector<16xf32>
        %parallel_loop3A_1185 = arith.constant 16 : i32
        %parallel_loop3A_1186 = arith.muli %parallel_loop3A_1086, %parallel_loop3A_1185 : i32
        %parallel_loop3A_1187 = arith.constant 8 : i32
        %parallel_loop3A_1188 = arith.index_cast %parallel_loop3A_1187 : i32 to index
        %parallel_loop3A_1189 = arith.index_cast %parallel_loop3A_1186 : i32 to index
        %parallel_loop3A_1190 = tpu.vector_load %arg10[%parallel_loop3A_1188, %parallel_loop3A_1189] {strides = array<i32>} : memref<32x1024xf32, #tpu.memory_space<vmem>>, vector<1x16xf32>,
        %parallel_loop3A_1191 = vector.shape_cast %parallel_loop3A_1190 : vector<1x16xf32> to vector<16xf32>
        %parallel_loop3A_1192 = vector.shape_cast %parallel_loop3A_1184 : vector<16xf32> to vector<1x16xf32>
        tpu.vector_store %arg10[%parallel_loop3A_1188, %parallel_loop3A_1189], %parallel_loop3A_1192 {strides = array<i32>} : memref<32x1024xf32, #tpu.memory_space<vmem>>, vector<1x16xf32>,
        %parallel_loop3A_1193 = vector.shape_cast %parallel_loop3A_1093 : vector<16xi32> to vector<16x1xi32>
        %parallel_loop3A_1194 = vector.shape_cast %parallel_loop3A_1193 : vector<16x1xi32> to vector<16xi32>
        %parallel_loop3A_1195 = tpu.dynamic_gather %get3A_416[%parallel_loop3A_1194] in [0] : vector<16xf32>, vector<16xi32> -> vector<16xf32>
        %parallel_loop3A_1196 = arith.constant 16 : i32
        %parallel_loop3A_1197 = arith.muli %parallel_loop3A_1086, %parallel_loop3A_1196 : i32
        %parallel_loop3A_1198 = arith.constant 9 : i32
        %parallel_loop3A_1199 = arith.index_cast %parallel_loop3A_1198 : i32 to index
        %parallel_loop3A_1200 = arith.index_cast %parallel_loop3A_1197 : i32 to index
        %parallel_loop3A_1201 = tpu.vector_load %arg10[%parallel_loop3A_1199, %parallel_loop3A_1200] {strides = array<i32>} : memref<32x1024xf32, #tpu.memory_space<vmem>>, vector<1x16xf32>,
        %parallel_loop3A_1202 = vector.shape_cast %parallel_loop3A_1201 : vector<1x16xf32> to vector<16xf32>
        %parallel_loop3A_1203 = vector.shape_cast %parallel_loop3A_1195 : vector<16xf32> to vector<1x16xf32>
        tpu.vector_store %arg10[%parallel_loop3A_1199, %parallel_loop3A_1200], %parallel_loop3A_1203 {strides = array<i32>} : memref<32x1024xf32, #tpu.memory_space<vmem>>, vector<1x16xf32>,
        %parallel_loop3A_1204 = vector.shape_cast %parallel_loop3A_1093 : vector<16xi32> to vector<16x1xi32>
        %parallel_loop3A_1205 = vector.shape_cast %parallel_loop3A_1204 : vector<16x1xi32> to vector<16xi32>
        %parallel_loop3A_1206 = tpu.dynamic_gather %get3A_419[%parallel_loop3A_1205] in [0] : vector<16xf32>, vector<16xi32> -> vector<16xf32>
        %parallel_loop3A_1207 = arith.constant 16 : i32
        %parallel_loop3A_1208 = arith.muli %parallel_loop3A_1086, %parallel_loop3A_1207 : i32
        %parallel_loop3A_1209 = arith.constant 10 : i32
        %parallel_loop3A_1210 = arith.index_cast %parallel_loop3A_1209 : i32 to index
        %parallel_loop3A_1211 = arith.index_cast %parallel_loop3A_1208 : i32 to index
        %parallel_loop3A_1212 = tpu.vector_load %arg10[%parallel_loop3A_1210, %parallel_loop3A_1211] {strides = array<i32>} : memref<32x1024xf32, #tpu.memory_space<vmem>>, vector<1x16xf32>,
        %parallel_loop3A_1213 = vector.shape_cast %parallel_loop3A_1212 : vector<1x16xf32> to vector<16xf32>
        %parallel_loop3A_1214 = vector.shape_cast %parallel_loop3A_1206 : vector<16xf32> to vector<1x16xf32>
        tpu.vector_store %arg10[%parallel_loop3A_1210, %parallel_loop3A_1211], %parallel_loop3A_1214 {strides = array<i32>} : memref<32x1024xf32, #tpu.memory_space<vmem>>, vector<1x16xf32>,
        %parallel_loop3A_1215 = vector.shape_cast %parallel_loop3A_1093 : vector<16xi32> to vector<16x1xi32>
        %parallel_loop3A_1216 = vector.shape_cast %parallel_loop3A_1215 : vector<16x1xi32> to vector<16xi32>
        %parallel_loop3A_1217 = tpu.dynamic_gather %get3A_422[%parallel_loop3A_1216] in [0] : vector<16xf32>, vector<16xi32> -> vector<16xf32>
        %parallel_loop3A_1218 = arith.constant 16 : i32
        %parallel_loop3A_1219 = arith.muli %parallel_loop3A_1086, %parallel_loop3A_1218 : i32
        %parallel_loop3A_1220 = arith.constant 11 : i32
        %parallel_loop3A_1221 = arith.index_cast %parallel_loop3A_1220 : i32 to index
        %parallel_loop3A_1222 = arith.index_cast %parallel_loop3A_1219 : i32 to index
        %parallel_loop3A_1223 = tpu.vector_load %arg10[%parallel_loop3A_1221, %parallel_loop3A_1222] {strides = array<i32>} : memref<32x1024xf32, #tpu.memory_space<vmem>>, vector<1x16xf32>,
        %parallel_loop3A_1224 = vector.shape_cast %parallel_loop3A_1223 : vector<1x16xf32> to vector<16xf32>
        %parallel_loop3A_1225 = vector.shape_cast %parallel_loop3A_1217 : vector<16xf32> to vector<1x16xf32>
        tpu.vector_store %arg10[%parallel_loop3A_1221, %parallel_loop3A_1222], %parallel_loop3A_1225 {strides = array<i32>} : memref<32x1024xf32, #tpu.memory_space<vmem>>, vector<1x16xf32>,
        %parallel_loop3A_1226 = vector.shape_cast %parallel_loop3A_1093 : vector<16xi32> to vector<16x1xi32>
        %parallel_loop3A_1227 = vector.shape_cast %parallel_loop3A_1226 : vector<16x1xi32> to vector<16xi32>
        %parallel_loop3A_1228 = tpu.dynamic_gather %get3A_425[%parallel_loop3A_1227] in [0] : vector<16xf32>, vector<16xi32> -> vector<16xf32>
        %parallel_loop3A_1229 = arith.constant 16 : i32
        %parallel_loop3A_1230 = arith.muli %parallel_loop3A_1086, %parallel_loop3A_1229 : i32
        %parallel_loop3A_1231 = arith.constant 12 : i32
        %parallel_loop3A_1232 = arith.index_cast %parallel_loop3A_1231 : i32 to index
        %parallel_loop3A_1233 = arith.index_cast %parallel_loop3A_1230 : i32 to index
        %parallel_loop3A_1234 = tpu.vector_load %arg10[%parallel_loop3A_1232, %parallel_loop3A_1233] {strides = array<i32>} : memref<32x1024xf32, #tpu.memory_space<vmem>>, vector<1x16xf32>,
        %parallel_loop3A_1235 = vector.shape_cast %parallel_loop3A_1234 : vector<1x16xf32> to vector<16xf32>
        %parallel_loop3A_1236 = vector.shape_cast %parallel_loop3A_1228 : vector<16xf32> to vector<1x16xf32>
        tpu.vector_store %arg10[%parallel_loop3A_1232, %parallel_loop3A_1233], %parallel_loop3A_1236 {strides = array<i32>} : memref<32x1024xf32, #tpu.memory_space<vmem>>, vector<1x16xf32>,
        %parallel_loop3A_1237 = vector.shape_cast %parallel_loop3A_1093 : vector<16xi32> to vector<16x1xi32>
        %parallel_loop3A_1238 = vector.shape_cast %parallel_loop3A_1237 : vector<16x1xi32> to vector<16xi32>
        %parallel_loop3A_1239 = tpu.dynamic_gather %get3A_428[%parallel_loop3A_1238] in [0] : vector<16xf32>, vector<16xi32> -> vector<16xf32>
        %parallel_loop3A_1240 = arith.constant 16 : i32
        %parallel_loop3A_1241 = arith.muli %parallel_loop3A_1086, %parallel_loop3A_1240 : i32
        %parallel_loop3A_1242 = arith.constant 13 : i32
        %parallel_loop3A_1243 = arith.index_cast %parallel_loop3A_1242 : i32 to index
        %parallel_loop3A_1244 = arith.index_cast %parallel_loop3A_1241 : i32 to index
        %parallel_loop3A_1245 = tpu.vector_load %arg10[%parallel_loop3A_1243, %parallel_loop3A_1244] {strides = array<i32>} : memref<32x1024xf32, #tpu.memory_space<vmem>>, vector<1x16xf32>,
        %parallel_loop3A_1246 = vector.shape_cast %parallel_loop3A_1245 : vector<1x16xf32> to vector<16xf32>
        %parallel_loop3A_1247 = vector.shape_cast %parallel_loop3A_1239 : vector<16xf32> to vector<1x16xf32>
        tpu.vector_store %arg10[%parallel_loop3A_1243, %parallel_loop3A_1244], %parallel_loop3A_1247 {strides = array<i32>} : memref<32x1024xf32, #tpu.memory_space<vmem>>, vector<1x16xf32>,
        %parallel_loop3A_1248 = vector.shape_cast %parallel_loop3A_1093 : vector<16xi32> to vector<16x1xi32>
        %parallel_loop3A_1249 = vector.shape_cast %parallel_loop3A_1248 : vector<16x1xi32> to vector<16xi32>
        %parallel_loop3A_1250 = tpu.dynamic_gather %get3A_431[%parallel_loop3A_1249] in [0] : vector<16xf32>, vector<16xi32> -> vector<16xf32>
        %parallel_loop3A_1251 = arith.constant 16 : i32
        %parallel_loop3A_1252 = arith.muli %parallel_loop3A_1086, %parallel_loop3A_1251 : i32
        %parallel_loop3A_1253 = arith.constant 14 : i32
        %parallel_loop3A_1254 = arith.index_cast %parallel_loop3A_1253 : i32 to index
        %parallel_loop3A_1255 = arith.index_cast %parallel_loop3A_1252 : i32 to index
        %parallel_loop3A_1256 = tpu.vector_load %arg10[%parallel_loop3A_1254, %parallel_loop3A_1255] {strides = array<i32>} : memref<32x1024xf32, #tpu.memory_space<vmem>>, vector<1x16xf32>,
        %parallel_loop3A_1257 = vector.shape_cast %parallel_loop3A_1256 : vector<1x16xf32> to vector<16xf32>
        %parallel_loop3A_1258 = vector.shape_cast %parallel_loop3A_1250 : vector<16xf32> to vector<1x16xf32>
        tpu.vector_store %arg10[%parallel_loop3A_1254, %parallel_loop3A_1255], %parallel_loop3A_1258 {strides = array<i32>} : memref<32x1024xf32, #tpu.memory_space<vmem>>, vector<1x16xf32>,
        %parallel_loop3A_1259 = vector.shape_cast %parallel_loop3A_1093 : vector<16xi32> to vector<16x1xi32>
        %parallel_loop3A_1260 = vector.shape_cast %parallel_loop3A_1259 : vector<16x1xi32> to vector<16xi32>
        %parallel_loop3A_1261 = tpu.dynamic_gather %get3A_434[%parallel_loop3A_1260] in [0] : vector<16xf32>, vector<16xi32> -> vector<16xf32>
        %parallel_loop3A_1262 = arith.constant 16 : i32
        %parallel_loop3A_1263 = arith.muli %parallel_loop3A_1086, %parallel_loop3A_1262 : i32
        %parallel_loop3A_1264 = arith.constant 15 : i32
        %parallel_loop3A_1265 = arith.index_cast %parallel_loop3A_1264 : i32 to index
        %parallel_loop3A_1266 = arith.index_cast %parallel_loop3A_1263 : i32 to index
        %parallel_loop3A_1267 = tpu.vector_load %arg10[%parallel_loop3A_1265, %parallel_loop3A_1266] {strides = array<i32>} : memref<32x1024xf32, #tpu.memory_space<vmem>>, vector<1x16xf32>,
        %parallel_loop3A_1268 = vector.shape_cast %parallel_loop3A_1267 : vector<1x16xf32> to vector<16xf32>
        %parallel_loop3A_1269 = vector.shape_cast %parallel_loop3A_1261 : vector<16xf32> to vector<1x16xf32>
        tpu.vector_store %arg10[%parallel_loop3A_1265, %parallel_loop3A_1266], %parallel_loop3A_1269 {strides = array<i32>} : memref<32x1024xf32, #tpu.memory_space<vmem>>, vector<1x16xf32>,
        %parallel_loop3A_1270 = vector.shape_cast %parallel_loop3A_1093 : vector<16xi32> to vector<16x1xi32>
        %parallel_loop3A_1271 = vector.shape_cast %parallel_loop3A_1270 : vector<16x1xi32> to vector<16xi32>
        %parallel_loop3A_1272 = tpu.dynamic_gather %get3A_437[%parallel_loop3A_1271] in [0] : vector<16xf32>, vector<16xi32> -> vector<16xf32>
        %parallel_loop3A_1273 = arith.constant 16 : i32
        %parallel_loop3A_1274 = arith.muli %parallel_loop3A_1086, %parallel_loop3A_1273 : i32
        %parallel_loop3A_1275 = arith.constant 16 : i32
        %parallel_loop3A_1276 = arith.index_cast %parallel_loop3A_1275 : i32 to index
        %parallel_loop3A_1277 = arith.index_cast %parallel_loop3A_1274 : i32 to index
        %parallel_loop3A_1278 = tpu.vector_load %arg10[%parallel_loop3A_1276, %parallel_loop3A_1277] {strides = array<i32>} : memref<32x1024xf32, #tpu.memory_space<vmem>>, vector<1x16xf32>,
        %parallel_loop3A_1279 = vector.shape_cast %parallel_loop3A_1278 : vector<1x16xf32> to vector<16xf32>
        %parallel_loop3A_1280 = vector.shape_cast %parallel_loop3A_1272 : vector<16xf32> to vector<1x16xf32>
        tpu.vector_store %arg10[%parallel_loop3A_1276, %parallel_loop3A_1277], %parallel_loop3A_1280 {strides = array<i32>} : memref<32x1024xf32, #tpu.memory_space<vmem>>, vector<1x16xf32>,
        %parallel_loop3A_1281 = vector.shape_cast %parallel_loop3A_1093 : vector<16xi32> to vector<16x1xi32>
        %parallel_loop3A_1282 = vector.shape_cast %parallel_loop3A_1281 : vector<16x1xi32> to vector<16xi32>
        %parallel_loop3A_1283 = tpu.dynamic_gather %get3A_440[%parallel_loop3A_1282] in [0] : vector<16xf32>, vector<16xi32> -> vector<16xf32>
        %parallel_loop3A_1284 = arith.constant 16 : i32
        %parallel_loop3A_1285 = arith.muli %parallel_loop3A_1086, %parallel_loop3A_1284 : i32
        %parallel_loop3A_1286 = arith.constant 17 : i32
        %parallel_loop3A_1287 = arith.index_cast %parallel_loop3A_1286 : i32 to index
        %parallel_loop3A_1288 = arith.index_cast %parallel_loop3A_1285 : i32 to index
        %parallel_loop3A_1289 = tpu.vector_load %arg10[%parallel_loop3A_1287, %parallel_loop3A_1288] {strides = array<i32>} : memref<32x1024xf32, #tpu.memory_space<vmem>>, vector<1x16xf32>,
        %parallel_loop3A_1290 = vector.shape_cast %parallel_loop3A_1289 : vector<1x16xf32> to vector<16xf32>
        %parallel_loop3A_1291 = vector.shape_cast %parallel_loop3A_1283 : vector<16xf32> to vector<1x16xf32>
        tpu.vector_store %arg10[%parallel_loop3A_1287, %parallel_loop3A_1288], %parallel_loop3A_1291 {strides = array<i32>} : memref<32x1024xf32, #tpu.memory_space<vmem>>, vector<1x16xf32>,
        %parallel_loop3A_1292 = vector.shape_cast %parallel_loop3A_1093 : vector<16xi32> to vector<16x1xi32>
        %parallel_loop3A_1293 = vector.shape_cast %parallel_loop3A_1292 : vector<16x1xi32> to vector<16xi32>
        %parallel_loop3A_1294 = tpu.dynamic_gather %get3A_443[%parallel_loop3A_1293] in [0] : vector<16xf32>, vector<16xi32> -> vector<16xf32>
        %parallel_loop3A_1295 = arith.constant 16 : i32
        %parallel_loop3A_1296 = arith.muli %parallel_loop3A_1086, %parallel_loop3A_1295 : i32
        %parallel_loop3A_1297 = arith.constant 18 : i32
        %parallel_loop3A_1298 = arith.index_cast %parallel_loop3A_1297 : i32 to index
        %parallel_loop3A_1299 = arith.index_cast %parallel_loop3A_1296 : i32 to index
        %parallel_loop3A_1300 = tpu.vector_load %arg10[%parallel_loop3A_1298, %parallel_loop3A_1299] {strides = array<i32>} : memref<32x1024xf32, #tpu.memory_space<vmem>>, vector<1x16xf32>,
        %parallel_loop3A_1301 = vector.shape_cast %parallel_loop3A_1300 : vector<1x16xf32> to vector<16xf32>
        %parallel_loop3A_1302 = vector.shape_cast %parallel_loop3A_1294 : vector<16xf32> to vector<1x16xf32>
        tpu.vector_store %arg10[%parallel_loop3A_1298, %parallel_loop3A_1299], %parallel_loop3A_1302 {strides = array<i32>} : memref<32x1024xf32, #tpu.memory_space<vmem>>, vector<1x16xf32>,
        %parallel_loop3A_1303 = vector.shape_cast %parallel_loop3A_1093 : vector<16xi32> to vector<16x1xi32>
        %parallel_loop3A_1304 = vector.shape_cast %parallel_loop3A_1303 : vector<16x1xi32> to vector<16xi32>
        %parallel_loop3A_1305 = tpu.dynamic_gather %get3A_446[%parallel_loop3A_1304] in [0] : vector<16xf32>, vector<16xi32> -> vector<16xf32>
        %parallel_loop3A_1306 = arith.constant 16 : i32
        %parallel_loop3A_1307 = arith.muli %parallel_loop3A_1086, %parallel_loop3A_1306 : i32
        %parallel_loop3A_1308 = arith.constant 19 : i32
        %parallel_loop3A_1309 = arith.index_cast %parallel_loop3A_1308 : i32 to index
        %parallel_loop3A_1310 = arith.index_cast %parallel_loop3A_1307 : i32 to index
        %parallel_loop3A_1311 = tpu.vector_load %arg10[%parallel_loop3A_1309, %parallel_loop3A_1310] {strides = array<i32>} : memref<32x1024xf32, #tpu.memory_space<vmem>>, vector<1x16xf32>,
        %parallel_loop3A_1312 = vector.shape_cast %parallel_loop3A_1311 : vector<1x16xf32> to vector<16xf32>
        %parallel_loop3A_1313 = vector.shape_cast %parallel_loop3A_1305 : vector<16xf32> to vector<1x16xf32>
        tpu.vector_store %arg10[%parallel_loop3A_1309, %parallel_loop3A_1310], %parallel_loop3A_1313 {strides = array<i32>} : memref<32x1024xf32, #tpu.memory_space<vmem>>, vector<1x16xf32>,
        %parallel_loop3A_1314 = vector.shape_cast %parallel_loop3A_1093 : vector<16xi32> to vector<16x1xi32>
        %parallel_loop3A_1315 = vector.shape_cast %parallel_loop3A_1314 : vector<16x1xi32> to vector<16xi32>
        %parallel_loop3A_1316 = tpu.dynamic_gather %get3A_449[%parallel_loop3A_1315] in [0] : vector<16xf32>, vector<16xi32> -> vector<16xf32>
        %parallel_loop3A_1317 = arith.constant 16 : i32
        %parallel_loop3A_1318 = arith.muli %parallel_loop3A_1086, %parallel_loop3A_1317 : i32
        %parallel_loop3A_1319 = arith.constant 20 : i32
        %parallel_loop3A_1320 = arith.index_cast %parallel_loop3A_1319 : i32 to index
        %parallel_loop3A_1321 = arith.index_cast %parallel_loop3A_1318 : i32 to index
        %parallel_loop3A_1322 = tpu.vector_load %arg10[%parallel_loop3A_1320, %parallel_loop3A_1321] {strides = array<i32>} : memref<32x1024xf32, #tpu.memory_space<vmem>>, vector<1x16xf32>,
        %parallel_loop3A_1323 = vector.shape_cast %parallel_loop3A_1322 : vector<1x16xf32> to vector<16xf32>
        %parallel_loop3A_1324 = vector.shape_cast %parallel_loop3A_1316 : vector<16xf32> to vector<1x16xf32>
        tpu.vector_store %arg10[%parallel_loop3A_1320, %parallel_loop3A_1321], %parallel_loop3A_1324 {strides = array<i32>} : memref<32x1024xf32, #tpu.memory_space<vmem>>, vector<1x16xf32>,
        %parallel_loop3A_1325 = vector.shape_cast %parallel_loop3A_1093 : vector<16xi32> to vector<16x1xi32>
        %parallel_loop3A_1326 = vector.shape_cast %parallel_loop3A_1325 : vector<16x1xi32> to vector<16xi32>
        %parallel_loop3A_1327 = tpu.dynamic_gather %get3A_452[%parallel_loop3A_1326] in [0] : vector<16xf32>, vector<16xi32> -> vector<16xf32>
        %parallel_loop3A_1328 = arith.constant 16 : i32
        %parallel_loop3A_1329 = arith.muli %parallel_loop3A_1086, %parallel_loop3A_1328 : i32
        %parallel_loop3A_1330 = arith.constant 21 : i32
        %parallel_loop3A_1331 = arith.index_cast %parallel_loop3A_1330 : i32 to index
        %parallel_loop3A_1332 = arith.index_cast %parallel_loop3A_1329 : i32 to index
        %parallel_loop3A_1333 = tpu.vector_load %arg10[%parallel_loop3A_1331, %parallel_loop3A_1332] {strides = array<i32>} : memref<32x1024xf32, #tpu.memory_space<vmem>>, vector<1x16xf32>,
        %parallel_loop3A_1334 = vector.shape_cast %parallel_loop3A_1333 : vector<1x16xf32> to vector<16xf32>
        %parallel_loop3A_1335 = vector.shape_cast %parallel_loop3A_1327 : vector<16xf32> to vector<1x16xf32>
        tpu.vector_store %arg10[%parallel_loop3A_1331, %parallel_loop3A_1332], %parallel_loop3A_1335 {strides = array<i32>} : memref<32x1024xf32, #tpu.memory_space<vmem>>, vector<1x16xf32>,
        %parallel_loop3A_1336 = vector.shape_cast %parallel_loop3A_1093 : vector<16xi32> to vector<16x1xi32>
        %parallel_loop3A_1337 = vector.shape_cast %parallel_loop3A_1336 : vector<16x1xi32> to vector<16xi32>
        %parallel_loop3A_1338 = tpu.dynamic_gather %get3A_455[%parallel_loop3A_1337] in [0] : vector<16xf32>, vector<16xi32> -> vector<16xf32>
        %parallel_loop3A_1339 = arith.constant 16 : i32
        %parallel_loop3A_1340 = arith.muli %parallel_loop3A_1086, %parallel_loop3A_1339 : i32
        %parallel_loop3A_1341 = arith.constant 22 : i32
        %parallel_loop3A_1342 = arith.index_cast %parallel_loop3A_1341 : i32 to index
        %parallel_loop3A_1343 = arith.index_cast %parallel_loop3A_1340 : i32 to index
        %parallel_loop3A_1344 = tpu.vector_load %arg10[%parallel_loop3A_1342, %parallel_loop3A_1343] {strides = array<i32>} : memref<32x1024xf32, #tpu.memory_space<vmem>>, vector<1x16xf32>,
        %parallel_loop3A_1345 = vector.shape_cast %parallel_loop3A_1344 : vector<1x16xf32> to vector<16xf32>
        %parallel_loop3A_1346 = vector.shape_cast %parallel_loop3A_1338 : vector<16xf32> to vector<1x16xf32>
        tpu.vector_store %arg10[%parallel_loop3A_1342, %parallel_loop3A_1343], %parallel_loop3A_1346 {strides = array<i32>} : memref<32x1024xf32, #tpu.memory_space<vmem>>, vector<1x16xf32>,
        %parallel_loop3A_1347 = vector.shape_cast %parallel_loop3A_1093 : vector<16xi32> to vector<16x1xi32>
        %parallel_loop3A_1348 = vector.shape_cast %parallel_loop3A_1347 : vector<16x1xi32> to vector<16xi32>
        %parallel_loop3A_1349 = tpu.dynamic_gather %get3A_458[%parallel_loop3A_1348] in [0] : vector<16xf32>, vector<16xi32> -> vector<16xf32>
        %parallel_loop3A_1350 = arith.constant 16 : i32
        %parallel_loop3A_1351 = arith.muli %parallel_loop3A_1086, %parallel_loop3A_1350 : i32
        %parallel_loop3A_1352 = arith.constant 23 : i32
        %parallel_loop3A_1353 = arith.index_cast %parallel_loop3A_1352 : i32 to index
        %parallel_loop3A_1354 = arith.index_cast %parallel_loop3A_1351 : i32 to index
        %parallel_loop3A_1355 = tpu.vector_load %arg10[%parallel_loop3A_1353, %parallel_loop3A_1354] {strides = array<i32>} : memref<32x1024xf32, #tpu.memory_space<vmem>>, vector<1x16xf32>,
        %parallel_loop3A_1356 = vector.shape_cast %parallel_loop3A_1355 : vector<1x16xf32> to vector<16xf32>
        %parallel_loop3A_1357 = vector.shape_cast %parallel_loop3A_1349 : vector<16xf32> to vector<1x16xf32>
        tpu.vector_store %arg10[%parallel_loop3A_1353, %parallel_loop3A_1354], %parallel_loop3A_1357 {strides = array<i32>} : memref<32x1024xf32, #tpu.memory_space<vmem>>, vector<1x16xf32>,
        %parallel_loop3A_1358 = vector.shape_cast %parallel_loop3A_1093 : vector<16xi32> to vector<16x1xi32>
        %parallel_loop3A_1359 = vector.shape_cast %parallel_loop3A_1358 : vector<16x1xi32> to vector<16xi32>
        %parallel_loop3A_1360 = tpu.dynamic_gather %get3A_461[%parallel_loop3A_1359] in [0] : vector<16xf32>, vector<16xi32> -> vector<16xf32>
        %parallel_loop3A_1361 = arith.constant 16 : i32
        %parallel_loop3A_1362 = arith.muli %parallel_loop3A_1086, %parallel_loop3A_1361 : i32
        %parallel_loop3A_1363 = arith.constant 24 : i32
        %parallel_loop3A_1364 = arith.index_cast %parallel_loop3A_1363 : i32 to index
        %parallel_loop3A_1365 = arith.index_cast %parallel_loop3A_1362 : i32 to index
        %parallel_loop3A_1366 = tpu.vector_load %arg10[%parallel_loop3A_1364, %parallel_loop3A_1365] {strides = array<i32>} : memref<32x1024xf32, #tpu.memory_space<vmem>>, vector<1x16xf32>,
        %parallel_loop3A_1367 = vector.shape_cast %parallel_loop3A_1366 : vector<1x16xf32> to vector<16xf32>
        %parallel_loop3A_1368 = vector.shape_cast %parallel_loop3A_1360 : vector<16xf32> to vector<1x16xf32>
        tpu.vector_store %arg10[%parallel_loop3A_1364, %parallel_loop3A_1365], %parallel_loop3A_1368 {strides = array<i32>} : memref<32x1024xf32, #tpu.memory_space<vmem>>, vector<1x16xf32>,
        %parallel_loop3A_1369 = vector.shape_cast %parallel_loop3A_1093 : vector<16xi32> to vector<16x1xi32>
        %parallel_loop3A_1370 = vector.shape_cast %parallel_loop3A_1369 : vector<16x1xi32> to vector<16xi32>
        %parallel_loop3A_1371 = tpu.dynamic_gather %get3A_464[%parallel_loop3A_1370] in [0] : vector<16xf32>, vector<16xi32> -> vector<16xf32>
        %parallel_loop3A_1372 = arith.constant 16 : i32
        %parallel_loop3A_1373 = arith.muli %parallel_loop3A_1086, %parallel_loop3A_1372 : i32
        %parallel_loop3A_1374 = arith.constant 25 : i32
        %parallel_loop3A_1375 = arith.index_cast %parallel_loop3A_1374 : i32 to index
        %parallel_loop3A_1376 = arith.index_cast %parallel_loop3A_1373 : i32 to index
        %parallel_loop3A_1377 = tpu.vector_load %arg10[%parallel_loop3A_1375, %parallel_loop3A_1376] {strides = array<i32>} : memref<32x1024xf32, #tpu.memory_space<vmem>>, vector<1x16xf32>,
        %parallel_loop3A_1378 = vector.shape_cast %parallel_loop3A_1377 : vector<1x16xf32> to vector<16xf32>
        %parallel_loop3A_1379 = vector.shape_cast %parallel_loop3A_1371 : vector<16xf32> to vector<1x16xf32>
        tpu.vector_store %arg10[%parallel_loop3A_1375, %parallel_loop3A_1376], %parallel_loop3A_1379 {strides = array<i32>} : memref<32x1024xf32, #tpu.memory_space<vmem>>, vector<1x16xf32>,
        %parallel_loop3A_1380 = vector.shape_cast %parallel_loop3A_1093 : vector<16xi32> to vector<16x1xi32>
        %parallel_loop3A_1381 = vector.shape_cast %parallel_loop3A_1380 : vector<16x1xi32> to vector<16xi32>
        %parallel_loop3A_1382 = tpu.dynamic_gather %get3A_467[%parallel_loop3A_1381] in [0] : vector<16xf32>, vector<16xi32> -> vector<16xf32>
        %parallel_loop3A_1383 = arith.constant 16 : i32
        %parallel_loop3A_1384 = arith.muli %parallel_loop3A_1086, %parallel_loop3A_1383 : i32
        %parallel_loop3A_1385 = arith.constant 26 : i32
        %parallel_loop3A_1386 = arith.index_cast %parallel_loop3A_1385 : i32 to index
        %parallel_loop3A_1387 = arith.index_cast %parallel_loop3A_1384 : i32 to index
        %parallel_loop3A_1388 = tpu.vector_load %arg10[%parallel_loop3A_1386, %parallel_loop3A_1387] {strides = array<i32>} : memref<32x1024xf32, #tpu.memory_space<vmem>>, vector<1x16xf32>,
        %parallel_loop3A_1389 = vector.shape_cast %parallel_loop3A_1388 : vector<1x16xf32> to vector<16xf32>
        %parallel_loop3A_1390 = vector.shape_cast %parallel_loop3A_1382 : vector<16xf32> to vector<1x16xf32>
        tpu.vector_store %arg10[%parallel_loop3A_1386, %parallel_loop3A_1387], %parallel_loop3A_1390 {strides = array<i32>} : memref<32x1024xf32, #tpu.memory_space<vmem>>, vector<1x16xf32>,
        %parallel_loop3A_1391 = vector.shape_cast %parallel_loop3A_1093 : vector<16xi32> to vector<16x1xi32>
        %parallel_loop3A_1392 = vector.shape_cast %parallel_loop3A_1391 : vector<16x1xi32> to vector<16xi32>
        %parallel_loop3A_1393 = tpu.dynamic_gather %get3A_470[%parallel_loop3A_1392] in [0] : vector<16xf32>, vector<16xi32> -> vector<16xf32>
        %parallel_loop3A_1394 = arith.constant 16 : i32
        %parallel_loop3A_1395 = arith.muli %parallel_loop3A_1086, %parallel_loop3A_1394 : i32
        %parallel_loop3A_1396 = arith.constant 27 : i32
        %parallel_loop3A_1397 = arith.index_cast %parallel_loop3A_1396 : i32 to index
        %parallel_loop3A_1398 = arith.index_cast %parallel_loop3A_1395 : i32 to index
        %parallel_loop3A_1399 = tpu.vector_load %arg10[%parallel_loop3A_1397, %parallel_loop3A_1398] {strides = array<i32>} : memref<32x1024xf32, #tpu.memory_space<vmem>>, vector<1x16xf32>,
        %parallel_loop3A_1400 = vector.shape_cast %parallel_loop3A_1399 : vector<1x16xf32> to vector<16xf32>
        %parallel_loop3A_1401 = vector.shape_cast %parallel_loop3A_1393 : vector<16xf32> to vector<1x16xf32>
        tpu.vector_store %arg10[%parallel_loop3A_1397, %parallel_loop3A_1398], %parallel_loop3A_1401 {strides = array<i32>} : memref<32x1024xf32, #tpu.memory_space<vmem>>, vector<1x16xf32>,
        %parallel_loop3A_1402 = vector.shape_cast %parallel_loop3A_1093 : vector<16xi32> to vector<16x1xi32>
        %parallel_loop3A_1403 = vector.shape_cast %parallel_loop3A_1402 : vector<16x1xi32> to vector<16xi32>
        %parallel_loop3A_1404 = tpu.dynamic_gather %get3A_473[%parallel_loop3A_1403] in [0] : vector<16xf32>, vector<16xi32> -> vector<16xf32>
        %parallel_loop3A_1405 = arith.constant 16 : i32
        %parallel_loop3A_1406 = arith.muli %parallel_loop3A_1086, %parallel_loop3A_1405 : i32
        %parallel_loop3A_1407 = arith.constant 28 : i32
        %parallel_loop3A_1408 = arith.index_cast %parallel_loop3A_1407 : i32 to index
        %parallel_loop3A_1409 = arith.index_cast %parallel_loop3A_1406 : i32 to index
        %parallel_loop3A_1410 = tpu.vector_load %arg10[%parallel_loop3A_1408, %parallel_loop3A_1409] {strides = array<i32>} : memref<32x1024xf32, #tpu.memory_space<vmem>>, vector<1x16xf32>,
        %parallel_loop3A_1411 = vector.shape_cast %parallel_loop3A_1410 : vector<1x16xf32> to vector<16xf32>
        %parallel_loop3A_1412 = vector.shape_cast %parallel_loop3A_1404 : vector<16xf32> to vector<1x16xf32>
        tpu.vector_store %arg10[%parallel_loop3A_1408, %parallel_loop3A_1409], %parallel_loop3A_1412 {strides = array<i32>} : memref<32x1024xf32, #tpu.memory_space<vmem>>, vector<1x16xf32>,
        %parallel_loop3A_1413 = vector.shape_cast %parallel_loop3A_1093 : vector<16xi32> to vector<16x1xi32>
        %parallel_loop3A_1414 = vector.shape_cast %parallel_loop3A_1413 : vector<16x1xi32> to vector<16xi32>
        %parallel_loop3A_1415 = tpu.dynamic_gather %get3A_476[%parallel_loop3A_1414] in [0] : vector<16xf32>, vector<16xi32> -> vector<16xf32>
        %parallel_loop3A_1416 = arith.constant 16 : i32
        %parallel_loop3A_1417 = arith.muli %parallel_loop3A_1086, %parallel_loop3A_1416 : i32
        %parallel_loop3A_1418 = arith.constant 29 : i32
        %parallel_loop3A_1419 = arith.index_cast %parallel_loop3A_1418 : i32 to index
        %parallel_loop3A_1420 = arith.index_cast %parallel_loop3A_1417 : i32 to index
        %parallel_loop3A_1421 = tpu.vector_load %arg10[%parallel_loop3A_1419, %parallel_loop3A_1420] {strides = array<i32>} : memref<32x1024xf32, #tpu.memory_space<vmem>>, vector<1x16xf32>,
        %parallel_loop3A_1422 = vector.shape_cast %parallel_loop3A_1421 : vector<1x16xf32> to vector<16xf32>
        %parallel_loop3A_1423 = vector.shape_cast %parallel_loop3A_1415 : vector<16xf32> to vector<1x16xf32>
        tpu.vector_store %arg10[%parallel_loop3A_1419, %parallel_loop3A_1420], %parallel_loop3A_1423 {strides = array<i32>} : memref<32x1024xf32, #tpu.memory_space<vmem>>, vector<1x16xf32>,
        %parallel_loop3A_1424 = vector.shape_cast %parallel_loop3A_1093 : vector<16xi32> to vector<16x1xi32>
        %parallel_loop3A_1425 = vector.shape_cast %parallel_loop3A_1424 : vector<16x1xi32> to vector<16xi32>
        %parallel_loop3A_1426 = tpu.dynamic_gather %get3A_479[%parallel_loop3A_1425] in [0] : vector<16xf32>, vector<16xi32> -> vector<16xf32>
        %parallel_loop3A_1427 = arith.constant 16 : i32
        %parallel_loop3A_1428 = arith.muli %parallel_loop3A_1086, %parallel_loop3A_1427 : i32
        %parallel_loop3A_1429 = arith.constant 30 : i32
        %parallel_loop3A_1430 = arith.index_cast %parallel_loop3A_1429 : i32 to index
        %parallel_loop3A_1431 = arith.index_cast %parallel_loop3A_1428 : i32 to index
        %parallel_loop3A_1432 = tpu.vector_load %arg10[%parallel_loop3A_1430, %parallel_loop3A_1431] {strides = array<i32>} : memref<32x1024xf32, #tpu.memory_space<vmem>>, vector<1x16xf32>,
        %parallel_loop3A_1433 = vector.shape_cast %parallel_loop3A_1432 : vector<1x16xf32> to vector<16xf32>
        %parallel_loop3A_1434 = vector.shape_cast %parallel_loop3A_1426 : vector<16xf32> to vector<1x16xf32>
        tpu.vector_store %arg10[%parallel_loop3A_1430, %parallel_loop3A_1431], %parallel_loop3A_1434 {strides = array<i32>} : memref<32x1024xf32, #tpu.memory_space<vmem>>, vector<1x16xf32>,
        %parallel_loop3A_1435 = vector.shape_cast %parallel_loop3A_1093 : vector<16xi32> to vector<16x1xi32>
        %parallel_loop3A_1436 = vector.shape_cast %parallel_loop3A_1435 : vector<16x1xi32> to vector<16xi32>
        %parallel_loop3A_1437 = tpu.dynamic_gather %get3A_482[%parallel_loop3A_1436] in [0] : vector<16xf32>, vector<16xi32> -> vector<16xf32>
        %parallel_loop3A_1438 = arith.constant 16 : i32
        %parallel_loop3A_1439 = arith.muli %parallel_loop3A_1086, %parallel_loop3A_1438 : i32
        %parallel_loop3A_1440 = arith.constant 31 : i32
        %parallel_loop3A_1441 = arith.index_cast %parallel_loop3A_1440 : i32 to index
        %parallel_loop3A_1442 = arith.index_cast %parallel_loop3A_1439 : i32 to index
        %parallel_loop3A_1443 = tpu.vector_load %arg10[%parallel_loop3A_1441, %parallel_loop3A_1442] {strides = array<i32>} : memref<32x1024xf32, #tpu.memory_space<vmem>>, vector<1x16xf32>,
        %parallel_loop3A_1444 = vector.shape_cast %parallel_loop3A_1443 : vector<1x16xf32> to vector<16xf32>
        %parallel_loop3A_1445 = vector.shape_cast %parallel_loop3A_1437 : vector<16xf32> to vector<1x16xf32>
        tpu.vector_store %arg10[%parallel_loop3A_1441, %parallel_loop3A_1442], %parallel_loop3A_1445 {strides = array<i32>} : memref<32x1024xf32, #tpu.memory_space<vmem>>, vector<1x16xf32>,
      } {sc.loop_unroll_factor = 1 : i64, sc.parallel_access}
      %mul3A_486 = arith.constant 1024 : i32
      %mul3A_487 = arith.muli %scan3A_144, %mul3A_486 : i32
      %add3A_488 = arith.addi %mul3A_32, %mul3A_487 : i32
      %dma_start3A_489 = arith.constant 2 : i32
      %dma_start3A_490 = arith.constant 0 : i32
      %dma_start3A_491 = tpu.memref_slice %arg5[%select_n3A, %dma_start3A_489, %dma_start3A_490, %add3A_488] : memref<8x8x32x16384xf32, #tpu.memory_space<hbm>> -> memref<1x1x32x1024xf32, #tpu.memory_space<hbm>>
      %dma_start3A_492 = tpu.memref_squeeze %dma_start3A_491 : memref<1x1x32x1024xf32, #tpu.memory_space<hbm>> -> memref<32x1024xf32, #tpu.memory_space<hbm>>
      %dma_start3A_493 = arith.constant 0 : i32
      %dma_start3A_494 = tpu.memref_slice %arg5[%select_n3A, %dma_start3A_489, %dma_start3A_493, %add3A_488] : memref<8x8x32x16384xf32, #tpu.memory_space<hbm>> -> memref<1x1x32x1024xf32, #tpu.memory_space<hbm>>
      %dma_start3A_495 = tpu.memref_squeeze %dma_start3A_494 : memref<1x1x32x1024xf32, #tpu.memory_space<hbm>> -> memref<32x1024xf32, #tpu.memory_space<hbm>>
      tpu.enqueue_dma source(%arg10 : memref<32x1024xf32, #tpu.memory_space<vmem>>) target(%dma_start3A_495 : memref<32x1024xf32, #tpu.memory_space<hbm>>) target_semaphore(%arg12 : memref<!tpu.dma_semaphore, #tpu.memory_space<semaphore_mem>>)
      %add3A_496 = arith.constant 0 : i32
      %add3A_497 = arith.addi %mul3A_32, %add3A_496 : i32
      %dma_wait3A_498 = arith.constant 0 : i32
      %dma_wait3A_499 = arith.constant 0 : i32
      %dma_wait3A_500 = tpu.memref_slice %arg5[%select_n3A, %dma_wait3A_498, %dma_wait3A_499, %add3A_497] : memref<8x8x32x16384xf32, #tpu.memory_space<hbm>> -> memref<1x1x32x1024xf32, #tpu.memory_space<hbm>>
      %dma_wait3A_501 = tpu.memref_squeeze %dma_wait3A_500 : memref<1x1x32x1024xf32, #tpu.memory_space<hbm>> -> memref<32x1024xf32, #tpu.memory_space<hbm>>
      %dma_wait3A_502 = arith.constant 0 : i32
      %dma_wait3A_503 = tpu.memref_slice %arg5[%select_n3A, %dma_wait3A_498, %dma_wait3A_502, %add3A_497] : memref<8x8x32x16384xf32, #tpu.memory_space<hbm>> -> memref<1x1x32x1024xf32, #tpu.memory_space<hbm>>
      %dma_wait3A_504 = tpu.memref_squeeze %dma_wait3A_503 : memref<1x1x32x1024xf32, #tpu.memory_space<hbm>> -> memref<32x1024xf32, #tpu.memory_space<hbm>>
      tpu.wait_dma2 semaphore(%arg13 : memref<!tpu.dma_semaphore, #tpu.memory_space<semaphore_mem>>) src(%arg11 : memref<32x1024xf32, #tpu.memory_space<vmem>>) dst(%dma_wait3A_504 : memref<32x1024xf32, #tpu.memory_space<hbm>>)
      %get3A_505 = arith.constant 1536 : index
      %get3A_506 = tpu.vector_load %arg8[%get3A_505] {strides = array<i32>} : memref<4096xf32, #tpu.memory_space<vmem>>, vector<16xf32>,
      %get3A_507 = vector.shape_cast %get3A_506 : vector<16xf32> to vector<16xf32>
      %get3A_508 = arith.constant 1552 : index
      %get3A_509 = tpu.vector_load %arg8[%get3A_508] {strides = array<i32>} : memref<4096xf32, #tpu.memory_space<vmem>>, vector<16xf32>,
      %get3A_510 = vector.shape_cast %get3A_509 : vector<16xf32> to vector<16xf32>
      %get3A_511 = arith.constant 1568 : index
      %get3A_512 = tpu.vector_load %arg8[%get3A_511] {strides = array<i32>} : memref<4096xf32, #tpu.memory_space<vmem>>, vector<16xf32>,
      %get3A_513 = vector.shape_cast %get3A_512 : vector<16xf32> to vector<16xf32>
      %get3A_514 = arith.constant 1584 : index
      %get3A_515 = tpu.vector_load %arg8[%get3A_514] {strides = array<i32>} : memref<4096xf32, #tpu.memory_space<vmem>>, vector<16xf32>,
      %get3A_516 = vector.shape_cast %get3A_515 : vector<16xf32> to vector<16xf32>
      %get3A_517 = arith.constant 1600 : index
      %get3A_518 = tpu.vector_load %arg8[%get3A_517] {strides = array<i32>} : memref<4096xf32, #tpu.memory_space<vmem>>, vector<16xf32>,
      %get3A_519 = vector.shape_cast %get3A_518 : vector<16xf32> to vector<16xf32>
      %get3A_520 = arith.constant 1616 : index
      %get3A_521 = tpu.vector_load %arg8[%get3A_520] {strides = array<i32>} : memref<4096xf32, #tpu.memory_space<vmem>>, vector<16xf32>,
      %get3A_522 = vector.shape_cast %get3A_521 : vector<16xf32> to vector<16xf32>
      %get3A_523 = arith.constant 1632 : index
      %get3A_524 = tpu.vector_load %arg8[%get3A_523] {strides = array<i32>} : memref<4096xf32, #tpu.memory_space<vmem>>, vector<16xf32>,
      %get3A_525 = vector.shape_cast %get3A_524 : vector<16xf32> to vector<16xf32>
      %get3A_526 = arith.constant 1648 : index
      %get3A_527 = tpu.vector_load %arg8[%get3A_526] {strides = array<i32>} : memref<4096xf32, #tpu.memory_space<vmem>>, vector<16xf32>,
      %get3A_528 = vector.shape_cast %get3A_527 : vector<16xf32> to vector<16xf32>
      %get3A_529 = arith.constant 1664 : index
      %get3A_530 = tpu.vector_load %arg8[%get3A_529] {strides = array<i32>} : memref<4096xf32, #tpu.memory_space<vmem>>, vector<16xf32>,
      %get3A_531 = vector.shape_cast %get3A_530 : vector<16xf32> to vector<16xf32>
      %get3A_532 = arith.constant 1680 : index
      %get3A_533 = tpu.vector_load %arg8[%get3A_532] {strides = array<i32>} : memref<4096xf32, #tpu.memory_space<vmem>>, vector<16xf32>,
      %get3A_534 = vector.shape_cast %get3A_533 : vector<16xf32> to vector<16xf32>
      %get3A_535 = arith.constant 1696 : index
      %get3A_536 = tpu.vector_load %arg8[%get3A_535] {strides = array<i32>} : memref<4096xf32, #tpu.memory_space<vmem>>, vector<16xf32>,
      %get3A_537 = vector.shape_cast %get3A_536 : vector<16xf32> to vector<16xf32>
      %get3A_538 = arith.constant 1712 : index
      %get3A_539 = tpu.vector_load %arg8[%get3A_538] {strides = array<i32>} : memref<4096xf32, #tpu.memory_space<vmem>>, vector<16xf32>,
      %get3A_540 = vector.shape_cast %get3A_539 : vector<16xf32> to vector<16xf32>
      %get3A_541 = arith.constant 1728 : index
      %get3A_542 = tpu.vector_load %arg8[%get3A_541] {strides = array<i32>} : memref<4096xf32, #tpu.memory_space<vmem>>, vector<16xf32>,
      %get3A_543 = vector.shape_cast %get3A_542 : vector<16xf32> to vector<16xf32>
      %get3A_544 = arith.constant 1744 : index
      %get3A_545 = tpu.vector_load %arg8[%get3A_544] {strides = array<i32>} : memref<4096xf32, #tpu.memory_space<vmem>>, vector<16xf32>,
      %get3A_546 = vector.shape_cast %get3A_545 : vector<16xf32> to vector<16xf32>
      %get3A_547 = arith.constant 1760 : index
      %get3A_548 = tpu.vector_load %arg8[%get3A_547] {strides = array<i32>} : memref<4096xf32, #tpu.memory_space<vmem>>, vector<16xf32>,
      %get3A_549 = vector.shape_cast %get3A_548 : vector<16xf32> to vector<16xf32>
      %get3A_550 = arith.constant 1776 : index
      %get3A_551 = tpu.vector_load %arg8[%get3A_550] {strides = array<i32>} : memref<4096xf32, #tpu.memory_space<vmem>>, vector<16xf32>,
      %get3A_552 = vector.shape_cast %get3A_551 : vector<16xf32> to vector<16xf32>
      %get3A_553 = arith.constant 1792 : index
      %get3A_554 = tpu.vector_load %arg8[%get3A_553] {strides = array<i32>} : memref<4096xf32, #tpu.memory_space<vmem>>, vector<16xf32>,
      %get3A_555 = vector.shape_cast %get3A_554 : vector<16xf32> to vector<16xf32>
      %get3A_556 = arith.constant 1808 : index
      %get3A_557 = tpu.vector_load %arg8[%get3A_556] {strides = array<i32>} : memref<4096xf32, #tpu.memory_space<vmem>>, vector<16xf32>,
      %get3A_558 = vector.shape_cast %get3A_557 : vector<16xf32> to vector<16xf32>
      %get3A_559 = arith.constant 1824 : index
      %get3A_560 = tpu.vector_load %arg8[%get3A_559] {strides = array<i32>} : memref<4096xf32, #tpu.memory_space<vmem>>, vector<16xf32>,
      %get3A_561 = vector.shape_cast %get3A_560 : vector<16xf32> to vector<16xf32>
      %get3A_562 = arith.constant 1840 : index
      %get3A_563 = tpu.vector_load %arg8[%get3A_562] {strides = array<i32>} : memref<4096xf32, #tpu.memory_space<vmem>>, vector<16xf32>,
      %get3A_564 = vector.shape_cast %get3A_563 : vector<16xf32> to vector<16xf32>
      %get3A_565 = arith.constant 1856 : index
      %get3A_566 = tpu.vector_load %arg8[%get3A_565] {strides = array<i32>} : memref<4096xf32, #tpu.memory_space<vmem>>, vector<16xf32>,
      %get3A_567 = vector.shape_cast %get3A_566 : vector<16xf32> to vector<16xf32>
      %get3A_568 = arith.constant 1872 : index
      %get3A_569 = tpu.vector_load %arg8[%get3A_568] {strides = array<i32>} : memref<4096xf32, #tpu.memory_space<vmem>>, vector<16xf32>,
      %get3A_570 = vector.shape_cast %get3A_569 : vector<16xf32> to vector<16xf32>
      %get3A_571 = arith.constant 1888 : index
      %get3A_572 = tpu.vector_load %arg8[%get3A_571] {strides = array<i32>} : memref<4096xf32, #tpu.memory_space<vmem>>, vector<16xf32>,
      %get3A_573 = vector.shape_cast %get3A_572 : vector<16xf32> to vector<16xf32>
      %get3A_574 = arith.constant 1904 : index
      %get3A_575 = tpu.vector_load %arg8[%get3A_574] {strides = array<i32>} : memref<4096xf32, #tpu.memory_space<vmem>>, vector<16xf32>,
      %get3A_576 = vector.shape_cast %get3A_575 : vector<16xf32> to vector<16xf32>
      %get3A_577 = arith.constant 1920 : index
      %get3A_578 = tpu.vector_load %arg8[%get3A_577] {strides = array<i32>} : memref<4096xf32, #tpu.memory_space<vmem>>, vector<16xf32>,
      %get3A_579 = vector.shape_cast %get3A_578 : vector<16xf32> to vector<16xf32>
      %get3A_580 = arith.constant 1936 : index
      %get3A_581 = tpu.vector_load %arg8[%get3A_580] {strides = array<i32>} : memref<4096xf32, #tpu.memory_space<vmem>>, vector<16xf32>,
      %get3A_582 = vector.shape_cast %get3A_581 : vector<16xf32> to vector<16xf32>
      %get3A_583 = arith.constant 1952 : index
      %get3A_584 = tpu.vector_load %arg8[%get3A_583] {strides = array<i32>} : memref<4096xf32, #tpu.memory_space<vmem>>, vector<16xf32>,
      %get3A_585 = vector.shape_cast %get3A_584 : vector<16xf32> to vector<16xf32>
      %get3A_586 = arith.constant 1968 : index
      %get3A_587 = tpu.vector_load %arg8[%get3A_586] {strides = array<i32>} : memref<4096xf32, #tpu.memory_space<vmem>>, vector<16xf32>,
      %get3A_588 = vector.shape_cast %get3A_587 : vector<16xf32> to vector<16xf32>
      %get3A_589 = arith.constant 1984 : index
      %get3A_590 = tpu.vector_load %arg8[%get3A_589] {strides = array<i32>} : memref<4096xf32, #tpu.memory_space<vmem>>, vector<16xf32>,
      %get3A_591 = vector.shape_cast %get3A_590 : vector<16xf32> to vector<16xf32>
      %get3A_592 = arith.constant 2000 : index
      %get3A_593 = tpu.vector_load %arg8[%get3A_592] {strides = array<i32>} : memref<4096xf32, #tpu.memory_space<vmem>>, vector<16xf32>,
      %get3A_594 = vector.shape_cast %get3A_593 : vector<16xf32> to vector<16xf32>
      %get3A_595 = arith.constant 2016 : index
      %get3A_596 = tpu.vector_load %arg8[%get3A_595] {strides = array<i32>} : memref<4096xf32, #tpu.memory_space<vmem>>, vector<16xf32>,
      %get3A_597 = vector.shape_cast %get3A_596 : vector<16xf32> to vector<16xf32>
      %get3A_598 = arith.constant 2032 : index
      %get3A_599 = tpu.vector_load %arg8[%get3A_598] {strides = array<i32>} : memref<4096xf32, #tpu.memory_space<vmem>>, vector<16xf32>,
      %get3A_600 = vector.shape_cast %get3A_599 : vector<16xf32> to vector<16xf32>
      %parallel_loop3A_601 = arith.constant 0 : i32
      %parallel_loop3A_602 = arith.constant 64 : i32
      %parallel_loop3A_603 = arith.constant 1 : i32
      scf.for %parallel_loop3A_1086 = %parallel_loop3A_601 to %parallel_loop3A_602 step %parallel_loop3A_603  : i32 {
        %parallel_loop3A_1087 = arith.constant 16 : i32
        %parallel_loop3A_1088 = arith.muli %parallel_loop3A_1086, %parallel_loop3A_1087 : i32
        %parallel_loop3A_1089 = arith.constant 3 : i32
        %parallel_loop3A_1090 = arith.index_cast %parallel_loop3A_1089 : i32 to index
        %parallel_loop3A_1091 = arith.index_cast %parallel_loop3A_1088 : i32 to index
        %parallel_loop3A_1092 = tpu.vector_load %arg9[%parallel_loop3A_1090, %parallel_loop3A_1091] {strides = array<i32>} : memref<8x1024xi32, #tpu.memory_space<vmem>>, vector<1x16xi32>,
        %parallel_loop3A_1093 = vector.shape_cast %parallel_loop3A_1092 : vector<1x16xi32> to vector<16xi32>
        %parallel_loop3A_1094 = vector.shape_cast %parallel_loop3A_1093 : vector<16xi32> to vector<16x1xi32>
        %parallel_loop3A_1095 = vector.shape_cast %parallel_loop3A_1094 : vector<16x1xi32> to vector<16xi32>
        %parallel_loop3A_1096 = tpu.dynamic_gather %get3A_507[%parallel_loop3A_1095] in [0] : vector<16xf32>, vector<16xi32> -> vector<16xf32>
        %parallel_loop3A_1097 = arith.constant 16 : i32
        %parallel_loop3A_1098 = arith.muli %parallel_loop3A_1086, %parallel_loop3A_1097 : i32
        %parallel_loop3A_1099 = arith.constant 0 : i32
        %parallel_loop3A_1100 = arith.index_cast %parallel_loop3A_1099 : i32 to index
        %parallel_loop3A_1101 = arith.index_cast %parallel_loop3A_1098 : i32 to index
        %parallel_loop3A_1102 = tpu.vector_load %arg11[%parallel_loop3A_1100, %parallel_loop3A_1101] {strides = array<i32>} : memref<32x1024xf32, #tpu.memory_space<vmem>>, vector<1x16xf32>,
        %parallel_loop3A_1103 = vector.shape_cast %parallel_loop3A_1102 : vector<1x16xf32> to vector<16xf32>
        %parallel_loop3A_1104 = vector.shape_cast %parallel_loop3A_1096 : vector<16xf32> to vector<1x16xf32>
        tpu.vector_store %arg11[%parallel_loop3A_1100, %parallel_loop3A_1101], %parallel_loop3A_1104 {strides = array<i32>} : memref<32x1024xf32, #tpu.memory_space<vmem>>, vector<1x16xf32>,
        %parallel_loop3A_1105 = vector.shape_cast %parallel_loop3A_1093 : vector<16xi32> to vector<16x1xi32>
        %parallel_loop3A_1106 = vector.shape_cast %parallel_loop3A_1105 : vector<16x1xi32> to vector<16xi32>
        %parallel_loop3A_1107 = tpu.dynamic_gather %get3A_510[%parallel_loop3A_1106] in [0] : vector<16xf32>, vector<16xi32> -> vector<16xf32>
        %parallel_loop3A_1108 = arith.constant 16 : i32
        %parallel_loop3A_1109 = arith.muli %parallel_loop3A_1086, %parallel_loop3A_1108 : i32
        %parallel_loop3A_1110 = arith.constant 1 : i32
        %parallel_loop3A_1111 = arith.index_cast %parallel_loop3A_1110 : i32 to index
        %parallel_loop3A_1112 = arith.index_cast %parallel_loop3A_1109 : i32 to index
        %parallel_loop3A_1113 = tpu.vector_load %arg11[%parallel_loop3A_1111, %parallel_loop3A_1112] {strides = array<i32>} : memref<32x1024xf32, #tpu.memory_space<vmem>>, vector<1x16xf32>,
        %parallel_loop3A_1114 = vector.shape_cast %parallel_loop3A_1113 : vector<1x16xf32> to vector<16xf32>
        %parallel_loop3A_1115 = vector.shape_cast %parallel_loop3A_1107 : vector<16xf32> to vector<1x16xf32>
        tpu.vector_store %arg11[%parallel_loop3A_1111, %parallel_loop3A_1112], %parallel_loop3A_1115 {strides = array<i32>} : memref<32x1024xf32, #tpu.memory_space<vmem>>, vector<1x16xf32>,
        %parallel_loop3A_1116 = vector.shape_cast %parallel_loop3A_1093 : vector<16xi32> to vector<16x1xi32>
        %parallel_loop3A_1117 = vector.shape_cast %parallel_loop3A_1116 : vector<16x1xi32> to vector<16xi32>
        %parallel_loop3A_1118 = tpu.dynamic_gather %get3A_513[%parallel_loop3A_1117] in [0] : vector<16xf32>, vector<16xi32> -> vector<16xf32>
        %parallel_loop3A_1119 = arith.constant 16 : i32
        %parallel_loop3A_1120 = arith.muli %parallel_loop3A_1086, %parallel_loop3A_1119 : i32
        %parallel_loop3A_1121 = arith.constant 2 : i32
        %parallel_loop3A_1122 = arith.index_cast %parallel_loop3A_1121 : i32 to index
        %parallel_loop3A_1123 = arith.index_cast %parallel_loop3A_1120 : i32 to index
        %parallel_loop3A_1124 = tpu.vector_load %arg11[%parallel_loop3A_1122, %parallel_loop3A_1123] {strides = array<i32>} : memref<32x1024xf32, #tpu.memory_space<vmem>>, vector<1x16xf32>,
        %parallel_loop3A_1125 = vector.shape_cast %parallel_loop3A_1124 : vector<1x16xf32> to vector<16xf32>
        %parallel_loop3A_1126 = vector.shape_cast %parallel_loop3A_1118 : vector<16xf32> to vector<1x16xf32>
        tpu.vector_store %arg11[%parallel_loop3A_1122, %parallel_loop3A_1123], %parallel_loop3A_1126 {strides = array<i32>} : memref<32x1024xf32, #tpu.memory_space<vmem>>, vector<1x16xf32>,
        %parallel_loop3A_1127 = vector.shape_cast %parallel_loop3A_1093 : vector<16xi32> to vector<16x1xi32>
        %parallel_loop3A_1128 = vector.shape_cast %parallel_loop3A_1127 : vector<16x1xi32> to vector<16xi32>
        %parallel_loop3A_1129 = tpu.dynamic_gather %get3A_516[%parallel_loop3A_1128] in [0] : vector<16xf32>, vector<16xi32> -> vector<16xf32>
        %parallel_loop3A_1130 = arith.constant 16 : i32
        %parallel_loop3A_1131 = arith.muli %parallel_loop3A_1086, %parallel_loop3A_1130 : i32
        %parallel_loop3A_1132 = arith.constant 3 : i32
        %parallel_loop3A_1133 = arith.index_cast %parallel_loop3A_1132 : i32 to index
        %parallel_loop3A_1134 = arith.index_cast %parallel_loop3A_1131 : i32 to index
        %parallel_loop3A_1135 = tpu.vector_load %arg11[%parallel_loop3A_1133, %parallel_loop3A_1134] {strides = array<i32>} : memref<32x1024xf32, #tpu.memory_space<vmem>>, vector<1x16xf32>,
        %parallel_loop3A_1136 = vector.shape_cast %parallel_loop3A_1135 : vector<1x16xf32> to vector<16xf32>
        %parallel_loop3A_1137 = vector.shape_cast %parallel_loop3A_1129 : vector<16xf32> to vector<1x16xf32>
        tpu.vector_store %arg11[%parallel_loop3A_1133, %parallel_loop3A_1134], %parallel_loop3A_1137 {strides = array<i32>} : memref<32x1024xf32, #tpu.memory_space<vmem>>, vector<1x16xf32>,
        %parallel_loop3A_1138 = vector.shape_cast %parallel_loop3A_1093 : vector<16xi32> to vector<16x1xi32>
        %parallel_loop3A_1139 = vector.shape_cast %parallel_loop3A_1138 : vector<16x1xi32> to vector<16xi32>
        %parallel_loop3A_1140 = tpu.dynamic_gather %get3A_519[%parallel_loop3A_1139] in [0] : vector<16xf32>, vector<16xi32> -> vector<16xf32>
        %parallel_loop3A_1141 = arith.constant 16 : i32
        %parallel_loop3A_1142 = arith.muli %parallel_loop3A_1086, %parallel_loop3A_1141 : i32
        %parallel_loop3A_1143 = arith.constant 4 : i32
        %parallel_loop3A_1144 = arith.index_cast %parallel_loop3A_1143 : i32 to index
        %parallel_loop3A_1145 = arith.index_cast %parallel_loop3A_1142 : i32 to index
        %parallel_loop3A_1146 = tpu.vector_load %arg11[%parallel_loop3A_1144, %parallel_loop3A_1145] {strides = array<i32>} : memref<32x1024xf32, #tpu.memory_space<vmem>>, vector<1x16xf32>,
        %parallel_loop3A_1147 = vector.shape_cast %parallel_loop3A_1146 : vector<1x16xf32> to vector<16xf32>
        %parallel_loop3A_1148 = vector.shape_cast %parallel_loop3A_1140 : vector<16xf32> to vector<1x16xf32>
        tpu.vector_store %arg11[%parallel_loop3A_1144, %parallel_loop3A_1145], %parallel_loop3A_1148 {strides = array<i32>} : memref<32x1024xf32, #tpu.memory_space<vmem>>, vector<1x16xf32>,
        %parallel_loop3A_1149 = vector.shape_cast %parallel_loop3A_1093 : vector<16xi32> to vector<16x1xi32>
        %parallel_loop3A_1150 = vector.shape_cast %parallel_loop3A_1149 : vector<16x1xi32> to vector<16xi32>
        %parallel_loop3A_1151 = tpu.dynamic_gather %get3A_522[%parallel_loop3A_1150] in [0] : vector<16xf32>, vector<16xi32> -> vector<16xf32>
        %parallel_loop3A_1152 = arith.constant 16 : i32
        %parallel_loop3A_1153 = arith.muli %parallel_loop3A_1086, %parallel_loop3A_1152 : i32
        %parallel_loop3A_1154 = arith.constant 5 : i32
        %parallel_loop3A_1155 = arith.index_cast %parallel_loop3A_1154 : i32 to index
        %parallel_loop3A_1156 = arith.index_cast %parallel_loop3A_1153 : i32 to index
        %parallel_loop3A_1157 = tpu.vector_load %arg11[%parallel_loop3A_1155, %parallel_loop3A_1156] {strides = array<i32>} : memref<32x1024xf32, #tpu.memory_space<vmem>>, vector<1x16xf32>,
        %parallel_loop3A_1158 = vector.shape_cast %parallel_loop3A_1157 : vector<1x16xf32> to vector<16xf32>
        %parallel_loop3A_1159 = vector.shape_cast %parallel_loop3A_1151 : vector<16xf32> to vector<1x16xf32>
        tpu.vector_store %arg11[%parallel_loop3A_1155, %parallel_loop3A_1156], %parallel_loop3A_1159 {strides = array<i32>} : memref<32x1024xf32, #tpu.memory_space<vmem>>, vector<1x16xf32>,
        %parallel_loop3A_1160 = vector.shape_cast %parallel_loop3A_1093 : vector<16xi32> to vector<16x1xi32>
        %parallel_loop3A_1161 = vector.shape_cast %parallel_loop3A_1160 : vector<16x1xi32> to vector<16xi32>
        %parallel_loop3A_1162 = tpu.dynamic_gather %get3A_525[%parallel_loop3A_1161] in [0] : vector<16xf32>, vector<16xi32> -> vector<16xf32>
        %parallel_loop3A_1163 = arith.constant 16 : i32
        %parallel_loop3A_1164 = arith.muli %parallel_loop3A_1086, %parallel_loop3A_1163 : i32
        %parallel_loop3A_1165 = arith.constant 6 : i32
        %parallel_loop3A_1166 = arith.index_cast %parallel_loop3A_1165 : i32 to index
        %parallel_loop3A_1167 = arith.index_cast %parallel_loop3A_1164 : i32 to index
        %parallel_loop3A_1168 = tpu.vector_load %arg11[%parallel_loop3A_1166, %parallel_loop3A_1167] {strides = array<i32>} : memref<32x1024xf32, #tpu.memory_space<vmem>>, vector<1x16xf32>,
        %parallel_loop3A_1169 = vector.shape_cast %parallel_loop3A_1168 : vector<1x16xf32> to vector<16xf32>
        %parallel_loop3A_1170 = vector.shape_cast %parallel_loop3A_1162 : vector<16xf32> to vector<1x16xf32>
        tpu.vector_store %arg11[%parallel_loop3A_1166, %parallel_loop3A_1167], %parallel_loop3A_1170 {strides = array<i32>} : memref<32x1024xf32, #tpu.memory_space<vmem>>, vector<1x16xf32>,
        %parallel_loop3A_1171 = vector.shape_cast %parallel_loop3A_1093 : vector<16xi32> to vector<16x1xi32>
        %parallel_loop3A_1172 = vector.shape_cast %parallel_loop3A_1171 : vector<16x1xi32> to vector<16xi32>
        %parallel_loop3A_1173 = tpu.dynamic_gather %get3A_528[%parallel_loop3A_1172] in [0] : vector<16xf32>, vector<16xi32> -> vector<16xf32>
        %parallel_loop3A_1174 = arith.constant 16 : i32
        %parallel_loop3A_1175 = arith.muli %parallel_loop3A_1086, %parallel_loop3A_1174 : i32
        %parallel_loop3A_1176 = arith.constant 7 : i32
        %parallel_loop3A_1177 = arith.index_cast %parallel_loop3A_1176 : i32 to index
        %parallel_loop3A_1178 = arith.index_cast %parallel_loop3A_1175 : i32 to index
        %parallel_loop3A_1179 = tpu.vector_load %arg11[%parallel_loop3A_1177, %parallel_loop3A_1178] {strides = array<i32>} : memref<32x1024xf32, #tpu.memory_space<vmem>>, vector<1x16xf32>,
        %parallel_loop3A_1180 = vector.shape_cast %parallel_loop3A_1179 : vector<1x16xf32> to vector<16xf32>
        %parallel_loop3A_1181 = vector.shape_cast %parallel_loop3A_1173 : vector<16xf32> to vector<1x16xf32>
        tpu.vector_store %arg11[%parallel_loop3A_1177, %parallel_loop3A_1178], %parallel_loop3A_1181 {strides = array<i32>} : memref<32x1024xf32, #tpu.memory_space<vmem>>, vector<1x16xf32>,
        %parallel_loop3A_1182 = vector.shape_cast %parallel_loop3A_1093 : vector<16xi32> to vector<16x1xi32>
        %parallel_loop3A_1183 = vector.shape_cast %parallel_loop3A_1182 : vector<16x1xi32> to vector<16xi32>
        %parallel_loop3A_1184 = tpu.dynamic_gather %get3A_531[%parallel_loop3A_1183] in [0] : vector<16xf32>, vector<16xi32> -> vector<16xf32>
        %parallel_loop3A_1185 = arith.constant 16 : i32
        %parallel_loop3A_1186 = arith.muli %parallel_loop3A_1086, %parallel_loop3A_1185 : i32
        %parallel_loop3A_1187 = arith.constant 8 : i32
        %parallel_loop3A_1188 = arith.index_cast %parallel_loop3A_1187 : i32 to index
        %parallel_loop3A_1189 = arith.index_cast %parallel_loop3A_1186 : i32 to index
        %parallel_loop3A_1190 = tpu.vector_load %arg11[%parallel_loop3A_1188, %parallel_loop3A_1189] {strides = array<i32>} : memref<32x1024xf32, #tpu.memory_space<vmem>>, vector<1x16xf32>,
        %parallel_loop3A_1191 = vector.shape_cast %parallel_loop3A_1190 : vector<1x16xf32> to vector<16xf32>
        %parallel_loop3A_1192 = vector.shape_cast %parallel_loop3A_1184 : vector<16xf32> to vector<1x16xf32>
        tpu.vector_store %arg11[%parallel_loop3A_1188, %parallel_loop3A_1189], %parallel_loop3A_1192 {strides = array<i32>} : memref<32x1024xf32, #tpu.memory_space<vmem>>, vector<1x16xf32>,
        %parallel_loop3A_1193 = vector.shape_cast %parallel_loop3A_1093 : vector<16xi32> to vector<16x1xi32>
        %parallel_loop3A_1194 = vector.shape_cast %parallel_loop3A_1193 : vector<16x1xi32> to vector<16xi32>
        %parallel_loop3A_1195 = tpu.dynamic_gather %get3A_534[%parallel_loop3A_1194] in [0] : vector<16xf32>, vector<16xi32> -> vector<16xf32>
        %parallel_loop3A_1196 = arith.constant 16 : i32
        %parallel_loop3A_1197 = arith.muli %parallel_loop3A_1086, %parallel_loop3A_1196 : i32
        %parallel_loop3A_1198 = arith.constant 9 : i32
        %parallel_loop3A_1199 = arith.index_cast %parallel_loop3A_1198 : i32 to index
        %parallel_loop3A_1200 = arith.index_cast %parallel_loop3A_1197 : i32 to index
        %parallel_loop3A_1201 = tpu.vector_load %arg11[%parallel_loop3A_1199, %parallel_loop3A_1200] {strides = array<i32>} : memref<32x1024xf32, #tpu.memory_space<vmem>>, vector<1x16xf32>,
        %parallel_loop3A_1202 = vector.shape_cast %parallel_loop3A_1201 : vector<1x16xf32> to vector<16xf32>
        %parallel_loop3A_1203 = vector.shape_cast %parallel_loop3A_1195 : vector<16xf32> to vector<1x16xf32>
        tpu.vector_store %arg11[%parallel_loop3A_1199, %parallel_loop3A_1200], %parallel_loop3A_1203 {strides = array<i32>} : memref<32x1024xf32, #tpu.memory_space<vmem>>, vector<1x16xf32>,
        %parallel_loop3A_1204 = vector.shape_cast %parallel_loop3A_1093 : vector<16xi32> to vector<16x1xi32>
        %parallel_loop3A_1205 = vector.shape_cast %parallel_loop3A_1204 : vector<16x1xi32> to vector<16xi32>
        %parallel_loop3A_1206 = tpu.dynamic_gather %get3A_537[%parallel_loop3A_1205] in [0] : vector<16xf32>, vector<16xi32> -> vector<16xf32>
        %parallel_loop3A_1207 = arith.constant 16 : i32
        %parallel_loop3A_1208 = arith.muli %parallel_loop3A_1086, %parallel_loop3A_1207 : i32
        %parallel_loop3A_1209 = arith.constant 10 : i32
        %parallel_loop3A_1210 = arith.index_cast %parallel_loop3A_1209 : i32 to index
        %parallel_loop3A_1211 = arith.index_cast %parallel_loop3A_1208 : i32 to index
        %parallel_loop3A_1212 = tpu.vector_load %arg11[%parallel_loop3A_1210, %parallel_loop3A_1211] {strides = array<i32>} : memref<32x1024xf32, #tpu.memory_space<vmem>>, vector<1x16xf32>,
        %parallel_loop3A_1213 = vector.shape_cast %parallel_loop3A_1212 : vector<1x16xf32> to vector<16xf32>
        %parallel_loop3A_1214 = vector.shape_cast %parallel_loop3A_1206 : vector<16xf32> to vector<1x16xf32>
        tpu.vector_store %arg11[%parallel_loop3A_1210, %parallel_loop3A_1211], %parallel_loop3A_1214 {strides = array<i32>} : memref<32x1024xf32, #tpu.memory_space<vmem>>, vector<1x16xf32>,
        %parallel_loop3A_1215 = vector.shape_cast %parallel_loop3A_1093 : vector<16xi32> to vector<16x1xi32>
        %parallel_loop3A_1216 = vector.shape_cast %parallel_loop3A_1215 : vector<16x1xi32> to vector<16xi32>
        %parallel_loop3A_1217 = tpu.dynamic_gather %get3A_540[%parallel_loop3A_1216] in [0] : vector<16xf32>, vector<16xi32> -> vector<16xf32>
        %parallel_loop3A_1218 = arith.constant 16 : i32
        %parallel_loop3A_1219 = arith.muli %parallel_loop3A_1086, %parallel_loop3A_1218 : i32
        %parallel_loop3A_1220 = arith.constant 11 : i32
        %parallel_loop3A_1221 = arith.index_cast %parallel_loop3A_1220 : i32 to index
        %parallel_loop3A_1222 = arith.index_cast %parallel_loop3A_1219 : i32 to index
        %parallel_loop3A_1223 = tpu.vector_load %arg11[%parallel_loop3A_1221, %parallel_loop3A_1222] {strides = array<i32>} : memref<32x1024xf32, #tpu.memory_space<vmem>>, vector<1x16xf32>,
        %parallel_loop3A_1224 = vector.shape_cast %parallel_loop3A_1223 : vector<1x16xf32> to vector<16xf32>
        %parallel_loop3A_1225 = vector.shape_cast %parallel_loop3A_1217 : vector<16xf32> to vector<1x16xf32>
        tpu.vector_store %arg11[%parallel_loop3A_1221, %parallel_loop3A_1222], %parallel_loop3A_1225 {strides = array<i32>} : memref<32x1024xf32, #tpu.memory_space<vmem>>, vector<1x16xf32>,
        %parallel_loop3A_1226 = vector.shape_cast %parallel_loop3A_1093 : vector<16xi32> to vector<16x1xi32>
        %parallel_loop3A_1227 = vector.shape_cast %parallel_loop3A_1226 : vector<16x1xi32> to vector<16xi32>
        %parallel_loop3A_1228 = tpu.dynamic_gather %get3A_543[%parallel_loop3A_1227] in [0] : vector<16xf32>, vector<16xi32> -> vector<16xf32>
        %parallel_loop3A_1229 = arith.constant 16 : i32
        %parallel_loop3A_1230 = arith.muli %parallel_loop3A_1086, %parallel_loop3A_1229 : i32
        %parallel_loop3A_1231 = arith.constant 12 : i32
        %parallel_loop3A_1232 = arith.index_cast %parallel_loop3A_1231 : i32 to index
        %parallel_loop3A_1233 = arith.index_cast %parallel_loop3A_1230 : i32 to index
        %parallel_loop3A_1234 = tpu.vector_load %arg11[%parallel_loop3A_1232, %parallel_loop3A_1233] {strides = array<i32>} : memref<32x1024xf32, #tpu.memory_space<vmem>>, vector<1x16xf32>,
        %parallel_loop3A_1235 = vector.shape_cast %parallel_loop3A_1234 : vector<1x16xf32> to vector<16xf32>
        %parallel_loop3A_1236 = vector.shape_cast %parallel_loop3A_1228 : vector<16xf32> to vector<1x16xf32>
        tpu.vector_store %arg11[%parallel_loop3A_1232, %parallel_loop3A_1233], %parallel_loop3A_1236 {strides = array<i32>} : memref<32x1024xf32, #tpu.memory_space<vmem>>, vector<1x16xf32>,
        %parallel_loop3A_1237 = vector.shape_cast %parallel_loop3A_1093 : vector<16xi32> to vector<16x1xi32>
        %parallel_loop3A_1238 = vector.shape_cast %parallel_loop3A_1237 : vector<16x1xi32> to vector<16xi32>
        %parallel_loop3A_1239 = tpu.dynamic_gather %get3A_546[%parallel_loop3A_1238] in [0] : vector<16xf32>, vector<16xi32> -> vector<16xf32>
        %parallel_loop3A_1240 = arith.constant 16 : i32
        %parallel_loop3A_1241 = arith.muli %parallel_loop3A_1086, %parallel_loop3A_1240 : i32
        %parallel_loop3A_1242 = arith.constant 13 : i32
        %parallel_loop3A_1243 = arith.index_cast %parallel_loop3A_1242 : i32 to index
        %parallel_loop3A_1244 = arith.index_cast %parallel_loop3A_1241 : i32 to index
        %parallel_loop3A_1245 = tpu.vector_load %arg11[%parallel_loop3A_1243, %parallel_loop3A_1244] {strides = array<i32>} : memref<32x1024xf32, #tpu.memory_space<vmem>>, vector<1x16xf32>,
        %parallel_loop3A_1246 = vector.shape_cast %parallel_loop3A_1245 : vector<1x16xf32> to vector<16xf32>
        %parallel_loop3A_1247 = vector.shape_cast %parallel_loop3A_1239 : vector<16xf32> to vector<1x16xf32>
        tpu.vector_store %arg11[%parallel_loop3A_1243, %parallel_loop3A_1244], %parallel_loop3A_1247 {strides = array<i32>} : memref<32x1024xf32, #tpu.memory_space<vmem>>, vector<1x16xf32>,
        %parallel_loop3A_1248 = vector.shape_cast %parallel_loop3A_1093 : vector<16xi32> to vector<16x1xi32>
        %parallel_loop3A_1249 = vector.shape_cast %parallel_loop3A_1248 : vector<16x1xi32> to vector<16xi32>
        %parallel_loop3A_1250 = tpu.dynamic_gather %get3A_549[%parallel_loop3A_1249] in [0] : vector<16xf32>, vector<16xi32> -> vector<16xf32>
        %parallel_loop3A_1251 = arith.constant 16 : i32
        %parallel_loop3A_1252 = arith.muli %parallel_loop3A_1086, %parallel_loop3A_1251 : i32
        %parallel_loop3A_1253 = arith.constant 14 : i32
        %parallel_loop3A_1254 = arith.index_cast %parallel_loop3A_1253 : i32 to index
        %parallel_loop3A_1255 = arith.index_cast %parallel_loop3A_1252 : i32 to index
        %parallel_loop3A_1256 = tpu.vector_load %arg11[%parallel_loop3A_1254, %parallel_loop3A_1255] {strides = array<i32>} : memref<32x1024xf32, #tpu.memory_space<vmem>>, vector<1x16xf32>,
        %parallel_loop3A_1257 = vector.shape_cast %parallel_loop3A_1256 : vector<1x16xf32> to vector<16xf32>
        %parallel_loop3A_1258 = vector.shape_cast %parallel_loop3A_1250 : vector<16xf32> to vector<1x16xf32>
        tpu.vector_store %arg11[%parallel_loop3A_1254, %parallel_loop3A_1255], %parallel_loop3A_1258 {strides = array<i32>} : memref<32x1024xf32, #tpu.memory_space<vmem>>, vector<1x16xf32>,
        %parallel_loop3A_1259 = vector.shape_cast %parallel_loop3A_1093 : vector<16xi32> to vector<16x1xi32>
        %parallel_loop3A_1260 = vector.shape_cast %parallel_loop3A_1259 : vector<16x1xi32> to vector<16xi32>
        %parallel_loop3A_1261 = tpu.dynamic_gather %get3A_552[%parallel_loop3A_1260] in [0] : vector<16xf32>, vector<16xi32> -> vector<16xf32>
        %parallel_loop3A_1262 = arith.constant 16 : i32
        %parallel_loop3A_1263 = arith.muli %parallel_loop3A_1086, %parallel_loop3A_1262 : i32
        %parallel_loop3A_1264 = arith.constant 15 : i32
        %parallel_loop3A_1265 = arith.index_cast %parallel_loop3A_1264 : i32 to index
        %parallel_loop3A_1266 = arith.index_cast %parallel_loop3A_1263 : i32 to index
        %parallel_loop3A_1267 = tpu.vector_load %arg11[%parallel_loop3A_1265, %parallel_loop3A_1266] {strides = array<i32>} : memref<32x1024xf32, #tpu.memory_space<vmem>>, vector<1x16xf32>,
        %parallel_loop3A_1268 = vector.shape_cast %parallel_loop3A_1267 : vector<1x16xf32> to vector<16xf32>
        %parallel_loop3A_1269 = vector.shape_cast %parallel_loop3A_1261 : vector<16xf32> to vector<1x16xf32>
        tpu.vector_store %arg11[%parallel_loop3A_1265, %parallel_loop3A_1266], %parallel_loop3A_1269 {strides = array<i32>} : memref<32x1024xf32, #tpu.memory_space<vmem>>, vector<1x16xf32>,
        %parallel_loop3A_1270 = vector.shape_cast %parallel_loop3A_1093 : vector<16xi32> to vector<16x1xi32>
        %parallel_loop3A_1271 = vector.shape_cast %parallel_loop3A_1270 : vector<16x1xi32> to vector<16xi32>
        %parallel_loop3A_1272 = tpu.dynamic_gather %get3A_555[%parallel_loop3A_1271] in [0] : vector<16xf32>, vector<16xi32> -> vector<16xf32>
        %parallel_loop3A_1273 = arith.constant 16 : i32
        %parallel_loop3A_1274 = arith.muli %parallel_loop3A_1086, %parallel_loop3A_1273 : i32
        %parallel_loop3A_1275 = arith.constant 16 : i32
        %parallel_loop3A_1276 = arith.index_cast %parallel_loop3A_1275 : i32 to index
        %parallel_loop3A_1277 = arith.index_cast %parallel_loop3A_1274 : i32 to index
        %parallel_loop3A_1278 = tpu.vector_load %arg11[%parallel_loop3A_1276, %parallel_loop3A_1277] {strides = array<i32>} : memref<32x1024xf32, #tpu.memory_space<vmem>>, vector<1x16xf32>,
        %parallel_loop3A_1279 = vector.shape_cast %parallel_loop3A_1278 : vector<1x16xf32> to vector<16xf32>
        %parallel_loop3A_1280 = vector.shape_cast %parallel_loop3A_1272 : vector<16xf32> to vector<1x16xf32>
        tpu.vector_store %arg11[%parallel_loop3A_1276, %parallel_loop3A_1277], %parallel_loop3A_1280 {strides = array<i32>} : memref<32x1024xf32, #tpu.memory_space<vmem>>, vector<1x16xf32>,
        %parallel_loop3A_1281 = vector.shape_cast %parallel_loop3A_1093 : vector<16xi32> to vector<16x1xi32>
        %parallel_loop3A_1282 = vector.shape_cast %parallel_loop3A_1281 : vector<16x1xi32> to vector<16xi32>
        %parallel_loop3A_1283 = tpu.dynamic_gather %get3A_558[%parallel_loop3A_1282] in [0] : vector<16xf32>, vector<16xi32> -> vector<16xf32>
        %parallel_loop3A_1284 = arith.constant 16 : i32
        %parallel_loop3A_1285 = arith.muli %parallel_loop3A_1086, %parallel_loop3A_1284 : i32
        %parallel_loop3A_1286 = arith.constant 17 : i32
        %parallel_loop3A_1287 = arith.index_cast %parallel_loop3A_1286 : i32 to index
        %parallel_loop3A_1288 = arith.index_cast %parallel_loop3A_1285 : i32 to index
        %parallel_loop3A_1289 = tpu.vector_load %arg11[%parallel_loop3A_1287, %parallel_loop3A_1288] {strides = array<i32>} : memref<32x1024xf32, #tpu.memory_space<vmem>>, vector<1x16xf32>,
        %parallel_loop3A_1290 = vector.shape_cast %parallel_loop3A_1289 : vector<1x16xf32> to vector<16xf32>
        %parallel_loop3A_1291 = vector.shape_cast %parallel_loop3A_1283 : vector<16xf32> to vector<1x16xf32>
        tpu.vector_store %arg11[%parallel_loop3A_1287, %parallel_loop3A_1288], %parallel_loop3A_1291 {strides = array<i32>} : memref<32x1024xf32, #tpu.memory_space<vmem>>, vector<1x16xf32>,
        %parallel_loop3A_1292 = vector.shape_cast %parallel_loop3A_1093 : vector<16xi32> to vector<16x1xi32>
        %parallel_loop3A_1293 = vector.shape_cast %parallel_loop3A_1292 : vector<16x1xi32> to vector<16xi32>
        %parallel_loop3A_1294 = tpu.dynamic_gather %get3A_561[%parallel_loop3A_1293] in [0] : vector<16xf32>, vector<16xi32> -> vector<16xf32>
        %parallel_loop3A_1295 = arith.constant 16 : i32
        %parallel_loop3A_1296 = arith.muli %parallel_loop3A_1086, %parallel_loop3A_1295 : i32
        %parallel_loop3A_1297 = arith.constant 18 : i32
        %parallel_loop3A_1298 = arith.index_cast %parallel_loop3A_1297 : i32 to index
        %parallel_loop3A_1299 = arith.index_cast %parallel_loop3A_1296 : i32 to index
        %parallel_loop3A_1300 = tpu.vector_load %arg11[%parallel_loop3A_1298, %parallel_loop3A_1299] {strides = array<i32>} : memref<32x1024xf32, #tpu.memory_space<vmem>>, vector<1x16xf32>,
        %parallel_loop3A_1301 = vector.shape_cast %parallel_loop3A_1300 : vector<1x16xf32> to vector<16xf32>
        %parallel_loop3A_1302 = vector.shape_cast %parallel_loop3A_1294 : vector<16xf32> to vector<1x16xf32>
        tpu.vector_store %arg11[%parallel_loop3A_1298, %parallel_loop3A_1299], %parallel_loop3A_1302 {strides = array<i32>} : memref<32x1024xf32, #tpu.memory_space<vmem>>, vector<1x16xf32>,
        %parallel_loop3A_1303 = vector.shape_cast %parallel_loop3A_1093 : vector<16xi32> to vector<16x1xi32>
        %parallel_loop3A_1304 = vector.shape_cast %parallel_loop3A_1303 : vector<16x1xi32> to vector<16xi32>
        %parallel_loop3A_1305 = tpu.dynamic_gather %get3A_564[%parallel_loop3A_1304] in [0] : vector<16xf32>, vector<16xi32> -> vector<16xf32>
        %parallel_loop3A_1306 = arith.constant 16 : i32
        %parallel_loop3A_1307 = arith.muli %parallel_loop3A_1086, %parallel_loop3A_1306 : i32
        %parallel_loop3A_1308 = arith.constant 19 : i32
        %parallel_loop3A_1309 = arith.index_cast %parallel_loop3A_1308 : i32 to index
        %parallel_loop3A_1310 = arith.index_cast %parallel_loop3A_1307 : i32 to index
        %parallel_loop3A_1311 = tpu.vector_load %arg11[%parallel_loop3A_1309, %parallel_loop3A_1310] {strides = array<i32>} : memref<32x1024xf32, #tpu.memory_space<vmem>>, vector<1x16xf32>,
        %parallel_loop3A_1312 = vector.shape_cast %parallel_loop3A_1311 : vector<1x16xf32> to vector<16xf32>
        %parallel_loop3A_1313 = vector.shape_cast %parallel_loop3A_1305 : vector<16xf32> to vector<1x16xf32>
        tpu.vector_store %arg11[%parallel_loop3A_1309, %parallel_loop3A_1310], %parallel_loop3A_1313 {strides = array<i32>} : memref<32x1024xf32, #tpu.memory_space<vmem>>, vector<1x16xf32>,
        %parallel_loop3A_1314 = vector.shape_cast %parallel_loop3A_1093 : vector<16xi32> to vector<16x1xi32>
        %parallel_loop3A_1315 = vector.shape_cast %parallel_loop3A_1314 : vector<16x1xi32> to vector<16xi32>
        %parallel_loop3A_1316 = tpu.dynamic_gather %get3A_567[%parallel_loop3A_1315] in [0] : vector<16xf32>, vector<16xi32> -> vector<16xf32>
        %parallel_loop3A_1317 = arith.constant 16 : i32
        %parallel_loop3A_1318 = arith.muli %parallel_loop3A_1086, %parallel_loop3A_1317 : i32
        %parallel_loop3A_1319 = arith.constant 20 : i32
        %parallel_loop3A_1320 = arith.index_cast %parallel_loop3A_1319 : i32 to index
        %parallel_loop3A_1321 = arith.index_cast %parallel_loop3A_1318 : i32 to index
        %parallel_loop3A_1322 = tpu.vector_load %arg11[%parallel_loop3A_1320, %parallel_loop3A_1321] {strides = array<i32>} : memref<32x1024xf32, #tpu.memory_space<vmem>>, vector<1x16xf32>,
        %parallel_loop3A_1323 = vector.shape_cast %parallel_loop3A_1322 : vector<1x16xf32> to vector<16xf32>
        %parallel_loop3A_1324 = vector.shape_cast %parallel_loop3A_1316 : vector<16xf32> to vector<1x16xf32>
        tpu.vector_store %arg11[%parallel_loop3A_1320, %parallel_loop3A_1321], %parallel_loop3A_1324 {strides = array<i32>} : memref<32x1024xf32, #tpu.memory_space<vmem>>, vector<1x16xf32>,
        %parallel_loop3A_1325 = vector.shape_cast %parallel_loop3A_1093 : vector<16xi32> to vector<16x1xi32>
        %parallel_loop3A_1326 = vector.shape_cast %parallel_loop3A_1325 : vector<16x1xi32> to vector<16xi32>
        %parallel_loop3A_1327 = tpu.dynamic_gather %get3A_570[%parallel_loop3A_1326] in [0] : vector<16xf32>, vector<16xi32> -> vector<16xf32>
        %parallel_loop3A_1328 = arith.constant 16 : i32
        %parallel_loop3A_1329 = arith.muli %parallel_loop3A_1086, %parallel_loop3A_1328 : i32
        %parallel_loop3A_1330 = arith.constant 21 : i32
        %parallel_loop3A_1331 = arith.index_cast %parallel_loop3A_1330 : i32 to index
        %parallel_loop3A_1332 = arith.index_cast %parallel_loop3A_1329 : i32 to index
        %parallel_loop3A_1333 = tpu.vector_load %arg11[%parallel_loop3A_1331, %parallel_loop3A_1332] {strides = array<i32>} : memref<32x1024xf32, #tpu.memory_space<vmem>>, vector<1x16xf32>,
        %parallel_loop3A_1334 = vector.shape_cast %parallel_loop3A_1333 : vector<1x16xf32> to vector<16xf32>
        %parallel_loop3A_1335 = vector.shape_cast %parallel_loop3A_1327 : vector<16xf32> to vector<1x16xf32>
        tpu.vector_store %arg11[%parallel_loop3A_1331, %parallel_loop3A_1332], %parallel_loop3A_1335 {strides = array<i32>} : memref<32x1024xf32, #tpu.memory_space<vmem>>, vector<1x16xf32>,
        %parallel_loop3A_1336 = vector.shape_cast %parallel_loop3A_1093 : vector<16xi32> to vector<16x1xi32>
        %parallel_loop3A_1337 = vector.shape_cast %parallel_loop3A_1336 : vector<16x1xi32> to vector<16xi32>
        %parallel_loop3A_1338 = tpu.dynamic_gather %get3A_573[%parallel_loop3A_1337] in [0] : vector<16xf32>, vector<16xi32> -> vector<16xf32>
        %parallel_loop3A_1339 = arith.constant 16 : i32
        %parallel_loop3A_1340 = arith.muli %parallel_loop3A_1086, %parallel_loop3A_1339 : i32
        %parallel_loop3A_1341 = arith.constant 22 : i32
        %parallel_loop3A_1342 = arith.index_cast %parallel_loop3A_1341 : i32 to index
        %parallel_loop3A_1343 = arith.index_cast %parallel_loop3A_1340 : i32 to index
        %parallel_loop3A_1344 = tpu.vector_load %arg11[%parallel_loop3A_1342, %parallel_loop3A_1343] {strides = array<i32>} : memref<32x1024xf32, #tpu.memory_space<vmem>>, vector<1x16xf32>,
        %parallel_loop3A_1345 = vector.shape_cast %parallel_loop3A_1344 : vector<1x16xf32> to vector<16xf32>
        %parallel_loop3A_1346 = vector.shape_cast %parallel_loop3A_1338 : vector<16xf32> to vector<1x16xf32>
        tpu.vector_store %arg11[%parallel_loop3A_1342, %parallel_loop3A_1343], %parallel_loop3A_1346 {strides = array<i32>} : memref<32x1024xf32, #tpu.memory_space<vmem>>, vector<1x16xf32>,
        %parallel_loop3A_1347 = vector.shape_cast %parallel_loop3A_1093 : vector<16xi32> to vector<16x1xi32>
        %parallel_loop3A_1348 = vector.shape_cast %parallel_loop3A_1347 : vector<16x1xi32> to vector<16xi32>
        %parallel_loop3A_1349 = tpu.dynamic_gather %get3A_576[%parallel_loop3A_1348] in [0] : vector<16xf32>, vector<16xi32> -> vector<16xf32>
        %parallel_loop3A_1350 = arith.constant 16 : i32
        %parallel_loop3A_1351 = arith.muli %parallel_loop3A_1086, %parallel_loop3A_1350 : i32
        %parallel_loop3A_1352 = arith.constant 23 : i32
        %parallel_loop3A_1353 = arith.index_cast %parallel_loop3A_1352 : i32 to index
        %parallel_loop3A_1354 = arith.index_cast %parallel_loop3A_1351 : i32 to index
        %parallel_loop3A_1355 = tpu.vector_load %arg11[%parallel_loop3A_1353, %parallel_loop3A_1354] {strides = array<i32>} : memref<32x1024xf32, #tpu.memory_space<vmem>>, vector<1x16xf32>,
        %parallel_loop3A_1356 = vector.shape_cast %parallel_loop3A_1355 : vector<1x16xf32> to vector<16xf32>
        %parallel_loop3A_1357 = vector.shape_cast %parallel_loop3A_1349 : vector<16xf32> to vector<1x16xf32>
        tpu.vector_store %arg11[%parallel_loop3A_1353, %parallel_loop3A_1354], %parallel_loop3A_1357 {strides = array<i32>} : memref<32x1024xf32, #tpu.memory_space<vmem>>, vector<1x16xf32>,
        %parallel_loop3A_1358 = vector.shape_cast %parallel_loop3A_1093 : vector<16xi32> to vector<16x1xi32>
        %parallel_loop3A_1359 = vector.shape_cast %parallel_loop3A_1358 : vector<16x1xi32> to vector<16xi32>
        %parallel_loop3A_1360 = tpu.dynamic_gather %get3A_579[%parallel_loop3A_1359] in [0] : vector<16xf32>, vector<16xi32> -> vector<16xf32>
        %parallel_loop3A_1361 = arith.constant 16 : i32
        %parallel_loop3A_1362 = arith.muli %parallel_loop3A_1086, %parallel_loop3A_1361 : i32
        %parallel_loop3A_1363 = arith.constant 24 : i32
        %parallel_loop3A_1364 = arith.index_cast %parallel_loop3A_1363 : i32 to index
        %parallel_loop3A_1365 = arith.index_cast %parallel_loop3A_1362 : i32 to index
        %parallel_loop3A_1366 = tpu.vector_load %arg11[%parallel_loop3A_1364, %parallel_loop3A_1365] {strides = array<i32>} : memref<32x1024xf32, #tpu.memory_space<vmem>>, vector<1x16xf32>,
        %parallel_loop3A_1367 = vector.shape_cast %parallel_loop3A_1366 : vector<1x16xf32> to vector<16xf32>
        %parallel_loop3A_1368 = vector.shape_cast %parallel_loop3A_1360 : vector<16xf32> to vector<1x16xf32>
        tpu.vector_store %arg11[%parallel_loop3A_1364, %parallel_loop3A_1365], %parallel_loop3A_1368 {strides = array<i32>} : memref<32x1024xf32, #tpu.memory_space<vmem>>, vector<1x16xf32>,
        %parallel_loop3A_1369 = vector.shape_cast %parallel_loop3A_1093 : vector<16xi32> to vector<16x1xi32>
        %parallel_loop3A_1370 = vector.shape_cast %parallel_loop3A_1369 : vector<16x1xi32> to vector<16xi32>
        %parallel_loop3A_1371 = tpu.dynamic_gather %get3A_582[%parallel_loop3A_1370] in [0] : vector<16xf32>, vector<16xi32> -> vector<16xf32>
        %parallel_loop3A_1372 = arith.constant 16 : i32
        %parallel_loop3A_1373 = arith.muli %parallel_loop3A_1086, %parallel_loop3A_1372 : i32
        %parallel_loop3A_1374 = arith.constant 25 : i32
        %parallel_loop3A_1375 = arith.index_cast %parallel_loop3A_1374 : i32 to index
        %parallel_loop3A_1376 = arith.index_cast %parallel_loop3A_1373 : i32 to index
        %parallel_loop3A_1377 = tpu.vector_load %arg11[%parallel_loop3A_1375, %parallel_loop3A_1376] {strides = array<i32>} : memref<32x1024xf32, #tpu.memory_space<vmem>>, vector<1x16xf32>,
        %parallel_loop3A_1378 = vector.shape_cast %parallel_loop3A_1377 : vector<1x16xf32> to vector<16xf32>
        %parallel_loop3A_1379 = vector.shape_cast %parallel_loop3A_1371 : vector<16xf32> to vector<1x16xf32>
        tpu.vector_store %arg11[%parallel_loop3A_1375, %parallel_loop3A_1376], %parallel_loop3A_1379 {strides = array<i32>} : memref<32x1024xf32, #tpu.memory_space<vmem>>, vector<1x16xf32>,
        %parallel_loop3A_1380 = vector.shape_cast %parallel_loop3A_1093 : vector<16xi32> to vector<16x1xi32>
        %parallel_loop3A_1381 = vector.shape_cast %parallel_loop3A_1380 : vector<16x1xi32> to vector<16xi32>
        %parallel_loop3A_1382 = tpu.dynamic_gather %get3A_585[%parallel_loop3A_1381] in [0] : vector<16xf32>, vector<16xi32> -> vector<16xf32>
        %parallel_loop3A_1383 = arith.constant 16 : i32
        %parallel_loop3A_1384 = arith.muli %parallel_loop3A_1086, %parallel_loop3A_1383 : i32
        %parallel_loop3A_1385 = arith.constant 26 : i32
        %parallel_loop3A_1386 = arith.index_cast %parallel_loop3A_1385 : i32 to index
        %parallel_loop3A_1387 = arith.index_cast %parallel_loop3A_1384 : i32 to index
        %parallel_loop3A_1388 = tpu.vector_load %arg11[%parallel_loop3A_1386, %parallel_loop3A_1387] {strides = array<i32>} : memref<32x1024xf32, #tpu.memory_space<vmem>>, vector<1x16xf32>,
        %parallel_loop3A_1389 = vector.shape_cast %parallel_loop3A_1388 : vector<1x16xf32> to vector<16xf32>
        %parallel_loop3A_1390 = vector.shape_cast %parallel_loop3A_1382 : vector<16xf32> to vector<1x16xf32>
        tpu.vector_store %arg11[%parallel_loop3A_1386, %parallel_loop3A_1387], %parallel_loop3A_1390 {strides = array<i32>} : memref<32x1024xf32, #tpu.memory_space<vmem>>, vector<1x16xf32>,
        %parallel_loop3A_1391 = vector.shape_cast %parallel_loop3A_1093 : vector<16xi32> to vector<16x1xi32>
        %parallel_loop3A_1392 = vector.shape_cast %parallel_loop3A_1391 : vector<16x1xi32> to vector<16xi32>
        %parallel_loop3A_1393 = tpu.dynamic_gather %get3A_588[%parallel_loop3A_1392] in [0] : vector<16xf32>, vector<16xi32> -> vector<16xf32>
        %parallel_loop3A_1394 = arith.constant 16 : i32
        %parallel_loop3A_1395 = arith.muli %parallel_loop3A_1086, %parallel_loop3A_1394 : i32
        %parallel_loop3A_1396 = arith.constant 27 : i32
        %parallel_loop3A_1397 = arith.index_cast %parallel_loop3A_1396 : i32 to index
        %parallel_loop3A_1398 = arith.index_cast %parallel_loop3A_1395 : i32 to index
        %parallel_loop3A_1399 = tpu.vector_load %arg11[%parallel_loop3A_1397, %parallel_loop3A_1398] {strides = array<i32>} : memref<32x1024xf32, #tpu.memory_space<vmem>>, vector<1x16xf32>,
        %parallel_loop3A_1400 = vector.shape_cast %parallel_loop3A_1399 : vector<1x16xf32> to vector<16xf32>
        %parallel_loop3A_1401 = vector.shape_cast %parallel_loop3A_1393 : vector<16xf32> to vector<1x16xf32>
        tpu.vector_store %arg11[%parallel_loop3A_1397, %parallel_loop3A_1398], %parallel_loop3A_1401 {strides = array<i32>} : memref<32x1024xf32, #tpu.memory_space<vmem>>, vector<1x16xf32>,
        %parallel_loop3A_1402 = vector.shape_cast %parallel_loop3A_1093 : vector<16xi32> to vector<16x1xi32>
        %parallel_loop3A_1403 = vector.shape_cast %parallel_loop3A_1402 : vector<16x1xi32> to vector<16xi32>
        %parallel_loop3A_1404 = tpu.dynamic_gather %get3A_591[%parallel_loop3A_1403] in [0] : vector<16xf32>, vector<16xi32> -> vector<16xf32>
        %parallel_loop3A_1405 = arith.constant 16 : i32
        %parallel_loop3A_1406 = arith.muli %parallel_loop3A_1086, %parallel_loop3A_1405 : i32
        %parallel_loop3A_1407 = arith.constant 28 : i32
        %parallel_loop3A_1408 = arith.index_cast %parallel_loop3A_1407 : i32 to index
        %parallel_loop3A_1409 = arith.index_cast %parallel_loop3A_1406 : i32 to index
        %parallel_loop3A_1410 = tpu.vector_load %arg11[%parallel_loop3A_1408, %parallel_loop3A_1409] {strides = array<i32>} : memref<32x1024xf32, #tpu.memory_space<vmem>>, vector<1x16xf32>,
        %parallel_loop3A_1411 = vector.shape_cast %parallel_loop3A_1410 : vector<1x16xf32> to vector<16xf32>
        %parallel_loop3A_1412 = vector.shape_cast %parallel_loop3A_1404 : vector<16xf32> to vector<1x16xf32>
        tpu.vector_store %arg11[%parallel_loop3A_1408, %parallel_loop3A_1409], %parallel_loop3A_1412 {strides = array<i32>} : memref<32x1024xf32, #tpu.memory_space<vmem>>, vector<1x16xf32>,
        %parallel_loop3A_1413 = vector.shape_cast %parallel_loop3A_1093 : vector<16xi32> to vector<16x1xi32>
        %parallel_loop3A_1414 = vector.shape_cast %parallel_loop3A_1413 : vector<16x1xi32> to vector<16xi32>
        %parallel_loop3A_1415 = tpu.dynamic_gather %get3A_594[%parallel_loop3A_1414] in [0] : vector<16xf32>, vector<16xi32> -> vector<16xf32>
        %parallel_loop3A_1416 = arith.constant 16 : i32
        %parallel_loop3A_1417 = arith.muli %parallel_loop3A_1086, %parallel_loop3A_1416 : i32
        %parallel_loop3A_1418 = arith.constant 29 : i32
        %parallel_loop3A_1419 = arith.index_cast %parallel_loop3A_1418 : i32 to index
        %parallel_loop3A_1420 = arith.index_cast %parallel_loop3A_1417 : i32 to index
        %parallel_loop3A_1421 = tpu.vector_load %arg11[%parallel_loop3A_1419, %parallel_loop3A_1420] {strides = array<i32>} : memref<32x1024xf32, #tpu.memory_space<vmem>>, vector<1x16xf32>,
        %parallel_loop3A_1422 = vector.shape_cast %parallel_loop3A_1421 : vector<1x16xf32> to vector<16xf32>
        %parallel_loop3A_1423 = vector.shape_cast %parallel_loop3A_1415 : vector<16xf32> to vector<1x16xf32>
        tpu.vector_store %arg11[%parallel_loop3A_1419, %parallel_loop3A_1420], %parallel_loop3A_1423 {strides = array<i32>} : memref<32x1024xf32, #tpu.memory_space<vmem>>, vector<1x16xf32>,
        %parallel_loop3A_1424 = vector.shape_cast %parallel_loop3A_1093 : vector<16xi32> to vector<16x1xi32>
        %parallel_loop3A_1425 = vector.shape_cast %parallel_loop3A_1424 : vector<16x1xi32> to vector<16xi32>
        %parallel_loop3A_1426 = tpu.dynamic_gather %get3A_597[%parallel_loop3A_1425] in [0] : vector<16xf32>, vector<16xi32> -> vector<16xf32>
        %parallel_loop3A_1427 = arith.constant 16 : i32
        %parallel_loop3A_1428 = arith.muli %parallel_loop3A_1086, %parallel_loop3A_1427 : i32
        %parallel_loop3A_1429 = arith.constant 30 : i32
        %parallel_loop3A_1430 = arith.index_cast %parallel_loop3A_1429 : i32 to index
        %parallel_loop3A_1431 = arith.index_cast %parallel_loop3A_1428 : i32 to index
        %parallel_loop3A_1432 = tpu.vector_load %arg11[%parallel_loop3A_1430, %parallel_loop3A_1431] {strides = array<i32>} : memref<32x1024xf32, #tpu.memory_space<vmem>>, vector<1x16xf32>,
        %parallel_loop3A_1433 = vector.shape_cast %parallel_loop3A_1432 : vector<1x16xf32> to vector<16xf32>
        %parallel_loop3A_1434 = vector.shape_cast %parallel_loop3A_1426 : vector<16xf32> to vector<1x16xf32>
        tpu.vector_store %arg11[%parallel_loop3A_1430, %parallel_loop3A_1431], %parallel_loop3A_1434 {strides = array<i32>} : memref<32x1024xf32, #tpu.memory_space<vmem>>, vector<1x16xf32>,
        %parallel_loop3A_1435 = vector.shape_cast %parallel_loop3A_1093 : vector<16xi32> to vector<16x1xi32>
        %parallel_loop3A_1436 = vector.shape_cast %parallel_loop3A_1435 : vector<16x1xi32> to vector<16xi32>
        %parallel_loop3A_1437 = tpu.dynamic_gather %get3A_600[%parallel_loop3A_1436] in [0] : vector<16xf32>, vector<16xi32> -> vector<16xf32>
        %parallel_loop3A_1438 = arith.constant 16 : i32
        %parallel_loop3A_1439 = arith.muli %parallel_loop3A_1086, %parallel_loop3A_1438 : i32
        %parallel_loop3A_1440 = arith.constant 31 : i32
        %parallel_loop3A_1441 = arith.index_cast %parallel_loop3A_1440 : i32 to index
        %parallel_loop3A_1442 = arith.index_cast %parallel_loop3A_1439 : i32 to index
        %parallel_loop3A_1443 = tpu.vector_load %arg11[%parallel_loop3A_1441, %parallel_loop3A_1442] {strides = array<i32>} : memref<32x1024xf32, #tpu.memory_space<vmem>>, vector<1x16xf32>,
        %parallel_loop3A_1444 = vector.shape_cast %parallel_loop3A_1443 : vector<1x16xf32> to vector<16xf32>
        %parallel_loop3A_1445 = vector.shape_cast %parallel_loop3A_1437 : vector<16xf32> to vector<1x16xf32>
        tpu.vector_store %arg11[%parallel_loop3A_1441, %parallel_loop3A_1442], %parallel_loop3A_1445 {strides = array<i32>} : memref<32x1024xf32, #tpu.memory_space<vmem>>, vector<1x16xf32>,
      } {sc.loop_unroll_factor = 1 : i64, sc.parallel_access}
      %mul3A_604 = arith.constant 1024 : i32
      %mul3A_605 = arith.muli %scan3A_144, %mul3A_604 : i32
      %add3A_606 = arith.addi %mul3A_32, %mul3A_605 : i32
      %dma_start3A_607 = arith.constant 3 : i32
      %dma_start3A_608 = arith.constant 0 : i32
      %dma_start3A_609 = tpu.memref_slice %arg5[%select_n3A, %dma_start3A_607, %dma_start3A_608, %add3A_606] : memref<8x8x32x16384xf32, #tpu.memory_space<hbm>> -> memref<1x1x32x1024xf32, #tpu.memory_space<hbm>>
      %dma_start3A_610 = tpu.memref_squeeze %dma_start3A_609 : memref<1x1x32x1024xf32, #tpu.memory_space<hbm>> -> memref<32x1024xf32, #tpu.memory_space<hbm>>
      %dma_start3A_611 = arith.constant 0 : i32
      %dma_start3A_612 = tpu.memref_slice %arg5[%select_n3A, %dma_start3A_607, %dma_start3A_611, %add3A_606] : memref<8x8x32x16384xf32, #tpu.memory_space<hbm>> -> memref<1x1x32x1024xf32, #tpu.memory_space<hbm>>
      %dma_start3A_613 = tpu.memref_squeeze %dma_start3A_612 : memref<1x1x32x1024xf32, #tpu.memory_space<hbm>> -> memref<32x1024xf32, #tpu.memory_space<hbm>>
      tpu.enqueue_dma source(%arg11 : memref<32x1024xf32, #tpu.memory_space<vmem>>) target(%dma_start3A_613 : memref<32x1024xf32, #tpu.memory_space<hbm>>) target_semaphore(%arg13 : memref<!tpu.dma_semaphore, #tpu.memory_space<semaphore_mem>>)
      %add3A_614 = arith.constant 0 : i32
      %add3A_615 = arith.addi %mul3A_32, %add3A_614 : i32
      %dma_wait3A_616 = arith.constant 0 : i32
      %dma_wait3A_617 = arith.constant 0 : i32
      %dma_wait3A_618 = tpu.memref_slice %arg5[%select_n3A, %dma_wait3A_616, %dma_wait3A_617, %add3A_615] : memref<8x8x32x16384xf32, #tpu.memory_space<hbm>> -> memref<1x1x32x1024xf32, #tpu.memory_space<hbm>>
      %dma_wait3A_619 = tpu.memref_squeeze %dma_wait3A_618 : memref<1x1x32x1024xf32, #tpu.memory_space<hbm>> -> memref<32x1024xf32, #tpu.memory_space<hbm>>
      %dma_wait3A_620 = arith.constant 0 : i32
      %dma_wait3A_621 = tpu.memref_slice %arg5[%select_n3A, %dma_wait3A_616, %dma_wait3A_620, %add3A_615] : memref<8x8x32x16384xf32, #tpu.memory_space<hbm>> -> memref<1x1x32x1024xf32, #tpu.memory_space<hbm>>
      %dma_wait3A_622 = tpu.memref_squeeze %dma_wait3A_621 : memref<1x1x32x1024xf32, #tpu.memory_space<hbm>> -> memref<32x1024xf32, #tpu.memory_space<hbm>>
      tpu.wait_dma2 semaphore(%arg12 : memref<!tpu.dma_semaphore, #tpu.memory_space<semaphore_mem>>) src(%arg10 : memref<32x1024xf32, #tpu.memory_space<vmem>>) dst(%dma_wait3A_622 : memref<32x1024xf32, #tpu.memory_space<hbm>>)
      %get3A_623 = arith.constant 2048 : index
      %get3A_624 = tpu.vector_load %arg8[%get3A_623] {strides = array<i32>} : memref<4096xf32, #tpu.memory_space<vmem>>, vector<16xf32>,
      %get3A_625 = vector.shape_cast %get3A_624 : vector<16xf32> to vector<16xf32>
      %get3A_626 = arith.constant 2064 : index
      %get3A_627 = tpu.vector_load %arg8[%get3A_626] {strides = array<i32>} : memref<4096xf32, #tpu.memory_space<vmem>>, vector<16xf32>,
      %get3A_628 = vector.shape_cast %get3A_627 : vector<16xf32> to vector<16xf32>
      %get3A_629 = arith.constant 2080 : index
      %get3A_630 = tpu.vector_load %arg8[%get3A_629] {strides = array<i32>} : memref<4096xf32, #tpu.memory_space<vmem>>, vector<16xf32>,
      %get3A_631 = vector.shape_cast %get3A_630 : vector<16xf32> to vector<16xf32>
      %get3A_632 = arith.constant 2096 : index
      %get3A_633 = tpu.vector_load %arg8[%get3A_632] {strides = array<i32>} : memref<4096xf32, #tpu.memory_space<vmem>>, vector<16xf32>,
      %get3A_634 = vector.shape_cast %get3A_633 : vector<16xf32> to vector<16xf32>
      %get3A_635 = arith.constant 2112 : index
      %get3A_636 = tpu.vector_load %arg8[%get3A_635] {strides = array<i32>} : memref<4096xf32, #tpu.memory_space<vmem>>, vector<16xf32>,
      %get3A_637 = vector.shape_cast %get3A_636 : vector<16xf32> to vector<16xf32>
      %get3A_638 = arith.constant 2128 : index
      %get3A_639 = tpu.vector_load %arg8[%get3A_638] {strides = array<i32>} : memref<4096xf32, #tpu.memory_space<vmem>>, vector<16xf32>,
      %get3A_640 = vector.shape_cast %get3A_639 : vector<16xf32> to vector<16xf32>
      %get3A_641 = arith.constant 2144 : index
      %get3A_642 = tpu.vector_load %arg8[%get3A_641] {strides = array<i32>} : memref<4096xf32, #tpu.memory_space<vmem>>, vector<16xf32>,
      %get3A_643 = vector.shape_cast %get3A_642 : vector<16xf32> to vector<16xf32>
      %get3A_644 = arith.constant 2160 : index
      %get3A_645 = tpu.vector_load %arg8[%get3A_644] {strides = array<i32>} : memref<4096xf32, #tpu.memory_space<vmem>>, vector<16xf32>,
      %get3A_646 = vector.shape_cast %get3A_645 : vector<16xf32> to vector<16xf32>
      %get3A_647 = arith.constant 2176 : index
      %get3A_648 = tpu.vector_load %arg8[%get3A_647] {strides = array<i32>} : memref<4096xf32, #tpu.memory_space<vmem>>, vector<16xf32>,
      %get3A_649 = vector.shape_cast %get3A_648 : vector<16xf32> to vector<16xf32>
      %get3A_650 = arith.constant 2192 : index
      %get3A_651 = tpu.vector_load %arg8[%get3A_650] {strides = array<i32>} : memref<4096xf32, #tpu.memory_space<vmem>>, vector<16xf32>,
      %get3A_652 = vector.shape_cast %get3A_651 : vector<16xf32> to vector<16xf32>
      %get3A_653 = arith.constant 2208 : index
      %get3A_654 = tpu.vector_load %arg8[%get3A_653] {strides = array<i32>} : memref<4096xf32, #tpu.memory_space<vmem>>, vector<16xf32>,
      %get3A_655 = vector.shape_cast %get3A_654 : vector<16xf32> to vector<16xf32>
      %get3A_656 = arith.constant 2224 : index
      %get3A_657 = tpu.vector_load %arg8[%get3A_656] {strides = array<i32>} : memref<4096xf32, #tpu.memory_space<vmem>>, vector<16xf32>,
      %get3A_658 = vector.shape_cast %get3A_657 : vector<16xf32> to vector<16xf32>
      %get3A_659 = arith.constant 2240 : index
      %get3A_660 = tpu.vector_load %arg8[%get3A_659] {strides = array<i32>} : memref<4096xf32, #tpu.memory_space<vmem>>, vector<16xf32>,
      %get3A_661 = vector.shape_cast %get3A_660 : vector<16xf32> to vector<16xf32>
      %get3A_662 = arith.constant 2256 : index
      %get3A_663 = tpu.vector_load %arg8[%get3A_662] {strides = array<i32>} : memref<4096xf32, #tpu.memory_space<vmem>>, vector<16xf32>,
      %get3A_664 = vector.shape_cast %get3A_663 : vector<16xf32> to vector<16xf32>
      %get3A_665 = arith.constant 2272 : index
      %get3A_666 = tpu.vector_load %arg8[%get3A_665] {strides = array<i32>} : memref<4096xf32, #tpu.memory_space<vmem>>, vector<16xf32>,
      %get3A_667 = vector.shape_cast %get3A_666 : vector<16xf32> to vector<16xf32>
      %get3A_668 = arith.constant 2288 : index
      %get3A_669 = tpu.vector_load %arg8[%get3A_668] {strides = array<i32>} : memref<4096xf32, #tpu.memory_space<vmem>>, vector<16xf32>,
      %get3A_670 = vector.shape_cast %get3A_669 : vector<16xf32> to vector<16xf32>
      %get3A_671 = arith.constant 2304 : index
      %get3A_672 = tpu.vector_load %arg8[%get3A_671] {strides = array<i32>} : memref<4096xf32, #tpu.memory_space<vmem>>, vector<16xf32>,
      %get3A_673 = vector.shape_cast %get3A_672 : vector<16xf32> to vector<16xf32>
      %get3A_674 = arith.constant 2320 : index
      %get3A_675 = tpu.vector_load %arg8[%get3A_674] {strides = array<i32>} : memref<4096xf32, #tpu.memory_space<vmem>>, vector<16xf32>,
      %get3A_676 = vector.shape_cast %get3A_675 : vector<16xf32> to vector<16xf32>
      %get3A_677 = arith.constant 2336 : index
      %get3A_678 = tpu.vector_load %arg8[%get3A_677] {strides = array<i32>} : memref<4096xf32, #tpu.memory_space<vmem>>, vector<16xf32>,
      %get3A_679 = vector.shape_cast %get3A_678 : vector<16xf32> to vector<16xf32>
      %get3A_680 = arith.constant 2352 : index
      %get3A_681 = tpu.vector_load %arg8[%get3A_680] {strides = array<i32>} : memref<4096xf32, #tpu.memory_space<vmem>>, vector<16xf32>,
      %get3A_682 = vector.shape_cast %get3A_681 : vector<16xf32> to vector<16xf32>
      %get3A_683 = arith.constant 2368 : index
      %get3A_684 = tpu.vector_load %arg8[%get3A_683] {strides = array<i32>} : memref<4096xf32, #tpu.memory_space<vmem>>, vector<16xf32>,
      %get3A_685 = vector.shape_cast %get3A_684 : vector<16xf32> to vector<16xf32>
      %get3A_686 = arith.constant 2384 : index
      %get3A_687 = tpu.vector_load %arg8[%get3A_686] {strides = array<i32>} : memref<4096xf32, #tpu.memory_space<vmem>>, vector<16xf32>,
      %get3A_688 = vector.shape_cast %get3A_687 : vector<16xf32> to vector<16xf32>
      %get3A_689 = arith.constant 2400 : index
      %get3A_690 = tpu.vector_load %arg8[%get3A_689] {strides = array<i32>} : memref<4096xf32, #tpu.memory_space<vmem>>, vector<16xf32>,
      %get3A_691 = vector.shape_cast %get3A_690 : vector<16xf32> to vector<16xf32>
      %get3A_692 = arith.constant 2416 : index
      %get3A_693 = tpu.vector_load %arg8[%get3A_692] {strides = array<i32>} : memref<4096xf32, #tpu.memory_space<vmem>>, vector<16xf32>,
      %get3A_694 = vector.shape_cast %get3A_693 : vector<16xf32> to vector<16xf32>
      %get3A_695 = arith.constant 2432 : index
      %get3A_696 = tpu.vector_load %arg8[%get3A_695] {strides = array<i32>} : memref<4096xf32, #tpu.memory_space<vmem>>, vector<16xf32>,
      %get3A_697 = vector.shape_cast %get3A_696 : vector<16xf32> to vector<16xf32>
      %get3A_698 = arith.constant 2448 : index
      %get3A_699 = tpu.vector_load %arg8[%get3A_698] {strides = array<i32>} : memref<4096xf32, #tpu.memory_space<vmem>>, vector<16xf32>,
      %get3A_700 = vector.shape_cast %get3A_699 : vector<16xf32> to vector<16xf32>
      %get3A_701 = arith.constant 2464 : index
      %get3A_702 = tpu.vector_load %arg8[%get3A_701] {strides = array<i32>} : memref<4096xf32, #tpu.memory_space<vmem>>, vector<16xf32>,
      %get3A_703 = vector.shape_cast %get3A_702 : vector<16xf32> to vector<16xf32>
      %get3A_704 = arith.constant 2480 : index
      %get3A_705 = tpu.vector_load %arg8[%get3A_704] {strides = array<i32>} : memref<4096xf32, #tpu.memory_space<vmem>>, vector<16xf32>,
      %get3A_706 = vector.shape_cast %get3A_705 : vector<16xf32> to vector<16xf32>
      %get3A_707 = arith.constant 2496 : index
      %get3A_708 = tpu.vector_load %arg8[%get3A_707] {strides = array<i32>} : memref<4096xf32, #tpu.memory_space<vmem>>, vector<16xf32>,
      %get3A_709 = vector.shape_cast %get3A_708 : vector<16xf32> to vector<16xf32>
      %get3A_710 = arith.constant 2512 : index
      %get3A_711 = tpu.vector_load %arg8[%get3A_710] {strides = array<i32>} : memref<4096xf32, #tpu.memory_space<vmem>>, vector<16xf32>,
      %get3A_712 = vector.shape_cast %get3A_711 : vector<16xf32> to vector<16xf32>
      %get3A_713 = arith.constant 2528 : index
      %get3A_714 = tpu.vector_load %arg8[%get3A_713] {strides = array<i32>} : memref<4096xf32, #tpu.memory_space<vmem>>, vector<16xf32>,
      %get3A_715 = vector.shape_cast %get3A_714 : vector<16xf32> to vector<16xf32>
      %get3A_716 = arith.constant 2544 : index
      %get3A_717 = tpu.vector_load %arg8[%get3A_716] {strides = array<i32>} : memref<4096xf32, #tpu.memory_space<vmem>>, vector<16xf32>,
      %get3A_718 = vector.shape_cast %get3A_717 : vector<16xf32> to vector<16xf32>
      %parallel_loop3A_719 = arith.constant 0 : i32
      %parallel_loop3A_720 = arith.constant 64 : i32
      %parallel_loop3A_721 = arith.constant 1 : i32
      scf.for %parallel_loop3A_1086 = %parallel_loop3A_719 to %parallel_loop3A_720 step %parallel_loop3A_721  : i32 {
        %parallel_loop3A_1087 = arith.constant 16 : i32
        %parallel_loop3A_1088 = arith.muli %parallel_loop3A_1086, %parallel_loop3A_1087 : i32
        %parallel_loop3A_1089 = arith.constant 4 : i32
        %parallel_loop3A_1090 = arith.index_cast %parallel_loop3A_1089 : i32 to index
        %parallel_loop3A_1091 = arith.index_cast %parallel_loop3A_1088 : i32 to index
        %parallel_loop3A_1092 = tpu.vector_load %arg9[%parallel_loop3A_1090, %parallel_loop3A_1091] {strides = array<i32>} : memref<8x1024xi32, #tpu.memory_space<vmem>>, vector<1x16xi32>,
        %parallel_loop3A_1093 = vector.shape_cast %parallel_loop3A_1092 : vector<1x16xi32> to vector<16xi32>
        %parallel_loop3A_1094 = vector.shape_cast %parallel_loop3A_1093 : vector<16xi32> to vector<16x1xi32>
        %parallel_loop3A_1095 = vector.shape_cast %parallel_loop3A_1094 : vector<16x1xi32> to vector<16xi32>
        %parallel_loop3A_1096 = tpu.dynamic_gather %get3A_625[%parallel_loop3A_1095] in [0] : vector<16xf32>, vector<16xi32> -> vector<16xf32>
        %parallel_loop3A_1097 = arith.constant 16 : i32
        %parallel_loop3A_1098 = arith.muli %parallel_loop3A_1086, %parallel_loop3A_1097 : i32
        %parallel_loop3A_1099 = arith.constant 0 : i32
        %parallel_loop3A_1100 = arith.index_cast %parallel_loop3A_1099 : i32 to index
        %parallel_loop3A_1101 = arith.index_cast %parallel_loop3A_1098 : i32 to index
        %parallel_loop3A_1102 = tpu.vector_load %arg10[%parallel_loop3A_1100, %parallel_loop3A_1101] {strides = array<i32>} : memref<32x1024xf32, #tpu.memory_space<vmem>>, vector<1x16xf32>,
        %parallel_loop3A_1103 = vector.shape_cast %parallel_loop3A_1102 : vector<1x16xf32> to vector<16xf32>
        %parallel_loop3A_1104 = vector.shape_cast %parallel_loop3A_1096 : vector<16xf32> to vector<1x16xf32>
        tpu.vector_store %arg10[%parallel_loop3A_1100, %parallel_loop3A_1101], %parallel_loop3A_1104 {strides = array<i32>} : memref<32x1024xf32, #tpu.memory_space<vmem>>, vector<1x16xf32>,
        %parallel_loop3A_1105 = vector.shape_cast %parallel_loop3A_1093 : vector<16xi32> to vector<16x1xi32>
        %parallel_loop3A_1106 = vector.shape_cast %parallel_loop3A_1105 : vector<16x1xi32> to vector<16xi32>
        %parallel_loop3A_1107 = tpu.dynamic_gather %get3A_628[%parallel_loop3A_1106] in [0] : vector<16xf32>, vector<16xi32> -> vector<16xf32>
        %parallel_loop3A_1108 = arith.constant 16 : i32
        %parallel_loop3A_1109 = arith.muli %parallel_loop3A_1086, %parallel_loop3A_1108 : i32
        %parallel_loop3A_1110 = arith.constant 1 : i32
        %parallel_loop3A_1111 = arith.index_cast %parallel_loop3A_1110 : i32 to index
        %parallel_loop3A_1112 = arith.index_cast %parallel_loop3A_1109 : i32 to index
        %parallel_loop3A_1113 = tpu.vector_load %arg10[%parallel_loop3A_1111, %parallel_loop3A_1112] {strides = array<i32>} : memref<32x1024xf32, #tpu.memory_space<vmem>>, vector<1x16xf32>,
        %parallel_loop3A_1114 = vector.shape_cast %parallel_loop3A_1113 : vector<1x16xf32> to vector<16xf32>
        %parallel_loop3A_1115 = vector.shape_cast %parallel_loop3A_1107 : vector<16xf32> to vector<1x16xf32>
        tpu.vector_store %arg10[%parallel_loop3A_1111, %parallel_loop3A_1112], %parallel_loop3A_1115 {strides = array<i32>} : memref<32x1024xf32, #tpu.memory_space<vmem>>, vector<1x16xf32>,
        %parallel_loop3A_1116 = vector.shape_cast %parallel_loop3A_1093 : vector<16xi32> to vector<16x1xi32>
        %parallel_loop3A_1117 = vector.shape_cast %parallel_loop3A_1116 : vector<16x1xi32> to vector<16xi32>
        %parallel_loop3A_1118 = tpu.dynamic_gather %get3A_631[%parallel_loop3A_1117] in [0] : vector<16xf32>, vector<16xi32> -> vector<16xf32>
        %parallel_loop3A_1119 = arith.constant 16 : i32
        %parallel_loop3A_1120 = arith.muli %parallel_loop3A_1086, %parallel_loop3A_1119 : i32
        %parallel_loop3A_1121 = arith.constant 2 : i32
        %parallel_loop3A_1122 = arith.index_cast %parallel_loop3A_1121 : i32 to index
        %parallel_loop3A_1123 = arith.index_cast %parallel_loop3A_1120 : i32 to index
        %parallel_loop3A_1124 = tpu.vector_load %arg10[%parallel_loop3A_1122, %parallel_loop3A_1123] {strides = array<i32>} : memref<32x1024xf32, #tpu.memory_space<vmem>>, vector<1x16xf32>,
        %parallel_loop3A_1125 = vector.shape_cast %parallel_loop3A_1124 : vector<1x16xf32> to vector<16xf32>
        %parallel_loop3A_1126 = vector.shape_cast %parallel_loop3A_1118 : vector<16xf32> to vector<1x16xf32>
        tpu.vector_store %arg10[%parallel_loop3A_1122, %parallel_loop3A_1123], %parallel_loop3A_1126 {strides = array<i32>} : memref<32x1024xf32, #tpu.memory_space<vmem>>, vector<1x16xf32>,
        %parallel_loop3A_1127 = vector.shape_cast %parallel_loop3A_1093 : vector<16xi32> to vector<16x1xi32>
        %parallel_loop3A_1128 = vector.shape_cast %parallel_loop3A_1127 : vector<16x1xi32> to vector<16xi32>
        %parallel_loop3A_1129 = tpu.dynamic_gather %get3A_634[%parallel_loop3A_1128] in [0] : vector<16xf32>, vector<16xi32> -> vector<16xf32>
        %parallel_loop3A_1130 = arith.constant 16 : i32
        %parallel_loop3A_1131 = arith.muli %parallel_loop3A_1086, %parallel_loop3A_1130 : i32
        %parallel_loop3A_1132 = arith.constant 3 : i32
        %parallel_loop3A_1133 = arith.index_cast %parallel_loop3A_1132 : i32 to index
        %parallel_loop3A_1134 = arith.index_cast %parallel_loop3A_1131 : i32 to index
        %parallel_loop3A_1135 = tpu.vector_load %arg10[%parallel_loop3A_1133, %parallel_loop3A_1134] {strides = array<i32>} : memref<32x1024xf32, #tpu.memory_space<vmem>>, vector<1x16xf32>,
        %parallel_loop3A_1136 = vector.shape_cast %parallel_loop3A_1135 : vector<1x16xf32> to vector<16xf32>
        %parallel_loop3A_1137 = vector.shape_cast %parallel_loop3A_1129 : vector<16xf32> to vector<1x16xf32>
        tpu.vector_store %arg10[%parallel_loop3A_1133, %parallel_loop3A_1134], %parallel_loop3A_1137 {strides = array<i32>} : memref<32x1024xf32, #tpu.memory_space<vmem>>, vector<1x16xf32>,
        %parallel_loop3A_1138 = vector.shape_cast %parallel_loop3A_1093 : vector<16xi32> to vector<16x1xi32>
        %parallel_loop3A_1139 = vector.shape_cast %parallel_loop3A_1138 : vector<16x1xi32> to vector<16xi32>
        %parallel_loop3A_1140 = tpu.dynamic_gather %get3A_637[%parallel_loop3A_1139] in [0] : vector<16xf32>, vector<16xi32> -> vector<16xf32>
        %parallel_loop3A_1141 = arith.constant 16 : i32
        %parallel_loop3A_1142 = arith.muli %parallel_loop3A_1086, %parallel_loop3A_1141 : i32
        %parallel_loop3A_1143 = arith.constant 4 : i32
        %parallel_loop3A_1144 = arith.index_cast %parallel_loop3A_1143 : i32 to index
        %parallel_loop3A_1145 = arith.index_cast %parallel_loop3A_1142 : i32 to index
        %parallel_loop3A_1146 = tpu.vector_load %arg10[%parallel_loop3A_1144, %parallel_loop3A_1145] {strides = array<i32>} : memref<32x1024xf32, #tpu.memory_space<vmem>>, vector<1x16xf32>,
        %parallel_loop3A_1147 = vector.shape_cast %parallel_loop3A_1146 : vector<1x16xf32> to vector<16xf32>
        %parallel_loop3A_1148 = vector.shape_cast %parallel_loop3A_1140 : vector<16xf32> to vector<1x16xf32>
        tpu.vector_store %arg10[%parallel_loop3A_1144, %parallel_loop3A_1145], %parallel_loop3A_1148 {strides = array<i32>} : memref<32x1024xf32, #tpu.memory_space<vmem>>, vector<1x16xf32>,
        %parallel_loop3A_1149 = vector.shape_cast %parallel_loop3A_1093 : vector<16xi32> to vector<16x1xi32>
        %parallel_loop3A_1150 = vector.shape_cast %parallel_loop3A_1149 : vector<16x1xi32> to vector<16xi32>
        %parallel_loop3A_1151 = tpu.dynamic_gather %get3A_640[%parallel_loop3A_1150] in [0] : vector<16xf32>, vector<16xi32> -> vector<16xf32>
        %parallel_loop3A_1152 = arith.constant 16 : i32
        %parallel_loop3A_1153 = arith.muli %parallel_loop3A_1086, %parallel_loop3A_1152 : i32
        %parallel_loop3A_1154 = arith.constant 5 : i32
        %parallel_loop3A_1155 = arith.index_cast %parallel_loop3A_1154 : i32 to index
        %parallel_loop3A_1156 = arith.index_cast %parallel_loop3A_1153 : i32 to index
        %parallel_loop3A_1157 = tpu.vector_load %arg10[%parallel_loop3A_1155, %parallel_loop3A_1156] {strides = array<i32>} : memref<32x1024xf32, #tpu.memory_space<vmem>>, vector<1x16xf32>,
        %parallel_loop3A_1158 = vector.shape_cast %parallel_loop3A_1157 : vector<1x16xf32> to vector<16xf32>
        %parallel_loop3A_1159 = vector.shape_cast %parallel_loop3A_1151 : vector<16xf32> to vector<1x16xf32>
        tpu.vector_store %arg10[%parallel_loop3A_1155, %parallel_loop3A_1156], %parallel_loop3A_1159 {strides = array<i32>} : memref<32x1024xf32, #tpu.memory_space<vmem>>, vector<1x16xf32>,
        %parallel_loop3A_1160 = vector.shape_cast %parallel_loop3A_1093 : vector<16xi32> to vector<16x1xi32>
        %parallel_loop3A_1161 = vector.shape_cast %parallel_loop3A_1160 : vector<16x1xi32> to vector<16xi32>
        %parallel_loop3A_1162 = tpu.dynamic_gather %get3A_643[%parallel_loop3A_1161] in [0] : vector<16xf32>, vector<16xi32> -> vector<16xf32>
        %parallel_loop3A_1163 = arith.constant 16 : i32
        %parallel_loop3A_1164 = arith.muli %parallel_loop3A_1086, %parallel_loop3A_1163 : i32
        %parallel_loop3A_1165 = arith.constant 6 : i32
        %parallel_loop3A_1166 = arith.index_cast %parallel_loop3A_1165 : i32 to index
        %parallel_loop3A_1167 = arith.index_cast %parallel_loop3A_1164 : i32 to index
        %parallel_loop3A_1168 = tpu.vector_load %arg10[%parallel_loop3A_1166, %parallel_loop3A_1167] {strides = array<i32>} : memref<32x1024xf32, #tpu.memory_space<vmem>>, vector<1x16xf32>,
        %parallel_loop3A_1169 = vector.shape_cast %parallel_loop3A_1168 : vector<1x16xf32> to vector<16xf32>
        %parallel_loop3A_1170 = vector.shape_cast %parallel_loop3A_1162 : vector<16xf32> to vector<1x16xf32>
        tpu.vector_store %arg10[%parallel_loop3A_1166, %parallel_loop3A_1167], %parallel_loop3A_1170 {strides = array<i32>} : memref<32x1024xf32, #tpu.memory_space<vmem>>, vector<1x16xf32>,
        %parallel_loop3A_1171 = vector.shape_cast %parallel_loop3A_1093 : vector<16xi32> to vector<16x1xi32>
        %parallel_loop3A_1172 = vector.shape_cast %parallel_loop3A_1171 : vector<16x1xi32> to vector<16xi32>
        %parallel_loop3A_1173 = tpu.dynamic_gather %get3A_646[%parallel_loop3A_1172] in [0] : vector<16xf32>, vector<16xi32> -> vector<16xf32>
        %parallel_loop3A_1174 = arith.constant 16 : i32
        %parallel_loop3A_1175 = arith.muli %parallel_loop3A_1086, %parallel_loop3A_1174 : i32
        %parallel_loop3A_1176 = arith.constant 7 : i32
        %parallel_loop3A_1177 = arith.index_cast %parallel_loop3A_1176 : i32 to index
        %parallel_loop3A_1178 = arith.index_cast %parallel_loop3A_1175 : i32 to index
        %parallel_loop3A_1179 = tpu.vector_load %arg10[%parallel_loop3A_1177, %parallel_loop3A_1178] {strides = array<i32>} : memref<32x1024xf32, #tpu.memory_space<vmem>>, vector<1x16xf32>,
        %parallel_loop3A_1180 = vector.shape_cast %parallel_loop3A_1179 : vector<1x16xf32> to vector<16xf32>
        %parallel_loop3A_1181 = vector.shape_cast %parallel_loop3A_1173 : vector<16xf32> to vector<1x16xf32>
        tpu.vector_store %arg10[%parallel_loop3A_1177, %parallel_loop3A_1178], %parallel_loop3A_1181 {strides = array<i32>} : memref<32x1024xf32, #tpu.memory_space<vmem>>, vector<1x16xf32>,
        %parallel_loop3A_1182 = vector.shape_cast %parallel_loop3A_1093 : vector<16xi32> to vector<16x1xi32>
        %parallel_loop3A_1183 = vector.shape_cast %parallel_loop3A_1182 : vector<16x1xi32> to vector<16xi32>
        %parallel_loop3A_1184 = tpu.dynamic_gather %get3A_649[%parallel_loop3A_1183] in [0] : vector<16xf32>, vector<16xi32> -> vector<16xf32>
        %parallel_loop3A_1185 = arith.constant 16 : i32
        %parallel_loop3A_1186 = arith.muli %parallel_loop3A_1086, %parallel_loop3A_1185 : i32
        %parallel_loop3A_1187 = arith.constant 8 : i32
        %parallel_loop3A_1188 = arith.index_cast %parallel_loop3A_1187 : i32 to index
        %parallel_loop3A_1189 = arith.index_cast %parallel_loop3A_1186 : i32 to index
        %parallel_loop3A_1190 = tpu.vector_load %arg10[%parallel_loop3A_1188, %parallel_loop3A_1189] {strides = array<i32>} : memref<32x1024xf32, #tpu.memory_space<vmem>>, vector<1x16xf32>,
        %parallel_loop3A_1191 = vector.shape_cast %parallel_loop3A_1190 : vector<1x16xf32> to vector<16xf32>
        %parallel_loop3A_1192 = vector.shape_cast %parallel_loop3A_1184 : vector<16xf32> to vector<1x16xf32>
        tpu.vector_store %arg10[%parallel_loop3A_1188, %parallel_loop3A_1189], %parallel_loop3A_1192 {strides = array<i32>} : memref<32x1024xf32, #tpu.memory_space<vmem>>, vector<1x16xf32>,
        %parallel_loop3A_1193 = vector.shape_cast %parallel_loop3A_1093 : vector<16xi32> to vector<16x1xi32>
        %parallel_loop3A_1194 = vector.shape_cast %parallel_loop3A_1193 : vector<16x1xi32> to vector<16xi32>
        %parallel_loop3A_1195 = tpu.dynamic_gather %get3A_652[%parallel_loop3A_1194] in [0] : vector<16xf32>, vector<16xi32> -> vector<16xf32>
        %parallel_loop3A_1196 = arith.constant 16 : i32
        %parallel_loop3A_1197 = arith.muli %parallel_loop3A_1086, %parallel_loop3A_1196 : i32
        %parallel_loop3A_1198 = arith.constant 9 : i32
        %parallel_loop3A_1199 = arith.index_cast %parallel_loop3A_1198 : i32 to index
        %parallel_loop3A_1200 = arith.index_cast %parallel_loop3A_1197 : i32 to index
        %parallel_loop3A_1201 = tpu.vector_load %arg10[%parallel_loop3A_1199, %parallel_loop3A_1200] {strides = array<i32>} : memref<32x1024xf32, #tpu.memory_space<vmem>>, vector<1x16xf32>,
        %parallel_loop3A_1202 = vector.shape_cast %parallel_loop3A_1201 : vector<1x16xf32> to vector<16xf32>
        %parallel_loop3A_1203 = vector.shape_cast %parallel_loop3A_1195 : vector<16xf32> to vector<1x16xf32>
        tpu.vector_store %arg10[%parallel_loop3A_1199, %parallel_loop3A_1200], %parallel_loop3A_1203 {strides = array<i32>} : memref<32x1024xf32, #tpu.memory_space<vmem>>, vector<1x16xf32>,
        %parallel_loop3A_1204 = vector.shape_cast %parallel_loop3A_1093 : vector<16xi32> to vector<16x1xi32>
        %parallel_loop3A_1205 = vector.shape_cast %parallel_loop3A_1204 : vector<16x1xi32> to vector<16xi32>
        %parallel_loop3A_1206 = tpu.dynamic_gather %get3A_655[%parallel_loop3A_1205] in [0] : vector<16xf32>, vector<16xi32> -> vector<16xf32>
        %parallel_loop3A_1207 = arith.constant 16 : i32
        %parallel_loop3A_1208 = arith.muli %parallel_loop3A_1086, %parallel_loop3A_1207 : i32
        %parallel_loop3A_1209 = arith.constant 10 : i32
        %parallel_loop3A_1210 = arith.index_cast %parallel_loop3A_1209 : i32 to index
        %parallel_loop3A_1211 = arith.index_cast %parallel_loop3A_1208 : i32 to index
        %parallel_loop3A_1212 = tpu.vector_load %arg10[%parallel_loop3A_1210, %parallel_loop3A_1211] {strides = array<i32>} : memref<32x1024xf32, #tpu.memory_space<vmem>>, vector<1x16xf32>,
        %parallel_loop3A_1213 = vector.shape_cast %parallel_loop3A_1212 : vector<1x16xf32> to vector<16xf32>
        %parallel_loop3A_1214 = vector.shape_cast %parallel_loop3A_1206 : vector<16xf32> to vector<1x16xf32>
        tpu.vector_store %arg10[%parallel_loop3A_1210, %parallel_loop3A_1211], %parallel_loop3A_1214 {strides = array<i32>} : memref<32x1024xf32, #tpu.memory_space<vmem>>, vector<1x16xf32>,
        %parallel_loop3A_1215 = vector.shape_cast %parallel_loop3A_1093 : vector<16xi32> to vector<16x1xi32>
        %parallel_loop3A_1216 = vector.shape_cast %parallel_loop3A_1215 : vector<16x1xi32> to vector<16xi32>
        %parallel_loop3A_1217 = tpu.dynamic_gather %get3A_658[%parallel_loop3A_1216] in [0] : vector<16xf32>, vector<16xi32> -> vector<16xf32>
        %parallel_loop3A_1218 = arith.constant 16 : i32
        %parallel_loop3A_1219 = arith.muli %parallel_loop3A_1086, %parallel_loop3A_1218 : i32
        %parallel_loop3A_1220 = arith.constant 11 : i32
        %parallel_loop3A_1221 = arith.index_cast %parallel_loop3A_1220 : i32 to index
        %parallel_loop3A_1222 = arith.index_cast %parallel_loop3A_1219 : i32 to index
        %parallel_loop3A_1223 = tpu.vector_load %arg10[%parallel_loop3A_1221, %parallel_loop3A_1222] {strides = array<i32>} : memref<32x1024xf32, #tpu.memory_space<vmem>>, vector<1x16xf32>,
        %parallel_loop3A_1224 = vector.shape_cast %parallel_loop3A_1223 : vector<1x16xf32> to vector<16xf32>
        %parallel_loop3A_1225 = vector.shape_cast %parallel_loop3A_1217 : vector<16xf32> to vector<1x16xf32>
        tpu.vector_store %arg10[%parallel_loop3A_1221, %parallel_loop3A_1222], %parallel_loop3A_1225 {strides = array<i32>} : memref<32x1024xf32, #tpu.memory_space<vmem>>, vector<1x16xf32>,
        %parallel_loop3A_1226 = vector.shape_cast %parallel_loop3A_1093 : vector<16xi32> to vector<16x1xi32>
        %parallel_loop3A_1227 = vector.shape_cast %parallel_loop3A_1226 : vector<16x1xi32> to vector<16xi32>
        %parallel_loop3A_1228 = tpu.dynamic_gather %get3A_661[%parallel_loop3A_1227] in [0] : vector<16xf32>, vector<16xi32> -> vector<16xf32>
        %parallel_loop3A_1229 = arith.constant 16 : i32
        %parallel_loop3A_1230 = arith.muli %parallel_loop3A_1086, %parallel_loop3A_1229 : i32
        %parallel_loop3A_1231 = arith.constant 12 : i32
        %parallel_loop3A_1232 = arith.index_cast %parallel_loop3A_1231 : i32 to index
        %parallel_loop3A_1233 = arith.index_cast %parallel_loop3A_1230 : i32 to index
        %parallel_loop3A_1234 = tpu.vector_load %arg10[%parallel_loop3A_1232, %parallel_loop3A_1233] {strides = array<i32>} : memref<32x1024xf32, #tpu.memory_space<vmem>>, vector<1x16xf32>,
        %parallel_loop3A_1235 = vector.shape_cast %parallel_loop3A_1234 : vector<1x16xf32> to vector<16xf32>
        %parallel_loop3A_1236 = vector.shape_cast %parallel_loop3A_1228 : vector<16xf32> to vector<1x16xf32>
        tpu.vector_store %arg10[%parallel_loop3A_1232, %parallel_loop3A_1233], %parallel_loop3A_1236 {strides = array<i32>} : memref<32x1024xf32, #tpu.memory_space<vmem>>, vector<1x16xf32>,
        %parallel_loop3A_1237 = vector.shape_cast %parallel_loop3A_1093 : vector<16xi32> to vector<16x1xi32>
        %parallel_loop3A_1238 = vector.shape_cast %parallel_loop3A_1237 : vector<16x1xi32> to vector<16xi32>
        %parallel_loop3A_1239 = tpu.dynamic_gather %get3A_664[%parallel_loop3A_1238] in [0] : vector<16xf32>, vector<16xi32> -> vector<16xf32>
        %parallel_loop3A_1240 = arith.constant 16 : i32
        %parallel_loop3A_1241 = arith.muli %parallel_loop3A_1086, %parallel_loop3A_1240 : i32
        %parallel_loop3A_1242 = arith.constant 13 : i32
        %parallel_loop3A_1243 = arith.index_cast %parallel_loop3A_1242 : i32 to index
        %parallel_loop3A_1244 = arith.index_cast %parallel_loop3A_1241 : i32 to index
        %parallel_loop3A_1245 = tpu.vector_load %arg10[%parallel_loop3A_1243, %parallel_loop3A_1244] {strides = array<i32>} : memref<32x1024xf32, #tpu.memory_space<vmem>>, vector<1x16xf32>,
        %parallel_loop3A_1246 = vector.shape_cast %parallel_loop3A_1245 : vector<1x16xf32> to vector<16xf32>
        %parallel_loop3A_1247 = vector.shape_cast %parallel_loop3A_1239 : vector<16xf32> to vector<1x16xf32>
        tpu.vector_store %arg10[%parallel_loop3A_1243, %parallel_loop3A_1244], %parallel_loop3A_1247 {strides = array<i32>} : memref<32x1024xf32, #tpu.memory_space<vmem>>, vector<1x16xf32>,
        %parallel_loop3A_1248 = vector.shape_cast %parallel_loop3A_1093 : vector<16xi32> to vector<16x1xi32>
        %parallel_loop3A_1249 = vector.shape_cast %parallel_loop3A_1248 : vector<16x1xi32> to vector<16xi32>
        %parallel_loop3A_1250 = tpu.dynamic_gather %get3A_667[%parallel_loop3A_1249] in [0] : vector<16xf32>, vector<16xi32> -> vector<16xf32>
        %parallel_loop3A_1251 = arith.constant 16 : i32
        %parallel_loop3A_1252 = arith.muli %parallel_loop3A_1086, %parallel_loop3A_1251 : i32
        %parallel_loop3A_1253 = arith.constant 14 : i32
        %parallel_loop3A_1254 = arith.index_cast %parallel_loop3A_1253 : i32 to index
        %parallel_loop3A_1255 = arith.index_cast %parallel_loop3A_1252 : i32 to index
        %parallel_loop3A_1256 = tpu.vector_load %arg10[%parallel_loop3A_1254, %parallel_loop3A_1255] {strides = array<i32>} : memref<32x1024xf32, #tpu.memory_space<vmem>>, vector<1x16xf32>,
        %parallel_loop3A_1257 = vector.shape_cast %parallel_loop3A_1256 : vector<1x16xf32> to vector<16xf32>
        %parallel_loop3A_1258 = vector.shape_cast %parallel_loop3A_1250 : vector<16xf32> to vector<1x16xf32>
        tpu.vector_store %arg10[%parallel_loop3A_1254, %parallel_loop3A_1255], %parallel_loop3A_1258 {strides = array<i32>} : memref<32x1024xf32, #tpu.memory_space<vmem>>, vector<1x16xf32>,
        %parallel_loop3A_1259 = vector.shape_cast %parallel_loop3A_1093 : vector<16xi32> to vector<16x1xi32>
        %parallel_loop3A_1260 = vector.shape_cast %parallel_loop3A_1259 : vector<16x1xi32> to vector<16xi32>
        %parallel_loop3A_1261 = tpu.dynamic_gather %get3A_670[%parallel_loop3A_1260] in [0] : vector<16xf32>, vector<16xi32> -> vector<16xf32>
        %parallel_loop3A_1262 = arith.constant 16 : i32
        %parallel_loop3A_1263 = arith.muli %parallel_loop3A_1086, %parallel_loop3A_1262 : i32
        %parallel_loop3A_1264 = arith.constant 15 : i32
        %parallel_loop3A_1265 = arith.index_cast %parallel_loop3A_1264 : i32 to index
        %parallel_loop3A_1266 = arith.index_cast %parallel_loop3A_1263 : i32 to index
        %parallel_loop3A_1267 = tpu.vector_load %arg10[%parallel_loop3A_1265, %parallel_loop3A_1266] {strides = array<i32>} : memref<32x1024xf32, #tpu.memory_space<vmem>>, vector<1x16xf32>,
        %parallel_loop3A_1268 = vector.shape_cast %parallel_loop3A_1267 : vector<1x16xf32> to vector<16xf32>
        %parallel_loop3A_1269 = vector.shape_cast %parallel_loop3A_1261 : vector<16xf32> to vector<1x16xf32>
        tpu.vector_store %arg10[%parallel_loop3A_1265, %parallel_loop3A_1266], %parallel_loop3A_1269 {strides = array<i32>} : memref<32x1024xf32, #tpu.memory_space<vmem>>, vector<1x16xf32>,
        %parallel_loop3A_1270 = vector.shape_cast %parallel_loop3A_1093 : vector<16xi32> to vector<16x1xi32>
        %parallel_loop3A_1271 = vector.shape_cast %parallel_loop3A_1270 : vector<16x1xi32> to vector<16xi32>
        %parallel_loop3A_1272 = tpu.dynamic_gather %get3A_673[%parallel_loop3A_1271] in [0] : vector<16xf32>, vector<16xi32> -> vector<16xf32>
        %parallel_loop3A_1273 = arith.constant 16 : i32
        %parallel_loop3A_1274 = arith.muli %parallel_loop3A_1086, %parallel_loop3A_1273 : i32
        %parallel_loop3A_1275 = arith.constant 16 : i32
        %parallel_loop3A_1276 = arith.index_cast %parallel_loop3A_1275 : i32 to index
        %parallel_loop3A_1277 = arith.index_cast %parallel_loop3A_1274 : i32 to index
        %parallel_loop3A_1278 = tpu.vector_load %arg10[%parallel_loop3A_1276, %parallel_loop3A_1277] {strides = array<i32>} : memref<32x1024xf32, #tpu.memory_space<vmem>>, vector<1x16xf32>,
        %parallel_loop3A_1279 = vector.shape_cast %parallel_loop3A_1278 : vector<1x16xf32> to vector<16xf32>
        %parallel_loop3A_1280 = vector.shape_cast %parallel_loop3A_1272 : vector<16xf32> to vector<1x16xf32>
        tpu.vector_store %arg10[%parallel_loop3A_1276, %parallel_loop3A_1277], %parallel_loop3A_1280 {strides = array<i32>} : memref<32x1024xf32, #tpu.memory_space<vmem>>, vector<1x16xf32>,
        %parallel_loop3A_1281 = vector.shape_cast %parallel_loop3A_1093 : vector<16xi32> to vector<16x1xi32>
        %parallel_loop3A_1282 = vector.shape_cast %parallel_loop3A_1281 : vector<16x1xi32> to vector<16xi32>
        %parallel_loop3A_1283 = tpu.dynamic_gather %get3A_676[%parallel_loop3A_1282] in [0] : vector<16xf32>, vector<16xi32> -> vector<16xf32>
        %parallel_loop3A_1284 = arith.constant 16 : i32
        %parallel_loop3A_1285 = arith.muli %parallel_loop3A_1086, %parallel_loop3A_1284 : i32
        %parallel_loop3A_1286 = arith.constant 17 : i32
        %parallel_loop3A_1287 = arith.index_cast %parallel_loop3A_1286 : i32 to index
        %parallel_loop3A_1288 = arith.index_cast %parallel_loop3A_1285 : i32 to index
        %parallel_loop3A_1289 = tpu.vector_load %arg10[%parallel_loop3A_1287, %parallel_loop3A_1288] {strides = array<i32>} : memref<32x1024xf32, #tpu.memory_space<vmem>>, vector<1x16xf32>,
        %parallel_loop3A_1290 = vector.shape_cast %parallel_loop3A_1289 : vector<1x16xf32> to vector<16xf32>
        %parallel_loop3A_1291 = vector.shape_cast %parallel_loop3A_1283 : vector<16xf32> to vector<1x16xf32>
        tpu.vector_store %arg10[%parallel_loop3A_1287, %parallel_loop3A_1288], %parallel_loop3A_1291 {strides = array<i32>} : memref<32x1024xf32, #tpu.memory_space<vmem>>, vector<1x16xf32>,
        %parallel_loop3A_1292 = vector.shape_cast %parallel_loop3A_1093 : vector<16xi32> to vector<16x1xi32>
        %parallel_loop3A_1293 = vector.shape_cast %parallel_loop3A_1292 : vector<16x1xi32> to vector<16xi32>
        %parallel_loop3A_1294 = tpu.dynamic_gather %get3A_679[%parallel_loop3A_1293] in [0] : vector<16xf32>, vector<16xi32> -> vector<16xf32>
        %parallel_loop3A_1295 = arith.constant 16 : i32
        %parallel_loop3A_1296 = arith.muli %parallel_loop3A_1086, %parallel_loop3A_1295 : i32
        %parallel_loop3A_1297 = arith.constant 18 : i32
        %parallel_loop3A_1298 = arith.index_cast %parallel_loop3A_1297 : i32 to index
        %parallel_loop3A_1299 = arith.index_cast %parallel_loop3A_1296 : i32 to index
        %parallel_loop3A_1300 = tpu.vector_load %arg10[%parallel_loop3A_1298, %parallel_loop3A_1299] {strides = array<i32>} : memref<32x1024xf32, #tpu.memory_space<vmem>>, vector<1x16xf32>,
        %parallel_loop3A_1301 = vector.shape_cast %parallel_loop3A_1300 : vector<1x16xf32> to vector<16xf32>
        %parallel_loop3A_1302 = vector.shape_cast %parallel_loop3A_1294 : vector<16xf32> to vector<1x16xf32>
        tpu.vector_store %arg10[%parallel_loop3A_1298, %parallel_loop3A_1299], %parallel_loop3A_1302 {strides = array<i32>} : memref<32x1024xf32, #tpu.memory_space<vmem>>, vector<1x16xf32>,
        %parallel_loop3A_1303 = vector.shape_cast %parallel_loop3A_1093 : vector<16xi32> to vector<16x1xi32>
        %parallel_loop3A_1304 = vector.shape_cast %parallel_loop3A_1303 : vector<16x1xi32> to vector<16xi32>
        %parallel_loop3A_1305 = tpu.dynamic_gather %get3A_682[%parallel_loop3A_1304] in [0] : vector<16xf32>, vector<16xi32> -> vector<16xf32>
        %parallel_loop3A_1306 = arith.constant 16 : i32
        %parallel_loop3A_1307 = arith.muli %parallel_loop3A_1086, %parallel_loop3A_1306 : i32
        %parallel_loop3A_1308 = arith.constant 19 : i32
        %parallel_loop3A_1309 = arith.index_cast %parallel_loop3A_1308 : i32 to index
        %parallel_loop3A_1310 = arith.index_cast %parallel_loop3A_1307 : i32 to index
        %parallel_loop3A_1311 = tpu.vector_load %arg10[%parallel_loop3A_1309, %parallel_loop3A_1310] {strides = array<i32>} : memref<32x1024xf32, #tpu.memory_space<vmem>>, vector<1x16xf32>,
        %parallel_loop3A_1312 = vector.shape_cast %parallel_loop3A_1311 : vector<1x16xf32> to vector<16xf32>
        %parallel_loop3A_1313 = vector.shape_cast %parallel_loop3A_1305 : vector<16xf32> to vector<1x16xf32>
        tpu.vector_store %arg10[%parallel_loop3A_1309, %parallel_loop3A_1310], %parallel_loop3A_1313 {strides = array<i32>} : memref<32x1024xf32, #tpu.memory_space<vmem>>, vector<1x16xf32>,
        %parallel_loop3A_1314 = vector.shape_cast %parallel_loop3A_1093 : vector<16xi32> to vector<16x1xi32>
        %parallel_loop3A_1315 = vector.shape_cast %parallel_loop3A_1314 : vector<16x1xi32> to vector<16xi32>
        %parallel_loop3A_1316 = tpu.dynamic_gather %get3A_685[%parallel_loop3A_1315] in [0] : vector<16xf32>, vector<16xi32> -> vector<16xf32>
        %parallel_loop3A_1317 = arith.constant 16 : i32
        %parallel_loop3A_1318 = arith.muli %parallel_loop3A_1086, %parallel_loop3A_1317 : i32
        %parallel_loop3A_1319 = arith.constant 20 : i32
        %parallel_loop3A_1320 = arith.index_cast %parallel_loop3A_1319 : i32 to index
        %parallel_loop3A_1321 = arith.index_cast %parallel_loop3A_1318 : i32 to index
        %parallel_loop3A_1322 = tpu.vector_load %arg10[%parallel_loop3A_1320, %parallel_loop3A_1321] {strides = array<i32>} : memref<32x1024xf32, #tpu.memory_space<vmem>>, vector<1x16xf32>,
        %parallel_loop3A_1323 = vector.shape_cast %parallel_loop3A_1322 : vector<1x16xf32> to vector<16xf32>
        %parallel_loop3A_1324 = vector.shape_cast %parallel_loop3A_1316 : vector<16xf32> to vector<1x16xf32>
        tpu.vector_store %arg10[%parallel_loop3A_1320, %parallel_loop3A_1321], %parallel_loop3A_1324 {strides = array<i32>} : memref<32x1024xf32, #tpu.memory_space<vmem>>, vector<1x16xf32>,
        %parallel_loop3A_1325 = vector.shape_cast %parallel_loop3A_1093 : vector<16xi32> to vector<16x1xi32>
        %parallel_loop3A_1326 = vector.shape_cast %parallel_loop3A_1325 : vector<16x1xi32> to vector<16xi32>
        %parallel_loop3A_1327 = tpu.dynamic_gather %get3A_688[%parallel_loop3A_1326] in [0] : vector<16xf32>, vector<16xi32> -> vector<16xf32>
        %parallel_loop3A_1328 = arith.constant 16 : i32
        %parallel_loop3A_1329 = arith.muli %parallel_loop3A_1086, %parallel_loop3A_1328 : i32
        %parallel_loop3A_1330 = arith.constant 21 : i32
        %parallel_loop3A_1331 = arith.index_cast %parallel_loop3A_1330 : i32 to index
        %parallel_loop3A_1332 = arith.index_cast %parallel_loop3A_1329 : i32 to index
        %parallel_loop3A_1333 = tpu.vector_load %arg10[%parallel_loop3A_1331, %parallel_loop3A_1332] {strides = array<i32>} : memref<32x1024xf32, #tpu.memory_space<vmem>>, vector<1x16xf32>,
        %parallel_loop3A_1334 = vector.shape_cast %parallel_loop3A_1333 : vector<1x16xf32> to vector<16xf32>
        %parallel_loop3A_1335 = vector.shape_cast %parallel_loop3A_1327 : vector<16xf32> to vector<1x16xf32>
        tpu.vector_store %arg10[%parallel_loop3A_1331, %parallel_loop3A_1332], %parallel_loop3A_1335 {strides = array<i32>} : memref<32x1024xf32, #tpu.memory_space<vmem>>, vector<1x16xf32>,
        %parallel_loop3A_1336 = vector.shape_cast %parallel_loop3A_1093 : vector<16xi32> to vector<16x1xi32>
        %parallel_loop3A_1337 = vector.shape_cast %parallel_loop3A_1336 : vector<16x1xi32> to vector<16xi32>
        %parallel_loop3A_1338 = tpu.dynamic_gather %get3A_691[%parallel_loop3A_1337] in [0] : vector<16xf32>, vector<16xi32> -> vector<16xf32>
        %parallel_loop3A_1339 = arith.constant 16 : i32
        %parallel_loop3A_1340 = arith.muli %parallel_loop3A_1086, %parallel_loop3A_1339 : i32
        %parallel_loop3A_1341 = arith.constant 22 : i32
        %parallel_loop3A_1342 = arith.index_cast %parallel_loop3A_1341 : i32 to index
        %parallel_loop3A_1343 = arith.index_cast %parallel_loop3A_1340 : i32 to index
        %parallel_loop3A_1344 = tpu.vector_load %arg10[%parallel_loop3A_1342, %parallel_loop3A_1343] {strides = array<i32>} : memref<32x1024xf32, #tpu.memory_space<vmem>>, vector<1x16xf32>,
        %parallel_loop3A_1345 = vector.shape_cast %parallel_loop3A_1344 : vector<1x16xf32> to vector<16xf32>
        %parallel_loop3A_1346 = vector.shape_cast %parallel_loop3A_1338 : vector<16xf32> to vector<1x16xf32>
        tpu.vector_store %arg10[%parallel_loop3A_1342, %parallel_loop3A_1343], %parallel_loop3A_1346 {strides = array<i32>} : memref<32x1024xf32, #tpu.memory_space<vmem>>, vector<1x16xf32>,
        %parallel_loop3A_1347 = vector.shape_cast %parallel_loop3A_1093 : vector<16xi32> to vector<16x1xi32>
        %parallel_loop3A_1348 = vector.shape_cast %parallel_loop3A_1347 : vector<16x1xi32> to vector<16xi32>
        %parallel_loop3A_1349 = tpu.dynamic_gather %get3A_694[%parallel_loop3A_1348] in [0] : vector<16xf32>, vector<16xi32> -> vector<16xf32>
        %parallel_loop3A_1350 = arith.constant 16 : i32
        %parallel_loop3A_1351 = arith.muli %parallel_loop3A_1086, %parallel_loop3A_1350 : i32
        %parallel_loop3A_1352 = arith.constant 23 : i32
        %parallel_loop3A_1353 = arith.index_cast %parallel_loop3A_1352 : i32 to index
        %parallel_loop3A_1354 = arith.index_cast %parallel_loop3A_1351 : i32 to index
        %parallel_loop3A_1355 = tpu.vector_load %arg10[%parallel_loop3A_1353, %parallel_loop3A_1354] {strides = array<i32>} : memref<32x1024xf32, #tpu.memory_space<vmem>>, vector<1x16xf32>,
        %parallel_loop3A_1356 = vector.shape_cast %parallel_loop3A_1355 : vector<1x16xf32> to vector<16xf32>
        %parallel_loop3A_1357 = vector.shape_cast %parallel_loop3A_1349 : vector<16xf32> to vector<1x16xf32>
        tpu.vector_store %arg10[%parallel_loop3A_1353, %parallel_loop3A_1354], %parallel_loop3A_1357 {strides = array<i32>} : memref<32x1024xf32, #tpu.memory_space<vmem>>, vector<1x16xf32>,
        %parallel_loop3A_1358 = vector.shape_cast %parallel_loop3A_1093 : vector<16xi32> to vector<16x1xi32>
        %parallel_loop3A_1359 = vector.shape_cast %parallel_loop3A_1358 : vector<16x1xi32> to vector<16xi32>
        %parallel_loop3A_1360 = tpu.dynamic_gather %get3A_697[%parallel_loop3A_1359] in [0] : vector<16xf32>, vector<16xi32> -> vector<16xf32>
        %parallel_loop3A_1361 = arith.constant 16 : i32
        %parallel_loop3A_1362 = arith.muli %parallel_loop3A_1086, %parallel_loop3A_1361 : i32
        %parallel_loop3A_1363 = arith.constant 24 : i32
        %parallel_loop3A_1364 = arith.index_cast %parallel_loop3A_1363 : i32 to index
        %parallel_loop3A_1365 = arith.index_cast %parallel_loop3A_1362 : i32 to index
        %parallel_loop3A_1366 = tpu.vector_load %arg10[%parallel_loop3A_1364, %parallel_loop3A_1365] {strides = array<i32>} : memref<32x1024xf32, #tpu.memory_space<vmem>>, vector<1x16xf32>,
        %parallel_loop3A_1367 = vector.shape_cast %parallel_loop3A_1366 : vector<1x16xf32> to vector<16xf32>
        %parallel_loop3A_1368 = vector.shape_cast %parallel_loop3A_1360 : vector<16xf32> to vector<1x16xf32>
        tpu.vector_store %arg10[%parallel_loop3A_1364, %parallel_loop3A_1365], %parallel_loop3A_1368 {strides = array<i32>} : memref<32x1024xf32, #tpu.memory_space<vmem>>, vector<1x16xf32>,
        %parallel_loop3A_1369 = vector.shape_cast %parallel_loop3A_1093 : vector<16xi32> to vector<16x1xi32>
        %parallel_loop3A_1370 = vector.shape_cast %parallel_loop3A_1369 : vector<16x1xi32> to vector<16xi32>
        %parallel_loop3A_1371 = tpu.dynamic_gather %get3A_700[%parallel_loop3A_1370] in [0] : vector<16xf32>, vector<16xi32> -> vector<16xf32>
        %parallel_loop3A_1372 = arith.constant 16 : i32
        %parallel_loop3A_1373 = arith.muli %parallel_loop3A_1086, %parallel_loop3A_1372 : i32
        %parallel_loop3A_1374 = arith.constant 25 : i32
        %parallel_loop3A_1375 = arith.index_cast %parallel_loop3A_1374 : i32 to index
        %parallel_loop3A_1376 = arith.index_cast %parallel_loop3A_1373 : i32 to index
        %parallel_loop3A_1377 = tpu.vector_load %arg10[%parallel_loop3A_1375, %parallel_loop3A_1376] {strides = array<i32>} : memref<32x1024xf32, #tpu.memory_space<vmem>>, vector<1x16xf32>,
        %parallel_loop3A_1378 = vector.shape_cast %parallel_loop3A_1377 : vector<1x16xf32> to vector<16xf32>
        %parallel_loop3A_1379 = vector.shape_cast %parallel_loop3A_1371 : vector<16xf32> to vector<1x16xf32>
        tpu.vector_store %arg10[%parallel_loop3A_1375, %parallel_loop3A_1376], %parallel_loop3A_1379 {strides = array<i32>} : memref<32x1024xf32, #tpu.memory_space<vmem>>, vector<1x16xf32>,
        %parallel_loop3A_1380 = vector.shape_cast %parallel_loop3A_1093 : vector<16xi32> to vector<16x1xi32>
        %parallel_loop3A_1381 = vector.shape_cast %parallel_loop3A_1380 : vector<16x1xi32> to vector<16xi32>
        %parallel_loop3A_1382 = tpu.dynamic_gather %get3A_703[%parallel_loop3A_1381] in [0] : vector<16xf32>, vector<16xi32> -> vector<16xf32>
        %parallel_loop3A_1383 = arith.constant 16 : i32
        %parallel_loop3A_1384 = arith.muli %parallel_loop3A_1086, %parallel_loop3A_1383 : i32
        %parallel_loop3A_1385 = arith.constant 26 : i32
        %parallel_loop3A_1386 = arith.index_cast %parallel_loop3A_1385 : i32 to index
        %parallel_loop3A_1387 = arith.index_cast %parallel_loop3A_1384 : i32 to index
        %parallel_loop3A_1388 = tpu.vector_load %arg10[%parallel_loop3A_1386, %parallel_loop3A_1387] {strides = array<i32>} : memref<32x1024xf32, #tpu.memory_space<vmem>>, vector<1x16xf32>,
        %parallel_loop3A_1389 = vector.shape_cast %parallel_loop3A_1388 : vector<1x16xf32> to vector<16xf32>
        %parallel_loop3A_1390 = vector.shape_cast %parallel_loop3A_1382 : vector<16xf32> to vector<1x16xf32>
        tpu.vector_store %arg10[%parallel_loop3A_1386, %parallel_loop3A_1387], %parallel_loop3A_1390 {strides = array<i32>} : memref<32x1024xf32, #tpu.memory_space<vmem>>, vector<1x16xf32>,
        %parallel_loop3A_1391 = vector.shape_cast %parallel_loop3A_1093 : vector<16xi32> to vector<16x1xi32>
        %parallel_loop3A_1392 = vector.shape_cast %parallel_loop3A_1391 : vector<16x1xi32> to vector<16xi32>
        %parallel_loop3A_1393 = tpu.dynamic_gather %get3A_706[%parallel_loop3A_1392] in [0] : vector<16xf32>, vector<16xi32> -> vector<16xf32>
        %parallel_loop3A_1394 = arith.constant 16 : i32
        %parallel_loop3A_1395 = arith.muli %parallel_loop3A_1086, %parallel_loop3A_1394 : i32
        %parallel_loop3A_1396 = arith.constant 27 : i32
        %parallel_loop3A_1397 = arith.index_cast %parallel_loop3A_1396 : i32 to index
        %parallel_loop3A_1398 = arith.index_cast %parallel_loop3A_1395 : i32 to index
        %parallel_loop3A_1399 = tpu.vector_load %arg10[%parallel_loop3A_1397, %parallel_loop3A_1398] {strides = array<i32>} : memref<32x1024xf32, #tpu.memory_space<vmem>>, vector<1x16xf32>,
        %parallel_loop3A_1400 = vector.shape_cast %parallel_loop3A_1399 : vector<1x16xf32> to vector<16xf32>
        %parallel_loop3A_1401 = vector.shape_cast %parallel_loop3A_1393 : vector<16xf32> to vector<1x16xf32>
        tpu.vector_store %arg10[%parallel_loop3A_1397, %parallel_loop3A_1398], %parallel_loop3A_1401 {strides = array<i32>} : memref<32x1024xf32, #tpu.memory_space<vmem>>, vector<1x16xf32>,
        %parallel_loop3A_1402 = vector.shape_cast %parallel_loop3A_1093 : vector<16xi32> to vector<16x1xi32>
        %parallel_loop3A_1403 = vector.shape_cast %parallel_loop3A_1402 : vector<16x1xi32> to vector<16xi32>
        %parallel_loop3A_1404 = tpu.dynamic_gather %get3A_709[%parallel_loop3A_1403] in [0] : vector<16xf32>, vector<16xi32> -> vector<16xf32>
        %parallel_loop3A_1405 = arith.constant 16 : i32
        %parallel_loop3A_1406 = arith.muli %parallel_loop3A_1086, %parallel_loop3A_1405 : i32
        %parallel_loop3A_1407 = arith.constant 28 : i32
        %parallel_loop3A_1408 = arith.index_cast %parallel_loop3A_1407 : i32 to index
        %parallel_loop3A_1409 = arith.index_cast %parallel_loop3A_1406 : i32 to index
        %parallel_loop3A_1410 = tpu.vector_load %arg10[%parallel_loop3A_1408, %parallel_loop3A_1409] {strides = array<i32>} : memref<32x1024xf32, #tpu.memory_space<vmem>>, vector<1x16xf32>,
        %parallel_loop3A_1411 = vector.shape_cast %parallel_loop3A_1410 : vector<1x16xf32> to vector<16xf32>
        %parallel_loop3A_1412 = vector.shape_cast %parallel_loop3A_1404 : vector<16xf32> to vector<1x16xf32>
        tpu.vector_store %arg10[%parallel_loop3A_1408, %parallel_loop3A_1409], %parallel_loop3A_1412 {strides = array<i32>} : memref<32x1024xf32, #tpu.memory_space<vmem>>, vector<1x16xf32>,
        %parallel_loop3A_1413 = vector.shape_cast %parallel_loop3A_1093 : vector<16xi32> to vector<16x1xi32>
        %parallel_loop3A_1414 = vector.shape_cast %parallel_loop3A_1413 : vector<16x1xi32> to vector<16xi32>
        %parallel_loop3A_1415 = tpu.dynamic_gather %get3A_712[%parallel_loop3A_1414] in [0] : vector<16xf32>, vector<16xi32> -> vector<16xf32>
        %parallel_loop3A_1416 = arith.constant 16 : i32
        %parallel_loop3A_1417 = arith.muli %parallel_loop3A_1086, %parallel_loop3A_1416 : i32
        %parallel_loop3A_1418 = arith.constant 29 : i32
        %parallel_loop3A_1419 = arith.index_cast %parallel_loop3A_1418 : i32 to index
        %parallel_loop3A_1420 = arith.index_cast %parallel_loop3A_1417 : i32 to index
        %parallel_loop3A_1421 = tpu.vector_load %arg10[%parallel_loop3A_1419, %parallel_loop3A_1420] {strides = array<i32>} : memref<32x1024xf32, #tpu.memory_space<vmem>>, vector<1x16xf32>,
        %parallel_loop3A_1422 = vector.shape_cast %parallel_loop3A_1421 : vector<1x16xf32> to vector<16xf32>
        %parallel_loop3A_1423 = vector.shape_cast %parallel_loop3A_1415 : vector<16xf32> to vector<1x16xf32>
        tpu.vector_store %arg10[%parallel_loop3A_1419, %parallel_loop3A_1420], %parallel_loop3A_1423 {strides = array<i32>} : memref<32x1024xf32, #tpu.memory_space<vmem>>, vector<1x16xf32>,
        %parallel_loop3A_1424 = vector.shape_cast %parallel_loop3A_1093 : vector<16xi32> to vector<16x1xi32>
        %parallel_loop3A_1425 = vector.shape_cast %parallel_loop3A_1424 : vector<16x1xi32> to vector<16xi32>
        %parallel_loop3A_1426 = tpu.dynamic_gather %get3A_715[%parallel_loop3A_1425] in [0] : vector<16xf32>, vector<16xi32> -> vector<16xf32>
        %parallel_loop3A_1427 = arith.constant 16 : i32
        %parallel_loop3A_1428 = arith.muli %parallel_loop3A_1086, %parallel_loop3A_1427 : i32
        %parallel_loop3A_1429 = arith.constant 30 : i32
        %parallel_loop3A_1430 = arith.index_cast %parallel_loop3A_1429 : i32 to index
        %parallel_loop3A_1431 = arith.index_cast %parallel_loop3A_1428 : i32 to index
        %parallel_loop3A_1432 = tpu.vector_load %arg10[%parallel_loop3A_1430, %parallel_loop3A_1431] {strides = array<i32>} : memref<32x1024xf32, #tpu.memory_space<vmem>>, vector<1x16xf32>,
        %parallel_loop3A_1433 = vector.shape_cast %parallel_loop3A_1432 : vector<1x16xf32> to vector<16xf32>
        %parallel_loop3A_1434 = vector.shape_cast %parallel_loop3A_1426 : vector<16xf32> to vector<1x16xf32>
        tpu.vector_store %arg10[%parallel_loop3A_1430, %parallel_loop3A_1431], %parallel_loop3A_1434 {strides = array<i32>} : memref<32x1024xf32, #tpu.memory_space<vmem>>, vector<1x16xf32>,
        %parallel_loop3A_1435 = vector.shape_cast %parallel_loop3A_1093 : vector<16xi32> to vector<16x1xi32>
        %parallel_loop3A_1436 = vector.shape_cast %parallel_loop3A_1435 : vector<16x1xi32> to vector<16xi32>
        %parallel_loop3A_1437 = tpu.dynamic_gather %get3A_718[%parallel_loop3A_1436] in [0] : vector<16xf32>, vector<16xi32> -> vector<16xf32>
        %parallel_loop3A_1438 = arith.constant 16 : i32
        %parallel_loop3A_1439 = arith.muli %parallel_loop3A_1086, %parallel_loop3A_1438 : i32
        %parallel_loop3A_1440 = arith.constant 31 : i32
        %parallel_loop3A_1441 = arith.index_cast %parallel_loop3A_1440 : i32 to index
        %parallel_loop3A_1442 = arith.index_cast %parallel_loop3A_1439 : i32 to index
        %parallel_loop3A_1443 = tpu.vector_load %arg10[%parallel_loop3A_1441, %parallel_loop3A_1442] {strides = array<i32>} : memref<32x1024xf32, #tpu.memory_space<vmem>>, vector<1x16xf32>,
        %parallel_loop3A_1444 = vector.shape_cast %parallel_loop3A_1443 : vector<1x16xf32> to vector<16xf32>
        %parallel_loop3A_1445 = vector.shape_cast %parallel_loop3A_1437 : vector<16xf32> to vector<1x16xf32>
        tpu.vector_store %arg10[%parallel_loop3A_1441, %parallel_loop3A_1442], %parallel_loop3A_1445 {strides = array<i32>} : memref<32x1024xf32, #tpu.memory_space<vmem>>, vector<1x16xf32>,
      } {sc.loop_unroll_factor = 1 : i64, sc.parallel_access}
      %mul3A_722 = arith.constant 1024 : i32
      %mul3A_723 = arith.muli %scan3A_144, %mul3A_722 : i32
      %add3A_724 = arith.addi %mul3A_32, %mul3A_723 : i32
      %dma_start3A_725 = arith.constant 4 : i32
      %dma_start3A_726 = arith.constant 0 : i32
      %dma_start3A_727 = tpu.memref_slice %arg5[%select_n3A, %dma_start3A_725, %dma_start3A_726, %add3A_724] : memref<8x8x32x16384xf32, #tpu.memory_space<hbm>> -> memref<1x1x32x1024xf32, #tpu.memory_space<hbm>>
      %dma_start3A_728 = tpu.memref_squeeze %dma_start3A_727 : memref<1x1x32x1024xf32, #tpu.memory_space<hbm>> -> memref<32x1024xf32, #tpu.memory_space<hbm>>
      %dma_start3A_729 = arith.constant 0 : i32
      %dma_start3A_730 = tpu.memref_slice %arg5[%select_n3A, %dma_start3A_725, %dma_start3A_729, %add3A_724] : memref<8x8x32x16384xf32, #tpu.memory_space<hbm>> -> memref<1x1x32x1024xf32, #tpu.memory_space<hbm>>
      %dma_start3A_731 = tpu.memref_squeeze %dma_start3A_730 : memref<1x1x32x1024xf32, #tpu.memory_space<hbm>> -> memref<32x1024xf32, #tpu.memory_space<hbm>>
      tpu.enqueue_dma source(%arg10 : memref<32x1024xf32, #tpu.memory_space<vmem>>) target(%dma_start3A_731 : memref<32x1024xf32, #tpu.memory_space<hbm>>) target_semaphore(%arg12 : memref<!tpu.dma_semaphore, #tpu.memory_space<semaphore_mem>>)
      %add3A_732 = arith.constant 0 : i32
      %add3A_733 = arith.addi %mul3A_32, %add3A_732 : i32
      %dma_wait3A_734 = arith.constant 0 : i32
      %dma_wait3A_735 = arith.constant 0 : i32
      %dma_wait3A_736 = tpu.memref_slice %arg5[%select_n3A, %dma_wait3A_734, %dma_wait3A_735, %add3A_733] : memref<8x8x32x16384xf32, #tpu.memory_space<hbm>> -> memref<1x1x32x1024xf32, #tpu.memory_space<hbm>>
      %dma_wait3A_737 = tpu.memref_squeeze %dma_wait3A_736 : memref<1x1x32x1024xf32, #tpu.memory_space<hbm>> -> memref<32x1024xf32, #tpu.memory_space<hbm>>
      %dma_wait3A_738 = arith.constant 0 : i32
      %dma_wait3A_739 = tpu.memref_slice %arg5[%select_n3A, %dma_wait3A_734, %dma_wait3A_738, %add3A_733] : memref<8x8x32x16384xf32, #tpu.memory_space<hbm>> -> memref<1x1x32x1024xf32, #tpu.memory_space<hbm>>
      %dma_wait3A_740 = tpu.memref_squeeze %dma_wait3A_739 : memref<1x1x32x1024xf32, #tpu.memory_space<hbm>> -> memref<32x1024xf32, #tpu.memory_space<hbm>>
      tpu.wait_dma2 semaphore(%arg13 : memref<!tpu.dma_semaphore, #tpu.memory_space<semaphore_mem>>) src(%arg11 : memref<32x1024xf32, #tpu.memory_space<vmem>>) dst(%dma_wait3A_740 : memref<32x1024xf32, #tpu.memory_space<hbm>>)
      %get3A_741 = arith.constant 2560 : index
      %get3A_742 = tpu.vector_load %arg8[%get3A_741] {strides = array<i32>} : memref<4096xf32, #tpu.memory_space<vmem>>, vector<16xf32>,
      %get3A_743 = vector.shape_cast %get3A_742 : vector<16xf32> to vector<16xf32>
      %get3A_744 = arith.constant 2576 : index
      %get3A_745 = tpu.vector_load %arg8[%get3A_744] {strides = array<i32>} : memref<4096xf32, #tpu.memory_space<vmem>>, vector<16xf32>,
      %get3A_746 = vector.shape_cast %get3A_745 : vector<16xf32> to vector<16xf32>
      %get3A_747 = arith.constant 2592 : index
      %get3A_748 = tpu.vector_load %arg8[%get3A_747] {strides = array<i32>} : memref<4096xf32, #tpu.memory_space<vmem>>, vector<16xf32>,
      %get3A_749 = vector.shape_cast %get3A_748 : vector<16xf32> to vector<16xf32>
      %get3A_750 = arith.constant 2608 : index
      %get3A_751 = tpu.vector_load %arg8[%get3A_750] {strides = array<i32>} : memref<4096xf32, #tpu.memory_space<vmem>>, vector<16xf32>,
      %get3A_752 = vector.shape_cast %get3A_751 : vector<16xf32> to vector<16xf32>
      %get3A_753 = arith.constant 2624 : index
      %get3A_754 = tpu.vector_load %arg8[%get3A_753] {strides = array<i32>} : memref<4096xf32, #tpu.memory_space<vmem>>, vector<16xf32>,
      %get3A_755 = vector.shape_cast %get3A_754 : vector<16xf32> to vector<16xf32>
      %get3A_756 = arith.constant 2640 : index
      %get3A_757 = tpu.vector_load %arg8[%get3A_756] {strides = array<i32>} : memref<4096xf32, #tpu.memory_space<vmem>>, vector<16xf32>,
      %get3A_758 = vector.shape_cast %get3A_757 : vector<16xf32> to vector<16xf32>
      %get3A_759 = arith.constant 2656 : index
      %get3A_760 = tpu.vector_load %arg8[%get3A_759] {strides = array<i32>} : memref<4096xf32, #tpu.memory_space<vmem>>, vector<16xf32>,
      %get3A_761 = vector.shape_cast %get3A_760 : vector<16xf32> to vector<16xf32>
      %get3A_762 = arith.constant 2672 : index
      %get3A_763 = tpu.vector_load %arg8[%get3A_762] {strides = array<i32>} : memref<4096xf32, #tpu.memory_space<vmem>>, vector<16xf32>,
      %get3A_764 = vector.shape_cast %get3A_763 : vector<16xf32> to vector<16xf32>
      %get3A_765 = arith.constant 2688 : index
      %get3A_766 = tpu.vector_load %arg8[%get3A_765] {strides = array<i32>} : memref<4096xf32, #tpu.memory_space<vmem>>, vector<16xf32>,
      %get3A_767 = vector.shape_cast %get3A_766 : vector<16xf32> to vector<16xf32>
      %get3A_768 = arith.constant 2704 : index
      %get3A_769 = tpu.vector_load %arg8[%get3A_768] {strides = array<i32>} : memref<4096xf32, #tpu.memory_space<vmem>>, vector<16xf32>,
      %get3A_770 = vector.shape_cast %get3A_769 : vector<16xf32> to vector<16xf32>
      %get3A_771 = arith.constant 2720 : index
      %get3A_772 = tpu.vector_load %arg8[%get3A_771] {strides = array<i32>} : memref<4096xf32, #tpu.memory_space<vmem>>, vector<16xf32>,
      %get3A_773 = vector.shape_cast %get3A_772 : vector<16xf32> to vector<16xf32>
      %get3A_774 = arith.constant 2736 : index
      %get3A_775 = tpu.vector_load %arg8[%get3A_774] {strides = array<i32>} : memref<4096xf32, #tpu.memory_space<vmem>>, vector<16xf32>,
      %get3A_776 = vector.shape_cast %get3A_775 : vector<16xf32> to vector<16xf32>
      %get3A_777 = arith.constant 2752 : index
      %get3A_778 = tpu.vector_load %arg8[%get3A_777] {strides = array<i32>} : memref<4096xf32, #tpu.memory_space<vmem>>, vector<16xf32>,
      %get3A_779 = vector.shape_cast %get3A_778 : vector<16xf32> to vector<16xf32>
      %get3A_780 = arith.constant 2768 : index
      %get3A_781 = tpu.vector_load %arg8[%get3A_780] {strides = array<i32>} : memref<4096xf32, #tpu.memory_space<vmem>>, vector<16xf32>,
      %get3A_782 = vector.shape_cast %get3A_781 : vector<16xf32> to vector<16xf32>
      %get3A_783 = arith.constant 2784 : index
      %get3A_784 = tpu.vector_load %arg8[%get3A_783] {strides = array<i32>} : memref<4096xf32, #tpu.memory_space<vmem>>, vector<16xf32>,
      %get3A_785 = vector.shape_cast %get3A_784 : vector<16xf32> to vector<16xf32>
      %get3A_786 = arith.constant 2800 : index
      %get3A_787 = tpu.vector_load %arg8[%get3A_786] {strides = array<i32>} : memref<4096xf32, #tpu.memory_space<vmem>>, vector<16xf32>,
      %get3A_788 = vector.shape_cast %get3A_787 : vector<16xf32> to vector<16xf32>
      %get3A_789 = arith.constant 2816 : index
      %get3A_790 = tpu.vector_load %arg8[%get3A_789] {strides = array<i32>} : memref<4096xf32, #tpu.memory_space<vmem>>, vector<16xf32>,
      %get3A_791 = vector.shape_cast %get3A_790 : vector<16xf32> to vector<16xf32>
      %get3A_792 = arith.constant 2832 : index
      %get3A_793 = tpu.vector_load %arg8[%get3A_792] {strides = array<i32>} : memref<4096xf32, #tpu.memory_space<vmem>>, vector<16xf32>,
      %get3A_794 = vector.shape_cast %get3A_793 : vector<16xf32> to vector<16xf32>
      %get3A_795 = arith.constant 2848 : index
      %get3A_796 = tpu.vector_load %arg8[%get3A_795] {strides = array<i32>} : memref<4096xf32, #tpu.memory_space<vmem>>, vector<16xf32>,
      %get3A_797 = vector.shape_cast %get3A_796 : vector<16xf32> to vector<16xf32>
      %get3A_798 = arith.constant 2864 : index
      %get3A_799 = tpu.vector_load %arg8[%get3A_798] {strides = array<i32>} : memref<4096xf32, #tpu.memory_space<vmem>>, vector<16xf32>,
      %get3A_800 = vector.shape_cast %get3A_799 : vector<16xf32> to vector<16xf32>
      %get3A_801 = arith.constant 2880 : index
      %get3A_802 = tpu.vector_load %arg8[%get3A_801] {strides = array<i32>} : memref<4096xf32, #tpu.memory_space<vmem>>, vector<16xf32>,
      %get3A_803 = vector.shape_cast %get3A_802 : vector<16xf32> to vector<16xf32>
      %get3A_804 = arith.constant 2896 : index
      %get3A_805 = tpu.vector_load %arg8[%get3A_804] {strides = array<i32>} : memref<4096xf32, #tpu.memory_space<vmem>>, vector<16xf32>,
      %get3A_806 = vector.shape_cast %get3A_805 : vector<16xf32> to vector<16xf32>
      %get3A_807 = arith.constant 2912 : index
      %get3A_808 = tpu.vector_load %arg8[%get3A_807] {strides = array<i32>} : memref<4096xf32, #tpu.memory_space<vmem>>, vector<16xf32>,
      %get3A_809 = vector.shape_cast %get3A_808 : vector<16xf32> to vector<16xf32>
      %get3A_810 = arith.constant 2928 : index
      %get3A_811 = tpu.vector_load %arg8[%get3A_810] {strides = array<i32>} : memref<4096xf32, #tpu.memory_space<vmem>>, vector<16xf32>,
      %get3A_812 = vector.shape_cast %get3A_811 : vector<16xf32> to vector<16xf32>
      %get3A_813 = arith.constant 2944 : index
      %get3A_814 = tpu.vector_load %arg8[%get3A_813] {strides = array<i32>} : memref<4096xf32, #tpu.memory_space<vmem>>, vector<16xf32>,
      %get3A_815 = vector.shape_cast %get3A_814 : vector<16xf32> to vector<16xf32>
      %get3A_816 = arith.constant 2960 : index
      %get3A_817 = tpu.vector_load %arg8[%get3A_816] {strides = array<i32>} : memref<4096xf32, #tpu.memory_space<vmem>>, vector<16xf32>,
      %get3A_818 = vector.shape_cast %get3A_817 : vector<16xf32> to vector<16xf32>
      %get3A_819 = arith.constant 2976 : index
      %get3A_820 = tpu.vector_load %arg8[%get3A_819] {strides = array<i32>} : memref<4096xf32, #tpu.memory_space<vmem>>, vector<16xf32>,
      %get3A_821 = vector.shape_cast %get3A_820 : vector<16xf32> to vector<16xf32>
      %get3A_822 = arith.constant 2992 : index
      %get3A_823 = tpu.vector_load %arg8[%get3A_822] {strides = array<i32>} : memref<4096xf32, #tpu.memory_space<vmem>>, vector<16xf32>,
      %get3A_824 = vector.shape_cast %get3A_823 : vector<16xf32> to vector<16xf32>
      %get3A_825 = arith.constant 3008 : index
      %get3A_826 = tpu.vector_load %arg8[%get3A_825] {strides = array<i32>} : memref<4096xf32, #tpu.memory_space<vmem>>, vector<16xf32>,
      %get3A_827 = vector.shape_cast %get3A_826 : vector<16xf32> to vector<16xf32>
      %get3A_828 = arith.constant 3024 : index
      %get3A_829 = tpu.vector_load %arg8[%get3A_828] {strides = array<i32>} : memref<4096xf32, #tpu.memory_space<vmem>>, vector<16xf32>,
      %get3A_830 = vector.shape_cast %get3A_829 : vector<16xf32> to vector<16xf32>
      %get3A_831 = arith.constant 3040 : index
      %get3A_832 = tpu.vector_load %arg8[%get3A_831] {strides = array<i32>} : memref<4096xf32, #tpu.memory_space<vmem>>, vector<16xf32>,
      %get3A_833 = vector.shape_cast %get3A_832 : vector<16xf32> to vector<16xf32>
      %get3A_834 = arith.constant 3056 : index
      %get3A_835 = tpu.vector_load %arg8[%get3A_834] {strides = array<i32>} : memref<4096xf32, #tpu.memory_space<vmem>>, vector<16xf32>,
      %get3A_836 = vector.shape_cast %get3A_835 : vector<16xf32> to vector<16xf32>
      %parallel_loop3A_837 = arith.constant 0 : i32
      %parallel_loop3A_838 = arith.constant 64 : i32
      %parallel_loop3A_839 = arith.constant 1 : i32
      scf.for %parallel_loop3A_1086 = %parallel_loop3A_837 to %parallel_loop3A_838 step %parallel_loop3A_839  : i32 {
        %parallel_loop3A_1087 = arith.constant 16 : i32
        %parallel_loop3A_1088 = arith.muli %parallel_loop3A_1086, %parallel_loop3A_1087 : i32
        %parallel_loop3A_1089 = arith.constant 5 : i32
        %parallel_loop3A_1090 = arith.index_cast %parallel_loop3A_1089 : i32 to index
        %parallel_loop3A_1091 = arith.index_cast %parallel_loop3A_1088 : i32 to index
        %parallel_loop3A_1092 = tpu.vector_load %arg9[%parallel_loop3A_1090, %parallel_loop3A_1091] {strides = array<i32>} : memref<8x1024xi32, #tpu.memory_space<vmem>>, vector<1x16xi32>,
        %parallel_loop3A_1093 = vector.shape_cast %parallel_loop3A_1092 : vector<1x16xi32> to vector<16xi32>
        %parallel_loop3A_1094 = vector.shape_cast %parallel_loop3A_1093 : vector<16xi32> to vector<16x1xi32>
        %parallel_loop3A_1095 = vector.shape_cast %parallel_loop3A_1094 : vector<16x1xi32> to vector<16xi32>
        %parallel_loop3A_1096 = tpu.dynamic_gather %get3A_743[%parallel_loop3A_1095] in [0] : vector<16xf32>, vector<16xi32> -> vector<16xf32>
        %parallel_loop3A_1097 = arith.constant 16 : i32
        %parallel_loop3A_1098 = arith.muli %parallel_loop3A_1086, %parallel_loop3A_1097 : i32
        %parallel_loop3A_1099 = arith.constant 0 : i32
        %parallel_loop3A_1100 = arith.index_cast %parallel_loop3A_1099 : i32 to index
        %parallel_loop3A_1101 = arith.index_cast %parallel_loop3A_1098 : i32 to index
        %parallel_loop3A_1102 = tpu.vector_load %arg11[%parallel_loop3A_1100, %parallel_loop3A_1101] {strides = array<i32>} : memref<32x1024xf32, #tpu.memory_space<vmem>>, vector<1x16xf32>,
        %parallel_loop3A_1103 = vector.shape_cast %parallel_loop3A_1102 : vector<1x16xf32> to vector<16xf32>
        %parallel_loop3A_1104 = vector.shape_cast %parallel_loop3A_1096 : vector<16xf32> to vector<1x16xf32>
        tpu.vector_store %arg11[%parallel_loop3A_1100, %parallel_loop3A_1101], %parallel_loop3A_1104 {strides = array<i32>} : memref<32x1024xf32, #tpu.memory_space<vmem>>, vector<1x16xf32>,
        %parallel_loop3A_1105 = vector.shape_cast %parallel_loop3A_1093 : vector<16xi32> to vector<16x1xi32>
        %parallel_loop3A_1106 = vector.shape_cast %parallel_loop3A_1105 : vector<16x1xi32> to vector<16xi32>
        %parallel_loop3A_1107 = tpu.dynamic_gather %get3A_746[%parallel_loop3A_1106] in [0] : vector<16xf32>, vector<16xi32> -> vector<16xf32>
        %parallel_loop3A_1108 = arith.constant 16 : i32
        %parallel_loop3A_1109 = arith.muli %parallel_loop3A_1086, %parallel_loop3A_1108 : i32
        %parallel_loop3A_1110 = arith.constant 1 : i32
        %parallel_loop3A_1111 = arith.index_cast %parallel_loop3A_1110 : i32 to index
        %parallel_loop3A_1112 = arith.index_cast %parallel_loop3A_1109 : i32 to index
        %parallel_loop3A_1113 = tpu.vector_load %arg11[%parallel_loop3A_1111, %parallel_loop3A_1112] {strides = array<i32>} : memref<32x1024xf32, #tpu.memory_space<vmem>>, vector<1x16xf32>,
        %parallel_loop3A_1114 = vector.shape_cast %parallel_loop3A_1113 : vector<1x16xf32> to vector<16xf32>
        %parallel_loop3A_1115 = vector.shape_cast %parallel_loop3A_1107 : vector<16xf32> to vector<1x16xf32>
        tpu.vector_store %arg11[%parallel_loop3A_1111, %parallel_loop3A_1112], %parallel_loop3A_1115 {strides = array<i32>} : memref<32x1024xf32, #tpu.memory_space<vmem>>, vector<1x16xf32>,
        %parallel_loop3A_1116 = vector.shape_cast %parallel_loop3A_1093 : vector<16xi32> to vector<16x1xi32>
        %parallel_loop3A_1117 = vector.shape_cast %parallel_loop3A_1116 : vector<16x1xi32> to vector<16xi32>
        %parallel_loop3A_1118 = tpu.dynamic_gather %get3A_749[%parallel_loop3A_1117] in [0] : vector<16xf32>, vector<16xi32> -> vector<16xf32>
        %parallel_loop3A_1119 = arith.constant 16 : i32
        %parallel_loop3A_1120 = arith.muli %parallel_loop3A_1086, %parallel_loop3A_1119 : i32
        %parallel_loop3A_1121 = arith.constant 2 : i32
        %parallel_loop3A_1122 = arith.index_cast %parallel_loop3A_1121 : i32 to index
        %parallel_loop3A_1123 = arith.index_cast %parallel_loop3A_1120 : i32 to index
        %parallel_loop3A_1124 = tpu.vector_load %arg11[%parallel_loop3A_1122, %parallel_loop3A_1123] {strides = array<i32>} : memref<32x1024xf32, #tpu.memory_space<vmem>>, vector<1x16xf32>,
        %parallel_loop3A_1125 = vector.shape_cast %parallel_loop3A_1124 : vector<1x16xf32> to vector<16xf32>
        %parallel_loop3A_1126 = vector.shape_cast %parallel_loop3A_1118 : vector<16xf32> to vector<1x16xf32>
        tpu.vector_store %arg11[%parallel_loop3A_1122, %parallel_loop3A_1123], %parallel_loop3A_1126 {strides = array<i32>} : memref<32x1024xf32, #tpu.memory_space<vmem>>, vector<1x16xf32>,
        %parallel_loop3A_1127 = vector.shape_cast %parallel_loop3A_1093 : vector<16xi32> to vector<16x1xi32>
        %parallel_loop3A_1128 = vector.shape_cast %parallel_loop3A_1127 : vector<16x1xi32> to vector<16xi32>
        %parallel_loop3A_1129 = tpu.dynamic_gather %get3A_752[%parallel_loop3A_1128] in [0] : vector<16xf32>, vector<16xi32> -> vector<16xf32>
        %parallel_loop3A_1130 = arith.constant 16 : i32
        %parallel_loop3A_1131 = arith.muli %parallel_loop3A_1086, %parallel_loop3A_1130 : i32
        %parallel_loop3A_1132 = arith.constant 3 : i32
        %parallel_loop3A_1133 = arith.index_cast %parallel_loop3A_1132 : i32 to index
        %parallel_loop3A_1134 = arith.index_cast %parallel_loop3A_1131 : i32 to index
        %parallel_loop3A_1135 = tpu.vector_load %arg11[%parallel_loop3A_1133, %parallel_loop3A_1134] {strides = array<i32>} : memref<32x1024xf32, #tpu.memory_space<vmem>>, vector<1x16xf32>,
        %parallel_loop3A_1136 = vector.shape_cast %parallel_loop3A_1135 : vector<1x16xf32> to vector<16xf32>
        %parallel_loop3A_1137 = vector.shape_cast %parallel_loop3A_1129 : vector<16xf32> to vector<1x16xf32>
        tpu.vector_store %arg11[%parallel_loop3A_1133, %parallel_loop3A_1134], %parallel_loop3A_1137 {strides = array<i32>} : memref<32x1024xf32, #tpu.memory_space<vmem>>, vector<1x16xf32>,
        %parallel_loop3A_1138 = vector.shape_cast %parallel_loop3A_1093 : vector<16xi32> to vector<16x1xi32>
        %parallel_loop3A_1139 = vector.shape_cast %parallel_loop3A_1138 : vector<16x1xi32> to vector<16xi32>
        %parallel_loop3A_1140 = tpu.dynamic_gather %get3A_755[%parallel_loop3A_1139] in [0] : vector<16xf32>, vector<16xi32> -> vector<16xf32>
        %parallel_loop3A_1141 = arith.constant 16 : i32
        %parallel_loop3A_1142 = arith.muli %parallel_loop3A_1086, %parallel_loop3A_1141 : i32
        %parallel_loop3A_1143 = arith.constant 4 : i32
        %parallel_loop3A_1144 = arith.index_cast %parallel_loop3A_1143 : i32 to index
        %parallel_loop3A_1145 = arith.index_cast %parallel_loop3A_1142 : i32 to index
        %parallel_loop3A_1146 = tpu.vector_load %arg11[%parallel_loop3A_1144, %parallel_loop3A_1145] {strides = array<i32>} : memref<32x1024xf32, #tpu.memory_space<vmem>>, vector<1x16xf32>,
        %parallel_loop3A_1147 = vector.shape_cast %parallel_loop3A_1146 : vector<1x16xf32> to vector<16xf32>
        %parallel_loop3A_1148 = vector.shape_cast %parallel_loop3A_1140 : vector<16xf32> to vector<1x16xf32>
        tpu.vector_store %arg11[%parallel_loop3A_1144, %parallel_loop3A_1145], %parallel_loop3A_1148 {strides = array<i32>} : memref<32x1024xf32, #tpu.memory_space<vmem>>, vector<1x16xf32>,
        %parallel_loop3A_1149 = vector.shape_cast %parallel_loop3A_1093 : vector<16xi32> to vector<16x1xi32>
        %parallel_loop3A_1150 = vector.shape_cast %parallel_loop3A_1149 : vector<16x1xi32> to vector<16xi32>
        %parallel_loop3A_1151 = tpu.dynamic_gather %get3A_758[%parallel_loop3A_1150] in [0] : vector<16xf32>, vector<16xi32> -> vector<16xf32>
        %parallel_loop3A_1152 = arith.constant 16 : i32
        %parallel_loop3A_1153 = arith.muli %parallel_loop3A_1086, %parallel_loop3A_1152 : i32
        %parallel_loop3A_1154 = arith.constant 5 : i32
        %parallel_loop3A_1155 = arith.index_cast %parallel_loop3A_1154 : i32 to index
        %parallel_loop3A_1156 = arith.index_cast %parallel_loop3A_1153 : i32 to index
        %parallel_loop3A_1157 = tpu.vector_load %arg11[%parallel_loop3A_1155, %parallel_loop3A_1156] {strides = array<i32>} : memref<32x1024xf32, #tpu.memory_space<vmem>>, vector<1x16xf32>,
        %parallel_loop3A_1158 = vector.shape_cast %parallel_loop3A_1157 : vector<1x16xf32> to vector<16xf32>
        %parallel_loop3A_1159 = vector.shape_cast %parallel_loop3A_1151 : vector<16xf32> to vector<1x16xf32>
        tpu.vector_store %arg11[%parallel_loop3A_1155, %parallel_loop3A_1156], %parallel_loop3A_1159 {strides = array<i32>} : memref<32x1024xf32, #tpu.memory_space<vmem>>, vector<1x16xf32>,
        %parallel_loop3A_1160 = vector.shape_cast %parallel_loop3A_1093 : vector<16xi32> to vector<16x1xi32>
        %parallel_loop3A_1161 = vector.shape_cast %parallel_loop3A_1160 : vector<16x1xi32> to vector<16xi32>
        %parallel_loop3A_1162 = tpu.dynamic_gather %get3A_761[%parallel_loop3A_1161] in [0] : vector<16xf32>, vector<16xi32> -> vector<16xf32>
        %parallel_loop3A_1163 = arith.constant 16 : i32
        %parallel_loop3A_1164 = arith.muli %parallel_loop3A_1086, %parallel_loop3A_1163 : i32
        %parallel_loop3A_1165 = arith.constant 6 : i32
        %parallel_loop3A_1166 = arith.index_cast %parallel_loop3A_1165 : i32 to index
        %parallel_loop3A_1167 = arith.index_cast %parallel_loop3A_1164 : i32 to index
        %parallel_loop3A_1168 = tpu.vector_load %arg11[%parallel_loop3A_1166, %parallel_loop3A_1167] {strides = array<i32>} : memref<32x1024xf32, #tpu.memory_space<vmem>>, vector<1x16xf32>,
        %parallel_loop3A_1169 = vector.shape_cast %parallel_loop3A_1168 : vector<1x16xf32> to vector<16xf32>
        %parallel_loop3A_1170 = vector.shape_cast %parallel_loop3A_1162 : vector<16xf32> to vector<1x16xf32>
        tpu.vector_store %arg11[%parallel_loop3A_1166, %parallel_loop3A_1167], %parallel_loop3A_1170 {strides = array<i32>} : memref<32x1024xf32, #tpu.memory_space<vmem>>, vector<1x16xf32>,
        %parallel_loop3A_1171 = vector.shape_cast %parallel_loop3A_1093 : vector<16xi32> to vector<16x1xi32>
        %parallel_loop3A_1172 = vector.shape_cast %parallel_loop3A_1171 : vector<16x1xi32> to vector<16xi32>
        %parallel_loop3A_1173 = tpu.dynamic_gather %get3A_764[%parallel_loop3A_1172] in [0] : vector<16xf32>, vector<16xi32> -> vector<16xf32>
        %parallel_loop3A_1174 = arith.constant 16 : i32
        %parallel_loop3A_1175 = arith.muli %parallel_loop3A_1086, %parallel_loop3A_1174 : i32
        %parallel_loop3A_1176 = arith.constant 7 : i32
        %parallel_loop3A_1177 = arith.index_cast %parallel_loop3A_1176 : i32 to index
        %parallel_loop3A_1178 = arith.index_cast %parallel_loop3A_1175 : i32 to index
        %parallel_loop3A_1179 = tpu.vector_load %arg11[%parallel_loop3A_1177, %parallel_loop3A_1178] {strides = array<i32>} : memref<32x1024xf32, #tpu.memory_space<vmem>>, vector<1x16xf32>,
        %parallel_loop3A_1180 = vector.shape_cast %parallel_loop3A_1179 : vector<1x16xf32> to vector<16xf32>
        %parallel_loop3A_1181 = vector.shape_cast %parallel_loop3A_1173 : vector<16xf32> to vector<1x16xf32>
        tpu.vector_store %arg11[%parallel_loop3A_1177, %parallel_loop3A_1178], %parallel_loop3A_1181 {strides = array<i32>} : memref<32x1024xf32, #tpu.memory_space<vmem>>, vector<1x16xf32>,
        %parallel_loop3A_1182 = vector.shape_cast %parallel_loop3A_1093 : vector<16xi32> to vector<16x1xi32>
        %parallel_loop3A_1183 = vector.shape_cast %parallel_loop3A_1182 : vector<16x1xi32> to vector<16xi32>
        %parallel_loop3A_1184 = tpu.dynamic_gather %get3A_767[%parallel_loop3A_1183] in [0] : vector<16xf32>, vector<16xi32> -> vector<16xf32>
        %parallel_loop3A_1185 = arith.constant 16 : i32
        %parallel_loop3A_1186 = arith.muli %parallel_loop3A_1086, %parallel_loop3A_1185 : i32
        %parallel_loop3A_1187 = arith.constant 8 : i32
        %parallel_loop3A_1188 = arith.index_cast %parallel_loop3A_1187 : i32 to index
        %parallel_loop3A_1189 = arith.index_cast %parallel_loop3A_1186 : i32 to index
        %parallel_loop3A_1190 = tpu.vector_load %arg11[%parallel_loop3A_1188, %parallel_loop3A_1189] {strides = array<i32>} : memref<32x1024xf32, #tpu.memory_space<vmem>>, vector<1x16xf32>,
        %parallel_loop3A_1191 = vector.shape_cast %parallel_loop3A_1190 : vector<1x16xf32> to vector<16xf32>
        %parallel_loop3A_1192 = vector.shape_cast %parallel_loop3A_1184 : vector<16xf32> to vector<1x16xf32>
        tpu.vector_store %arg11[%parallel_loop3A_1188, %parallel_loop3A_1189], %parallel_loop3A_1192 {strides = array<i32>} : memref<32x1024xf32, #tpu.memory_space<vmem>>, vector<1x16xf32>,
        %parallel_loop3A_1193 = vector.shape_cast %parallel_loop3A_1093 : vector<16xi32> to vector<16x1xi32>
        %parallel_loop3A_1194 = vector.shape_cast %parallel_loop3A_1193 : vector<16x1xi32> to vector<16xi32>
        %parallel_loop3A_1195 = tpu.dynamic_gather %get3A_770[%parallel_loop3A_1194] in [0] : vector<16xf32>, vector<16xi32> -> vector<16xf32>
        %parallel_loop3A_1196 = arith.constant 16 : i32
        %parallel_loop3A_1197 = arith.muli %parallel_loop3A_1086, %parallel_loop3A_1196 : i32
        %parallel_loop3A_1198 = arith.constant 9 : i32
        %parallel_loop3A_1199 = arith.index_cast %parallel_loop3A_1198 : i32 to index
        %parallel_loop3A_1200 = arith.index_cast %parallel_loop3A_1197 : i32 to index
        %parallel_loop3A_1201 = tpu.vector_load %arg11[%parallel_loop3A_1199, %parallel_loop3A_1200] {strides = array<i32>} : memref<32x1024xf32, #tpu.memory_space<vmem>>, vector<1x16xf32>,
        %parallel_loop3A_1202 = vector.shape_cast %parallel_loop3A_1201 : vector<1x16xf32> to vector<16xf32>
        %parallel_loop3A_1203 = vector.shape_cast %parallel_loop3A_1195 : vector<16xf32> to vector<1x16xf32>
        tpu.vector_store %arg11[%parallel_loop3A_1199, %parallel_loop3A_1200], %parallel_loop3A_1203 {strides = array<i32>} : memref<32x1024xf32, #tpu.memory_space<vmem>>, vector<1x16xf32>,
        %parallel_loop3A_1204 = vector.shape_cast %parallel_loop3A_1093 : vector<16xi32> to vector<16x1xi32>
        %parallel_loop3A_1205 = vector.shape_cast %parallel_loop3A_1204 : vector<16x1xi32> to vector<16xi32>
        %parallel_loop3A_1206 = tpu.dynamic_gather %get3A_773[%parallel_loop3A_1205] in [0] : vector<16xf32>, vector<16xi32> -> vector<16xf32>
        %parallel_loop3A_1207 = arith.constant 16 : i32
        %parallel_loop3A_1208 = arith.muli %parallel_loop3A_1086, %parallel_loop3A_1207 : i32
        %parallel_loop3A_1209 = arith.constant 10 : i32
        %parallel_loop3A_1210 = arith.index_cast %parallel_loop3A_1209 : i32 to index
        %parallel_loop3A_1211 = arith.index_cast %parallel_loop3A_1208 : i32 to index
        %parallel_loop3A_1212 = tpu.vector_load %arg11[%parallel_loop3A_1210, %parallel_loop3A_1211] {strides = array<i32>} : memref<32x1024xf32, #tpu.memory_space<vmem>>, vector<1x16xf32>,
        %parallel_loop3A_1213 = vector.shape_cast %parallel_loop3A_1212 : vector<1x16xf32> to vector<16xf32>
        %parallel_loop3A_1214 = vector.shape_cast %parallel_loop3A_1206 : vector<16xf32> to vector<1x16xf32>
        tpu.vector_store %arg11[%parallel_loop3A_1210, %parallel_loop3A_1211], %parallel_loop3A_1214 {strides = array<i32>} : memref<32x1024xf32, #tpu.memory_space<vmem>>, vector<1x16xf32>,
        %parallel_loop3A_1215 = vector.shape_cast %parallel_loop3A_1093 : vector<16xi32> to vector<16x1xi32>
        %parallel_loop3A_1216 = vector.shape_cast %parallel_loop3A_1215 : vector<16x1xi32> to vector<16xi32>
        %parallel_loop3A_1217 = tpu.dynamic_gather %get3A_776[%parallel_loop3A_1216] in [0] : vector<16xf32>, vector<16xi32> -> vector<16xf32>
        %parallel_loop3A_1218 = arith.constant 16 : i32
        %parallel_loop3A_1219 = arith.muli %parallel_loop3A_1086, %parallel_loop3A_1218 : i32
        %parallel_loop3A_1220 = arith.constant 11 : i32
        %parallel_loop3A_1221 = arith.index_cast %parallel_loop3A_1220 : i32 to index
        %parallel_loop3A_1222 = arith.index_cast %parallel_loop3A_1219 : i32 to index
        %parallel_loop3A_1223 = tpu.vector_load %arg11[%parallel_loop3A_1221, %parallel_loop3A_1222] {strides = array<i32>} : memref<32x1024xf32, #tpu.memory_space<vmem>>, vector<1x16xf32>,
        %parallel_loop3A_1224 = vector.shape_cast %parallel_loop3A_1223 : vector<1x16xf32> to vector<16xf32>
        %parallel_loop3A_1225 = vector.shape_cast %parallel_loop3A_1217 : vector<16xf32> to vector<1x16xf32>
        tpu.vector_store %arg11[%parallel_loop3A_1221, %parallel_loop3A_1222], %parallel_loop3A_1225 {strides = array<i32>} : memref<32x1024xf32, #tpu.memory_space<vmem>>, vector<1x16xf32>,
        %parallel_loop3A_1226 = vector.shape_cast %parallel_loop3A_1093 : vector<16xi32> to vector<16x1xi32>
        %parallel_loop3A_1227 = vector.shape_cast %parallel_loop3A_1226 : vector<16x1xi32> to vector<16xi32>
        %parallel_loop3A_1228 = tpu.dynamic_gather %get3A_779[%parallel_loop3A_1227] in [0] : vector<16xf32>, vector<16xi32> -> vector<16xf32>
        %parallel_loop3A_1229 = arith.constant 16 : i32
        %parallel_loop3A_1230 = arith.muli %parallel_loop3A_1086, %parallel_loop3A_1229 : i32
        %parallel_loop3A_1231 = arith.constant 12 : i32
        %parallel_loop3A_1232 = arith.index_cast %parallel_loop3A_1231 : i32 to index
        %parallel_loop3A_1233 = arith.index_cast %parallel_loop3A_1230 : i32 to index
        %parallel_loop3A_1234 = tpu.vector_load %arg11[%parallel_loop3A_1232, %parallel_loop3A_1233] {strides = array<i32>} : memref<32x1024xf32, #tpu.memory_space<vmem>>, vector<1x16xf32>,
        %parallel_loop3A_1235 = vector.shape_cast %parallel_loop3A_1234 : vector<1x16xf32> to vector<16xf32>
        %parallel_loop3A_1236 = vector.shape_cast %parallel_loop3A_1228 : vector<16xf32> to vector<1x16xf32>
        tpu.vector_store %arg11[%parallel_loop3A_1232, %parallel_loop3A_1233], %parallel_loop3A_1236 {strides = array<i32>} : memref<32x1024xf32, #tpu.memory_space<vmem>>, vector<1x16xf32>,
        %parallel_loop3A_1237 = vector.shape_cast %parallel_loop3A_1093 : vector<16xi32> to vector<16x1xi32>
        %parallel_loop3A_1238 = vector.shape_cast %parallel_loop3A_1237 : vector<16x1xi32> to vector<16xi32>
        %parallel_loop3A_1239 = tpu.dynamic_gather %get3A_782[%parallel_loop3A_1238] in [0] : vector<16xf32>, vector<16xi32> -> vector<16xf32>
        %parallel_loop3A_1240 = arith.constant 16 : i32
        %parallel_loop3A_1241 = arith.muli %parallel_loop3A_1086, %parallel_loop3A_1240 : i32
        %parallel_loop3A_1242 = arith.constant 13 : i32
        %parallel_loop3A_1243 = arith.index_cast %parallel_loop3A_1242 : i32 to index
        %parallel_loop3A_1244 = arith.index_cast %parallel_loop3A_1241 : i32 to index
        %parallel_loop3A_1245 = tpu.vector_load %arg11[%parallel_loop3A_1243, %parallel_loop3A_1244] {strides = array<i32>} : memref<32x1024xf32, #tpu.memory_space<vmem>>, vector<1x16xf32>,
        %parallel_loop3A_1246 = vector.shape_cast %parallel_loop3A_1245 : vector<1x16xf32> to vector<16xf32>
        %parallel_loop3A_1247 = vector.shape_cast %parallel_loop3A_1239 : vector<16xf32> to vector<1x16xf32>
        tpu.vector_store %arg11[%parallel_loop3A_1243, %parallel_loop3A_1244], %parallel_loop3A_1247 {strides = array<i32>} : memref<32x1024xf32, #tpu.memory_space<vmem>>, vector<1x16xf32>,
        %parallel_loop3A_1248 = vector.shape_cast %parallel_loop3A_1093 : vector<16xi32> to vector<16x1xi32>
        %parallel_loop3A_1249 = vector.shape_cast %parallel_loop3A_1248 : vector<16x1xi32> to vector<16xi32>
        %parallel_loop3A_1250 = tpu.dynamic_gather %get3A_785[%parallel_loop3A_1249] in [0] : vector<16xf32>, vector<16xi32> -> vector<16xf32>
        %parallel_loop3A_1251 = arith.constant 16 : i32
        %parallel_loop3A_1252 = arith.muli %parallel_loop3A_1086, %parallel_loop3A_1251 : i32
        %parallel_loop3A_1253 = arith.constant 14 : i32
        %parallel_loop3A_1254 = arith.index_cast %parallel_loop3A_1253 : i32 to index
        %parallel_loop3A_1255 = arith.index_cast %parallel_loop3A_1252 : i32 to index
        %parallel_loop3A_1256 = tpu.vector_load %arg11[%parallel_loop3A_1254, %parallel_loop3A_1255] {strides = array<i32>} : memref<32x1024xf32, #tpu.memory_space<vmem>>, vector<1x16xf32>,
        %parallel_loop3A_1257 = vector.shape_cast %parallel_loop3A_1256 : vector<1x16xf32> to vector<16xf32>
        %parallel_loop3A_1258 = vector.shape_cast %parallel_loop3A_1250 : vector<16xf32> to vector<1x16xf32>
        tpu.vector_store %arg11[%parallel_loop3A_1254, %parallel_loop3A_1255], %parallel_loop3A_1258 {strides = array<i32>} : memref<32x1024xf32, #tpu.memory_space<vmem>>, vector<1x16xf32>,
        %parallel_loop3A_1259 = vector.shape_cast %parallel_loop3A_1093 : vector<16xi32> to vector<16x1xi32>
        %parallel_loop3A_1260 = vector.shape_cast %parallel_loop3A_1259 : vector<16x1xi32> to vector<16xi32>
        %parallel_loop3A_1261 = tpu.dynamic_gather %get3A_788[%parallel_loop3A_1260] in [0] : vector<16xf32>, vector<16xi32> -> vector<16xf32>
        %parallel_loop3A_1262 = arith.constant 16 : i32
        %parallel_loop3A_1263 = arith.muli %parallel_loop3A_1086, %parallel_loop3A_1262 : i32
        %parallel_loop3A_1264 = arith.constant 15 : i32
        %parallel_loop3A_1265 = arith.index_cast %parallel_loop3A_1264 : i32 to index
        %parallel_loop3A_1266 = arith.index_cast %parallel_loop3A_1263 : i32 to index
        %parallel_loop3A_1267 = tpu.vector_load %arg11[%parallel_loop3A_1265, %parallel_loop3A_1266] {strides = array<i32>} : memref<32x1024xf32, #tpu.memory_space<vmem>>, vector<1x16xf32>,
        %parallel_loop3A_1268 = vector.shape_cast %parallel_loop3A_1267 : vector<1x16xf32> to vector<16xf32>
        %parallel_loop3A_1269 = vector.shape_cast %parallel_loop3A_1261 : vector<16xf32> to vector<1x16xf32>
        tpu.vector_store %arg11[%parallel_loop3A_1265, %parallel_loop3A_1266], %parallel_loop3A_1269 {strides = array<i32>} : memref<32x1024xf32, #tpu.memory_space<vmem>>, vector<1x16xf32>,
        %parallel_loop3A_1270 = vector.shape_cast %parallel_loop3A_1093 : vector<16xi32> to vector<16x1xi32>
        %parallel_loop3A_1271 = vector.shape_cast %parallel_loop3A_1270 : vector<16x1xi32> to vector<16xi32>
        %parallel_loop3A_1272 = tpu.dynamic_gather %get3A_791[%parallel_loop3A_1271] in [0] : vector<16xf32>, vector<16xi32> -> vector<16xf32>
        %parallel_loop3A_1273 = arith.constant 16 : i32
        %parallel_loop3A_1274 = arith.muli %parallel_loop3A_1086, %parallel_loop3A_1273 : i32
        %parallel_loop3A_1275 = arith.constant 16 : i32
        %parallel_loop3A_1276 = arith.index_cast %parallel_loop3A_1275 : i32 to index
        %parallel_loop3A_1277 = arith.index_cast %parallel_loop3A_1274 : i32 to index
        %parallel_loop3A_1278 = tpu.vector_load %arg11[%parallel_loop3A_1276, %parallel_loop3A_1277] {strides = array<i32>} : memref<32x1024xf32, #tpu.memory_space<vmem>>, vector<1x16xf32>,
        %parallel_loop3A_1279 = vector.shape_cast %parallel_loop3A_1278 : vector<1x16xf32> to vector<16xf32>
        %parallel_loop3A_1280 = vector.shape_cast %parallel_loop3A_1272 : vector<16xf32> to vector<1x16xf32>
        tpu.vector_store %arg11[%parallel_loop3A_1276, %parallel_loop3A_1277], %parallel_loop3A_1280 {strides = array<i32>} : memref<32x1024xf32, #tpu.memory_space<vmem>>, vector<1x16xf32>,
        %parallel_loop3A_1281 = vector.shape_cast %parallel_loop3A_1093 : vector<16xi32> to vector<16x1xi32>
        %parallel_loop3A_1282 = vector.shape_cast %parallel_loop3A_1281 : vector<16x1xi32> to vector<16xi32>
        %parallel_loop3A_1283 = tpu.dynamic_gather %get3A_794[%parallel_loop3A_1282] in [0] : vector<16xf32>, vector<16xi32> -> vector<16xf32>
        %parallel_loop3A_1284 = arith.constant 16 : i32
        %parallel_loop3A_1285 = arith.muli %parallel_loop3A_1086, %parallel_loop3A_1284 : i32
        %parallel_loop3A_1286 = arith.constant 17 : i32
        %parallel_loop3A_1287 = arith.index_cast %parallel_loop3A_1286 : i32 to index
        %parallel_loop3A_1288 = arith.index_cast %parallel_loop3A_1285 : i32 to index
        %parallel_loop3A_1289 = tpu.vector_load %arg11[%parallel_loop3A_1287, %parallel_loop3A_1288] {strides = array<i32>} : memref<32x1024xf32, #tpu.memory_space<vmem>>, vector<1x16xf32>,
        %parallel_loop3A_1290 = vector.shape_cast %parallel_loop3A_1289 : vector<1x16xf32> to vector<16xf32>
        %parallel_loop3A_1291 = vector.shape_cast %parallel_loop3A_1283 : vector<16xf32> to vector<1x16xf32>
        tpu.vector_store %arg11[%parallel_loop3A_1287, %parallel_loop3A_1288], %parallel_loop3A_1291 {strides = array<i32>} : memref<32x1024xf32, #tpu.memory_space<vmem>>, vector<1x16xf32>,
        %parallel_loop3A_1292 = vector.shape_cast %parallel_loop3A_1093 : vector<16xi32> to vector<16x1xi32>
        %parallel_loop3A_1293 = vector.shape_cast %parallel_loop3A_1292 : vector<16x1xi32> to vector<16xi32>
        %parallel_loop3A_1294 = tpu.dynamic_gather %get3A_797[%parallel_loop3A_1293] in [0] : vector<16xf32>, vector<16xi32> -> vector<16xf32>
        %parallel_loop3A_1295 = arith.constant 16 : i32
        %parallel_loop3A_1296 = arith.muli %parallel_loop3A_1086, %parallel_loop3A_1295 : i32
        %parallel_loop3A_1297 = arith.constant 18 : i32
        %parallel_loop3A_1298 = arith.index_cast %parallel_loop3A_1297 : i32 to index
        %parallel_loop3A_1299 = arith.index_cast %parallel_loop3A_1296 : i32 to index
        %parallel_loop3A_1300 = tpu.vector_load %arg11[%parallel_loop3A_1298, %parallel_loop3A_1299] {strides = array<i32>} : memref<32x1024xf32, #tpu.memory_space<vmem>>, vector<1x16xf32>,
        %parallel_loop3A_1301 = vector.shape_cast %parallel_loop3A_1300 : vector<1x16xf32> to vector<16xf32>
        %parallel_loop3A_1302 = vector.shape_cast %parallel_loop3A_1294 : vector<16xf32> to vector<1x16xf32>
        tpu.vector_store %arg11[%parallel_loop3A_1298, %parallel_loop3A_1299], %parallel_loop3A_1302 {strides = array<i32>} : memref<32x1024xf32, #tpu.memory_space<vmem>>, vector<1x16xf32>,
        %parallel_loop3A_1303 = vector.shape_cast %parallel_loop3A_1093 : vector<16xi32> to vector<16x1xi32>
        %parallel_loop3A_1304 = vector.shape_cast %parallel_loop3A_1303 : vector<16x1xi32> to vector<16xi32>
        %parallel_loop3A_1305 = tpu.dynamic_gather %get3A_800[%parallel_loop3A_1304] in [0] : vector<16xf32>, vector<16xi32> -> vector<16xf32>
        %parallel_loop3A_1306 = arith.constant 16 : i32
        %parallel_loop3A_1307 = arith.muli %parallel_loop3A_1086, %parallel_loop3A_1306 : i32
        %parallel_loop3A_1308 = arith.constant 19 : i32
        %parallel_loop3A_1309 = arith.index_cast %parallel_loop3A_1308 : i32 to index
        %parallel_loop3A_1310 = arith.index_cast %parallel_loop3A_1307 : i32 to index
        %parallel_loop3A_1311 = tpu.vector_load %arg11[%parallel_loop3A_1309, %parallel_loop3A_1310] {strides = array<i32>} : memref<32x1024xf32, #tpu.memory_space<vmem>>, vector<1x16xf32>,
        %parallel_loop3A_1312 = vector.shape_cast %parallel_loop3A_1311 : vector<1x16xf32> to vector<16xf32>
        %parallel_loop3A_1313 = vector.shape_cast %parallel_loop3A_1305 : vector<16xf32> to vector<1x16xf32>
        tpu.vector_store %arg11[%parallel_loop3A_1309, %parallel_loop3A_1310], %parallel_loop3A_1313 {strides = array<i32>} : memref<32x1024xf32, #tpu.memory_space<vmem>>, vector<1x16xf32>,
        %parallel_loop3A_1314 = vector.shape_cast %parallel_loop3A_1093 : vector<16xi32> to vector<16x1xi32>
        %parallel_loop3A_1315 = vector.shape_cast %parallel_loop3A_1314 : vector<16x1xi32> to vector<16xi32>
        %parallel_loop3A_1316 = tpu.dynamic_gather %get3A_803[%parallel_loop3A_1315] in [0] : vector<16xf32>, vector<16xi32> -> vector<16xf32>
        %parallel_loop3A_1317 = arith.constant 16 : i32
        %parallel_loop3A_1318 = arith.muli %parallel_loop3A_1086, %parallel_loop3A_1317 : i32
        %parallel_loop3A_1319 = arith.constant 20 : i32
        %parallel_loop3A_1320 = arith.index_cast %parallel_loop3A_1319 : i32 to index
        %parallel_loop3A_1321 = arith.index_cast %parallel_loop3A_1318 : i32 to index
        %parallel_loop3A_1322 = tpu.vector_load %arg11[%parallel_loop3A_1320, %parallel_loop3A_1321] {strides = array<i32>} : memref<32x1024xf32, #tpu.memory_space<vmem>>, vector<1x16xf32>,
        %parallel_loop3A_1323 = vector.shape_cast %parallel_loop3A_1322 : vector<1x16xf32> to vector<16xf32>
        %parallel_loop3A_1324 = vector.shape_cast %parallel_loop3A_1316 : vector<16xf32> to vector<1x16xf32>
        tpu.vector_store %arg11[%parallel_loop3A_1320, %parallel_loop3A_1321], %parallel_loop3A_1324 {strides = array<i32>} : memref<32x1024xf32, #tpu.memory_space<vmem>>, vector<1x16xf32>,
        %parallel_loop3A_1325 = vector.shape_cast %parallel_loop3A_1093 : vector<16xi32> to vector<16x1xi32>
        %parallel_loop3A_1326 = vector.shape_cast %parallel_loop3A_1325 : vector<16x1xi32> to vector<16xi32>
        %parallel_loop3A_1327 = tpu.dynamic_gather %get3A_806[%parallel_loop3A_1326] in [0] : vector<16xf32>, vector<16xi32> -> vector<16xf32>
        %parallel_loop3A_1328 = arith.constant 16 : i32
        %parallel_loop3A_1329 = arith.muli %parallel_loop3A_1086, %parallel_loop3A_1328 : i32
        %parallel_loop3A_1330 = arith.constant 21 : i32
        %parallel_loop3A_1331 = arith.index_cast %parallel_loop3A_1330 : i32 to index
        %parallel_loop3A_1332 = arith.index_cast %parallel_loop3A_1329 : i32 to index
        %parallel_loop3A_1333 = tpu.vector_load %arg11[%parallel_loop3A_1331, %parallel_loop3A_1332] {strides = array<i32>} : memref<32x1024xf32, #tpu.memory_space<vmem>>, vector<1x16xf32>,
        %parallel_loop3A_1334 = vector.shape_cast %parallel_loop3A_1333 : vector<1x16xf32> to vector<16xf32>
        %parallel_loop3A_1335 = vector.shape_cast %parallel_loop3A_1327 : vector<16xf32> to vector<1x16xf32>
        tpu.vector_store %arg11[%parallel_loop3A_1331, %parallel_loop3A_1332], %parallel_loop3A_1335 {strides = array<i32>} : memref<32x1024xf32, #tpu.memory_space<vmem>>, vector<1x16xf32>,
        %parallel_loop3A_1336 = vector.shape_cast %parallel_loop3A_1093 : vector<16xi32> to vector<16x1xi32>
        %parallel_loop3A_1337 = vector.shape_cast %parallel_loop3A_1336 : vector<16x1xi32> to vector<16xi32>
        %parallel_loop3A_1338 = tpu.dynamic_gather %get3A_809[%parallel_loop3A_1337] in [0] : vector<16xf32>, vector<16xi32> -> vector<16xf32>
        %parallel_loop3A_1339 = arith.constant 16 : i32
        %parallel_loop3A_1340 = arith.muli %parallel_loop3A_1086, %parallel_loop3A_1339 : i32
        %parallel_loop3A_1341 = arith.constant 22 : i32
        %parallel_loop3A_1342 = arith.index_cast %parallel_loop3A_1341 : i32 to index
        %parallel_loop3A_1343 = arith.index_cast %parallel_loop3A_1340 : i32 to index
        %parallel_loop3A_1344 = tpu.vector_load %arg11[%parallel_loop3A_1342, %parallel_loop3A_1343] {strides = array<i32>} : memref<32x1024xf32, #tpu.memory_space<vmem>>, vector<1x16xf32>,
        %parallel_loop3A_1345 = vector.shape_cast %parallel_loop3A_1344 : vector<1x16xf32> to vector<16xf32>
        %parallel_loop3A_1346 = vector.shape_cast %parallel_loop3A_1338 : vector<16xf32> to vector<1x16xf32>
        tpu.vector_store %arg11[%parallel_loop3A_1342, %parallel_loop3A_1343], %parallel_loop3A_1346 {strides = array<i32>} : memref<32x1024xf32, #tpu.memory_space<vmem>>, vector<1x16xf32>,
        %parallel_loop3A_1347 = vector.shape_cast %parallel_loop3A_1093 : vector<16xi32> to vector<16x1xi32>
        %parallel_loop3A_1348 = vector.shape_cast %parallel_loop3A_1347 : vector<16x1xi32> to vector<16xi32>
        %parallel_loop3A_1349 = tpu.dynamic_gather %get3A_812[%parallel_loop3A_1348] in [0] : vector<16xf32>, vector<16xi32> -> vector<16xf32>
        %parallel_loop3A_1350 = arith.constant 16 : i32
        %parallel_loop3A_1351 = arith.muli %parallel_loop3A_1086, %parallel_loop3A_1350 : i32
        %parallel_loop3A_1352 = arith.constant 23 : i32
        %parallel_loop3A_1353 = arith.index_cast %parallel_loop3A_1352 : i32 to index
        %parallel_loop3A_1354 = arith.index_cast %parallel_loop3A_1351 : i32 to index
        %parallel_loop3A_1355 = tpu.vector_load %arg11[%parallel_loop3A_1353, %parallel_loop3A_1354] {strides = array<i32>} : memref<32x1024xf32, #tpu.memory_space<vmem>>, vector<1x16xf32>,
        %parallel_loop3A_1356 = vector.shape_cast %parallel_loop3A_1355 : vector<1x16xf32> to vector<16xf32>
        %parallel_loop3A_1357 = vector.shape_cast %parallel_loop3A_1349 : vector<16xf32> to vector<1x16xf32>
        tpu.vector_store %arg11[%parallel_loop3A_1353, %parallel_loop3A_1354], %parallel_loop3A_1357 {strides = array<i32>} : memref<32x1024xf32, #tpu.memory_space<vmem>>, vector<1x16xf32>,
        %parallel_loop3A_1358 = vector.shape_cast %parallel_loop3A_1093 : vector<16xi32> to vector<16x1xi32>
        %parallel_loop3A_1359 = vector.shape_cast %parallel_loop3A_1358 : vector<16x1xi32> to vector<16xi32>
        %parallel_loop3A_1360 = tpu.dynamic_gather %get3A_815[%parallel_loop3A_1359] in [0] : vector<16xf32>, vector<16xi32> -> vector<16xf32>
        %parallel_loop3A_1361 = arith.constant 16 : i32
        %parallel_loop3A_1362 = arith.muli %parallel_loop3A_1086, %parallel_loop3A_1361 : i32
        %parallel_loop3A_1363 = arith.constant 24 : i32
        %parallel_loop3A_1364 = arith.index_cast %parallel_loop3A_1363 : i32 to index
        %parallel_loop3A_1365 = arith.index_cast %parallel_loop3A_1362 : i32 to index
        %parallel_loop3A_1366 = tpu.vector_load %arg11[%parallel_loop3A_1364, %parallel_loop3A_1365] {strides = array<i32>} : memref<32x1024xf32, #tpu.memory_space<vmem>>, vector<1x16xf32>,
        %parallel_loop3A_1367 = vector.shape_cast %parallel_loop3A_1366 : vector<1x16xf32> to vector<16xf32>
        %parallel_loop3A_1368 = vector.shape_cast %parallel_loop3A_1360 : vector<16xf32> to vector<1x16xf32>
        tpu.vector_store %arg11[%parallel_loop3A_1364, %parallel_loop3A_1365], %parallel_loop3A_1368 {strides = array<i32>} : memref<32x1024xf32, #tpu.memory_space<vmem>>, vector<1x16xf32>,
        %parallel_loop3A_1369 = vector.shape_cast %parallel_loop3A_1093 : vector<16xi32> to vector<16x1xi32>
        %parallel_loop3A_1370 = vector.shape_cast %parallel_loop3A_1369 : vector<16x1xi32> to vector<16xi32>
        %parallel_loop3A_1371 = tpu.dynamic_gather %get3A_818[%parallel_loop3A_1370] in [0] : vector<16xf32>, vector<16xi32> -> vector<16xf32>
        %parallel_loop3A_1372 = arith.constant 16 : i32
        %parallel_loop3A_1373 = arith.muli %parallel_loop3A_1086, %parallel_loop3A_1372 : i32
        %parallel_loop3A_1374 = arith.constant 25 : i32
        %parallel_loop3A_1375 = arith.index_cast %parallel_loop3A_1374 : i32 to index
        %parallel_loop3A_1376 = arith.index_cast %parallel_loop3A_1373 : i32 to index
        %parallel_loop3A_1377 = tpu.vector_load %arg11[%parallel_loop3A_1375, %parallel_loop3A_1376] {strides = array<i32>} : memref<32x1024xf32, #tpu.memory_space<vmem>>, vector<1x16xf32>,
        %parallel_loop3A_1378 = vector.shape_cast %parallel_loop3A_1377 : vector<1x16xf32> to vector<16xf32>
        %parallel_loop3A_1379 = vector.shape_cast %parallel_loop3A_1371 : vector<16xf32> to vector<1x16xf32>
        tpu.vector_store %arg11[%parallel_loop3A_1375, %parallel_loop3A_1376], %parallel_loop3A_1379 {strides = array<i32>} : memref<32x1024xf32, #tpu.memory_space<vmem>>, vector<1x16xf32>,
        %parallel_loop3A_1380 = vector.shape_cast %parallel_loop3A_1093 : vector<16xi32> to vector<16x1xi32>
        %parallel_loop3A_1381 = vector.shape_cast %parallel_loop3A_1380 : vector<16x1xi32> to vector<16xi32>
        %parallel_loop3A_1382 = tpu.dynamic_gather %get3A_821[%parallel_loop3A_1381] in [0] : vector<16xf32>, vector<16xi32> -> vector<16xf32>
        %parallel_loop3A_1383 = arith.constant 16 : i32
        %parallel_loop3A_1384 = arith.muli %parallel_loop3A_1086, %parallel_loop3A_1383 : i32
        %parallel_loop3A_1385 = arith.constant 26 : i32
        %parallel_loop3A_1386 = arith.index_cast %parallel_loop3A_1385 : i32 to index
        %parallel_loop3A_1387 = arith.index_cast %parallel_loop3A_1384 : i32 to index
        %parallel_loop3A_1388 = tpu.vector_load %arg11[%parallel_loop3A_1386, %parallel_loop3A_1387] {strides = array<i32>} : memref<32x1024xf32, #tpu.memory_space<vmem>>, vector<1x16xf32>,
        %parallel_loop3A_1389 = vector.shape_cast %parallel_loop3A_1388 : vector<1x16xf32> to vector<16xf32>
        %parallel_loop3A_1390 = vector.shape_cast %parallel_loop3A_1382 : vector<16xf32> to vector<1x16xf32>
        tpu.vector_store %arg11[%parallel_loop3A_1386, %parallel_loop3A_1387], %parallel_loop3A_1390 {strides = array<i32>} : memref<32x1024xf32, #tpu.memory_space<vmem>>, vector<1x16xf32>,
        %parallel_loop3A_1391 = vector.shape_cast %parallel_loop3A_1093 : vector<16xi32> to vector<16x1xi32>
        %parallel_loop3A_1392 = vector.shape_cast %parallel_loop3A_1391 : vector<16x1xi32> to vector<16xi32>
        %parallel_loop3A_1393 = tpu.dynamic_gather %get3A_824[%parallel_loop3A_1392] in [0] : vector<16xf32>, vector<16xi32> -> vector<16xf32>
        %parallel_loop3A_1394 = arith.constant 16 : i32
        %parallel_loop3A_1395 = arith.muli %parallel_loop3A_1086, %parallel_loop3A_1394 : i32
        %parallel_loop3A_1396 = arith.constant 27 : i32
        %parallel_loop3A_1397 = arith.index_cast %parallel_loop3A_1396 : i32 to index
        %parallel_loop3A_1398 = arith.index_cast %parallel_loop3A_1395 : i32 to index
        %parallel_loop3A_1399 = tpu.vector_load %arg11[%parallel_loop3A_1397, %parallel_loop3A_1398] {strides = array<i32>} : memref<32x1024xf32, #tpu.memory_space<vmem>>, vector<1x16xf32>,
        %parallel_loop3A_1400 = vector.shape_cast %parallel_loop3A_1399 : vector<1x16xf32> to vector<16xf32>
        %parallel_loop3A_1401 = vector.shape_cast %parallel_loop3A_1393 : vector<16xf32> to vector<1x16xf32>
        tpu.vector_store %arg11[%parallel_loop3A_1397, %parallel_loop3A_1398], %parallel_loop3A_1401 {strides = array<i32>} : memref<32x1024xf32, #tpu.memory_space<vmem>>, vector<1x16xf32>,
        %parallel_loop3A_1402 = vector.shape_cast %parallel_loop3A_1093 : vector<16xi32> to vector<16x1xi32>
        %parallel_loop3A_1403 = vector.shape_cast %parallel_loop3A_1402 : vector<16x1xi32> to vector<16xi32>
        %parallel_loop3A_1404 = tpu.dynamic_gather %get3A_827[%parallel_loop3A_1403] in [0] : vector<16xf32>, vector<16xi32> -> vector<16xf32>
        %parallel_loop3A_1405 = arith.constant 16 : i32
        %parallel_loop3A_1406 = arith.muli %parallel_loop3A_1086, %parallel_loop3A_1405 : i32
        %parallel_loop3A_1407 = arith.constant 28 : i32
        %parallel_loop3A_1408 = arith.index_cast %parallel_loop3A_1407 : i32 to index
        %parallel_loop3A_1409 = arith.index_cast %parallel_loop3A_1406 : i32 to index
        %parallel_loop3A_1410 = tpu.vector_load %arg11[%parallel_loop3A_1408, %parallel_loop3A_1409] {strides = array<i32>} : memref<32x1024xf32, #tpu.memory_space<vmem>>, vector<1x16xf32>,
        %parallel_loop3A_1411 = vector.shape_cast %parallel_loop3A_1410 : vector<1x16xf32> to vector<16xf32>
        %parallel_loop3A_1412 = vector.shape_cast %parallel_loop3A_1404 : vector<16xf32> to vector<1x16xf32>
        tpu.vector_store %arg11[%parallel_loop3A_1408, %parallel_loop3A_1409], %parallel_loop3A_1412 {strides = array<i32>} : memref<32x1024xf32, #tpu.memory_space<vmem>>, vector<1x16xf32>,
        %parallel_loop3A_1413 = vector.shape_cast %parallel_loop3A_1093 : vector<16xi32> to vector<16x1xi32>
        %parallel_loop3A_1414 = vector.shape_cast %parallel_loop3A_1413 : vector<16x1xi32> to vector<16xi32>
        %parallel_loop3A_1415 = tpu.dynamic_gather %get3A_830[%parallel_loop3A_1414] in [0] : vector<16xf32>, vector<16xi32> -> vector<16xf32>
        %parallel_loop3A_1416 = arith.constant 16 : i32
        %parallel_loop3A_1417 = arith.muli %parallel_loop3A_1086, %parallel_loop3A_1416 : i32
        %parallel_loop3A_1418 = arith.constant 29 : i32
        %parallel_loop3A_1419 = arith.index_cast %parallel_loop3A_1418 : i32 to index
        %parallel_loop3A_1420 = arith.index_cast %parallel_loop3A_1417 : i32 to index
        %parallel_loop3A_1421 = tpu.vector_load %arg11[%parallel_loop3A_1419, %parallel_loop3A_1420] {strides = array<i32>} : memref<32x1024xf32, #tpu.memory_space<vmem>>, vector<1x16xf32>,
        %parallel_loop3A_1422 = vector.shape_cast %parallel_loop3A_1421 : vector<1x16xf32> to vector<16xf32>
        %parallel_loop3A_1423 = vector.shape_cast %parallel_loop3A_1415 : vector<16xf32> to vector<1x16xf32>
        tpu.vector_store %arg11[%parallel_loop3A_1419, %parallel_loop3A_1420], %parallel_loop3A_1423 {strides = array<i32>} : memref<32x1024xf32, #tpu.memory_space<vmem>>, vector<1x16xf32>,
        %parallel_loop3A_1424 = vector.shape_cast %parallel_loop3A_1093 : vector<16xi32> to vector<16x1xi32>
        %parallel_loop3A_1425 = vector.shape_cast %parallel_loop3A_1424 : vector<16x1xi32> to vector<16xi32>
        %parallel_loop3A_1426 = tpu.dynamic_gather %get3A_833[%parallel_loop3A_1425] in [0] : vector<16xf32>, vector<16xi32> -> vector<16xf32>
        %parallel_loop3A_1427 = arith.constant 16 : i32
        %parallel_loop3A_1428 = arith.muli %parallel_loop3A_1086, %parallel_loop3A_1427 : i32
        %parallel_loop3A_1429 = arith.constant 30 : i32
        %parallel_loop3A_1430 = arith.index_cast %parallel_loop3A_1429 : i32 to index
        %parallel_loop3A_1431 = arith.index_cast %parallel_loop3A_1428 : i32 to index
        %parallel_loop3A_1432 = tpu.vector_load %arg11[%parallel_loop3A_1430, %parallel_loop3A_1431] {strides = array<i32>} : memref<32x1024xf32, #tpu.memory_space<vmem>>, vector<1x16xf32>,
        %parallel_loop3A_1433 = vector.shape_cast %parallel_loop3A_1432 : vector<1x16xf32> to vector<16xf32>
        %parallel_loop3A_1434 = vector.shape_cast %parallel_loop3A_1426 : vector<16xf32> to vector<1x16xf32>
        tpu.vector_store %arg11[%parallel_loop3A_1430, %parallel_loop3A_1431], %parallel_loop3A_1434 {strides = array<i32>} : memref<32x1024xf32, #tpu.memory_space<vmem>>, vector<1x16xf32>,
        %parallel_loop3A_1435 = vector.shape_cast %parallel_loop3A_1093 : vector<16xi32> to vector<16x1xi32>
        %parallel_loop3A_1436 = vector.shape_cast %parallel_loop3A_1435 : vector<16x1xi32> to vector<16xi32>
        %parallel_loop3A_1437 = tpu.dynamic_gather %get3A_836[%parallel_loop3A_1436] in [0] : vector<16xf32>, vector<16xi32> -> vector<16xf32>
        %parallel_loop3A_1438 = arith.constant 16 : i32
        %parallel_loop3A_1439 = arith.muli %parallel_loop3A_1086, %parallel_loop3A_1438 : i32
        %parallel_loop3A_1440 = arith.constant 31 : i32
        %parallel_loop3A_1441 = arith.index_cast %parallel_loop3A_1440 : i32 to index
        %parallel_loop3A_1442 = arith.index_cast %parallel_loop3A_1439 : i32 to index
        %parallel_loop3A_1443 = tpu.vector_load %arg11[%parallel_loop3A_1441, %parallel_loop3A_1442] {strides = array<i32>} : memref<32x1024xf32, #tpu.memory_space<vmem>>, vector<1x16xf32>,
        %parallel_loop3A_1444 = vector.shape_cast %parallel_loop3A_1443 : vector<1x16xf32> to vector<16xf32>
        %parallel_loop3A_1445 = vector.shape_cast %parallel_loop3A_1437 : vector<16xf32> to vector<1x16xf32>
        tpu.vector_store %arg11[%parallel_loop3A_1441, %parallel_loop3A_1442], %parallel_loop3A_1445 {strides = array<i32>} : memref<32x1024xf32, #tpu.memory_space<vmem>>, vector<1x16xf32>,
      } {sc.loop_unroll_factor = 1 : i64, sc.parallel_access}
      %mul3A_840 = arith.constant 1024 : i32
      %mul3A_841 = arith.muli %scan3A_144, %mul3A_840 : i32
      %add3A_842 = arith.addi %mul3A_32, %mul3A_841 : i32
      %dma_start3A_843 = arith.constant 5 : i32
      %dma_start3A_844 = arith.constant 0 : i32
      %dma_start3A_845 = tpu.memref_slice %arg5[%select_n3A, %dma_start3A_843, %dma_start3A_844, %add3A_842] : memref<8x8x32x16384xf32, #tpu.memory_space<hbm>> -> memref<1x1x32x1024xf32, #tpu.memory_space<hbm>>
      %dma_start3A_846 = tpu.memref_squeeze %dma_start3A_845 : memref<1x1x32x1024xf32, #tpu.memory_space<hbm>> -> memref<32x1024xf32, #tpu.memory_space<hbm>>
      %dma_start3A_847 = arith.constant 0 : i32
      %dma_start3A_848 = tpu.memref_slice %arg5[%select_n3A, %dma_start3A_843, %dma_start3A_847, %add3A_842] : memref<8x8x32x16384xf32, #tpu.memory_space<hbm>> -> memref<1x1x32x1024xf32, #tpu.memory_space<hbm>>
      %dma_start3A_849 = tpu.memref_squeeze %dma_start3A_848 : memref<1x1x32x1024xf32, #tpu.memory_space<hbm>> -> memref<32x1024xf32, #tpu.memory_space<hbm>>
      tpu.enqueue_dma source(%arg11 : memref<32x1024xf32, #tpu.memory_space<vmem>>) target(%dma_start3A_849 : memref<32x1024xf32, #tpu.memory_space<hbm>>) target_semaphore(%arg13 : memref<!tpu.dma_semaphore, #tpu.memory_space<semaphore_mem>>)
      %add3A_850 = arith.constant 0 : i32
      %add3A_851 = arith.addi %mul3A_32, %add3A_850 : i32
      %dma_wait3A_852 = arith.constant 0 : i32
      %dma_wait3A_853 = arith.constant 0 : i32
      %dma_wait3A_854 = tpu.memref_slice %arg5[%select_n3A, %dma_wait3A_852, %dma_wait3A_853, %add3A_851] : memref<8x8x32x16384xf32, #tpu.memory_space<hbm>> -> memref<1x1x32x1024xf32, #tpu.memory_space<hbm>>
      %dma_wait3A_855 = tpu.memref_squeeze %dma_wait3A_854 : memref<1x1x32x1024xf32, #tpu.memory_space<hbm>> -> memref<32x1024xf32, #tpu.memory_space<hbm>>
      %dma_wait3A_856 = arith.constant 0 : i32
      %dma_wait3A_857 = tpu.memref_slice %arg5[%select_n3A, %dma_wait3A_852, %dma_wait3A_856, %add3A_851] : memref<8x8x32x16384xf32, #tpu.memory_space<hbm>> -> memref<1x1x32x1024xf32, #tpu.memory_space<hbm>>
      %dma_wait3A_858 = tpu.memref_squeeze %dma_wait3A_857 : memref<1x1x32x1024xf32, #tpu.memory_space<hbm>> -> memref<32x1024xf32, #tpu.memory_space<hbm>>
      tpu.wait_dma2 semaphore(%arg12 : memref<!tpu.dma_semaphore, #tpu.memory_space<semaphore_mem>>) src(%arg10 : memref<32x1024xf32, #tpu.memory_space<vmem>>) dst(%dma_wait3A_858 : memref<32x1024xf32, #tpu.memory_space<hbm>>)
      %get3A_859 = arith.constant 3072 : index
      %get3A_860 = tpu.vector_load %arg8[%get3A_859] {strides = array<i32>} : memref<4096xf32, #tpu.memory_space<vmem>>, vector<16xf32>,
      %get3A_861 = vector.shape_cast %get3A_860 : vector<16xf32> to vector<16xf32>
      %get3A_862 = arith.constant 3088 : index
      %get3A_863 = tpu.vector_load %arg8[%get3A_862] {strides = array<i32>} : memref<4096xf32, #tpu.memory_space<vmem>>, vector<16xf32>,
      %get3A_864 = vector.shape_cast %get3A_863 : vector<16xf32> to vector<16xf32>
      %get3A_865 = arith.constant 3104 : index
      %get3A_866 = tpu.vector_load %arg8[%get3A_865] {strides = array<i32>} : memref<4096xf32, #tpu.memory_space<vmem>>, vector<16xf32>,
      %get3A_867 = vector.shape_cast %get3A_866 : vector<16xf32> to vector<16xf32>
      %get3A_868 = arith.constant 3120 : index
      %get3A_869 = tpu.vector_load %arg8[%get3A_868] {strides = array<i32>} : memref<4096xf32, #tpu.memory_space<vmem>>, vector<16xf32>,
      %get3A_870 = vector.shape_cast %get3A_869 : vector<16xf32> to vector<16xf32>
      %get3A_871 = arith.constant 3136 : index
      %get3A_872 = tpu.vector_load %arg8[%get3A_871] {strides = array<i32>} : memref<4096xf32, #tpu.memory_space<vmem>>, vector<16xf32>,
      %get3A_873 = vector.shape_cast %get3A_872 : vector<16xf32> to vector<16xf32>
      %get3A_874 = arith.constant 3152 : index
      %get3A_875 = tpu.vector_load %arg8[%get3A_874] {strides = array<i32>} : memref<4096xf32, #tpu.memory_space<vmem>>, vector<16xf32>,
      %get3A_876 = vector.shape_cast %get3A_875 : vector<16xf32> to vector<16xf32>
      %get3A_877 = arith.constant 3168 : index
      %get3A_878 = tpu.vector_load %arg8[%get3A_877] {strides = array<i32>} : memref<4096xf32, #tpu.memory_space<vmem>>, vector<16xf32>,
      %get3A_879 = vector.shape_cast %get3A_878 : vector<16xf32> to vector<16xf32>
      %get3A_880 = arith.constant 3184 : index
      %get3A_881 = tpu.vector_load %arg8[%get3A_880] {strides = array<i32>} : memref<4096xf32, #tpu.memory_space<vmem>>, vector<16xf32>,
      %get3A_882 = vector.shape_cast %get3A_881 : vector<16xf32> to vector<16xf32>
      %get3A_883 = arith.constant 3200 : index
      %get3A_884 = tpu.vector_load %arg8[%get3A_883] {strides = array<i32>} : memref<4096xf32, #tpu.memory_space<vmem>>, vector<16xf32>,
      %get3A_885 = vector.shape_cast %get3A_884 : vector<16xf32> to vector<16xf32>
      %get3A_886 = arith.constant 3216 : index
      %get3A_887 = tpu.vector_load %arg8[%get3A_886] {strides = array<i32>} : memref<4096xf32, #tpu.memory_space<vmem>>, vector<16xf32>,
      %get3A_888 = vector.shape_cast %get3A_887 : vector<16xf32> to vector<16xf32>
      %get3A_889 = arith.constant 3232 : index
      %get3A_890 = tpu.vector_load %arg8[%get3A_889] {strides = array<i32>} : memref<4096xf32, #tpu.memory_space<vmem>>, vector<16xf32>,
      %get3A_891 = vector.shape_cast %get3A_890 : vector<16xf32> to vector<16xf32>
      %get3A_892 = arith.constant 3248 : index
      %get3A_893 = tpu.vector_load %arg8[%get3A_892] {strides = array<i32>} : memref<4096xf32, #tpu.memory_space<vmem>>, vector<16xf32>,
      %get3A_894 = vector.shape_cast %get3A_893 : vector<16xf32> to vector<16xf32>
      %get3A_895 = arith.constant 3264 : index
      %get3A_896 = tpu.vector_load %arg8[%get3A_895] {strides = array<i32>} : memref<4096xf32, #tpu.memory_space<vmem>>, vector<16xf32>,
      %get3A_897 = vector.shape_cast %get3A_896 : vector<16xf32> to vector<16xf32>
      %get3A_898 = arith.constant 3280 : index
      %get3A_899 = tpu.vector_load %arg8[%get3A_898] {strides = array<i32>} : memref<4096xf32, #tpu.memory_space<vmem>>, vector<16xf32>,
      %get3A_900 = vector.shape_cast %get3A_899 : vector<16xf32> to vector<16xf32>
      %get3A_901 = arith.constant 3296 : index
      %get3A_902 = tpu.vector_load %arg8[%get3A_901] {strides = array<i32>} : memref<4096xf32, #tpu.memory_space<vmem>>, vector<16xf32>,
      %get3A_903 = vector.shape_cast %get3A_902 : vector<16xf32> to vector<16xf32>
      %get3A_904 = arith.constant 3312 : index
      %get3A_905 = tpu.vector_load %arg8[%get3A_904] {strides = array<i32>} : memref<4096xf32, #tpu.memory_space<vmem>>, vector<16xf32>,
      %get3A_906 = vector.shape_cast %get3A_905 : vector<16xf32> to vector<16xf32>
      %get3A_907 = arith.constant 3328 : index
      %get3A_908 = tpu.vector_load %arg8[%get3A_907] {strides = array<i32>} : memref<4096xf32, #tpu.memory_space<vmem>>, vector<16xf32>,
      %get3A_909 = vector.shape_cast %get3A_908 : vector<16xf32> to vector<16xf32>
      %get3A_910 = arith.constant 3344 : index
      %get3A_911 = tpu.vector_load %arg8[%get3A_910] {strides = array<i32>} : memref<4096xf32, #tpu.memory_space<vmem>>, vector<16xf32>,
      %get3A_912 = vector.shape_cast %get3A_911 : vector<16xf32> to vector<16xf32>
      %get3A_913 = arith.constant 3360 : index
      %get3A_914 = tpu.vector_load %arg8[%get3A_913] {strides = array<i32>} : memref<4096xf32, #tpu.memory_space<vmem>>, vector<16xf32>,
      %get3A_915 = vector.shape_cast %get3A_914 : vector<16xf32> to vector<16xf32>
      %get3A_916 = arith.constant 3376 : index
      %get3A_917 = tpu.vector_load %arg8[%get3A_916] {strides = array<i32>} : memref<4096xf32, #tpu.memory_space<vmem>>, vector<16xf32>,
      %get3A_918 = vector.shape_cast %get3A_917 : vector<16xf32> to vector<16xf32>
      %get3A_919 = arith.constant 3392 : index
      %get3A_920 = tpu.vector_load %arg8[%get3A_919] {strides = array<i32>} : memref<4096xf32, #tpu.memory_space<vmem>>, vector<16xf32>,
      %get3A_921 = vector.shape_cast %get3A_920 : vector<16xf32> to vector<16xf32>
      %get3A_922 = arith.constant 3408 : index
      %get3A_923 = tpu.vector_load %arg8[%get3A_922] {strides = array<i32>} : memref<4096xf32, #tpu.memory_space<vmem>>, vector<16xf32>,
      %get3A_924 = vector.shape_cast %get3A_923 : vector<16xf32> to vector<16xf32>
      %get3A_925 = arith.constant 3424 : index
      %get3A_926 = tpu.vector_load %arg8[%get3A_925] {strides = array<i32>} : memref<4096xf32, #tpu.memory_space<vmem>>, vector<16xf32>,
      %get3A_927 = vector.shape_cast %get3A_926 : vector<16xf32> to vector<16xf32>
      %get3A_928 = arith.constant 3440 : index
      %get3A_929 = tpu.vector_load %arg8[%get3A_928] {strides = array<i32>} : memref<4096xf32, #tpu.memory_space<vmem>>, vector<16xf32>,
      %get3A_930 = vector.shape_cast %get3A_929 : vector<16xf32> to vector<16xf32>
      %get3A_931 = arith.constant 3456 : index
      %get3A_932 = tpu.vector_load %arg8[%get3A_931] {strides = array<i32>} : memref<4096xf32, #tpu.memory_space<vmem>>, vector<16xf32>,
      %get3A_933 = vector.shape_cast %get3A_932 : vector<16xf32> to vector<16xf32>
      %get3A_934 = arith.constant 3472 : index
      %get3A_935 = tpu.vector_load %arg8[%get3A_934] {strides = array<i32>} : memref<4096xf32, #tpu.memory_space<vmem>>, vector<16xf32>,
      %get3A_936 = vector.shape_cast %get3A_935 : vector<16xf32> to vector<16xf32>
      %get3A_937 = arith.constant 3488 : index
      %get3A_938 = tpu.vector_load %arg8[%get3A_937] {strides = array<i32>} : memref<4096xf32, #tpu.memory_space<vmem>>, vector<16xf32>,
      %get3A_939 = vector.shape_cast %get3A_938 : vector<16xf32> to vector<16xf32>
      %get3A_940 = arith.constant 3504 : index
      %get3A_941 = tpu.vector_load %arg8[%get3A_940] {strides = array<i32>} : memref<4096xf32, #tpu.memory_space<vmem>>, vector<16xf32>,
      %get3A_942 = vector.shape_cast %get3A_941 : vector<16xf32> to vector<16xf32>
      %get3A_943 = arith.constant 3520 : index
      %get3A_944 = tpu.vector_load %arg8[%get3A_943] {strides = array<i32>} : memref<4096xf32, #tpu.memory_space<vmem>>, vector<16xf32>,
      %get3A_945 = vector.shape_cast %get3A_944 : vector<16xf32> to vector<16xf32>
      %get3A_946 = arith.constant 3536 : index
      %get3A_947 = tpu.vector_load %arg8[%get3A_946] {strides = array<i32>} : memref<4096xf32, #tpu.memory_space<vmem>>, vector<16xf32>,
      %get3A_948 = vector.shape_cast %get3A_947 : vector<16xf32> to vector<16xf32>
      %get3A_949 = arith.constant 3552 : index
      %get3A_950 = tpu.vector_load %arg8[%get3A_949] {strides = array<i32>} : memref<4096xf32, #tpu.memory_space<vmem>>, vector<16xf32>,
      %get3A_951 = vector.shape_cast %get3A_950 : vector<16xf32> to vector<16xf32>
      %get3A_952 = arith.constant 3568 : index
      %get3A_953 = tpu.vector_load %arg8[%get3A_952] {strides = array<i32>} : memref<4096xf32, #tpu.memory_space<vmem>>, vector<16xf32>,
      %get3A_954 = vector.shape_cast %get3A_953 : vector<16xf32> to vector<16xf32>
      %parallel_loop3A_955 = arith.constant 0 : i32
      %parallel_loop3A_956 = arith.constant 64 : i32
      %parallel_loop3A_957 = arith.constant 1 : i32
      scf.for %parallel_loop3A_1086 = %parallel_loop3A_955 to %parallel_loop3A_956 step %parallel_loop3A_957  : i32 {
        %parallel_loop3A_1087 = arith.constant 16 : i32
        %parallel_loop3A_1088 = arith.muli %parallel_loop3A_1086, %parallel_loop3A_1087 : i32
        %parallel_loop3A_1089 = arith.constant 6 : i32
        %parallel_loop3A_1090 = arith.index_cast %parallel_loop3A_1089 : i32 to index
        %parallel_loop3A_1091 = arith.index_cast %parallel_loop3A_1088 : i32 to index
        %parallel_loop3A_1092 = tpu.vector_load %arg9[%parallel_loop3A_1090, %parallel_loop3A_1091] {strides = array<i32>} : memref<8x1024xi32, #tpu.memory_space<vmem>>, vector<1x16xi32>,
        %parallel_loop3A_1093 = vector.shape_cast %parallel_loop3A_1092 : vector<1x16xi32> to vector<16xi32>
        %parallel_loop3A_1094 = vector.shape_cast %parallel_loop3A_1093 : vector<16xi32> to vector<16x1xi32>
        %parallel_loop3A_1095 = vector.shape_cast %parallel_loop3A_1094 : vector<16x1xi32> to vector<16xi32>
        %parallel_loop3A_1096 = tpu.dynamic_gather %get3A_861[%parallel_loop3A_1095] in [0] : vector<16xf32>, vector<16xi32> -> vector<16xf32>
        %parallel_loop3A_1097 = arith.constant 16 : i32
        %parallel_loop3A_1098 = arith.muli %parallel_loop3A_1086, %parallel_loop3A_1097 : i32
        %parallel_loop3A_1099 = arith.constant 0 : i32
        %parallel_loop3A_1100 = arith.index_cast %parallel_loop3A_1099 : i32 to index
        %parallel_loop3A_1101 = arith.index_cast %parallel_loop3A_1098 : i32 to index
        %parallel_loop3A_1102 = tpu.vector_load %arg10[%parallel_loop3A_1100, %parallel_loop3A_1101] {strides = array<i32>} : memref<32x1024xf32, #tpu.memory_space<vmem>>, vector<1x16xf32>,
        %parallel_loop3A_1103 = vector.shape_cast %parallel_loop3A_1102 : vector<1x16xf32> to vector<16xf32>
        %parallel_loop3A_1104 = vector.shape_cast %parallel_loop3A_1096 : vector<16xf32> to vector<1x16xf32>
        tpu.vector_store %arg10[%parallel_loop3A_1100, %parallel_loop3A_1101], %parallel_loop3A_1104 {strides = array<i32>} : memref<32x1024xf32, #tpu.memory_space<vmem>>, vector<1x16xf32>,
        %parallel_loop3A_1105 = vector.shape_cast %parallel_loop3A_1093 : vector<16xi32> to vector<16x1xi32>
        %parallel_loop3A_1106 = vector.shape_cast %parallel_loop3A_1105 : vector<16x1xi32> to vector<16xi32>
        %parallel_loop3A_1107 = tpu.dynamic_gather %get3A_864[%parallel_loop3A_1106] in [0] : vector<16xf32>, vector<16xi32> -> vector<16xf32>
        %parallel_loop3A_1108 = arith.constant 16 : i32
        %parallel_loop3A_1109 = arith.muli %parallel_loop3A_1086, %parallel_loop3A_1108 : i32
        %parallel_loop3A_1110 = arith.constant 1 : i32
        %parallel_loop3A_1111 = arith.index_cast %parallel_loop3A_1110 : i32 to index
        %parallel_loop3A_1112 = arith.index_cast %parallel_loop3A_1109 : i32 to index
        %parallel_loop3A_1113 = tpu.vector_load %arg10[%parallel_loop3A_1111, %parallel_loop3A_1112] {strides = array<i32>} : memref<32x1024xf32, #tpu.memory_space<vmem>>, vector<1x16xf32>,
        %parallel_loop3A_1114 = vector.shape_cast %parallel_loop3A_1113 : vector<1x16xf32> to vector<16xf32>
        %parallel_loop3A_1115 = vector.shape_cast %parallel_loop3A_1107 : vector<16xf32> to vector<1x16xf32>
        tpu.vector_store %arg10[%parallel_loop3A_1111, %parallel_loop3A_1112], %parallel_loop3A_1115 {strides = array<i32>} : memref<32x1024xf32, #tpu.memory_space<vmem>>, vector<1x16xf32>,
        %parallel_loop3A_1116 = vector.shape_cast %parallel_loop3A_1093 : vector<16xi32> to vector<16x1xi32>
        %parallel_loop3A_1117 = vector.shape_cast %parallel_loop3A_1116 : vector<16x1xi32> to vector<16xi32>
        %parallel_loop3A_1118 = tpu.dynamic_gather %get3A_867[%parallel_loop3A_1117] in [0] : vector<16xf32>, vector<16xi32> -> vector<16xf32>
        %parallel_loop3A_1119 = arith.constant 16 : i32
        %parallel_loop3A_1120 = arith.muli %parallel_loop3A_1086, %parallel_loop3A_1119 : i32
        %parallel_loop3A_1121 = arith.constant 2 : i32
        %parallel_loop3A_1122 = arith.index_cast %parallel_loop3A_1121 : i32 to index
        %parallel_loop3A_1123 = arith.index_cast %parallel_loop3A_1120 : i32 to index
        %parallel_loop3A_1124 = tpu.vector_load %arg10[%parallel_loop3A_1122, %parallel_loop3A_1123] {strides = array<i32>} : memref<32x1024xf32, #tpu.memory_space<vmem>>, vector<1x16xf32>,
        %parallel_loop3A_1125 = vector.shape_cast %parallel_loop3A_1124 : vector<1x16xf32> to vector<16xf32>
        %parallel_loop3A_1126 = vector.shape_cast %parallel_loop3A_1118 : vector<16xf32> to vector<1x16xf32>
        tpu.vector_store %arg10[%parallel_loop3A_1122, %parallel_loop3A_1123], %parallel_loop3A_1126 {strides = array<i32>} : memref<32x1024xf32, #tpu.memory_space<vmem>>, vector<1x16xf32>,
        %parallel_loop3A_1127 = vector.shape_cast %parallel_loop3A_1093 : vector<16xi32> to vector<16x1xi32>
        %parallel_loop3A_1128 = vector.shape_cast %parallel_loop3A_1127 : vector<16x1xi32> to vector<16xi32>
        %parallel_loop3A_1129 = tpu.dynamic_gather %get3A_870[%parallel_loop3A_1128] in [0] : vector<16xf32>, vector<16xi32> -> vector<16xf32>
        %parallel_loop3A_1130 = arith.constant 16 : i32
        %parallel_loop3A_1131 = arith.muli %parallel_loop3A_1086, %parallel_loop3A_1130 : i32
        %parallel_loop3A_1132 = arith.constant 3 : i32
        %parallel_loop3A_1133 = arith.index_cast %parallel_loop3A_1132 : i32 to index
        %parallel_loop3A_1134 = arith.index_cast %parallel_loop3A_1131 : i32 to index
        %parallel_loop3A_1135 = tpu.vector_load %arg10[%parallel_loop3A_1133, %parallel_loop3A_1134] {strides = array<i32>} : memref<32x1024xf32, #tpu.memory_space<vmem>>, vector<1x16xf32>,
        %parallel_loop3A_1136 = vector.shape_cast %parallel_loop3A_1135 : vector<1x16xf32> to vector<16xf32>
        %parallel_loop3A_1137 = vector.shape_cast %parallel_loop3A_1129 : vector<16xf32> to vector<1x16xf32>
        tpu.vector_store %arg10[%parallel_loop3A_1133, %parallel_loop3A_1134], %parallel_loop3A_1137 {strides = array<i32>} : memref<32x1024xf32, #tpu.memory_space<vmem>>, vector<1x16xf32>,
        %parallel_loop3A_1138 = vector.shape_cast %parallel_loop3A_1093 : vector<16xi32> to vector<16x1xi32>
        %parallel_loop3A_1139 = vector.shape_cast %parallel_loop3A_1138 : vector<16x1xi32> to vector<16xi32>
        %parallel_loop3A_1140 = tpu.dynamic_gather %get3A_873[%parallel_loop3A_1139] in [0] : vector<16xf32>, vector<16xi32> -> vector<16xf32>
        %parallel_loop3A_1141 = arith.constant 16 : i32
        %parallel_loop3A_1142 = arith.muli %parallel_loop3A_1086, %parallel_loop3A_1141 : i32
        %parallel_loop3A_1143 = arith.constant 4 : i32
        %parallel_loop3A_1144 = arith.index_cast %parallel_loop3A_1143 : i32 to index
        %parallel_loop3A_1145 = arith.index_cast %parallel_loop3A_1142 : i32 to index
        %parallel_loop3A_1146 = tpu.vector_load %arg10[%parallel_loop3A_1144, %parallel_loop3A_1145] {strides = array<i32>} : memref<32x1024xf32, #tpu.memory_space<vmem>>, vector<1x16xf32>,
        %parallel_loop3A_1147 = vector.shape_cast %parallel_loop3A_1146 : vector<1x16xf32> to vector<16xf32>
        %parallel_loop3A_1148 = vector.shape_cast %parallel_loop3A_1140 : vector<16xf32> to vector<1x16xf32>
        tpu.vector_store %arg10[%parallel_loop3A_1144, %parallel_loop3A_1145], %parallel_loop3A_1148 {strides = array<i32>} : memref<32x1024xf32, #tpu.memory_space<vmem>>, vector<1x16xf32>,
        %parallel_loop3A_1149 = vector.shape_cast %parallel_loop3A_1093 : vector<16xi32> to vector<16x1xi32>
        %parallel_loop3A_1150 = vector.shape_cast %parallel_loop3A_1149 : vector<16x1xi32> to vector<16xi32>
        %parallel_loop3A_1151 = tpu.dynamic_gather %get3A_876[%parallel_loop3A_1150] in [0] : vector<16xf32>, vector<16xi32> -> vector<16xf32>
        %parallel_loop3A_1152 = arith.constant 16 : i32
        %parallel_loop3A_1153 = arith.muli %parallel_loop3A_1086, %parallel_loop3A_1152 : i32
        %parallel_loop3A_1154 = arith.constant 5 : i32
        %parallel_loop3A_1155 = arith.index_cast %parallel_loop3A_1154 : i32 to index
        %parallel_loop3A_1156 = arith.index_cast %parallel_loop3A_1153 : i32 to index
        %parallel_loop3A_1157 = tpu.vector_load %arg10[%parallel_loop3A_1155, %parallel_loop3A_1156] {strides = array<i32>} : memref<32x1024xf32, #tpu.memory_space<vmem>>, vector<1x16xf32>,
        %parallel_loop3A_1158 = vector.shape_cast %parallel_loop3A_1157 : vector<1x16xf32> to vector<16xf32>
        %parallel_loop3A_1159 = vector.shape_cast %parallel_loop3A_1151 : vector<16xf32> to vector<1x16xf32>
        tpu.vector_store %arg10[%parallel_loop3A_1155, %parallel_loop3A_1156], %parallel_loop3A_1159 {strides = array<i32>} : memref<32x1024xf32, #tpu.memory_space<vmem>>, vector<1x16xf32>,
        %parallel_loop3A_1160 = vector.shape_cast %parallel_loop3A_1093 : vector<16xi32> to vector<16x1xi32>
        %parallel_loop3A_1161 = vector.shape_cast %parallel_loop3A_1160 : vector<16x1xi32> to vector<16xi32>
        %parallel_loop3A_1162 = tpu.dynamic_gather %get3A_879[%parallel_loop3A_1161] in [0] : vector<16xf32>, vector<16xi32> -> vector<16xf32>
        %parallel_loop3A_1163 = arith.constant 16 : i32
        %parallel_loop3A_1164 = arith.muli %parallel_loop3A_1086, %parallel_loop3A_1163 : i32
        %parallel_loop3A_1165 = arith.constant 6 : i32
        %parallel_loop3A_1166 = arith.index_cast %parallel_loop3A_1165 : i32 to index
        %parallel_loop3A_1167 = arith.index_cast %parallel_loop3A_1164 : i32 to index
        %parallel_loop3A_1168 = tpu.vector_load %arg10[%parallel_loop3A_1166, %parallel_loop3A_1167] {strides = array<i32>} : memref<32x1024xf32, #tpu.memory_space<vmem>>, vector<1x16xf32>,
        %parallel_loop3A_1169 = vector.shape_cast %parallel_loop3A_1168 : vector<1x16xf32> to vector<16xf32>
        %parallel_loop3A_1170 = vector.shape_cast %parallel_loop3A_1162 : vector<16xf32> to vector<1x16xf32>
        tpu.vector_store %arg10[%parallel_loop3A_1166, %parallel_loop3A_1167], %parallel_loop3A_1170 {strides = array<i32>} : memref<32x1024xf32, #tpu.memory_space<vmem>>, vector<1x16xf32>,
        %parallel_loop3A_1171 = vector.shape_cast %parallel_loop3A_1093 : vector<16xi32> to vector<16x1xi32>
        %parallel_loop3A_1172 = vector.shape_cast %parallel_loop3A_1171 : vector<16x1xi32> to vector<16xi32>
        %parallel_loop3A_1173 = tpu.dynamic_gather %get3A_882[%parallel_loop3A_1172] in [0] : vector<16xf32>, vector<16xi32> -> vector<16xf32>
        %parallel_loop3A_1174 = arith.constant 16 : i32
        %parallel_loop3A_1175 = arith.muli %parallel_loop3A_1086, %parallel_loop3A_1174 : i32
        %parallel_loop3A_1176 = arith.constant 7 : i32
        %parallel_loop3A_1177 = arith.index_cast %parallel_loop3A_1176 : i32 to index
        %parallel_loop3A_1178 = arith.index_cast %parallel_loop3A_1175 : i32 to index
        %parallel_loop3A_1179 = tpu.vector_load %arg10[%parallel_loop3A_1177, %parallel_loop3A_1178] {strides = array<i32>} : memref<32x1024xf32, #tpu.memory_space<vmem>>, vector<1x16xf32>,
        %parallel_loop3A_1180 = vector.shape_cast %parallel_loop3A_1179 : vector<1x16xf32> to vector<16xf32>
        %parallel_loop3A_1181 = vector.shape_cast %parallel_loop3A_1173 : vector<16xf32> to vector<1x16xf32>
        tpu.vector_store %arg10[%parallel_loop3A_1177, %parallel_loop3A_1178], %parallel_loop3A_1181 {strides = array<i32>} : memref<32x1024xf32, #tpu.memory_space<vmem>>, vector<1x16xf32>,
        %parallel_loop3A_1182 = vector.shape_cast %parallel_loop3A_1093 : vector<16xi32> to vector<16x1xi32>
        %parallel_loop3A_1183 = vector.shape_cast %parallel_loop3A_1182 : vector<16x1xi32> to vector<16xi32>
        %parallel_loop3A_1184 = tpu.dynamic_gather %get3A_885[%parallel_loop3A_1183] in [0] : vector<16xf32>, vector<16xi32> -> vector<16xf32>
        %parallel_loop3A_1185 = arith.constant 16 : i32
        %parallel_loop3A_1186 = arith.muli %parallel_loop3A_1086, %parallel_loop3A_1185 : i32
        %parallel_loop3A_1187 = arith.constant 8 : i32
        %parallel_loop3A_1188 = arith.index_cast %parallel_loop3A_1187 : i32 to index
        %parallel_loop3A_1189 = arith.index_cast %parallel_loop3A_1186 : i32 to index
        %parallel_loop3A_1190 = tpu.vector_load %arg10[%parallel_loop3A_1188, %parallel_loop3A_1189] {strides = array<i32>} : memref<32x1024xf32, #tpu.memory_space<vmem>>, vector<1x16xf32>,
        %parallel_loop3A_1191 = vector.shape_cast %parallel_loop3A_1190 : vector<1x16xf32> to vector<16xf32>
        %parallel_loop3A_1192 = vector.shape_cast %parallel_loop3A_1184 : vector<16xf32> to vector<1x16xf32>
        tpu.vector_store %arg10[%parallel_loop3A_1188, %parallel_loop3A_1189], %parallel_loop3A_1192 {strides = array<i32>} : memref<32x1024xf32, #tpu.memory_space<vmem>>, vector<1x16xf32>,
        %parallel_loop3A_1193 = vector.shape_cast %parallel_loop3A_1093 : vector<16xi32> to vector<16x1xi32>
        %parallel_loop3A_1194 = vector.shape_cast %parallel_loop3A_1193 : vector<16x1xi32> to vector<16xi32>
        %parallel_loop3A_1195 = tpu.dynamic_gather %get3A_888[%parallel_loop3A_1194] in [0] : vector<16xf32>, vector<16xi32> -> vector<16xf32>
        %parallel_loop3A_1196 = arith.constant 16 : i32
        %parallel_loop3A_1197 = arith.muli %parallel_loop3A_1086, %parallel_loop3A_1196 : i32
        %parallel_loop3A_1198 = arith.constant 9 : i32
        %parallel_loop3A_1199 = arith.index_cast %parallel_loop3A_1198 : i32 to index
        %parallel_loop3A_1200 = arith.index_cast %parallel_loop3A_1197 : i32 to index
        %parallel_loop3A_1201 = tpu.vector_load %arg10[%parallel_loop3A_1199, %parallel_loop3A_1200] {strides = array<i32>} : memref<32x1024xf32, #tpu.memory_space<vmem>>, vector<1x16xf32>,
        %parallel_loop3A_1202 = vector.shape_cast %parallel_loop3A_1201 : vector<1x16xf32> to vector<16xf32>
        %parallel_loop3A_1203 = vector.shape_cast %parallel_loop3A_1195 : vector<16xf32> to vector<1x16xf32>
        tpu.vector_store %arg10[%parallel_loop3A_1199, %parallel_loop3A_1200], %parallel_loop3A_1203 {strides = array<i32>} : memref<32x1024xf32, #tpu.memory_space<vmem>>, vector<1x16xf32>,
        %parallel_loop3A_1204 = vector.shape_cast %parallel_loop3A_1093 : vector<16xi32> to vector<16x1xi32>
        %parallel_loop3A_1205 = vector.shape_cast %parallel_loop3A_1204 : vector<16x1xi32> to vector<16xi32>
        %parallel_loop3A_1206 = tpu.dynamic_gather %get3A_891[%parallel_loop3A_1205] in [0] : vector<16xf32>, vector<16xi32> -> vector<16xf32>
        %parallel_loop3A_1207 = arith.constant 16 : i32
        %parallel_loop3A_1208 = arith.muli %parallel_loop3A_1086, %parallel_loop3A_1207 : i32
        %parallel_loop3A_1209 = arith.constant 10 : i32
        %parallel_loop3A_1210 = arith.index_cast %parallel_loop3A_1209 : i32 to index
        %parallel_loop3A_1211 = arith.index_cast %parallel_loop3A_1208 : i32 to index
        %parallel_loop3A_1212 = tpu.vector_load %arg10[%parallel_loop3A_1210, %parallel_loop3A_1211] {strides = array<i32>} : memref<32x1024xf32, #tpu.memory_space<vmem>>, vector<1x16xf32>,
        %parallel_loop3A_1213 = vector.shape_cast %parallel_loop3A_1212 : vector<1x16xf32> to vector<16xf32>
        %parallel_loop3A_1214 = vector.shape_cast %parallel_loop3A_1206 : vector<16xf32> to vector<1x16xf32>
        tpu.vector_store %arg10[%parallel_loop3A_1210, %parallel_loop3A_1211], %parallel_loop3A_1214 {strides = array<i32>} : memref<32x1024xf32, #tpu.memory_space<vmem>>, vector<1x16xf32>,
        %parallel_loop3A_1215 = vector.shape_cast %parallel_loop3A_1093 : vector<16xi32> to vector<16x1xi32>
        %parallel_loop3A_1216 = vector.shape_cast %parallel_loop3A_1215 : vector<16x1xi32> to vector<16xi32>
        %parallel_loop3A_1217 = tpu.dynamic_gather %get3A_894[%parallel_loop3A_1216] in [0] : vector<16xf32>, vector<16xi32> -> vector<16xf32>
        %parallel_loop3A_1218 = arith.constant 16 : i32
        %parallel_loop3A_1219 = arith.muli %parallel_loop3A_1086, %parallel_loop3A_1218 : i32
        %parallel_loop3A_1220 = arith.constant 11 : i32
        %parallel_loop3A_1221 = arith.index_cast %parallel_loop3A_1220 : i32 to index
        %parallel_loop3A_1222 = arith.index_cast %parallel_loop3A_1219 : i32 to index
        %parallel_loop3A_1223 = tpu.vector_load %arg10[%parallel_loop3A_1221, %parallel_loop3A_1222] {strides = array<i32>} : memref<32x1024xf32, #tpu.memory_space<vmem>>, vector<1x16xf32>,
        %parallel_loop3A_1224 = vector.shape_cast %parallel_loop3A_1223 : vector<1x16xf32> to vector<16xf32>
        %parallel_loop3A_1225 = vector.shape_cast %parallel_loop3A_1217 : vector<16xf32> to vector<1x16xf32>
        tpu.vector_store %arg10[%parallel_loop3A_1221, %parallel_loop3A_1222], %parallel_loop3A_1225 {strides = array<i32>} : memref<32x1024xf32, #tpu.memory_space<vmem>>, vector<1x16xf32>,
        %parallel_loop3A_1226 = vector.shape_cast %parallel_loop3A_1093 : vector<16xi32> to vector<16x1xi32>
        %parallel_loop3A_1227 = vector.shape_cast %parallel_loop3A_1226 : vector<16x1xi32> to vector<16xi32>
        %parallel_loop3A_1228 = tpu.dynamic_gather %get3A_897[%parallel_loop3A_1227] in [0] : vector<16xf32>, vector<16xi32> -> vector<16xf32>
        %parallel_loop3A_1229 = arith.constant 16 : i32
        %parallel_loop3A_1230 = arith.muli %parallel_loop3A_1086, %parallel_loop3A_1229 : i32
        %parallel_loop3A_1231 = arith.constant 12 : i32
        %parallel_loop3A_1232 = arith.index_cast %parallel_loop3A_1231 : i32 to index
        %parallel_loop3A_1233 = arith.index_cast %parallel_loop3A_1230 : i32 to index
        %parallel_loop3A_1234 = tpu.vector_load %arg10[%parallel_loop3A_1232, %parallel_loop3A_1233] {strides = array<i32>} : memref<32x1024xf32, #tpu.memory_space<vmem>>, vector<1x16xf32>,
        %parallel_loop3A_1235 = vector.shape_cast %parallel_loop3A_1234 : vector<1x16xf32> to vector<16xf32>
        %parallel_loop3A_1236 = vector.shape_cast %parallel_loop3A_1228 : vector<16xf32> to vector<1x16xf32>
        tpu.vector_store %arg10[%parallel_loop3A_1232, %parallel_loop3A_1233], %parallel_loop3A_1236 {strides = array<i32>} : memref<32x1024xf32, #tpu.memory_space<vmem>>, vector<1x16xf32>,
        %parallel_loop3A_1237 = vector.shape_cast %parallel_loop3A_1093 : vector<16xi32> to vector<16x1xi32>
        %parallel_loop3A_1238 = vector.shape_cast %parallel_loop3A_1237 : vector<16x1xi32> to vector<16xi32>
        %parallel_loop3A_1239 = tpu.dynamic_gather %get3A_900[%parallel_loop3A_1238] in [0] : vector<16xf32>, vector<16xi32> -> vector<16xf32>
        %parallel_loop3A_1240 = arith.constant 16 : i32
        %parallel_loop3A_1241 = arith.muli %parallel_loop3A_1086, %parallel_loop3A_1240 : i32
        %parallel_loop3A_1242 = arith.constant 13 : i32
        %parallel_loop3A_1243 = arith.index_cast %parallel_loop3A_1242 : i32 to index
        %parallel_loop3A_1244 = arith.index_cast %parallel_loop3A_1241 : i32 to index
        %parallel_loop3A_1245 = tpu.vector_load %arg10[%parallel_loop3A_1243, %parallel_loop3A_1244] {strides = array<i32>} : memref<32x1024xf32, #tpu.memory_space<vmem>>, vector<1x16xf32>,
        %parallel_loop3A_1246 = vector.shape_cast %parallel_loop3A_1245 : vector<1x16xf32> to vector<16xf32>
        %parallel_loop3A_1247 = vector.shape_cast %parallel_loop3A_1239 : vector<16xf32> to vector<1x16xf32>
        tpu.vector_store %arg10[%parallel_loop3A_1243, %parallel_loop3A_1244], %parallel_loop3A_1247 {strides = array<i32>} : memref<32x1024xf32, #tpu.memory_space<vmem>>, vector<1x16xf32>,
        %parallel_loop3A_1248 = vector.shape_cast %parallel_loop3A_1093 : vector<16xi32> to vector<16x1xi32>
        %parallel_loop3A_1249 = vector.shape_cast %parallel_loop3A_1248 : vector<16x1xi32> to vector<16xi32>
        %parallel_loop3A_1250 = tpu.dynamic_gather %get3A_903[%parallel_loop3A_1249] in [0] : vector<16xf32>, vector<16xi32> -> vector<16xf32>
        %parallel_loop3A_1251 = arith.constant 16 : i32
        %parallel_loop3A_1252 = arith.muli %parallel_loop3A_1086, %parallel_loop3A_1251 : i32
        %parallel_loop3A_1253 = arith.constant 14 : i32
        %parallel_loop3A_1254 = arith.index_cast %parallel_loop3A_1253 : i32 to index
        %parallel_loop3A_1255 = arith.index_cast %parallel_loop3A_1252 : i32 to index
        %parallel_loop3A_1256 = tpu.vector_load %arg10[%parallel_loop3A_1254, %parallel_loop3A_1255] {strides = array<i32>} : memref<32x1024xf32, #tpu.memory_space<vmem>>, vector<1x16xf32>,
        %parallel_loop3A_1257 = vector.shape_cast %parallel_loop3A_1256 : vector<1x16xf32> to vector<16xf32>
        %parallel_loop3A_1258 = vector.shape_cast %parallel_loop3A_1250 : vector<16xf32> to vector<1x16xf32>
        tpu.vector_store %arg10[%parallel_loop3A_1254, %parallel_loop3A_1255], %parallel_loop3A_1258 {strides = array<i32>} : memref<32x1024xf32, #tpu.memory_space<vmem>>, vector<1x16xf32>,
        %parallel_loop3A_1259 = vector.shape_cast %parallel_loop3A_1093 : vector<16xi32> to vector<16x1xi32>
        %parallel_loop3A_1260 = vector.shape_cast %parallel_loop3A_1259 : vector<16x1xi32> to vector<16xi32>
        %parallel_loop3A_1261 = tpu.dynamic_gather %get3A_906[%parallel_loop3A_1260] in [0] : vector<16xf32>, vector<16xi32> -> vector<16xf32>
        %parallel_loop3A_1262 = arith.constant 16 : i32
        %parallel_loop3A_1263 = arith.muli %parallel_loop3A_1086, %parallel_loop3A_1262 : i32
        %parallel_loop3A_1264 = arith.constant 15 : i32
        %parallel_loop3A_1265 = arith.index_cast %parallel_loop3A_1264 : i32 to index
        %parallel_loop3A_1266 = arith.index_cast %parallel_loop3A_1263 : i32 to index
        %parallel_loop3A_1267 = tpu.vector_load %arg10[%parallel_loop3A_1265, %parallel_loop3A_1266] {strides = array<i32>} : memref<32x1024xf32, #tpu.memory_space<vmem>>, vector<1x16xf32>,
        %parallel_loop3A_1268 = vector.shape_cast %parallel_loop3A_1267 : vector<1x16xf32> to vector<16xf32>
        %parallel_loop3A_1269 = vector.shape_cast %parallel_loop3A_1261 : vector<16xf32> to vector<1x16xf32>
        tpu.vector_store %arg10[%parallel_loop3A_1265, %parallel_loop3A_1266], %parallel_loop3A_1269 {strides = array<i32>} : memref<32x1024xf32, #tpu.memory_space<vmem>>, vector<1x16xf32>,
        %parallel_loop3A_1270 = vector.shape_cast %parallel_loop3A_1093 : vector<16xi32> to vector<16x1xi32>
        %parallel_loop3A_1271 = vector.shape_cast %parallel_loop3A_1270 : vector<16x1xi32> to vector<16xi32>
        %parallel_loop3A_1272 = tpu.dynamic_gather %get3A_909[%parallel_loop3A_1271] in [0] : vector<16xf32>, vector<16xi32> -> vector<16xf32>
        %parallel_loop3A_1273 = arith.constant 16 : i32
        %parallel_loop3A_1274 = arith.muli %parallel_loop3A_1086, %parallel_loop3A_1273 : i32
        %parallel_loop3A_1275 = arith.constant 16 : i32
        %parallel_loop3A_1276 = arith.index_cast %parallel_loop3A_1275 : i32 to index
        %parallel_loop3A_1277 = arith.index_cast %parallel_loop3A_1274 : i32 to index
        %parallel_loop3A_1278 = tpu.vector_load %arg10[%parallel_loop3A_1276, %parallel_loop3A_1277] {strides = array<i32>} : memref<32x1024xf32, #tpu.memory_space<vmem>>, vector<1x16xf32>,
        %parallel_loop3A_1279 = vector.shape_cast %parallel_loop3A_1278 : vector<1x16xf32> to vector<16xf32>
        %parallel_loop3A_1280 = vector.shape_cast %parallel_loop3A_1272 : vector<16xf32> to vector<1x16xf32>
        tpu.vector_store %arg10[%parallel_loop3A_1276, %parallel_loop3A_1277], %parallel_loop3A_1280 {strides = array<i32>} : memref<32x1024xf32, #tpu.memory_space<vmem>>, vector<1x16xf32>,
        %parallel_loop3A_1281 = vector.shape_cast %parallel_loop3A_1093 : vector<16xi32> to vector<16x1xi32>
        %parallel_loop3A_1282 = vector.shape_cast %parallel_loop3A_1281 : vector<16x1xi32> to vector<16xi32>
        %parallel_loop3A_1283 = tpu.dynamic_gather %get3A_912[%parallel_loop3A_1282] in [0] : vector<16xf32>, vector<16xi32> -> vector<16xf32>
        %parallel_loop3A_1284 = arith.constant 16 : i32
        %parallel_loop3A_1285 = arith.muli %parallel_loop3A_1086, %parallel_loop3A_1284 : i32
        %parallel_loop3A_1286 = arith.constant 17 : i32
        %parallel_loop3A_1287 = arith.index_cast %parallel_loop3A_1286 : i32 to index
        %parallel_loop3A_1288 = arith.index_cast %parallel_loop3A_1285 : i32 to index
        %parallel_loop3A_1289 = tpu.vector_load %arg10[%parallel_loop3A_1287, %parallel_loop3A_1288] {strides = array<i32>} : memref<32x1024xf32, #tpu.memory_space<vmem>>, vector<1x16xf32>,
        %parallel_loop3A_1290 = vector.shape_cast %parallel_loop3A_1289 : vector<1x16xf32> to vector<16xf32>
        %parallel_loop3A_1291 = vector.shape_cast %parallel_loop3A_1283 : vector<16xf32> to vector<1x16xf32>
        tpu.vector_store %arg10[%parallel_loop3A_1287, %parallel_loop3A_1288], %parallel_loop3A_1291 {strides = array<i32>} : memref<32x1024xf32, #tpu.memory_space<vmem>>, vector<1x16xf32>,
        %parallel_loop3A_1292 = vector.shape_cast %parallel_loop3A_1093 : vector<16xi32> to vector<16x1xi32>
        %parallel_loop3A_1293 = vector.shape_cast %parallel_loop3A_1292 : vector<16x1xi32> to vector<16xi32>
        %parallel_loop3A_1294 = tpu.dynamic_gather %get3A_915[%parallel_loop3A_1293] in [0] : vector<16xf32>, vector<16xi32> -> vector<16xf32>
        %parallel_loop3A_1295 = arith.constant 16 : i32
        %parallel_loop3A_1296 = arith.muli %parallel_loop3A_1086, %parallel_loop3A_1295 : i32
        %parallel_loop3A_1297 = arith.constant 18 : i32
        %parallel_loop3A_1298 = arith.index_cast %parallel_loop3A_1297 : i32 to index
        %parallel_loop3A_1299 = arith.index_cast %parallel_loop3A_1296 : i32 to index
        %parallel_loop3A_1300 = tpu.vector_load %arg10[%parallel_loop3A_1298, %parallel_loop3A_1299] {strides = array<i32>} : memref<32x1024xf32, #tpu.memory_space<vmem>>, vector<1x16xf32>,
        %parallel_loop3A_1301 = vector.shape_cast %parallel_loop3A_1300 : vector<1x16xf32> to vector<16xf32>
        %parallel_loop3A_1302 = vector.shape_cast %parallel_loop3A_1294 : vector<16xf32> to vector<1x16xf32>
        tpu.vector_store %arg10[%parallel_loop3A_1298, %parallel_loop3A_1299], %parallel_loop3A_1302 {strides = array<i32>} : memref<32x1024xf32, #tpu.memory_space<vmem>>, vector<1x16xf32>,
        %parallel_loop3A_1303 = vector.shape_cast %parallel_loop3A_1093 : vector<16xi32> to vector<16x1xi32>
        %parallel_loop3A_1304 = vector.shape_cast %parallel_loop3A_1303 : vector<16x1xi32> to vector<16xi32>
        %parallel_loop3A_1305 = tpu.dynamic_gather %get3A_918[%parallel_loop3A_1304] in [0] : vector<16xf32>, vector<16xi32> -> vector<16xf32>
        %parallel_loop3A_1306 = arith.constant 16 : i32
        %parallel_loop3A_1307 = arith.muli %parallel_loop3A_1086, %parallel_loop3A_1306 : i32
        %parallel_loop3A_1308 = arith.constant 19 : i32
        %parallel_loop3A_1309 = arith.index_cast %parallel_loop3A_1308 : i32 to index
        %parallel_loop3A_1310 = arith.index_cast %parallel_loop3A_1307 : i32 to index
        %parallel_loop3A_1311 = tpu.vector_load %arg10[%parallel_loop3A_1309, %parallel_loop3A_1310] {strides = array<i32>} : memref<32x1024xf32, #tpu.memory_space<vmem>>, vector<1x16xf32>,
        %parallel_loop3A_1312 = vector.shape_cast %parallel_loop3A_1311 : vector<1x16xf32> to vector<16xf32>
        %parallel_loop3A_1313 = vector.shape_cast %parallel_loop3A_1305 : vector<16xf32> to vector<1x16xf32>
        tpu.vector_store %arg10[%parallel_loop3A_1309, %parallel_loop3A_1310], %parallel_loop3A_1313 {strides = array<i32>} : memref<32x1024xf32, #tpu.memory_space<vmem>>, vector<1x16xf32>,
        %parallel_loop3A_1314 = vector.shape_cast %parallel_loop3A_1093 : vector<16xi32> to vector<16x1xi32>
        %parallel_loop3A_1315 = vector.shape_cast %parallel_loop3A_1314 : vector<16x1xi32> to vector<16xi32>
        %parallel_loop3A_1316 = tpu.dynamic_gather %get3A_921[%parallel_loop3A_1315] in [0] : vector<16xf32>, vector<16xi32> -> vector<16xf32>
        %parallel_loop3A_1317 = arith.constant 16 : i32
        %parallel_loop3A_1318 = arith.muli %parallel_loop3A_1086, %parallel_loop3A_1317 : i32
        %parallel_loop3A_1319 = arith.constant 20 : i32
        %parallel_loop3A_1320 = arith.index_cast %parallel_loop3A_1319 : i32 to index
        %parallel_loop3A_1321 = arith.index_cast %parallel_loop3A_1318 : i32 to index
        %parallel_loop3A_1322 = tpu.vector_load %arg10[%parallel_loop3A_1320, %parallel_loop3A_1321] {strides = array<i32>} : memref<32x1024xf32, #tpu.memory_space<vmem>>, vector<1x16xf32>,
        %parallel_loop3A_1323 = vector.shape_cast %parallel_loop3A_1322 : vector<1x16xf32> to vector<16xf32>
        %parallel_loop3A_1324 = vector.shape_cast %parallel_loop3A_1316 : vector<16xf32> to vector<1x16xf32>
        tpu.vector_store %arg10[%parallel_loop3A_1320, %parallel_loop3A_1321], %parallel_loop3A_1324 {strides = array<i32>} : memref<32x1024xf32, #tpu.memory_space<vmem>>, vector<1x16xf32>,
        %parallel_loop3A_1325 = vector.shape_cast %parallel_loop3A_1093 : vector<16xi32> to vector<16x1xi32>
        %parallel_loop3A_1326 = vector.shape_cast %parallel_loop3A_1325 : vector<16x1xi32> to vector<16xi32>
        %parallel_loop3A_1327 = tpu.dynamic_gather %get3A_924[%parallel_loop3A_1326] in [0] : vector<16xf32>, vector<16xi32> -> vector<16xf32>
        %parallel_loop3A_1328 = arith.constant 16 : i32
        %parallel_loop3A_1329 = arith.muli %parallel_loop3A_1086, %parallel_loop3A_1328 : i32
        %parallel_loop3A_1330 = arith.constant 21 : i32
        %parallel_loop3A_1331 = arith.index_cast %parallel_loop3A_1330 : i32 to index
        %parallel_loop3A_1332 = arith.index_cast %parallel_loop3A_1329 : i32 to index
        %parallel_loop3A_1333 = tpu.vector_load %arg10[%parallel_loop3A_1331, %parallel_loop3A_1332] {strides = array<i32>} : memref<32x1024xf32, #tpu.memory_space<vmem>>, vector<1x16xf32>,
        %parallel_loop3A_1334 = vector.shape_cast %parallel_loop3A_1333 : vector<1x16xf32> to vector<16xf32>
        %parallel_loop3A_1335 = vector.shape_cast %parallel_loop3A_1327 : vector<16xf32> to vector<1x16xf32>
        tpu.vector_store %arg10[%parallel_loop3A_1331, %parallel_loop3A_1332], %parallel_loop3A_1335 {strides = array<i32>} : memref<32x1024xf32, #tpu.memory_space<vmem>>, vector<1x16xf32>,
        %parallel_loop3A_1336 = vector.shape_cast %parallel_loop3A_1093 : vector<16xi32> to vector<16x1xi32>
        %parallel_loop3A_1337 = vector.shape_cast %parallel_loop3A_1336 : vector<16x1xi32> to vector<16xi32>
        %parallel_loop3A_1338 = tpu.dynamic_gather %get3A_927[%parallel_loop3A_1337] in [0] : vector<16xf32>, vector<16xi32> -> vector<16xf32>
        %parallel_loop3A_1339 = arith.constant 16 : i32
        %parallel_loop3A_1340 = arith.muli %parallel_loop3A_1086, %parallel_loop3A_1339 : i32
        %parallel_loop3A_1341 = arith.constant 22 : i32
        %parallel_loop3A_1342 = arith.index_cast %parallel_loop3A_1341 : i32 to index
        %parallel_loop3A_1343 = arith.index_cast %parallel_loop3A_1340 : i32 to index
        %parallel_loop3A_1344 = tpu.vector_load %arg10[%parallel_loop3A_1342, %parallel_loop3A_1343] {strides = array<i32>} : memref<32x1024xf32, #tpu.memory_space<vmem>>, vector<1x16xf32>,
        %parallel_loop3A_1345 = vector.shape_cast %parallel_loop3A_1344 : vector<1x16xf32> to vector<16xf32>
        %parallel_loop3A_1346 = vector.shape_cast %parallel_loop3A_1338 : vector<16xf32> to vector<1x16xf32>
        tpu.vector_store %arg10[%parallel_loop3A_1342, %parallel_loop3A_1343], %parallel_loop3A_1346 {strides = array<i32>} : memref<32x1024xf32, #tpu.memory_space<vmem>>, vector<1x16xf32>,
        %parallel_loop3A_1347 = vector.shape_cast %parallel_loop3A_1093 : vector<16xi32> to vector<16x1xi32>
        %parallel_loop3A_1348 = vector.shape_cast %parallel_loop3A_1347 : vector<16x1xi32> to vector<16xi32>
        %parallel_loop3A_1349 = tpu.dynamic_gather %get3A_930[%parallel_loop3A_1348] in [0] : vector<16xf32>, vector<16xi32> -> vector<16xf32>
        %parallel_loop3A_1350 = arith.constant 16 : i32
        %parallel_loop3A_1351 = arith.muli %parallel_loop3A_1086, %parallel_loop3A_1350 : i32
        %parallel_loop3A_1352 = arith.constant 23 : i32
        %parallel_loop3A_1353 = arith.index_cast %parallel_loop3A_1352 : i32 to index
        %parallel_loop3A_1354 = arith.index_cast %parallel_loop3A_1351 : i32 to index
        %parallel_loop3A_1355 = tpu.vector_load %arg10[%parallel_loop3A_1353, %parallel_loop3A_1354] {strides = array<i32>} : memref<32x1024xf32, #tpu.memory_space<vmem>>, vector<1x16xf32>,
        %parallel_loop3A_1356 = vector.shape_cast %parallel_loop3A_1355 : vector<1x16xf32> to vector<16xf32>
        %parallel_loop3A_1357 = vector.shape_cast %parallel_loop3A_1349 : vector<16xf32> to vector<1x16xf32>
        tpu.vector_store %arg10[%parallel_loop3A_1353, %parallel_loop3A_1354], %parallel_loop3A_1357 {strides = array<i32>} : memref<32x1024xf32, #tpu.memory_space<vmem>>, vector<1x16xf32>,
        %parallel_loop3A_1358 = vector.shape_cast %parallel_loop3A_1093 : vector<16xi32> to vector<16x1xi32>
        %parallel_loop3A_1359 = vector.shape_cast %parallel_loop3A_1358 : vector<16x1xi32> to vector<16xi32>
        %parallel_loop3A_1360 = tpu.dynamic_gather %get3A_933[%parallel_loop3A_1359] in [0] : vector<16xf32>, vector<16xi32> -> vector<16xf32>
        %parallel_loop3A_1361 = arith.constant 16 : i32
        %parallel_loop3A_1362 = arith.muli %parallel_loop3A_1086, %parallel_loop3A_1361 : i32
        %parallel_loop3A_1363 = arith.constant 24 : i32
        %parallel_loop3A_1364 = arith.index_cast %parallel_loop3A_1363 : i32 to index
        %parallel_loop3A_1365 = arith.index_cast %parallel_loop3A_1362 : i32 to index
        %parallel_loop3A_1366 = tpu.vector_load %arg10[%parallel_loop3A_1364, %parallel_loop3A_1365] {strides = array<i32>} : memref<32x1024xf32, #tpu.memory_space<vmem>>, vector<1x16xf32>,
        %parallel_loop3A_1367 = vector.shape_cast %parallel_loop3A_1366 : vector<1x16xf32> to vector<16xf32>
        %parallel_loop3A_1368 = vector.shape_cast %parallel_loop3A_1360 : vector<16xf32> to vector<1x16xf32>
        tpu.vector_store %arg10[%parallel_loop3A_1364, %parallel_loop3A_1365], %parallel_loop3A_1368 {strides = array<i32>} : memref<32x1024xf32, #tpu.memory_space<vmem>>, vector<1x16xf32>,
        %parallel_loop3A_1369 = vector.shape_cast %parallel_loop3A_1093 : vector<16xi32> to vector<16x1xi32>
        %parallel_loop3A_1370 = vector.shape_cast %parallel_loop3A_1369 : vector<16x1xi32> to vector<16xi32>
        %parallel_loop3A_1371 = tpu.dynamic_gather %get3A_936[%parallel_loop3A_1370] in [0] : vector<16xf32>, vector<16xi32> -> vector<16xf32>
        %parallel_loop3A_1372 = arith.constant 16 : i32
        %parallel_loop3A_1373 = arith.muli %parallel_loop3A_1086, %parallel_loop3A_1372 : i32
        %parallel_loop3A_1374 = arith.constant 25 : i32
        %parallel_loop3A_1375 = arith.index_cast %parallel_loop3A_1374 : i32 to index
        %parallel_loop3A_1376 = arith.index_cast %parallel_loop3A_1373 : i32 to index
        %parallel_loop3A_1377 = tpu.vector_load %arg10[%parallel_loop3A_1375, %parallel_loop3A_1376] {strides = array<i32>} : memref<32x1024xf32, #tpu.memory_space<vmem>>, vector<1x16xf32>,
        %parallel_loop3A_1378 = vector.shape_cast %parallel_loop3A_1377 : vector<1x16xf32> to vector<16xf32>
        %parallel_loop3A_1379 = vector.shape_cast %parallel_loop3A_1371 : vector<16xf32> to vector<1x16xf32>
        tpu.vector_store %arg10[%parallel_loop3A_1375, %parallel_loop3A_1376], %parallel_loop3A_1379 {strides = array<i32>} : memref<32x1024xf32, #tpu.memory_space<vmem>>, vector<1x16xf32>,
        %parallel_loop3A_1380 = vector.shape_cast %parallel_loop3A_1093 : vector<16xi32> to vector<16x1xi32>
        %parallel_loop3A_1381 = vector.shape_cast %parallel_loop3A_1380 : vector<16x1xi32> to vector<16xi32>
        %parallel_loop3A_1382 = tpu.dynamic_gather %get3A_939[%parallel_loop3A_1381] in [0] : vector<16xf32>, vector<16xi32> -> vector<16xf32>
        %parallel_loop3A_1383 = arith.constant 16 : i32
        %parallel_loop3A_1384 = arith.muli %parallel_loop3A_1086, %parallel_loop3A_1383 : i32
        %parallel_loop3A_1385 = arith.constant 26 : i32
        %parallel_loop3A_1386 = arith.index_cast %parallel_loop3A_1385 : i32 to index
        %parallel_loop3A_1387 = arith.index_cast %parallel_loop3A_1384 : i32 to index
        %parallel_loop3A_1388 = tpu.vector_load %arg10[%parallel_loop3A_1386, %parallel_loop3A_1387] {strides = array<i32>} : memref<32x1024xf32, #tpu.memory_space<vmem>>, vector<1x16xf32>,
        %parallel_loop3A_1389 = vector.shape_cast %parallel_loop3A_1388 : vector<1x16xf32> to vector<16xf32>
        %parallel_loop3A_1390 = vector.shape_cast %parallel_loop3A_1382 : vector<16xf32> to vector<1x16xf32>
        tpu.vector_store %arg10[%parallel_loop3A_1386, %parallel_loop3A_1387], %parallel_loop3A_1390 {strides = array<i32>} : memref<32x1024xf32, #tpu.memory_space<vmem>>, vector<1x16xf32>,
        %parallel_loop3A_1391 = vector.shape_cast %parallel_loop3A_1093 : vector<16xi32> to vector<16x1xi32>
        %parallel_loop3A_1392 = vector.shape_cast %parallel_loop3A_1391 : vector<16x1xi32> to vector<16xi32>
        %parallel_loop3A_1393 = tpu.dynamic_gather %get3A_942[%parallel_loop3A_1392] in [0] : vector<16xf32>, vector<16xi32> -> vector<16xf32>
        %parallel_loop3A_1394 = arith.constant 16 : i32
        %parallel_loop3A_1395 = arith.muli %parallel_loop3A_1086, %parallel_loop3A_1394 : i32
        %parallel_loop3A_1396 = arith.constant 27 : i32
        %parallel_loop3A_1397 = arith.index_cast %parallel_loop3A_1396 : i32 to index
        %parallel_loop3A_1398 = arith.index_cast %parallel_loop3A_1395 : i32 to index
        %parallel_loop3A_1399 = tpu.vector_load %arg10[%parallel_loop3A_1397, %parallel_loop3A_1398] {strides = array<i32>} : memref<32x1024xf32, #tpu.memory_space<vmem>>, vector<1x16xf32>,
        %parallel_loop3A_1400 = vector.shape_cast %parallel_loop3A_1399 : vector<1x16xf32> to vector<16xf32>
        %parallel_loop3A_1401 = vector.shape_cast %parallel_loop3A_1393 : vector<16xf32> to vector<1x16xf32>
        tpu.vector_store %arg10[%parallel_loop3A_1397, %parallel_loop3A_1398], %parallel_loop3A_1401 {strides = array<i32>} : memref<32x1024xf32, #tpu.memory_space<vmem>>, vector<1x16xf32>,
        %parallel_loop3A_1402 = vector.shape_cast %parallel_loop3A_1093 : vector<16xi32> to vector<16x1xi32>
        %parallel_loop3A_1403 = vector.shape_cast %parallel_loop3A_1402 : vector<16x1xi32> to vector<16xi32>
        %parallel_loop3A_1404 = tpu.dynamic_gather %get3A_945[%parallel_loop3A_1403] in [0] : vector<16xf32>, vector<16xi32> -> vector<16xf32>
        %parallel_loop3A_1405 = arith.constant 16 : i32
        %parallel_loop3A_1406 = arith.muli %parallel_loop3A_1086, %parallel_loop3A_1405 : i32
        %parallel_loop3A_1407 = arith.constant 28 : i32
        %parallel_loop3A_1408 = arith.index_cast %parallel_loop3A_1407 : i32 to index
        %parallel_loop3A_1409 = arith.index_cast %parallel_loop3A_1406 : i32 to index
        %parallel_loop3A_1410 = tpu.vector_load %arg10[%parallel_loop3A_1408, %parallel_loop3A_1409] {strides = array<i32>} : memref<32x1024xf32, #tpu.memory_space<vmem>>, vector<1x16xf32>,
        %parallel_loop3A_1411 = vector.shape_cast %parallel_loop3A_1410 : vector<1x16xf32> to vector<16xf32>
        %parallel_loop3A_1412 = vector.shape_cast %parallel_loop3A_1404 : vector<16xf32> to vector<1x16xf32>
        tpu.vector_store %arg10[%parallel_loop3A_1408, %parallel_loop3A_1409], %parallel_loop3A_1412 {strides = array<i32>} : memref<32x1024xf32, #tpu.memory_space<vmem>>, vector<1x16xf32>,
        %parallel_loop3A_1413 = vector.shape_cast %parallel_loop3A_1093 : vector<16xi32> to vector<16x1xi32>
        %parallel_loop3A_1414 = vector.shape_cast %parallel_loop3A_1413 : vector<16x1xi32> to vector<16xi32>
        %parallel_loop3A_1415 = tpu.dynamic_gather %get3A_948[%parallel_loop3A_1414] in [0] : vector<16xf32>, vector<16xi32> -> vector<16xf32>
        %parallel_loop3A_1416 = arith.constant 16 : i32
        %parallel_loop3A_1417 = arith.muli %parallel_loop3A_1086, %parallel_loop3A_1416 : i32
        %parallel_loop3A_1418 = arith.constant 29 : i32
        %parallel_loop3A_1419 = arith.index_cast %parallel_loop3A_1418 : i32 to index
        %parallel_loop3A_1420 = arith.index_cast %parallel_loop3A_1417 : i32 to index
        %parallel_loop3A_1421 = tpu.vector_load %arg10[%parallel_loop3A_1419, %parallel_loop3A_1420] {strides = array<i32>} : memref<32x1024xf32, #tpu.memory_space<vmem>>, vector<1x16xf32>,
        %parallel_loop3A_1422 = vector.shape_cast %parallel_loop3A_1421 : vector<1x16xf32> to vector<16xf32>
        %parallel_loop3A_1423 = vector.shape_cast %parallel_loop3A_1415 : vector<16xf32> to vector<1x16xf32>
        tpu.vector_store %arg10[%parallel_loop3A_1419, %parallel_loop3A_1420], %parallel_loop3A_1423 {strides = array<i32>} : memref<32x1024xf32, #tpu.memory_space<vmem>>, vector<1x16xf32>,
        %parallel_loop3A_1424 = vector.shape_cast %parallel_loop3A_1093 : vector<16xi32> to vector<16x1xi32>
        %parallel_loop3A_1425 = vector.shape_cast %parallel_loop3A_1424 : vector<16x1xi32> to vector<16xi32>
        %parallel_loop3A_1426 = tpu.dynamic_gather %get3A_951[%parallel_loop3A_1425] in [0] : vector<16xf32>, vector<16xi32> -> vector<16xf32>
        %parallel_loop3A_1427 = arith.constant 16 : i32
        %parallel_loop3A_1428 = arith.muli %parallel_loop3A_1086, %parallel_loop3A_1427 : i32
        %parallel_loop3A_1429 = arith.constant 30 : i32
        %parallel_loop3A_1430 = arith.index_cast %parallel_loop3A_1429 : i32 to index
        %parallel_loop3A_1431 = arith.index_cast %parallel_loop3A_1428 : i32 to index
        %parallel_loop3A_1432 = tpu.vector_load %arg10[%parallel_loop3A_1430, %parallel_loop3A_1431] {strides = array<i32>} : memref<32x1024xf32, #tpu.memory_space<vmem>>, vector<1x16xf32>,
        %parallel_loop3A_1433 = vector.shape_cast %parallel_loop3A_1432 : vector<1x16xf32> to vector<16xf32>
        %parallel_loop3A_1434 = vector.shape_cast %parallel_loop3A_1426 : vector<16xf32> to vector<1x16xf32>
        tpu.vector_store %arg10[%parallel_loop3A_1430, %parallel_loop3A_1431], %parallel_loop3A_1434 {strides = array<i32>} : memref<32x1024xf32, #tpu.memory_space<vmem>>, vector<1x16xf32>,
        %parallel_loop3A_1435 = vector.shape_cast %parallel_loop3A_1093 : vector<16xi32> to vector<16x1xi32>
        %parallel_loop3A_1436 = vector.shape_cast %parallel_loop3A_1435 : vector<16x1xi32> to vector<16xi32>
        %parallel_loop3A_1437 = tpu.dynamic_gather %get3A_954[%parallel_loop3A_1436] in [0] : vector<16xf32>, vector<16xi32> -> vector<16xf32>
        %parallel_loop3A_1438 = arith.constant 16 : i32
        %parallel_loop3A_1439 = arith.muli %parallel_loop3A_1086, %parallel_loop3A_1438 : i32
        %parallel_loop3A_1440 = arith.constant 31 : i32
        %parallel_loop3A_1441 = arith.index_cast %parallel_loop3A_1440 : i32 to index
        %parallel_loop3A_1442 = arith.index_cast %parallel_loop3A_1439 : i32 to index
        %parallel_loop3A_1443 = tpu.vector_load %arg10[%parallel_loop3A_1441, %parallel_loop3A_1442] {strides = array<i32>} : memref<32x1024xf32, #tpu.memory_space<vmem>>, vector<1x16xf32>,
        %parallel_loop3A_1444 = vector.shape_cast %parallel_loop3A_1443 : vector<1x16xf32> to vector<16xf32>
        %parallel_loop3A_1445 = vector.shape_cast %parallel_loop3A_1437 : vector<16xf32> to vector<1x16xf32>
        tpu.vector_store %arg10[%parallel_loop3A_1441, %parallel_loop3A_1442], %parallel_loop3A_1445 {strides = array<i32>} : memref<32x1024xf32, #tpu.memory_space<vmem>>, vector<1x16xf32>,
      } {sc.loop_unroll_factor = 1 : i64, sc.parallel_access}
      %mul3A_958 = arith.constant 1024 : i32
      %mul3A_959 = arith.muli %scan3A_144, %mul3A_958 : i32
      %add3A_960 = arith.addi %mul3A_32, %mul3A_959 : i32
      %dma_start3A_961 = arith.constant 6 : i32
      %dma_start3A_962 = arith.constant 0 : i32
      %dma_start3A_963 = tpu.memref_slice %arg5[%select_n3A, %dma_start3A_961, %dma_start3A_962, %add3A_960] : memref<8x8x32x16384xf32, #tpu.memory_space<hbm>> -> memref<1x1x32x1024xf32, #tpu.memory_space<hbm>>
      %dma_start3A_964 = tpu.memref_squeeze %dma_start3A_963 : memref<1x1x32x1024xf32, #tpu.memory_space<hbm>> -> memref<32x1024xf32, #tpu.memory_space<hbm>>
      %dma_start3A_965 = arith.constant 0 : i32
      %dma_start3A_966 = tpu.memref_slice %arg5[%select_n3A, %dma_start3A_961, %dma_start3A_965, %add3A_960] : memref<8x8x32x16384xf32, #tpu.memory_space<hbm>> -> memref<1x1x32x1024xf32, #tpu.memory_space<hbm>>
      %dma_start3A_967 = tpu.memref_squeeze %dma_start3A_966 : memref<1x1x32x1024xf32, #tpu.memory_space<hbm>> -> memref<32x1024xf32, #tpu.memory_space<hbm>>
      tpu.enqueue_dma source(%arg10 : memref<32x1024xf32, #tpu.memory_space<vmem>>) target(%dma_start3A_967 : memref<32x1024xf32, #tpu.memory_space<hbm>>) target_semaphore(%arg12 : memref<!tpu.dma_semaphore, #tpu.memory_space<semaphore_mem>>)
      %add3A_968 = arith.constant 0 : i32
      %add3A_969 = arith.addi %mul3A_32, %add3A_968 : i32
      %dma_wait3A_970 = arith.constant 0 : i32
      %dma_wait3A_971 = arith.constant 0 : i32
      %dma_wait3A_972 = tpu.memref_slice %arg5[%select_n3A, %dma_wait3A_970, %dma_wait3A_971, %add3A_969] : memref<8x8x32x16384xf32, #tpu.memory_space<hbm>> -> memref<1x1x32x1024xf32, #tpu.memory_space<hbm>>
      %dma_wait3A_973 = tpu.memref_squeeze %dma_wait3A_972 : memref<1x1x32x1024xf32, #tpu.memory_space<hbm>> -> memref<32x1024xf32, #tpu.memory_space<hbm>>
      %dma_wait3A_974 = arith.constant 0 : i32
      %dma_wait3A_975 = tpu.memref_slice %arg5[%select_n3A, %dma_wait3A_970, %dma_wait3A_974, %add3A_969] : memref<8x8x32x16384xf32, #tpu.memory_space<hbm>> -> memref<1x1x32x1024xf32, #tpu.memory_space<hbm>>
      %dma_wait3A_976 = tpu.memref_squeeze %dma_wait3A_975 : memref<1x1x32x1024xf32, #tpu.memory_space<hbm>> -> memref<32x1024xf32, #tpu.memory_space<hbm>>
      tpu.wait_dma2 semaphore(%arg13 : memref<!tpu.dma_semaphore, #tpu.memory_space<semaphore_mem>>) src(%arg11 : memref<32x1024xf32, #tpu.memory_space<vmem>>) dst(%dma_wait3A_976 : memref<32x1024xf32, #tpu.memory_space<hbm>>)
      %get3A_977 = arith.constant 3584 : index
      %get3A_978 = tpu.vector_load %arg8[%get3A_977] {strides = array<i32>} : memref<4096xf32, #tpu.memory_space<vmem>>, vector<16xf32>,
      %get3A_979 = vector.shape_cast %get3A_978 : vector<16xf32> to vector<16xf32>
      %get3A_980 = arith.constant 3600 : index
      %get3A_981 = tpu.vector_load %arg8[%get3A_980] {strides = array<i32>} : memref<4096xf32, #tpu.memory_space<vmem>>, vector<16xf32>,
      %get3A_982 = vector.shape_cast %get3A_981 : vector<16xf32> to vector<16xf32>
      %get3A_983 = arith.constant 3616 : index
      %get3A_984 = tpu.vector_load %arg8[%get3A_983] {strides = array<i32>} : memref<4096xf32, #tpu.memory_space<vmem>>, vector<16xf32>,
      %get3A_985 = vector.shape_cast %get3A_984 : vector<16xf32> to vector<16xf32>
      %get3A_986 = arith.constant 3632 : index
      %get3A_987 = tpu.vector_load %arg8[%get3A_986] {strides = array<i32>} : memref<4096xf32, #tpu.memory_space<vmem>>, vector<16xf32>,
      %get3A_988 = vector.shape_cast %get3A_987 : vector<16xf32> to vector<16xf32>
      %get3A_989 = arith.constant 3648 : index
      %get3A_990 = tpu.vector_load %arg8[%get3A_989] {strides = array<i32>} : memref<4096xf32, #tpu.memory_space<vmem>>, vector<16xf32>,
      %get3A_991 = vector.shape_cast %get3A_990 : vector<16xf32> to vector<16xf32>
      %get3A_992 = arith.constant 3664 : index
      %get3A_993 = tpu.vector_load %arg8[%get3A_992] {strides = array<i32>} : memref<4096xf32, #tpu.memory_space<vmem>>, vector<16xf32>,
      %get3A_994 = vector.shape_cast %get3A_993 : vector<16xf32> to vector<16xf32>
      %get3A_995 = arith.constant 3680 : index
      %get3A_996 = tpu.vector_load %arg8[%get3A_995] {strides = array<i32>} : memref<4096xf32, #tpu.memory_space<vmem>>, vector<16xf32>,
      %get3A_997 = vector.shape_cast %get3A_996 : vector<16xf32> to vector<16xf32>
      %get3A_998 = arith.constant 3696 : index
      %get3A_999 = tpu.vector_load %arg8[%get3A_998] {strides = array<i32>} : memref<4096xf32, #tpu.memory_space<vmem>>, vector<16xf32>,
      %get3A_1000 = vector.shape_cast %get3A_999 : vector<16xf32> to vector<16xf32>
      %get3A_1001 = arith.constant 3712 : index
      %get3A_1002 = tpu.vector_load %arg8[%get3A_1001] {strides = array<i32>} : memref<4096xf32, #tpu.memory_space<vmem>>, vector<16xf32>,
      %get3A_1003 = vector.shape_cast %get3A_1002 : vector<16xf32> to vector<16xf32>
      %get3A_1004 = arith.constant 3728 : index
      %get3A_1005 = tpu.vector_load %arg8[%get3A_1004] {strides = array<i32>} : memref<4096xf32, #tpu.memory_space<vmem>>, vector<16xf32>,
      %get3A_1006 = vector.shape_cast %get3A_1005 : vector<16xf32> to vector<16xf32>
      %get3A_1007 = arith.constant 3744 : index
      %get3A_1008 = tpu.vector_load %arg8[%get3A_1007] {strides = array<i32>} : memref<4096xf32, #tpu.memory_space<vmem>>, vector<16xf32>,
      %get3A_1009 = vector.shape_cast %get3A_1008 : vector<16xf32> to vector<16xf32>
      %get3A_1010 = arith.constant 3760 : index
      %get3A_1011 = tpu.vector_load %arg8[%get3A_1010] {strides = array<i32>} : memref<4096xf32, #tpu.memory_space<vmem>>, vector<16xf32>,
      %get3A_1012 = vector.shape_cast %get3A_1011 : vector<16xf32> to vector<16xf32>
      %get3A_1013 = arith.constant 3776 : index
      %get3A_1014 = tpu.vector_load %arg8[%get3A_1013] {strides = array<i32>} : memref<4096xf32, #tpu.memory_space<vmem>>, vector<16xf32>,
      %get3A_1015 = vector.shape_cast %get3A_1014 : vector<16xf32> to vector<16xf32>
      %get3A_1016 = arith.constant 3792 : index
      %get3A_1017 = tpu.vector_load %arg8[%get3A_1016] {strides = array<i32>} : memref<4096xf32, #tpu.memory_space<vmem>>, vector<16xf32>,
      %get3A_1018 = vector.shape_cast %get3A_1017 : vector<16xf32> to vector<16xf32>
      %get3A_1019 = arith.constant 3808 : index
      %get3A_1020 = tpu.vector_load %arg8[%get3A_1019] {strides = array<i32>} : memref<4096xf32, #tpu.memory_space<vmem>>, vector<16xf32>,
      %get3A_1021 = vector.shape_cast %get3A_1020 : vector<16xf32> to vector<16xf32>
      %get3A_1022 = arith.constant 3824 : index
      %get3A_1023 = tpu.vector_load %arg8[%get3A_1022] {strides = array<i32>} : memref<4096xf32, #tpu.memory_space<vmem>>, vector<16xf32>,
      %get3A_1024 = vector.shape_cast %get3A_1023 : vector<16xf32> to vector<16xf32>
      %get3A_1025 = arith.constant 3840 : index
      %get3A_1026 = tpu.vector_load %arg8[%get3A_1025] {strides = array<i32>} : memref<4096xf32, #tpu.memory_space<vmem>>, vector<16xf32>,
      %get3A_1027 = vector.shape_cast %get3A_1026 : vector<16xf32> to vector<16xf32>
      %get3A_1028 = arith.constant 3856 : index
      %get3A_1029 = tpu.vector_load %arg8[%get3A_1028] {strides = array<i32>} : memref<4096xf32, #tpu.memory_space<vmem>>, vector<16xf32>,
      %get3A_1030 = vector.shape_cast %get3A_1029 : vector<16xf32> to vector<16xf32>
      %get3A_1031 = arith.constant 3872 : index
      %get3A_1032 = tpu.vector_load %arg8[%get3A_1031] {strides = array<i32>} : memref<4096xf32, #tpu.memory_space<vmem>>, vector<16xf32>,
      %get3A_1033 = vector.shape_cast %get3A_1032 : vector<16xf32> to vector<16xf32>
      %get3A_1034 = arith.constant 3888 : index
      %get3A_1035 = tpu.vector_load %arg8[%get3A_1034] {strides = array<i32>} : memref<4096xf32, #tpu.memory_space<vmem>>, vector<16xf32>,
      %get3A_1036 = vector.shape_cast %get3A_1035 : vector<16xf32> to vector<16xf32>
      %get3A_1037 = arith.constant 3904 : index
      %get3A_1038 = tpu.vector_load %arg8[%get3A_1037] {strides = array<i32>} : memref<4096xf32, #tpu.memory_space<vmem>>, vector<16xf32>,
      %get3A_1039 = vector.shape_cast %get3A_1038 : vector<16xf32> to vector<16xf32>
      %get3A_1040 = arith.constant 3920 : index
      %get3A_1041 = tpu.vector_load %arg8[%get3A_1040] {strides = array<i32>} : memref<4096xf32, #tpu.memory_space<vmem>>, vector<16xf32>,
      %get3A_1042 = vector.shape_cast %get3A_1041 : vector<16xf32> to vector<16xf32>
      %get3A_1043 = arith.constant 3936 : index
      %get3A_1044 = tpu.vector_load %arg8[%get3A_1043] {strides = array<i32>} : memref<4096xf32, #tpu.memory_space<vmem>>, vector<16xf32>,
      %get3A_1045 = vector.shape_cast %get3A_1044 : vector<16xf32> to vector<16xf32>
      %get3A_1046 = arith.constant 3952 : index
      %get3A_1047 = tpu.vector_load %arg8[%get3A_1046] {strides = array<i32>} : memref<4096xf32, #tpu.memory_space<vmem>>, vector<16xf32>,
      %get3A_1048 = vector.shape_cast %get3A_1047 : vector<16xf32> to vector<16xf32>
      %get3A_1049 = arith.constant 3968 : index
      %get3A_1050 = tpu.vector_load %arg8[%get3A_1049] {strides = array<i32>} : memref<4096xf32, #tpu.memory_space<vmem>>, vector<16xf32>,
      %get3A_1051 = vector.shape_cast %get3A_1050 : vector<16xf32> to vector<16xf32>
      %get3A_1052 = arith.constant 3984 : index
      %get3A_1053 = tpu.vector_load %arg8[%get3A_1052] {strides = array<i32>} : memref<4096xf32, #tpu.memory_space<vmem>>, vector<16xf32>,
      %get3A_1054 = vector.shape_cast %get3A_1053 : vector<16xf32> to vector<16xf32>
      %get3A_1055 = arith.constant 4000 : index
      %get3A_1056 = tpu.vector_load %arg8[%get3A_1055] {strides = array<i32>} : memref<4096xf32, #tpu.memory_space<vmem>>, vector<16xf32>,
      %get3A_1057 = vector.shape_cast %get3A_1056 : vector<16xf32> to vector<16xf32>
      %get3A_1058 = arith.constant 4016 : index
      %get3A_1059 = tpu.vector_load %arg8[%get3A_1058] {strides = array<i32>} : memref<4096xf32, #tpu.memory_space<vmem>>, vector<16xf32>,
      %get3A_1060 = vector.shape_cast %get3A_1059 : vector<16xf32> to vector<16xf32>
      %get3A_1061 = arith.constant 4032 : index
      %get3A_1062 = tpu.vector_load %arg8[%get3A_1061] {strides = array<i32>} : memref<4096xf32, #tpu.memory_space<vmem>>, vector<16xf32>,
      %get3A_1063 = vector.shape_cast %get3A_1062 : vector<16xf32> to vector<16xf32>
      %get3A_1064 = arith.constant 4048 : index
      %get3A_1065 = tpu.vector_load %arg8[%get3A_1064] {strides = array<i32>} : memref<4096xf32, #tpu.memory_space<vmem>>, vector<16xf32>,
      %get3A_1066 = vector.shape_cast %get3A_1065 : vector<16xf32> to vector<16xf32>
      %get3A_1067 = arith.constant 4064 : index
      %get3A_1068 = tpu.vector_load %arg8[%get3A_1067] {strides = array<i32>} : memref<4096xf32, #tpu.memory_space<vmem>>, vector<16xf32>,
      %get3A_1069 = vector.shape_cast %get3A_1068 : vector<16xf32> to vector<16xf32>
      %get3A_1070 = arith.constant 4080 : index
      %get3A_1071 = tpu.vector_load %arg8[%get3A_1070] {strides = array<i32>} : memref<4096xf32, #tpu.memory_space<vmem>>, vector<16xf32>,
      %get3A_1072 = vector.shape_cast %get3A_1071 : vector<16xf32> to vector<16xf32>
      %parallel_loop3A_1073 = arith.constant 0 : i32
      %parallel_loop3A_1074 = arith.constant 64 : i32
      %parallel_loop3A_1075 = arith.constant 1 : i32
      scf.for %parallel_loop3A_1086 = %parallel_loop3A_1073 to %parallel_loop3A_1074 step %parallel_loop3A_1075  : i32 {
        %parallel_loop3A_1087 = arith.constant 16 : i32
        %parallel_loop3A_1088 = arith.muli %parallel_loop3A_1086, %parallel_loop3A_1087 : i32
        %parallel_loop3A_1089 = arith.constant 7 : i32
        %parallel_loop3A_1090 = arith.index_cast %parallel_loop3A_1089 : i32 to index
        %parallel_loop3A_1091 = arith.index_cast %parallel_loop3A_1088 : i32 to index
        %parallel_loop3A_1092 = tpu.vector_load %arg9[%parallel_loop3A_1090, %parallel_loop3A_1091] {strides = array<i32>} : memref<8x1024xi32, #tpu.memory_space<vmem>>, vector<1x16xi32>,
        %parallel_loop3A_1093 = vector.shape_cast %parallel_loop3A_1092 : vector<1x16xi32> to vector<16xi32>
        %parallel_loop3A_1094 = vector.shape_cast %parallel_loop3A_1093 : vector<16xi32> to vector<16x1xi32>
        %parallel_loop3A_1095 = vector.shape_cast %parallel_loop3A_1094 : vector<16x1xi32> to vector<16xi32>
        %parallel_loop3A_1096 = tpu.dynamic_gather %get3A_979[%parallel_loop3A_1095] in [0] : vector<16xf32>, vector<16xi32> -> vector<16xf32>
        %parallel_loop3A_1097 = arith.constant 16 : i32
        %parallel_loop3A_1098 = arith.muli %parallel_loop3A_1086, %parallel_loop3A_1097 : i32
        %parallel_loop3A_1099 = arith.constant 0 : i32
        %parallel_loop3A_1100 = arith.index_cast %parallel_loop3A_1099 : i32 to index
        %parallel_loop3A_1101 = arith.index_cast %parallel_loop3A_1098 : i32 to index
        %parallel_loop3A_1102 = tpu.vector_load %arg11[%parallel_loop3A_1100, %parallel_loop3A_1101] {strides = array<i32>} : memref<32x1024xf32, #tpu.memory_space<vmem>>, vector<1x16xf32>,
        %parallel_loop3A_1103 = vector.shape_cast %parallel_loop3A_1102 : vector<1x16xf32> to vector<16xf32>
        %parallel_loop3A_1104 = vector.shape_cast %parallel_loop3A_1096 : vector<16xf32> to vector<1x16xf32>
        tpu.vector_store %arg11[%parallel_loop3A_1100, %parallel_loop3A_1101], %parallel_loop3A_1104 {strides = array<i32>} : memref<32x1024xf32, #tpu.memory_space<vmem>>, vector<1x16xf32>,
        %parallel_loop3A_1105 = vector.shape_cast %parallel_loop3A_1093 : vector<16xi32> to vector<16x1xi32>
        %parallel_loop3A_1106 = vector.shape_cast %parallel_loop3A_1105 : vector<16x1xi32> to vector<16xi32>
        %parallel_loop3A_1107 = tpu.dynamic_gather %get3A_982[%parallel_loop3A_1106] in [0] : vector<16xf32>, vector<16xi32> -> vector<16xf32>
        %parallel_loop3A_1108 = arith.constant 16 : i32
        %parallel_loop3A_1109 = arith.muli %parallel_loop3A_1086, %parallel_loop3A_1108 : i32
        %parallel_loop3A_1110 = arith.constant 1 : i32
        %parallel_loop3A_1111 = arith.index_cast %parallel_loop3A_1110 : i32 to index
        %parallel_loop3A_1112 = arith.index_cast %parallel_loop3A_1109 : i32 to index
        %parallel_loop3A_1113 = tpu.vector_load %arg11[%parallel_loop3A_1111, %parallel_loop3A_1112] {strides = array<i32>} : memref<32x1024xf32, #tpu.memory_space<vmem>>, vector<1x16xf32>,
        %parallel_loop3A_1114 = vector.shape_cast %parallel_loop3A_1113 : vector<1x16xf32> to vector<16xf32>
        %parallel_loop3A_1115 = vector.shape_cast %parallel_loop3A_1107 : vector<16xf32> to vector<1x16xf32>
        tpu.vector_store %arg11[%parallel_loop3A_1111, %parallel_loop3A_1112], %parallel_loop3A_1115 {strides = array<i32>} : memref<32x1024xf32, #tpu.memory_space<vmem>>, vector<1x16xf32>,
        %parallel_loop3A_1116 = vector.shape_cast %parallel_loop3A_1093 : vector<16xi32> to vector<16x1xi32>
        %parallel_loop3A_1117 = vector.shape_cast %parallel_loop3A_1116 : vector<16x1xi32> to vector<16xi32>
        %parallel_loop3A_1118 = tpu.dynamic_gather %get3A_985[%parallel_loop3A_1117] in [0] : vector<16xf32>, vector<16xi32> -> vector<16xf32>
        %parallel_loop3A_1119 = arith.constant 16 : i32
        %parallel_loop3A_1120 = arith.muli %parallel_loop3A_1086, %parallel_loop3A_1119 : i32
        %parallel_loop3A_1121 = arith.constant 2 : i32
        %parallel_loop3A_1122 = arith.index_cast %parallel_loop3A_1121 : i32 to index
        %parallel_loop3A_1123 = arith.index_cast %parallel_loop3A_1120 : i32 to index
        %parallel_loop3A_1124 = tpu.vector_load %arg11[%parallel_loop3A_1122, %parallel_loop3A_1123] {strides = array<i32>} : memref<32x1024xf32, #tpu.memory_space<vmem>>, vector<1x16xf32>,
        %parallel_loop3A_1125 = vector.shape_cast %parallel_loop3A_1124 : vector<1x16xf32> to vector<16xf32>
        %parallel_loop3A_1126 = vector.shape_cast %parallel_loop3A_1118 : vector<16xf32> to vector<1x16xf32>
        tpu.vector_store %arg11[%parallel_loop3A_1122, %parallel_loop3A_1123], %parallel_loop3A_1126 {strides = array<i32>} : memref<32x1024xf32, #tpu.memory_space<vmem>>, vector<1x16xf32>,
        %parallel_loop3A_1127 = vector.shape_cast %parallel_loop3A_1093 : vector<16xi32> to vector<16x1xi32>
        %parallel_loop3A_1128 = vector.shape_cast %parallel_loop3A_1127 : vector<16x1xi32> to vector<16xi32>
        %parallel_loop3A_1129 = tpu.dynamic_gather %get3A_988[%parallel_loop3A_1128] in [0] : vector<16xf32>, vector<16xi32> -> vector<16xf32>
        %parallel_loop3A_1130 = arith.constant 16 : i32
        %parallel_loop3A_1131 = arith.muli %parallel_loop3A_1086, %parallel_loop3A_1130 : i32
        %parallel_loop3A_1132 = arith.constant 3 : i32
        %parallel_loop3A_1133 = arith.index_cast %parallel_loop3A_1132 : i32 to index
        %parallel_loop3A_1134 = arith.index_cast %parallel_loop3A_1131 : i32 to index
        %parallel_loop3A_1135 = tpu.vector_load %arg11[%parallel_loop3A_1133, %parallel_loop3A_1134] {strides = array<i32>} : memref<32x1024xf32, #tpu.memory_space<vmem>>, vector<1x16xf32>,
        %parallel_loop3A_1136 = vector.shape_cast %parallel_loop3A_1135 : vector<1x16xf32> to vector<16xf32>
        %parallel_loop3A_1137 = vector.shape_cast %parallel_loop3A_1129 : vector<16xf32> to vector<1x16xf32>
        tpu.vector_store %arg11[%parallel_loop3A_1133, %parallel_loop3A_1134], %parallel_loop3A_1137 {strides = array<i32>} : memref<32x1024xf32, #tpu.memory_space<vmem>>, vector<1x16xf32>,
        %parallel_loop3A_1138 = vector.shape_cast %parallel_loop3A_1093 : vector<16xi32> to vector<16x1xi32>
        %parallel_loop3A_1139 = vector.shape_cast %parallel_loop3A_1138 : vector<16x1xi32> to vector<16xi32>
        %parallel_loop3A_1140 = tpu.dynamic_gather %get3A_991[%parallel_loop3A_1139] in [0] : vector<16xf32>, vector<16xi32> -> vector<16xf32>
        %parallel_loop3A_1141 = arith.constant 16 : i32
        %parallel_loop3A_1142 = arith.muli %parallel_loop3A_1086, %parallel_loop3A_1141 : i32
        %parallel_loop3A_1143 = arith.constant 4 : i32
        %parallel_loop3A_1144 = arith.index_cast %parallel_loop3A_1143 : i32 to index
        %parallel_loop3A_1145 = arith.index_cast %parallel_loop3A_1142 : i32 to index
        %parallel_loop3A_1146 = tpu.vector_load %arg11[%parallel_loop3A_1144, %parallel_loop3A_1145] {strides = array<i32>} : memref<32x1024xf32, #tpu.memory_space<vmem>>, vector<1x16xf32>,
        %parallel_loop3A_1147 = vector.shape_cast %parallel_loop3A_1146 : vector<1x16xf32> to vector<16xf32>
        %parallel_loop3A_1148 = vector.shape_cast %parallel_loop3A_1140 : vector<16xf32> to vector<1x16xf32>
        tpu.vector_store %arg11[%parallel_loop3A_1144, %parallel_loop3A_1145], %parallel_loop3A_1148 {strides = array<i32>} : memref<32x1024xf32, #tpu.memory_space<vmem>>, vector<1x16xf32>,
        %parallel_loop3A_1149 = vector.shape_cast %parallel_loop3A_1093 : vector<16xi32> to vector<16x1xi32>
        %parallel_loop3A_1150 = vector.shape_cast %parallel_loop3A_1149 : vector<16x1xi32> to vector<16xi32>
        %parallel_loop3A_1151 = tpu.dynamic_gather %get3A_994[%parallel_loop3A_1150] in [0] : vector<16xf32>, vector<16xi32> -> vector<16xf32>
        %parallel_loop3A_1152 = arith.constant 16 : i32
        %parallel_loop3A_1153 = arith.muli %parallel_loop3A_1086, %parallel_loop3A_1152 : i32
        %parallel_loop3A_1154 = arith.constant 5 : i32
        %parallel_loop3A_1155 = arith.index_cast %parallel_loop3A_1154 : i32 to index
        %parallel_loop3A_1156 = arith.index_cast %parallel_loop3A_1153 : i32 to index
        %parallel_loop3A_1157 = tpu.vector_load %arg11[%parallel_loop3A_1155, %parallel_loop3A_1156] {strides = array<i32>} : memref<32x1024xf32, #tpu.memory_space<vmem>>, vector<1x16xf32>,
        %parallel_loop3A_1158 = vector.shape_cast %parallel_loop3A_1157 : vector<1x16xf32> to vector<16xf32>
        %parallel_loop3A_1159 = vector.shape_cast %parallel_loop3A_1151 : vector<16xf32> to vector<1x16xf32>
        tpu.vector_store %arg11[%parallel_loop3A_1155, %parallel_loop3A_1156], %parallel_loop3A_1159 {strides = array<i32>} : memref<32x1024xf32, #tpu.memory_space<vmem>>, vector<1x16xf32>,
        %parallel_loop3A_1160 = vector.shape_cast %parallel_loop3A_1093 : vector<16xi32> to vector<16x1xi32>
        %parallel_loop3A_1161 = vector.shape_cast %parallel_loop3A_1160 : vector<16x1xi32> to vector<16xi32>
        %parallel_loop3A_1162 = tpu.dynamic_gather %get3A_997[%parallel_loop3A_1161] in [0] : vector<16xf32>, vector<16xi32> -> vector<16xf32>
        %parallel_loop3A_1163 = arith.constant 16 : i32
        %parallel_loop3A_1164 = arith.muli %parallel_loop3A_1086, %parallel_loop3A_1163 : i32
        %parallel_loop3A_1165 = arith.constant 6 : i32
        %parallel_loop3A_1166 = arith.index_cast %parallel_loop3A_1165 : i32 to index
        %parallel_loop3A_1167 = arith.index_cast %parallel_loop3A_1164 : i32 to index
        %parallel_loop3A_1168 = tpu.vector_load %arg11[%parallel_loop3A_1166, %parallel_loop3A_1167] {strides = array<i32>} : memref<32x1024xf32, #tpu.memory_space<vmem>>, vector<1x16xf32>,
        %parallel_loop3A_1169 = vector.shape_cast %parallel_loop3A_1168 : vector<1x16xf32> to vector<16xf32>
        %parallel_loop3A_1170 = vector.shape_cast %parallel_loop3A_1162 : vector<16xf32> to vector<1x16xf32>
        tpu.vector_store %arg11[%parallel_loop3A_1166, %parallel_loop3A_1167], %parallel_loop3A_1170 {strides = array<i32>} : memref<32x1024xf32, #tpu.memory_space<vmem>>, vector<1x16xf32>,
        %parallel_loop3A_1171 = vector.shape_cast %parallel_loop3A_1093 : vector<16xi32> to vector<16x1xi32>
        %parallel_loop3A_1172 = vector.shape_cast %parallel_loop3A_1171 : vector<16x1xi32> to vector<16xi32>
        %parallel_loop3A_1173 = tpu.dynamic_gather %get3A_1000[%parallel_loop3A_1172] in [0] : vector<16xf32>, vector<16xi32> -> vector<16xf32>
        %parallel_loop3A_1174 = arith.constant 16 : i32
        %parallel_loop3A_1175 = arith.muli %parallel_loop3A_1086, %parallel_loop3A_1174 : i32
        %parallel_loop3A_1176 = arith.constant 7 : i32
        %parallel_loop3A_1177 = arith.index_cast %parallel_loop3A_1176 : i32 to index
        %parallel_loop3A_1178 = arith.index_cast %parallel_loop3A_1175 : i32 to index
        %parallel_loop3A_1179 = tpu.vector_load %arg11[%parallel_loop3A_1177, %parallel_loop3A_1178] {strides = array<i32>} : memref<32x1024xf32, #tpu.memory_space<vmem>>, vector<1x16xf32>,
        %parallel_loop3A_1180 = vector.shape_cast %parallel_loop3A_1179 : vector<1x16xf32> to vector<16xf32>
        %parallel_loop3A_1181 = vector.shape_cast %parallel_loop3A_1173 : vector<16xf32> to vector<1x16xf32>
        tpu.vector_store %arg11[%parallel_loop3A_1177, %parallel_loop3A_1178], %parallel_loop3A_1181 {strides = array<i32>} : memref<32x1024xf32, #tpu.memory_space<vmem>>, vector<1x16xf32>,
        %parallel_loop3A_1182 = vector.shape_cast %parallel_loop3A_1093 : vector<16xi32> to vector<16x1xi32>
        %parallel_loop3A_1183 = vector.shape_cast %parallel_loop3A_1182 : vector<16x1xi32> to vector<16xi32>
        %parallel_loop3A_1184 = tpu.dynamic_gather %get3A_1003[%parallel_loop3A_1183] in [0] : vector<16xf32>, vector<16xi32> -> vector<16xf32>
        %parallel_loop3A_1185 = arith.constant 16 : i32
        %parallel_loop3A_1186 = arith.muli %parallel_loop3A_1086, %parallel_loop3A_1185 : i32
        %parallel_loop3A_1187 = arith.constant 8 : i32
        %parallel_loop3A_1188 = arith.index_cast %parallel_loop3A_1187 : i32 to index
        %parallel_loop3A_1189 = arith.index_cast %parallel_loop3A_1186 : i32 to index
        %parallel_loop3A_1190 = tpu.vector_load %arg11[%parallel_loop3A_1188, %parallel_loop3A_1189] {strides = array<i32>} : memref<32x1024xf32, #tpu.memory_space<vmem>>, vector<1x16xf32>,
        %parallel_loop3A_1191 = vector.shape_cast %parallel_loop3A_1190 : vector<1x16xf32> to vector<16xf32>
        %parallel_loop3A_1192 = vector.shape_cast %parallel_loop3A_1184 : vector<16xf32> to vector<1x16xf32>
        tpu.vector_store %arg11[%parallel_loop3A_1188, %parallel_loop3A_1189], %parallel_loop3A_1192 {strides = array<i32>} : memref<32x1024xf32, #tpu.memory_space<vmem>>, vector<1x16xf32>,
        %parallel_loop3A_1193 = vector.shape_cast %parallel_loop3A_1093 : vector<16xi32> to vector<16x1xi32>
        %parallel_loop3A_1194 = vector.shape_cast %parallel_loop3A_1193 : vector<16x1xi32> to vector<16xi32>
        %parallel_loop3A_1195 = tpu.dynamic_gather %get3A_1006[%parallel_loop3A_1194] in [0] : vector<16xf32>, vector<16xi32> -> vector<16xf32>
        %parallel_loop3A_1196 = arith.constant 16 : i32
        %parallel_loop3A_1197 = arith.muli %parallel_loop3A_1086, %parallel_loop3A_1196 : i32
        %parallel_loop3A_1198 = arith.constant 9 : i32
        %parallel_loop3A_1199 = arith.index_cast %parallel_loop3A_1198 : i32 to index
        %parallel_loop3A_1200 = arith.index_cast %parallel_loop3A_1197 : i32 to index
        %parallel_loop3A_1201 = tpu.vector_load %arg11[%parallel_loop3A_1199, %parallel_loop3A_1200] {strides = array<i32>} : memref<32x1024xf32, #tpu.memory_space<vmem>>, vector<1x16xf32>,
        %parallel_loop3A_1202 = vector.shape_cast %parallel_loop3A_1201 : vector<1x16xf32> to vector<16xf32>
        %parallel_loop3A_1203 = vector.shape_cast %parallel_loop3A_1195 : vector<16xf32> to vector<1x16xf32>
        tpu.vector_store %arg11[%parallel_loop3A_1199, %parallel_loop3A_1200], %parallel_loop3A_1203 {strides = array<i32>} : memref<32x1024xf32, #tpu.memory_space<vmem>>, vector<1x16xf32>,
        %parallel_loop3A_1204 = vector.shape_cast %parallel_loop3A_1093 : vector<16xi32> to vector<16x1xi32>
        %parallel_loop3A_1205 = vector.shape_cast %parallel_loop3A_1204 : vector<16x1xi32> to vector<16xi32>
        %parallel_loop3A_1206 = tpu.dynamic_gather %get3A_1009[%parallel_loop3A_1205] in [0] : vector<16xf32>, vector<16xi32> -> vector<16xf32>
        %parallel_loop3A_1207 = arith.constant 16 : i32
        %parallel_loop3A_1208 = arith.muli %parallel_loop3A_1086, %parallel_loop3A_1207 : i32
        %parallel_loop3A_1209 = arith.constant 10 : i32
        %parallel_loop3A_1210 = arith.index_cast %parallel_loop3A_1209 : i32 to index
        %parallel_loop3A_1211 = arith.index_cast %parallel_loop3A_1208 : i32 to index
        %parallel_loop3A_1212 = tpu.vector_load %arg11[%parallel_loop3A_1210, %parallel_loop3A_1211] {strides = array<i32>} : memref<32x1024xf32, #tpu.memory_space<vmem>>, vector<1x16xf32>,
        %parallel_loop3A_1213 = vector.shape_cast %parallel_loop3A_1212 : vector<1x16xf32> to vector<16xf32>
        %parallel_loop3A_1214 = vector.shape_cast %parallel_loop3A_1206 : vector<16xf32> to vector<1x16xf32>
        tpu.vector_store %arg11[%parallel_loop3A_1210, %parallel_loop3A_1211], %parallel_loop3A_1214 {strides = array<i32>} : memref<32x1024xf32, #tpu.memory_space<vmem>>, vector<1x16xf32>,
        %parallel_loop3A_1215 = vector.shape_cast %parallel_loop3A_1093 : vector<16xi32> to vector<16x1xi32>
        %parallel_loop3A_1216 = vector.shape_cast %parallel_loop3A_1215 : vector<16x1xi32> to vector<16xi32>
        %parallel_loop3A_1217 = tpu.dynamic_gather %get3A_1012[%parallel_loop3A_1216] in [0] : vector<16xf32>, vector<16xi32> -> vector<16xf32>
        %parallel_loop3A_1218 = arith.constant 16 : i32
        %parallel_loop3A_1219 = arith.muli %parallel_loop3A_1086, %parallel_loop3A_1218 : i32
        %parallel_loop3A_1220 = arith.constant 11 : i32
        %parallel_loop3A_1221 = arith.index_cast %parallel_loop3A_1220 : i32 to index
        %parallel_loop3A_1222 = arith.index_cast %parallel_loop3A_1219 : i32 to index
        %parallel_loop3A_1223 = tpu.vector_load %arg11[%parallel_loop3A_1221, %parallel_loop3A_1222] {strides = array<i32>} : memref<32x1024xf32, #tpu.memory_space<vmem>>, vector<1x16xf32>,
        %parallel_loop3A_1224 = vector.shape_cast %parallel_loop3A_1223 : vector<1x16xf32> to vector<16xf32>
        %parallel_loop3A_1225 = vector.shape_cast %parallel_loop3A_1217 : vector<16xf32> to vector<1x16xf32>
        tpu.vector_store %arg11[%parallel_loop3A_1221, %parallel_loop3A_1222], %parallel_loop3A_1225 {strides = array<i32>} : memref<32x1024xf32, #tpu.memory_space<vmem>>, vector<1x16xf32>,
        %parallel_loop3A_1226 = vector.shape_cast %parallel_loop3A_1093 : vector<16xi32> to vector<16x1xi32>
        %parallel_loop3A_1227 = vector.shape_cast %parallel_loop3A_1226 : vector<16x1xi32> to vector<16xi32>
        %parallel_loop3A_1228 = tpu.dynamic_gather %get3A_1015[%parallel_loop3A_1227] in [0] : vector<16xf32>, vector<16xi32> -> vector<16xf32>
        %parallel_loop3A_1229 = arith.constant 16 : i32
        %parallel_loop3A_1230 = arith.muli %parallel_loop3A_1086, %parallel_loop3A_1229 : i32
        %parallel_loop3A_1231 = arith.constant 12 : i32
        %parallel_loop3A_1232 = arith.index_cast %parallel_loop3A_1231 : i32 to index
        %parallel_loop3A_1233 = arith.index_cast %parallel_loop3A_1230 : i32 to index
        %parallel_loop3A_1234 = tpu.vector_load %arg11[%parallel_loop3A_1232, %parallel_loop3A_1233] {strides = array<i32>} : memref<32x1024xf32, #tpu.memory_space<vmem>>, vector<1x16xf32>,
        %parallel_loop3A_1235 = vector.shape_cast %parallel_loop3A_1234 : vector<1x16xf32> to vector<16xf32>
        %parallel_loop3A_1236 = vector.shape_cast %parallel_loop3A_1228 : vector<16xf32> to vector<1x16xf32>
        tpu.vector_store %arg11[%parallel_loop3A_1232, %parallel_loop3A_1233], %parallel_loop3A_1236 {strides = array<i32>} : memref<32x1024xf32, #tpu.memory_space<vmem>>, vector<1x16xf32>,
        %parallel_loop3A_1237 = vector.shape_cast %parallel_loop3A_1093 : vector<16xi32> to vector<16x1xi32>
        %parallel_loop3A_1238 = vector.shape_cast %parallel_loop3A_1237 : vector<16x1xi32> to vector<16xi32>
        %parallel_loop3A_1239 = tpu.dynamic_gather %get3A_1018[%parallel_loop3A_1238] in [0] : vector<16xf32>, vector<16xi32> -> vector<16xf32>
        %parallel_loop3A_1240 = arith.constant 16 : i32
        %parallel_loop3A_1241 = arith.muli %parallel_loop3A_1086, %parallel_loop3A_1240 : i32
        %parallel_loop3A_1242 = arith.constant 13 : i32
        %parallel_loop3A_1243 = arith.index_cast %parallel_loop3A_1242 : i32 to index
        %parallel_loop3A_1244 = arith.index_cast %parallel_loop3A_1241 : i32 to index
        %parallel_loop3A_1245 = tpu.vector_load %arg11[%parallel_loop3A_1243, %parallel_loop3A_1244] {strides = array<i32>} : memref<32x1024xf32, #tpu.memory_space<vmem>>, vector<1x16xf32>,
        %parallel_loop3A_1246 = vector.shape_cast %parallel_loop3A_1245 : vector<1x16xf32> to vector<16xf32>
        %parallel_loop3A_1247 = vector.shape_cast %parallel_loop3A_1239 : vector<16xf32> to vector<1x16xf32>
        tpu.vector_store %arg11[%parallel_loop3A_1243, %parallel_loop3A_1244], %parallel_loop3A_1247 {strides = array<i32>} : memref<32x1024xf32, #tpu.memory_space<vmem>>, vector<1x16xf32>,
        %parallel_loop3A_1248 = vector.shape_cast %parallel_loop3A_1093 : vector<16xi32> to vector<16x1xi32>
        %parallel_loop3A_1249 = vector.shape_cast %parallel_loop3A_1248 : vector<16x1xi32> to vector<16xi32>
        %parallel_loop3A_1250 = tpu.dynamic_gather %get3A_1021[%parallel_loop3A_1249] in [0] : vector<16xf32>, vector<16xi32> -> vector<16xf32>
        %parallel_loop3A_1251 = arith.constant 16 : i32
        %parallel_loop3A_1252 = arith.muli %parallel_loop3A_1086, %parallel_loop3A_1251 : i32
        %parallel_loop3A_1253 = arith.constant 14 : i32
        %parallel_loop3A_1254 = arith.index_cast %parallel_loop3A_1253 : i32 to index
        %parallel_loop3A_1255 = arith.index_cast %parallel_loop3A_1252 : i32 to index
        %parallel_loop3A_1256 = tpu.vector_load %arg11[%parallel_loop3A_1254, %parallel_loop3A_1255] {strides = array<i32>} : memref<32x1024xf32, #tpu.memory_space<vmem>>, vector<1x16xf32>,
        %parallel_loop3A_1257 = vector.shape_cast %parallel_loop3A_1256 : vector<1x16xf32> to vector<16xf32>
        %parallel_loop3A_1258 = vector.shape_cast %parallel_loop3A_1250 : vector<16xf32> to vector<1x16xf32>
        tpu.vector_store %arg11[%parallel_loop3A_1254, %parallel_loop3A_1255], %parallel_loop3A_1258 {strides = array<i32>} : memref<32x1024xf32, #tpu.memory_space<vmem>>, vector<1x16xf32>,
        %parallel_loop3A_1259 = vector.shape_cast %parallel_loop3A_1093 : vector<16xi32> to vector<16x1xi32>
        %parallel_loop3A_1260 = vector.shape_cast %parallel_loop3A_1259 : vector<16x1xi32> to vector<16xi32>
        %parallel_loop3A_1261 = tpu.dynamic_gather %get3A_1024[%parallel_loop3A_1260] in [0] : vector<16xf32>, vector<16xi32> -> vector<16xf32>
        %parallel_loop3A_1262 = arith.constant 16 : i32
        %parallel_loop3A_1263 = arith.muli %parallel_loop3A_1086, %parallel_loop3A_1262 : i32
        %parallel_loop3A_1264 = arith.constant 15 : i32
        %parallel_loop3A_1265 = arith.index_cast %parallel_loop3A_1264 : i32 to index
        %parallel_loop3A_1266 = arith.index_cast %parallel_loop3A_1263 : i32 to index
        %parallel_loop3A_1267 = tpu.vector_load %arg11[%parallel_loop3A_1265, %parallel_loop3A_1266] {strides = array<i32>} : memref<32x1024xf32, #tpu.memory_space<vmem>>, vector<1x16xf32>,
        %parallel_loop3A_1268 = vector.shape_cast %parallel_loop3A_1267 : vector<1x16xf32> to vector<16xf32>
        %parallel_loop3A_1269 = vector.shape_cast %parallel_loop3A_1261 : vector<16xf32> to vector<1x16xf32>
        tpu.vector_store %arg11[%parallel_loop3A_1265, %parallel_loop3A_1266], %parallel_loop3A_1269 {strides = array<i32>} : memref<32x1024xf32, #tpu.memory_space<vmem>>, vector<1x16xf32>,
        %parallel_loop3A_1270 = vector.shape_cast %parallel_loop3A_1093 : vector<16xi32> to vector<16x1xi32>
        %parallel_loop3A_1271 = vector.shape_cast %parallel_loop3A_1270 : vector<16x1xi32> to vector<16xi32>
        %parallel_loop3A_1272 = tpu.dynamic_gather %get3A_1027[%parallel_loop3A_1271] in [0] : vector<16xf32>, vector<16xi32> -> vector<16xf32>
        %parallel_loop3A_1273 = arith.constant 16 : i32
        %parallel_loop3A_1274 = arith.muli %parallel_loop3A_1086, %parallel_loop3A_1273 : i32
        %parallel_loop3A_1275 = arith.constant 16 : i32
        %parallel_loop3A_1276 = arith.index_cast %parallel_loop3A_1275 : i32 to index
        %parallel_loop3A_1277 = arith.index_cast %parallel_loop3A_1274 : i32 to index
        %parallel_loop3A_1278 = tpu.vector_load %arg11[%parallel_loop3A_1276, %parallel_loop3A_1277] {strides = array<i32>} : memref<32x1024xf32, #tpu.memory_space<vmem>>, vector<1x16xf32>,
        %parallel_loop3A_1279 = vector.shape_cast %parallel_loop3A_1278 : vector<1x16xf32> to vector<16xf32>
        %parallel_loop3A_1280 = vector.shape_cast %parallel_loop3A_1272 : vector<16xf32> to vector<1x16xf32>
        tpu.vector_store %arg11[%parallel_loop3A_1276, %parallel_loop3A_1277], %parallel_loop3A_1280 {strides = array<i32>} : memref<32x1024xf32, #tpu.memory_space<vmem>>, vector<1x16xf32>,
        %parallel_loop3A_1281 = vector.shape_cast %parallel_loop3A_1093 : vector<16xi32> to vector<16x1xi32>
        %parallel_loop3A_1282 = vector.shape_cast %parallel_loop3A_1281 : vector<16x1xi32> to vector<16xi32>
        %parallel_loop3A_1283 = tpu.dynamic_gather %get3A_1030[%parallel_loop3A_1282] in [0] : vector<16xf32>, vector<16xi32> -> vector<16xf32>
        %parallel_loop3A_1284 = arith.constant 16 : i32
        %parallel_loop3A_1285 = arith.muli %parallel_loop3A_1086, %parallel_loop3A_1284 : i32
        %parallel_loop3A_1286 = arith.constant 17 : i32
        %parallel_loop3A_1287 = arith.index_cast %parallel_loop3A_1286 : i32 to index
        %parallel_loop3A_1288 = arith.index_cast %parallel_loop3A_1285 : i32 to index
        %parallel_loop3A_1289 = tpu.vector_load %arg11[%parallel_loop3A_1287, %parallel_loop3A_1288] {strides = array<i32>} : memref<32x1024xf32, #tpu.memory_space<vmem>>, vector<1x16xf32>,
        %parallel_loop3A_1290 = vector.shape_cast %parallel_loop3A_1289 : vector<1x16xf32> to vector<16xf32>
        %parallel_loop3A_1291 = vector.shape_cast %parallel_loop3A_1283 : vector<16xf32> to vector<1x16xf32>
        tpu.vector_store %arg11[%parallel_loop3A_1287, %parallel_loop3A_1288], %parallel_loop3A_1291 {strides = array<i32>} : memref<32x1024xf32, #tpu.memory_space<vmem>>, vector<1x16xf32>,
        %parallel_loop3A_1292 = vector.shape_cast %parallel_loop3A_1093 : vector<16xi32> to vector<16x1xi32>
        %parallel_loop3A_1293 = vector.shape_cast %parallel_loop3A_1292 : vector<16x1xi32> to vector<16xi32>
        %parallel_loop3A_1294 = tpu.dynamic_gather %get3A_1033[%parallel_loop3A_1293] in [0] : vector<16xf32>, vector<16xi32> -> vector<16xf32>
        %parallel_loop3A_1295 = arith.constant 16 : i32
        %parallel_loop3A_1296 = arith.muli %parallel_loop3A_1086, %parallel_loop3A_1295 : i32
        %parallel_loop3A_1297 = arith.constant 18 : i32
        %parallel_loop3A_1298 = arith.index_cast %parallel_loop3A_1297 : i32 to index
        %parallel_loop3A_1299 = arith.index_cast %parallel_loop3A_1296 : i32 to index
        %parallel_loop3A_1300 = tpu.vector_load %arg11[%parallel_loop3A_1298, %parallel_loop3A_1299] {strides = array<i32>} : memref<32x1024xf32, #tpu.memory_space<vmem>>, vector<1x16xf32>,
        %parallel_loop3A_1301 = vector.shape_cast %parallel_loop3A_1300 : vector<1x16xf32> to vector<16xf32>
        %parallel_loop3A_1302 = vector.shape_cast %parallel_loop3A_1294 : vector<16xf32> to vector<1x16xf32>
        tpu.vector_store %arg11[%parallel_loop3A_1298, %parallel_loop3A_1299], %parallel_loop3A_1302 {strides = array<i32>} : memref<32x1024xf32, #tpu.memory_space<vmem>>, vector<1x16xf32>,
        %parallel_loop3A_1303 = vector.shape_cast %parallel_loop3A_1093 : vector<16xi32> to vector<16x1xi32>
        %parallel_loop3A_1304 = vector.shape_cast %parallel_loop3A_1303 : vector<16x1xi32> to vector<16xi32>
        %parallel_loop3A_1305 = tpu.dynamic_gather %get3A_1036[%parallel_loop3A_1304] in [0] : vector<16xf32>, vector<16xi32> -> vector<16xf32>
        %parallel_loop3A_1306 = arith.constant 16 : i32
        %parallel_loop3A_1307 = arith.muli %parallel_loop3A_1086, %parallel_loop3A_1306 : i32
        %parallel_loop3A_1308 = arith.constant 19 : i32
        %parallel_loop3A_1309 = arith.index_cast %parallel_loop3A_1308 : i32 to index
        %parallel_loop3A_1310 = arith.index_cast %parallel_loop3A_1307 : i32 to index
        %parallel_loop3A_1311 = tpu.vector_load %arg11[%parallel_loop3A_1309, %parallel_loop3A_1310] {strides = array<i32>} : memref<32x1024xf32, #tpu.memory_space<vmem>>, vector<1x16xf32>,
        %parallel_loop3A_1312 = vector.shape_cast %parallel_loop3A_1311 : vector<1x16xf32> to vector<16xf32>
        %parallel_loop3A_1313 = vector.shape_cast %parallel_loop3A_1305 : vector<16xf32> to vector<1x16xf32>
        tpu.vector_store %arg11[%parallel_loop3A_1309, %parallel_loop3A_1310], %parallel_loop3A_1313 {strides = array<i32>} : memref<32x1024xf32, #tpu.memory_space<vmem>>, vector<1x16xf32>,
        %parallel_loop3A_1314 = vector.shape_cast %parallel_loop3A_1093 : vector<16xi32> to vector<16x1xi32>
        %parallel_loop3A_1315 = vector.shape_cast %parallel_loop3A_1314 : vector<16x1xi32> to vector<16xi32>
        %parallel_loop3A_1316 = tpu.dynamic_gather %get3A_1039[%parallel_loop3A_1315] in [0] : vector<16xf32>, vector<16xi32> -> vector<16xf32>
        %parallel_loop3A_1317 = arith.constant 16 : i32
        %parallel_loop3A_1318 = arith.muli %parallel_loop3A_1086, %parallel_loop3A_1317 : i32
        %parallel_loop3A_1319 = arith.constant 20 : i32
        %parallel_loop3A_1320 = arith.index_cast %parallel_loop3A_1319 : i32 to index
        %parallel_loop3A_1321 = arith.index_cast %parallel_loop3A_1318 : i32 to index
        %parallel_loop3A_1322 = tpu.vector_load %arg11[%parallel_loop3A_1320, %parallel_loop3A_1321] {strides = array<i32>} : memref<32x1024xf32, #tpu.memory_space<vmem>>, vector<1x16xf32>,
        %parallel_loop3A_1323 = vector.shape_cast %parallel_loop3A_1322 : vector<1x16xf32> to vector<16xf32>
        %parallel_loop3A_1324 = vector.shape_cast %parallel_loop3A_1316 : vector<16xf32> to vector<1x16xf32>
        tpu.vector_store %arg11[%parallel_loop3A_1320, %parallel_loop3A_1321], %parallel_loop3A_1324 {strides = array<i32>} : memref<32x1024xf32, #tpu.memory_space<vmem>>, vector<1x16xf32>,
        %parallel_loop3A_1325 = vector.shape_cast %parallel_loop3A_1093 : vector<16xi32> to vector<16x1xi32>
        %parallel_loop3A_1326 = vector.shape_cast %parallel_loop3A_1325 : vector<16x1xi32> to vector<16xi32>
        %parallel_loop3A_1327 = tpu.dynamic_gather %get3A_1042[%parallel_loop3A_1326] in [0] : vector<16xf32>, vector<16xi32> -> vector<16xf32>
        %parallel_loop3A_1328 = arith.constant 16 : i32
        %parallel_loop3A_1329 = arith.muli %parallel_loop3A_1086, %parallel_loop3A_1328 : i32
        %parallel_loop3A_1330 = arith.constant 21 : i32
        %parallel_loop3A_1331 = arith.index_cast %parallel_loop3A_1330 : i32 to index
        %parallel_loop3A_1332 = arith.index_cast %parallel_loop3A_1329 : i32 to index
        %parallel_loop3A_1333 = tpu.vector_load %arg11[%parallel_loop3A_1331, %parallel_loop3A_1332] {strides = array<i32>} : memref<32x1024xf32, #tpu.memory_space<vmem>>, vector<1x16xf32>,
        %parallel_loop3A_1334 = vector.shape_cast %parallel_loop3A_1333 : vector<1x16xf32> to vector<16xf32>
        %parallel_loop3A_1335 = vector.shape_cast %parallel_loop3A_1327 : vector<16xf32> to vector<1x16xf32>
        tpu.vector_store %arg11[%parallel_loop3A_1331, %parallel_loop3A_1332], %parallel_loop3A_1335 {strides = array<i32>} : memref<32x1024xf32, #tpu.memory_space<vmem>>, vector<1x16xf32>,
        %parallel_loop3A_1336 = vector.shape_cast %parallel_loop3A_1093 : vector<16xi32> to vector<16x1xi32>
        %parallel_loop3A_1337 = vector.shape_cast %parallel_loop3A_1336 : vector<16x1xi32> to vector<16xi32>
        %parallel_loop3A_1338 = tpu.dynamic_gather %get3A_1045[%parallel_loop3A_1337] in [0] : vector<16xf32>, vector<16xi32> -> vector<16xf32>
        %parallel_loop3A_1339 = arith.constant 16 : i32
        %parallel_loop3A_1340 = arith.muli %parallel_loop3A_1086, %parallel_loop3A_1339 : i32
        %parallel_loop3A_1341 = arith.constant 22 : i32
        %parallel_loop3A_1342 = arith.index_cast %parallel_loop3A_1341 : i32 to index
        %parallel_loop3A_1343 = arith.index_cast %parallel_loop3A_1340 : i32 to index
        %parallel_loop3A_1344 = tpu.vector_load %arg11[%parallel_loop3A_1342, %parallel_loop3A_1343] {strides = array<i32>} : memref<32x1024xf32, #tpu.memory_space<vmem>>, vector<1x16xf32>,
        %parallel_loop3A_1345 = vector.shape_cast %parallel_loop3A_1344 : vector<1x16xf32> to vector<16xf32>
        %parallel_loop3A_1346 = vector.shape_cast %parallel_loop3A_1338 : vector<16xf32> to vector<1x16xf32>
        tpu.vector_store %arg11[%parallel_loop3A_1342, %parallel_loop3A_1343], %parallel_loop3A_1346 {strides = array<i32>} : memref<32x1024xf32, #tpu.memory_space<vmem>>, vector<1x16xf32>,
        %parallel_loop3A_1347 = vector.shape_cast %parallel_loop3A_1093 : vector<16xi32> to vector<16x1xi32>
        %parallel_loop3A_1348 = vector.shape_cast %parallel_loop3A_1347 : vector<16x1xi32> to vector<16xi32>
        %parallel_loop3A_1349 = tpu.dynamic_gather %get3A_1048[%parallel_loop3A_1348] in [0] : vector<16xf32>, vector<16xi32> -> vector<16xf32>
        %parallel_loop3A_1350 = arith.constant 16 : i32
        %parallel_loop3A_1351 = arith.muli %parallel_loop3A_1086, %parallel_loop3A_1350 : i32
        %parallel_loop3A_1352 = arith.constant 23 : i32
        %parallel_loop3A_1353 = arith.index_cast %parallel_loop3A_1352 : i32 to index
        %parallel_loop3A_1354 = arith.index_cast %parallel_loop3A_1351 : i32 to index
        %parallel_loop3A_1355 = tpu.vector_load %arg11[%parallel_loop3A_1353, %parallel_loop3A_1354] {strides = array<i32>} : memref<32x1024xf32, #tpu.memory_space<vmem>>, vector<1x16xf32>,
        %parallel_loop3A_1356 = vector.shape_cast %parallel_loop3A_1355 : vector<1x16xf32> to vector<16xf32>
        %parallel_loop3A_1357 = vector.shape_cast %parallel_loop3A_1349 : vector<16xf32> to vector<1x16xf32>
        tpu.vector_store %arg11[%parallel_loop3A_1353, %parallel_loop3A_1354], %parallel_loop3A_1357 {strides = array<i32>} : memref<32x1024xf32, #tpu.memory_space<vmem>>, vector<1x16xf32>,
        %parallel_loop3A_1358 = vector.shape_cast %parallel_loop3A_1093 : vector<16xi32> to vector<16x1xi32>
        %parallel_loop3A_1359 = vector.shape_cast %parallel_loop3A_1358 : vector<16x1xi32> to vector<16xi32>
        %parallel_loop3A_1360 = tpu.dynamic_gather %get3A_1051[%parallel_loop3A_1359] in [0] : vector<16xf32>, vector<16xi32> -> vector<16xf32>
        %parallel_loop3A_1361 = arith.constant 16 : i32
        %parallel_loop3A_1362 = arith.muli %parallel_loop3A_1086, %parallel_loop3A_1361 : i32
        %parallel_loop3A_1363 = arith.constant 24 : i32
        %parallel_loop3A_1364 = arith.index_cast %parallel_loop3A_1363 : i32 to index
        %parallel_loop3A_1365 = arith.index_cast %parallel_loop3A_1362 : i32 to index
        %parallel_loop3A_1366 = tpu.vector_load %arg11[%parallel_loop3A_1364, %parallel_loop3A_1365] {strides = array<i32>} : memref<32x1024xf32, #tpu.memory_space<vmem>>, vector<1x16xf32>,
        %parallel_loop3A_1367 = vector.shape_cast %parallel_loop3A_1366 : vector<1x16xf32> to vector<16xf32>
        %parallel_loop3A_1368 = vector.shape_cast %parallel_loop3A_1360 : vector<16xf32> to vector<1x16xf32>
        tpu.vector_store %arg11[%parallel_loop3A_1364, %parallel_loop3A_1365], %parallel_loop3A_1368 {strides = array<i32>} : memref<32x1024xf32, #tpu.memory_space<vmem>>, vector<1x16xf32>,
        %parallel_loop3A_1369 = vector.shape_cast %parallel_loop3A_1093 : vector<16xi32> to vector<16x1xi32>
        %parallel_loop3A_1370 = vector.shape_cast %parallel_loop3A_1369 : vector<16x1xi32> to vector<16xi32>
        %parallel_loop3A_1371 = tpu.dynamic_gather %get3A_1054[%parallel_loop3A_1370] in [0] : vector<16xf32>, vector<16xi32> -> vector<16xf32>
        %parallel_loop3A_1372 = arith.constant 16 : i32
        %parallel_loop3A_1373 = arith.muli %parallel_loop3A_1086, %parallel_loop3A_1372 : i32
        %parallel_loop3A_1374 = arith.constant 25 : i32
        %parallel_loop3A_1375 = arith.index_cast %parallel_loop3A_1374 : i32 to index
        %parallel_loop3A_1376 = arith.index_cast %parallel_loop3A_1373 : i32 to index
        %parallel_loop3A_1377 = tpu.vector_load %arg11[%parallel_loop3A_1375, %parallel_loop3A_1376] {strides = array<i32>} : memref<32x1024xf32, #tpu.memory_space<vmem>>, vector<1x16xf32>,
        %parallel_loop3A_1378 = vector.shape_cast %parallel_loop3A_1377 : vector<1x16xf32> to vector<16xf32>
        %parallel_loop3A_1379 = vector.shape_cast %parallel_loop3A_1371 : vector<16xf32> to vector<1x16xf32>
        tpu.vector_store %arg11[%parallel_loop3A_1375, %parallel_loop3A_1376], %parallel_loop3A_1379 {strides = array<i32>} : memref<32x1024xf32, #tpu.memory_space<vmem>>, vector<1x16xf32>,
        %parallel_loop3A_1380 = vector.shape_cast %parallel_loop3A_1093 : vector<16xi32> to vector<16x1xi32>
        %parallel_loop3A_1381 = vector.shape_cast %parallel_loop3A_1380 : vector<16x1xi32> to vector<16xi32>
        %parallel_loop3A_1382 = tpu.dynamic_gather %get3A_1057[%parallel_loop3A_1381] in [0] : vector<16xf32>, vector<16xi32> -> vector<16xf32>
        %parallel_loop3A_1383 = arith.constant 16 : i32
        %parallel_loop3A_1384 = arith.muli %parallel_loop3A_1086, %parallel_loop3A_1383 : i32
        %parallel_loop3A_1385 = arith.constant 26 : i32
        %parallel_loop3A_1386 = arith.index_cast %parallel_loop3A_1385 : i32 to index
        %parallel_loop3A_1387 = arith.index_cast %parallel_loop3A_1384 : i32 to index
        %parallel_loop3A_1388 = tpu.vector_load %arg11[%parallel_loop3A_1386, %parallel_loop3A_1387] {strides = array<i32>} : memref<32x1024xf32, #tpu.memory_space<vmem>>, vector<1x16xf32>,
        %parallel_loop3A_1389 = vector.shape_cast %parallel_loop3A_1388 : vector<1x16xf32> to vector<16xf32>
        %parallel_loop3A_1390 = vector.shape_cast %parallel_loop3A_1382 : vector<16xf32> to vector<1x16xf32>
        tpu.vector_store %arg11[%parallel_loop3A_1386, %parallel_loop3A_1387], %parallel_loop3A_1390 {strides = array<i32>} : memref<32x1024xf32, #tpu.memory_space<vmem>>, vector<1x16xf32>,
        %parallel_loop3A_1391 = vector.shape_cast %parallel_loop3A_1093 : vector<16xi32> to vector<16x1xi32>
        %parallel_loop3A_1392 = vector.shape_cast %parallel_loop3A_1391 : vector<16x1xi32> to vector<16xi32>
        %parallel_loop3A_1393 = tpu.dynamic_gather %get3A_1060[%parallel_loop3A_1392] in [0] : vector<16xf32>, vector<16xi32> -> vector<16xf32>
        %parallel_loop3A_1394 = arith.constant 16 : i32
        %parallel_loop3A_1395 = arith.muli %parallel_loop3A_1086, %parallel_loop3A_1394 : i32
        %parallel_loop3A_1396 = arith.constant 27 : i32
        %parallel_loop3A_1397 = arith.index_cast %parallel_loop3A_1396 : i32 to index
        %parallel_loop3A_1398 = arith.index_cast %parallel_loop3A_1395 : i32 to index
        %parallel_loop3A_1399 = tpu.vector_load %arg11[%parallel_loop3A_1397, %parallel_loop3A_1398] {strides = array<i32>} : memref<32x1024xf32, #tpu.memory_space<vmem>>, vector<1x16xf32>,
        %parallel_loop3A_1400 = vector.shape_cast %parallel_loop3A_1399 : vector<1x16xf32> to vector<16xf32>
        %parallel_loop3A_1401 = vector.shape_cast %parallel_loop3A_1393 : vector<16xf32> to vector<1x16xf32>
        tpu.vector_store %arg11[%parallel_loop3A_1397, %parallel_loop3A_1398], %parallel_loop3A_1401 {strides = array<i32>} : memref<32x1024xf32, #tpu.memory_space<vmem>>, vector<1x16xf32>,
        %parallel_loop3A_1402 = vector.shape_cast %parallel_loop3A_1093 : vector<16xi32> to vector<16x1xi32>
        %parallel_loop3A_1403 = vector.shape_cast %parallel_loop3A_1402 : vector<16x1xi32> to vector<16xi32>
        %parallel_loop3A_1404 = tpu.dynamic_gather %get3A_1063[%parallel_loop3A_1403] in [0] : vector<16xf32>, vector<16xi32> -> vector<16xf32>
        %parallel_loop3A_1405 = arith.constant 16 : i32
        %parallel_loop3A_1406 = arith.muli %parallel_loop3A_1086, %parallel_loop3A_1405 : i32
        %parallel_loop3A_1407 = arith.constant 28 : i32
        %parallel_loop3A_1408 = arith.index_cast %parallel_loop3A_1407 : i32 to index
        %parallel_loop3A_1409 = arith.index_cast %parallel_loop3A_1406 : i32 to index
        %parallel_loop3A_1410 = tpu.vector_load %arg11[%parallel_loop3A_1408, %parallel_loop3A_1409] {strides = array<i32>} : memref<32x1024xf32, #tpu.memory_space<vmem>>, vector<1x16xf32>,
        %parallel_loop3A_1411 = vector.shape_cast %parallel_loop3A_1410 : vector<1x16xf32> to vector<16xf32>
        %parallel_loop3A_1412 = vector.shape_cast %parallel_loop3A_1404 : vector<16xf32> to vector<1x16xf32>
        tpu.vector_store %arg11[%parallel_loop3A_1408, %parallel_loop3A_1409], %parallel_loop3A_1412 {strides = array<i32>} : memref<32x1024xf32, #tpu.memory_space<vmem>>, vector<1x16xf32>,
        %parallel_loop3A_1413 = vector.shape_cast %parallel_loop3A_1093 : vector<16xi32> to vector<16x1xi32>
        %parallel_loop3A_1414 = vector.shape_cast %parallel_loop3A_1413 : vector<16x1xi32> to vector<16xi32>
        %parallel_loop3A_1415 = tpu.dynamic_gather %get3A_1066[%parallel_loop3A_1414] in [0] : vector<16xf32>, vector<16xi32> -> vector<16xf32>
        %parallel_loop3A_1416 = arith.constant 16 : i32
        %parallel_loop3A_1417 = arith.muli %parallel_loop3A_1086, %parallel_loop3A_1416 : i32
        %parallel_loop3A_1418 = arith.constant 29 : i32
        %parallel_loop3A_1419 = arith.index_cast %parallel_loop3A_1418 : i32 to index
        %parallel_loop3A_1420 = arith.index_cast %parallel_loop3A_1417 : i32 to index
        %parallel_loop3A_1421 = tpu.vector_load %arg11[%parallel_loop3A_1419, %parallel_loop3A_1420] {strides = array<i32>} : memref<32x1024xf32, #tpu.memory_space<vmem>>, vector<1x16xf32>,
        %parallel_loop3A_1422 = vector.shape_cast %parallel_loop3A_1421 : vector<1x16xf32> to vector<16xf32>
        %parallel_loop3A_1423 = vector.shape_cast %parallel_loop3A_1415 : vector<16xf32> to vector<1x16xf32>
        tpu.vector_store %arg11[%parallel_loop3A_1419, %parallel_loop3A_1420], %parallel_loop3A_1423 {strides = array<i32>} : memref<32x1024xf32, #tpu.memory_space<vmem>>, vector<1x16xf32>,
        %parallel_loop3A_1424 = vector.shape_cast %parallel_loop3A_1093 : vector<16xi32> to vector<16x1xi32>
        %parallel_loop3A_1425 = vector.shape_cast %parallel_loop3A_1424 : vector<16x1xi32> to vector<16xi32>
        %parallel_loop3A_1426 = tpu.dynamic_gather %get3A_1069[%parallel_loop3A_1425] in [0] : vector<16xf32>, vector<16xi32> -> vector<16xf32>
        %parallel_loop3A_1427 = arith.constant 16 : i32
        %parallel_loop3A_1428 = arith.muli %parallel_loop3A_1086, %parallel_loop3A_1427 : i32
        %parallel_loop3A_1429 = arith.constant 30 : i32
        %parallel_loop3A_1430 = arith.index_cast %parallel_loop3A_1429 : i32 to index
        %parallel_loop3A_1431 = arith.index_cast %parallel_loop3A_1428 : i32 to index
        %parallel_loop3A_1432 = tpu.vector_load %arg11[%parallel_loop3A_1430, %parallel_loop3A_1431] {strides = array<i32>} : memref<32x1024xf32, #tpu.memory_space<vmem>>, vector<1x16xf32>,
        %parallel_loop3A_1433 = vector.shape_cast %parallel_loop3A_1432 : vector<1x16xf32> to vector<16xf32>
        %parallel_loop3A_1434 = vector.shape_cast %parallel_loop3A_1426 : vector<16xf32> to vector<1x16xf32>
        tpu.vector_store %arg11[%parallel_loop3A_1430, %parallel_loop3A_1431], %parallel_loop3A_1434 {strides = array<i32>} : memref<32x1024xf32, #tpu.memory_space<vmem>>, vector<1x16xf32>,
        %parallel_loop3A_1435 = vector.shape_cast %parallel_loop3A_1093 : vector<16xi32> to vector<16x1xi32>
        %parallel_loop3A_1436 = vector.shape_cast %parallel_loop3A_1435 : vector<16x1xi32> to vector<16xi32>
        %parallel_loop3A_1437 = tpu.dynamic_gather %get3A_1072[%parallel_loop3A_1436] in [0] : vector<16xf32>, vector<16xi32> -> vector<16xf32>
        %parallel_loop3A_1438 = arith.constant 16 : i32
        %parallel_loop3A_1439 = arith.muli %parallel_loop3A_1086, %parallel_loop3A_1438 : i32
        %parallel_loop3A_1440 = arith.constant 31 : i32
        %parallel_loop3A_1441 = arith.index_cast %parallel_loop3A_1440 : i32 to index
        %parallel_loop3A_1442 = arith.index_cast %parallel_loop3A_1439 : i32 to index
        %parallel_loop3A_1443 = tpu.vector_load %arg11[%parallel_loop3A_1441, %parallel_loop3A_1442] {strides = array<i32>} : memref<32x1024xf32, #tpu.memory_space<vmem>>, vector<1x16xf32>,
        %parallel_loop3A_1444 = vector.shape_cast %parallel_loop3A_1443 : vector<1x16xf32> to vector<16xf32>
        %parallel_loop3A_1445 = vector.shape_cast %parallel_loop3A_1437 : vector<16xf32> to vector<1x16xf32>
        tpu.vector_store %arg11[%parallel_loop3A_1441, %parallel_loop3A_1442], %parallel_loop3A_1445 {strides = array<i32>} : memref<32x1024xf32, #tpu.memory_space<vmem>>, vector<1x16xf32>,
      } {sc.loop_unroll_factor = 1 : i64, sc.parallel_access}
      %mul3A_1076 = arith.constant 1024 : i32
      %mul3A_1077 = arith.muli %scan3A_144, %mul3A_1076 : i32
      %add3A_1078 = arith.addi %mul3A_32, %mul3A_1077 : i32
      %dma_start3A_1079 = arith.constant 7 : i32
      %dma_start3A_1080 = arith.constant 0 : i32
      %dma_start3A_1081 = tpu.memref_slice %arg5[%select_n3A, %dma_start3A_1079, %dma_start3A_1080, %add3A_1078] : memref<8x8x32x16384xf32, #tpu.memory_space<hbm>> -> memref<1x1x32x1024xf32, #tpu.memory_space<hbm>>
      %dma_start3A_1082 = tpu.memref_squeeze %dma_start3A_1081 : memref<1x1x32x1024xf32, #tpu.memory_space<hbm>> -> memref<32x1024xf32, #tpu.memory_space<hbm>>
      %dma_start3A_1083 = arith.constant 0 : i32
      %dma_start3A_1084 = tpu.memref_slice %arg5[%select_n3A, %dma_start3A_1079, %dma_start3A_1083, %add3A_1078] : memref<8x8x32x16384xf32, #tpu.memory_space<hbm>> -> memref<1x1x32x1024xf32, #tpu.memory_space<hbm>>
      %dma_start3A_1085 = tpu.memref_squeeze %dma_start3A_1084 : memref<1x1x32x1024xf32, #tpu.memory_space<hbm>> -> memref<32x1024xf32, #tpu.memory_space<hbm>>
      tpu.enqueue_dma source(%arg11 : memref<32x1024xf32, #tpu.memory_space<vmem>>) target(%dma_start3A_1085 : memref<32x1024xf32, #tpu.memory_space<hbm>>) target_semaphore(%arg13 : memref<!tpu.dma_semaphore, #tpu.memory_space<semaphore_mem>>)
    }
    %scan3A_126 = arith.constant 4 : i32
    %add3A_127 = arith.constant 0 : i32
    %add3A_128 = arith.addi %mul3A_32, %add3A_127 : i32
    %dma_wait3A = arith.constant 0 : i32
    %dma_wait3A_129 = arith.constant 0 : i32
    %dma_wait3A_130 = tpu.memref_slice %arg5[%select_n3A, %dma_wait3A, %dma_wait3A_129, %add3A_128] : memref<8x8x32x16384xf32, #tpu.memory_space<hbm>> -> memref<1x1x32x1024xf32, #tpu.memory_space<hbm>>
    %dma_wait3A_131 = tpu.memref_squeeze %dma_wait3A_130 : memref<1x1x32x1024xf32, #tpu.memory_space<hbm>> -> memref<32x1024xf32, #tpu.memory_space<hbm>>
    %dma_wait3A_132 = arith.constant 0 : i32
    %dma_wait3A_133 = tpu.memref_slice %arg5[%select_n3A, %dma_wait3A, %dma_wait3A_132, %add3A_128] : memref<8x8x32x16384xf32, #tpu.memory_space<hbm>> -> memref<1x1x32x1024xf32, #tpu.memory_space<hbm>>
    %dma_wait3A_134 = tpu.memref_squeeze %dma_wait3A_133 : memref<1x1x32x1024xf32, #tpu.memory_space<hbm>> -> memref<32x1024xf32, #tpu.memory_space<hbm>>
    tpu.wait_dma2 semaphore(%arg12 : memref<!tpu.dma_semaphore, #tpu.memory_space<semaphore_mem>>) src(%arg10 : memref<32x1024xf32, #tpu.memory_space<vmem>>) dst(%dma_wait3A_134 : memref<32x1024xf32, #tpu.memory_space<hbm>>)
    %add3A_135 = arith.constant 0 : i32
    %add3A_136 = arith.addi %mul3A_32, %add3A_135 : i32
    %dma_wait3A_137 = arith.constant 0 : i32
    %dma_wait3A_138 = arith.constant 0 : i32
    %dma_wait3A_139 = tpu.memref_slice %arg5[%select_n3A, %dma_wait3A_137, %dma_wait3A_138, %add3A_136] : memref<8x8x32x16384xf32, #tpu.memory_space<hbm>> -> memref<1x1x32x1024xf32, #tpu.memory_space<hbm>>
    %dma_wait3A_140 = tpu.memref_squeeze %dma_wait3A_139 : memref<1x1x32x1024xf32, #tpu.memory_space<hbm>> -> memref<32x1024xf32, #tpu.memory_space<hbm>>
    %dma_wait3A_141 = arith.constant 0 : i32
    %dma_wait3A_142 = tpu.memref_slice %arg5[%select_n3A, %dma_wait3A_137, %dma_wait3A_141, %add3A_136] : memref<8x8x32x16384xf32, #tpu.memory_space<hbm>> -> memref<1x1x32x1024xf32, #tpu.memory_space<hbm>>
    %dma_wait3A_143 = tpu.memref_squeeze %dma_wait3A_142 : memref<1x1x32x1024xf32, #tpu.memory_space<hbm>> -> memref<32x1024xf32, #tpu.memory_space<hbm>>
    tpu.wait_dma2 semaphore(%arg13 : memref<!tpu.dma_semaphore, #tpu.memory_space<semaphore_mem>>) src(%arg11 : memref<32x1024xf32, #tpu.memory_space<vmem>>) dst(%dma_wait3A_143 : memref<32x1024xf32, #tpu.memory_space<hbm>>)
    return
  }
}

</mosaic_0001>

<sc_bundles>
// kernel: kernel.3.cloned.1.call-start
scs
__scs_entry_jumppad:
0x0: {  	(pc) =	sbr.rel $0x88, $3  }
0x1: {  	(tag) =	ssettag $0x0;
	lr =	simm.s32 $0x1  }
0x2: {  	[smem:$0x3F9E] =	sst lr;
	_ =	strace $0xD0000000  }
0x3: {  	_ = 	snop  }
0x4: {  	_ = 	snop  }
0x5: {  	_ = 	snop  }
0x6: {  	_ = 	snop  }
0x7: {  	_ = 	snop  }
__scs_overlays_trampoline_lowered:
0x8: {  	[smem:$0x3FAD] =	sst s0  }
0x9: {  	[smem:$0x3FAE] =	sst s1  }
0xa: {  	[smem:$0x3FAF] =	sst s2  }
0xb: {  	[smem:$0x3FB0] =	sst s3  }
0xc: {  	[smem:$0x3FB1] =	sst s4  }
0xd: {  	[smem:$0x3FB2] =	sst s5  }
0xe: {  	[smem:$0x3FB3] =	sst s6  }
0xf: {  	[smem:$0x3FB4] =	sst s7  }
0x10: {  	[smem:$0x3FB5] =	sst s8  }
0x11: {  	[smem:$0x3FB6] =	sst s9;
	s0 =	simm.s32 @!p0 $0x0  }
0x12: {  	s1 =	sld [smem:$0x3F9C];
	s0 =	simm.s32 @p0 $0x1  }
0x13: {  	[smem:$0x3FB7] =	sst s0;
	s0 =	simm.s32 @!p1 $0x0  }
0x14: {  	s2 =	sld [smem:$0x3F9B];
	s0 =	simm.s32 @p1 $0x1  }
0x15: {  	[smem:$0x3FB8] =	sst s0;
	s0 =	simm.s32 @!p2 $0x0  }
0x16: {  	s3 =	sld [smem:$0x3FDB];
	s0 =	simm.s32 @p2 $0x1  }
0x17: {  	s4 =	simm.s32 $0x1BF5;
	[smem:$0x3FBA] =	sst s0  }
0x18: {  	s0 =	sld [smem:$0x3F9D];
	_ =	swait.ge [sflag:s4], $0x0  }
0x19: {  	s7 =	sld [smem:$0x3F9E]  }
0x1a: {  	s8 =	sadd.s32 $0xFFFFE003, lr  }
0x1b: {  	s9 =	sadd.s32 $0xFFFFFEF7, lr;
	s5 =	simm.s32 $0xFFFFFFFF;
	p2 =	slt.u32 s8, $0xFFFFF086  }
0x1c: {  	p1 =	slt.u32 s9, $0xF7A;
	s5 =	simm.s32 @!p2 $0x0  }
0x1d: {  	s5 =	simm.s32 @p1 $0x1;
	p0 =	seq.s32 s7, s2  }
0x1e: {  	s7 =	smul.u32 @!p0 $0xF7A, s2;
	p2 =	seq.s32 @!p0 s5, $0x0  }
0x1f: {  	s9 =	smul.u32 $0xF7A, s1;
	s8 =	simm.s32 @!p0 $0x1BF5;
	p2 =	por !p2, p0  }
0x20: {  	[sflag:s8] =	ssyncset.s32 @!p0 $0xFFFFF086;
	s6 =	sadd.s32 @!p0 s3, s7;
	s7 =	simm.s32 @!p0 $0x108  }
0x21: {  	s3 =	sadd.s32 s3, s9;
	s6 =	sadd.s32 @!p0 $0x88, s6;
	s7 =	simm.s32 @p2 $0x1082  }
0x22: {  	[simem:s7], [sflag:s8] =	dma.local @!p0 [hbm:s6], $0xF7A  }
0x23: {  	s9 =	sor.u32 $0xD0000000, s2;
	s6 =	simm.s32 $0x108;
	_ =	swait.ge @!p0 [sflag:s8], $0x0  }
0x24: {  	s3 =	sadd.s32 $0x88, s3;
	s6 =	simm.s32 @!p1 $0x1082;
	[sflag:s4] =	ssyncset.s32 $0xFFFFF086  }
0x25: {  	[simem:s6], [sflag:s4] =	dma.local [hbm:s3], $0xF7A  }
0x26: {  	[smem:$0x3F9E] =	sst s1;
	(tag) =	ssettag s2;
	_ =	strace s9  }
0x27: {  	s1 =	sld [smem:$0x3FAE]  }
0x28: {  	s2 =	sld [smem:$0x3FAF]  }
0x29: {  	s4 =	sld [smem:$0x3FB1]  }
0x2a: {  	p0 =	seq.s32 s5, $0x0;
	s5 =	sld [smem:$0x3FB2]  }
0x2b: {  	s6 =	sld [smem:$0x3FB3]  }
0x2c: {  	s7 =	sld [smem:$0x3FB4]  }
0x2d: {  	s3 =	simm.s32 $0x108;
	s8 =	sld [smem:$0x3FB5]  }
0x2e: {  	s3 =	simm.s32 @!p0 $0x1082;
	s9 =	sld [smem:$0x3FB6]  }
0x2f: {  	lr =	sadd.s32 s0, s3;
	s0 =	sld [smem:$0x3FAD]  }
0x30: {  	s3 =	sld [smem:$0x3FB0]  }
0x31: {  	[smem:$0x3FB9] =	sst s10  }
0x32: {  	s10 =	sld [smem:$0x3FB7];
	_ =	sdelay $0x3  }
0x33: {  	p0 =	seq.s32 s10, $0x1;
	s10 =	sld [smem:$0x3FB9];
	_ =	sdelay $0x3  }
0x34: {  	[smem:$0x3FB9] =	sst s10  }
0x35: {  	s10 =	sld [smem:$0x3FB8];
	_ =	sdelay $0x3  }
0x36: {  	p1 =	seq.s32 s10, $0x1;
	s10 =	sld [smem:$0x3FB9];
	_ =	sdelay $0x3  }
0x37: {  	[smem:$0x3FB9] =	sst s10  }
0x38: {  	s10 =	sld [smem:$0x3FBA]  }
0x39: {  	_ = 	snop;
	(pc) =	sbr.ind lr, $3  }
0x3a: {  	_ = 	snop  }
0x3b: {  	_ = 	snop  }
0x3c: {  	p2 =	seq.s32 s10, $0x1;
	s10 =	sld [smem:$0x3FB9]  }
0x3d: {  	_ =	shalt  }
0x3e: {  	_ =	shalt  }
0x3f: {  	_ =	shalt  }
0x40: {  	_ =	shalt  }
0x41: {  	_ =	shalt  }
0x42: {  	_ =	shalt  }
0x43: {  	_ =	shalt  }
0x44: {  	_ =	shalt  }
0x45: {  	_ =	shalt  }
0x46: {  	_ =	shalt  }
0x47: {  	_ =	shalt  }
0x48: {  	_ =	shalt  }
0x49: {  	_ =	shalt  }
0x4a: {  	_ =	shalt  }
0x4b: {  	_ =	shalt  }
0x4c: {  	_ =	shalt  }
0x4d: {  	_ =	shalt  }
0x4e: {  	_ =	shalt  }
0x4f: {  	_ =	shalt  }
0x50: {  	_ =	shalt  }
0x51: {  	_ =	shalt  }
0x52: {  	_ =	shalt  }
0x53: {  	_ =	shalt  }
0x54: {  	_ =	shalt  }
0x55: {  	_ =	shalt  }
0x56: {  	_ =	shalt  }
0x57: {  	_ =	shalt  }
0x58: {  	_ =	shalt  }
0x59: {  	_ =	shalt  }
0x5a: {  	_ =	shalt  }
0x5b: {  	_ =	shalt  }
0x5c: {  	_ =	shalt  }
0x5d: {  	_ =	shalt  }
0x5e: {  	_ =	shalt  }
0x5f: {  	_ =	shalt  }
0x60: {  	_ =	shalt  }
0x61: {  	_ =	shalt  }
0x62: {  	_ =	shalt  }
0x63: {  	_ =	shalt  }
0x64: {  	_ =	shalt  }
0x65: {  	_ =	shalt  }
0x66: {  	_ =	shalt  }
0x67: {  	_ =	shalt  }
0x68: {  	_ =	shalt  }
0x69: {  	_ =	shalt  }
0x6a: {  	_ =	shalt  }
0x6b: {  	_ =	shalt  }
0x6c: {  	_ =	shalt  }
0x6d: {  	_ =	shalt  }
0x6e: {  	_ =	shalt  }
0x6f: {  	_ =	shalt  }
0x70: {  	_ =	shalt  }
0x71: {  	_ =	shalt  }
0x72: {  	_ =	shalt  }
0x73: {  	_ =	shalt  }
0x74: {  	_ =	shalt  }
0x75: {  	_ =	shalt  }
0x76: {  	_ =	shalt  }
0x77: {  	_ =	shalt  }
0x78: {  	_ =	shalt  }
0x79: {  	_ =	shalt  }
0x7a: {  	_ =	shalt  }
0x7b: {  	_ =	shalt  }
0x7c: {  	_ =	shalt  }
0x7d: {  	_ =	shalt  }
0x7e: {  	_ =	shalt  }
0x7f: {  	_ =	shalt  }
0x80: {  	_ =	shalt  }
0x81: {  	_ =	shalt  }
0x82: {  	_ =	shalt  }
0x83: {  	_ =	shalt  }
0x84: {  	_ =	shalt  }
0x85: {  	_ =	shalt  }
0x86: {  	_ =	shalt  }
0x87: {  	_ =	shalt  }
.Lfunc_end0:
.L_simem_size_0:
called_computation_lowered:
.L_overlay_start_0:
0x88: {  	s2 =	sld [smem:$0x3FD9]  }
0x89: {  	s3 =	sld [smem:$0x3FFE];
	_ =	sdelay $0x1  }
0x8a: {  	s1 =	srdreg.scid  }
0x8b: {  	s0 =	sand.u32 $0x1, s1  }
0x8c: {  	s17 =	sshll.u32 s0, $0xA;
	s2 =	sadd.s32 s3, s2  }
0x8d: {  	s2 =	sadd.s32 s2, s17  }
0x8e: {  	[smem:$0x3FC5] =	sst s2  }
0x8f: {  	_ = 	snop  }
0x90: {  	s2 =	sld [smem:$0x3FC9]  }
0x91: {  	s18 =	sld [smem:$0x3FC7]  }
0x92: {  	s4 =	sld [smem:$0x3FD0];
	(tm) =	ssettm $0x1  }
0x93: {  	s5 =	sld [smem:$0x3FFB];
	_ =	sdelay $0x3  }
0x94: {  	_ =	strace s5  }
0x95: {  	s5 =	sld [smem:$0x3FFC];
	_ =	sdelay $0x3  }
0x96: {  	_ =	strace s5  }
0x97: {  	s5 =	sld [smem:$0x3FFD];
	_ =	sdelay $0x3  }
0x98: {  	_ =	strace s5  }
0x99: {  	_ =	strace $0x8FFFFFFF  }
0x9a: {  	s19 =	sld [smem:$0x3FDB];
	_ =	sdelay $0x1  }
0x9b: {  	s6 =	simm.s32 $_scs_section_size  }
0x9c: {  	s7 =	simm.s32 $_size__tile_overlayer_lowered;
	s8 =	simm.s32 $_tile_overlayer_lowered  }
0x9d: {  	s22 =	simm.s32 $0x1BFF;
	s21 =	sshll.u32 s8, $0x1;
	s5 =	sadd.s32 s6, s19  }
0x9e: {  	s9 =	simm.s32 $0x0;
	s20 =	sshll.u32 s7, $0x1;
	s7 =	sadd.s32 s21, s5  }
0x9f: {  	[timem:s9], [sflag:s22] =	dma.local [hbm:s7], s20  }
0xa0: {  	_ =	swait.ge [sflag:s22], s20  }
0xa1: {  	s6 =	ssub.s32 $0x0, s20;
	[sflag:s22] =	ssyncset.done $0x0  }
0xa2: {  	[sflag:s22] =	ssyncadd.s32 s6;
	_ =	sdelay $0x1  }
0xa3: {  	s23 =	simm.s32 $0x1B8B  }
0xa4: {  	_ =	swait.ge [sflag:s23], $0x1  }
0xa5: {  	[sflag:s23] =	ssyncset.done $0x0  }
0xa6: {  	s25 =	simm.s32 $0x1B8E;
	s24 =	sld [smem:$0x3FFE];
	[sflag:s23] =	ssyncadd.s32 $0xFFFFFFFF  }
0xa7: {  	s26 =	simm.s32 $execute0_lowered;
	[smem:$0x3FD2] =	sst s25  }
0xa8: {  	s7 =	sshll.u32 s26, $0x1;
	_ =	strace $0x80000046;
	[dreg:$0x1] =	wrdreg $0xFFFFFFFF  }
0xa9: {  	s28 =	simm.s32 $_size_execute0_lowered;
	s5 =	sadd.s32 s5, s7;
	[dreg:$0x0] =	wrdreg $0x0  }
0xaa: {  	s7 =	sshll.u32 s28, $0x1;
	[dreg:$0x2] =	wrdreg s5  }
0xab: {  	[dreg:$0x3] =	wrdreg s7  }
0xac: {  	[dreg:$0x4] =	wrdreg $0xC0  }
0xad: {  	_ =	task [dreg:s9], $0x5FFFF  }
0xae: {  	[dreg:$0x1] =	wrdreg $0xFFFFFFFF  }
0xaf: {  	[dreg:$0x0] =	wrdreg $0x60  }
0xb0: {  	[dreg:$0x2] =	wrdreg s2  }
0xb1: {  	[dreg:$0x3] =	wrdreg s24  }
0xb2: {  	[dreg:$0x4] =	wrdreg s18  }
0xb3: {  	[dreg:$0x5] =	wrdreg s4  }
0xb4: {  	[dreg:$0x6] =	wrdreg $0x9  }
0xb5: {  	_ =	task.clear_ibuf [dreg:s9], $0x7FFFF;
	_ =	strace $0x90000046  }
0xb6: {  	s29 =	simm.s32 $0x9;
	_ =	strace $0x80000048  }
0xb7: {  	_ =	swait.ge [sflag:s29], $0x1  }
0xb8: {  	[sflag:s29] =	ssyncadd.s32 $0xFFFFFFFF  }
0xb9: {  	_ =	strace $0x90000048  }
0xba: {  	_ =	sfence  }
0xbb: {  	s30 =	sld [smem:$0x0];
	_ =	sdelay $0x2  }
0xbc: {  	s31 =	sshll.u32 s1, $0xD;
	s1 =	sshrl.u32 s1, $0x2  }
0xbd: {  	s3 =	sand.u32 $0x4000, s31;
	s1 =	sadd.s32 s1, s30  }
0xbe: {  	s0 =	sor.u32 s3, s0;
	s1 =	sshll.u32 s1, $0x11  }
0xbf: {  	s0 =	sor.u32 s1, s0  }
0xc0: {  	s0 =	sadd.s32 $0x8F2B, s0  }
0xc1: {  	[sflag:s0] =	ssyncadd.remote.s32 $0x1  }
0xc2: {  	_ =	sfence.sel $0xFFFF  }
0xc3: {  	[dreg:$0x0] =	wrdreg $0xFFFFFFFF;
	(pc) =	sbr.abs _section_cstart, $3  }
0xc4: {  	[dreg:$0x1] =	wrdreg $0xFFFFFFFF  }
0xc5: {  	_ =	task.clear_ibuf [dreg:s9], $0x2FFFF;
	_ =	strace $0x9FFFFFFF  }
0xc6: {  	(tm) =	ssettm $0x7FFFFFFF  }
0xc7: {  	_ =	shalt  }
tec
execute0_lowered:
.L_overlay_start_1:
0x0: {  	(tag) =	ssettag $0x1  }
0x1: {  	s0 =	rddreg [dreg:$0x0]  }
0x2: {  	s1 =	rddreg [dreg:$0x1]  }
0x3: {  	s2 =	rddreg [dreg:$0x3];
	s4 =	simm.s32 $0x0  }
0x4: {  	s3 =	srdreg.scid;
	s9 =	stileid.u32;
	s18 =	simm.s32 $0x4  }
0x5: {  	s20 =	simm.s32 $0x2000;
	s21 =	simm.s32 $0x20000;
	s28 =	simm.s32 $0x0  }
0x6: {  	[smem:$0x7FF] =	sst s4;
	s3 =	sand.u32 $0x1, s3;
	s7 =	sshll.u32 s9, $0x1  }
0x7: {  	s5 =	sadd.s32 $0x400, s1;
	s8 =	sshrl.u32 s9, $0x1;
	s23 =	sshll.u32 s9, $0x2  }
0x8: {  	s9 =	sadd.s32 $0x10000, s2;
	s6 =	ssub.s32 $0x2, s3;
	s7 =	sand.u32 $0x2, s7  }
0x9: {  	s10 =	sshll.u32 s8, $0x3;
	s3 =	sor.u32 s3, s7;
	s7 =	sand.u32 $0x30, s23  }
0xa: {  	s13 =	sadd.s32 $0x50000, s2;
	s14 =	sadd.s32 $0x60000, s2;
	s25 =	ssub.s32 s10, s7  }
0xb: {  	s26 =	sor.u32 $0x1, s25;
	v0 =	vmov s25;
	s10 =	sor.u32 $0x2, s25;
	s11 =	sor.u32 $0x3, s25  }
0xc: {  	s12 =	sor.u32 $0x4, s25;
	s29 =	sor.u32 $0x5, s25;
	s30 =	sor.u32 $0x6, s25;
	v1 =	vmov s26;
	v2 =	vmov s10;
	v3 =	vmov s11  }
0xd: {  	s15 =	sadd.s32 $0x70000, s2;
	_ =	strace $0x80000047;
	s31 =	sor.u32 $0x7, s25;
	v4 =	vmov s12;
	v5 =	vmov s29;
	v6 =	vmov s30  }
0xe: {  	s24 =	sshll.u32 s8, $0xE;
	s8 =	sshll.u32 s8, $0x13;
	s22 =	sshrl.u32 s6, $0x1;
	v7 =	vmov s31;
	v0 =	vand.u32 $0xF, v0;
	v1 =	vand.u32 $0xF, v1  }
0xf: {  	s0 =	sadd.s32 s0, s24;
	s23 =	simm.s32 $0xD000;
	s24 =	simm.s32 $0x1;
	v0 =	vbroadcast v0, $0x0;
	v2 =	vand.u32 $0xF, v2;
	v3 =	vand.u32 $0xF, v3  }
0x10: {  	s3 =	sshll.u32 s3, $0xC;
	s1 =	ssub.s32 s6, s22;
	s7 =	sor.u32 $0x1000, s7;
	v4 =	vand.u32 $0xF, v4;
	v5 =	vand.u32 $0xF, v5;
	v1 =	vbroadcast v1, $0x0  }
0x11: {  	s22 =	simm.s32 $0x5000;
	s6 =	sadd.s32 s3, s0;
	s8 =	sor.u32 s8, s3;
	v6 =	vand.u32 $0xF, v6;
	v2 =	vbroadcast v2, $0x0;
	v3 =	vbroadcast v3, $0x0  }
0x12: {  	s16 =	smax.u32 s1, $0x1;
	s25 =	simm.s32 $0x2;
	s10 =	sadd.s32 $0x20000, s2;
	v7 =	vand.u32 $0xF, v7;
	v4 =	vbroadcast v4, $0x0;
	v5 =	vbroadcast v5, $0x0  }
0x13: {  	s11 =	sadd.s32 $0x30000, s2;
	s12 =	sadd.s32 $0x40000, s2;
	s26 =	simm.s32 $0x0;
	v6 =	vbroadcast v6, $0x0;
	v7 =	vbroadcast v7, $0x0  }
.LBB2_1:
0x14: {  	s0 =	simm.s32 $0x3000  }
0x15: {  	[tilespmem:s0], [sflag:$0x3] =	stream.linear.gather [hbm4b:s6+s4], $0x2000, $0x38;
	[tilespmem:$0x15000] =	vst v63  }
0x16: {  	_ = 	snop  }
0x17: {  	[tilespmem:s4], [sflag:$0x4] =	stream.linear.gather [hbm4b:s5+s4], $0x1000, $0x38;
	[tilespmem:$0x15000] =	vst v63  }
0x18: {  	_ =	swait.ge [sflag:s18], $0x1000  }
0x19: {  	[sflag:s18] =	ssyncset.done $0x0  }
0x1a: {  	[sflag:s18] =	ssyncadd.s32 $0xFFFFF000  }
0x1b: {  	s1 =	simm.s32 $0x1000;
	s31 =	rddreg [dreg:$0x2]  }
0x1c: {  	[tilespmem:s1], [sflag:$0x4] =	stream.linear.gather [hbm4b:s31+s4], $0x1000, $0x38;
	[tilespmem:$0x15000] =	vst v63  }
0x1d: {  	_ =	swait.ge [sflag:s18], $0x1000  }
0x1e: {  	[sflag:s18] =	ssyncset.done $0x0  }
0x1f: {  	[sflag:s18] =	ssyncadd.s32 $0xFFFFF000  }
0x20: {  	v12 =	vld [tilespmem:s7+$0x0];
	_ =	sdelay $0x1  }
0x21: {  	v8 =	vld [tilespmem:s4+$0x0];
	_ =	sdelay $0x2  }
0x22: {  	v9 =	vperm.xlane v12, v0;
	v10 =	vperm.xlane v12, v2  }
0x23: {  	v15 =	vperm.xlane v12, v6;
	v13 =	vperm.xlane v12, v7  }
0x24: {  	v11 =	vperm.xlane v12, v4;
	v17 =	vperm.xlane v12, v5;
	v16 =	vadd.f32 v9, v8  }
0x25: {  	s29 =	sand.u32 $0x1F0, s4;
	s3 =	smov.u32 s7;
	v9 =	vadd.f32 v10, v8;
	v10 =	vperm.xlane v12, v3;
	v14 =	vadd.f32 v13, v8  }
0x26: {  	s17 =	simm.s32 $0x0;
	s0 =	simm.s32 $0x10;
	s1 =	simm.s32 $0x2000;
	v13 =	vperm.xlane v12, v1;
	v12 =	vadd.f32 v17, v8;
	v15 =	vadd.f32 v15, v8;
	[tilespmem:s20+$0x0] =	vst v16  }
.LBB2_2:
0x27: {  	v11 =	vadd.f32 v11, v8;
	[tilespmem:s29+$0x2E00] =	vst v14;
	s1 =	sadd.s32 $0x10, s1;
	s3 =	sadd.s32 $0x80, s3;
	s17 =	sadd.s32 $0x80, s17  }
0x28: {  	p0 =	sne.s32 s0, $0x1F0;
	s19 =	smov.u32 s0;
	s0 =	sadd.s32 $0x10, s0;
	v13 =	vadd.f32 v13, v8;
	[tilespmem:s29+$0x2C00] =	vst v15  }
0x29: {  	v8 =	vadd.f32 v10, v8;
	[tilespmem:s29+$0x2A00] =	vst v12  }
0x2a: {  	[tilespmem:s29+$0x2800] =	vst v11  }
0x2b: {  	[tilespmem:s29+$0x2600] =	vst v8  }
0x2c: {  	[tilespmem:s29+$0x2200] =	vst v13  }
0x2d: {  	[tilespmem:s29+$0x2400] =	vst v9  }
0x2e: {  	v12 =	vld [tilespmem:s3+$0x0];
	_ =	sdelay $0x1  }
0x2f: {  	v8 =	vld [tilespmem:s17+$0x0];
	_ =	sdelay $0x2  }
.Ltmp0:
0x30: {  	v9 =	vperm.xlane v12, v0;
	v10 =	vperm.xlane v12, v2;
	(pc) =	sbr.rel @p0 .LBB2_2-.Ltmp0, $4  }
0x31: {  	v15 =	vperm.xlane v12, v6;
	v13 =	vperm.xlane v12, v7  }
0x32: {  	v11 =	vperm.xlane v12, v4;
	v17 =	vperm.xlane v12, v5;
	v16 =	vadd.f32 v9, v8  }
0x33: {  	v9 =	vadd.f32 v10, v8;
	v10 =	vperm.xlane v12, v3;
	v14 =	vadd.f32 v13, v8  }
0x34: {  	s29 =	sand.u32 $0x1F0, s19;
	v13 =	vperm.xlane v12, v1;
	v12 =	vadd.f32 v17, v8;
	v15 =	vadd.f32 v15, v8;
	[tilespmem:s1+$0x0] =	vst v16  }
0x35: {  	[tilespmem:s29+$0x2E00] =	vst v14  }
0x36: {  	[tilespmem:s29+$0x2400] =	vst v9  }
0x37: {  	v11 =	vadd.f32 v11, v8;
	[tilespmem:s29+$0x2C00] =	vst v15  }
0x38: {  	v10 =	vadd.f32 v10, v8;
	[tilespmem:s29+$0x2A00] =	vst v12  }
0x39: {  	v8 =	vadd.f32 v13, v8;
	[tilespmem:s29+$0x2800] =	vst v11  }
0x3a: {  	[tilespmem:s29+$0x2600] =	vst v10  }
0x3b: {  	[tilespmem:s29+$0x2200] =	vst v8;
	s29 =	simm.s32 $0x0  }
.LBB2_4:
0x3c: {  	p0 =	sne.s32 s29, $0x0  }
0x3d: {  	s0 =	sshll.u32 @p0 s29, $0xA  }
0x3e: {  	s1 =	simm.s32 @p0 $0x0;
	s3 =	simm.s32 @p0 $0x3000;
	s0 =	sadd.s32 @p0 s0, s6  }
0x3f: {  	[tilespmem:s3], [sflag:$0x4] =	stream.linear.gather @p0 [hbm4b:s0+s1], $0x2000, $0x38;
	[tilespmem:$0x15000] =	vst v63  }
0x40: {  	s0 =	simm.s32 @p0 $0x4  }
0x41: {  	_ =	swait.ge @p0 [sflag:s0], $0x2000  }
0x42: {  	[sflag:s0] =	ssyncset.done @p0 $0x0  }
0x43: {  	[sflag:s0] =	ssyncadd.s32 @p0 $0xFFFFE000;
	s0 =	simm.s32 @p0 $0x1  }
0x44: {  	_ =	swait.ge @p0 [sflag:s0], $0x8000  }
0x45: {  	[sflag:s0] =	ssyncset.done @p0 $0x0  }
0x46: {  	[sflag:s0] =	ssyncadd.s32 @p0 $0xFFFF8000;
	s0 =	simm.s32 @!p0 $0x3  }
0x47: {  	_ =	swait.ge @!p0 [sflag:s0], $0x2000  }
0x48: {  	[sflag:s0] =	ssyncset.done @!p0 $0x0  }
0x49: {  	[sflag:s0] =	ssyncadd.s32 @!p0 $0xFFFFE000  }
0x4a: {  	v37 =	vld [tilespmem:$0x2000]  }
0x4b: {  	v36 =	vld [tilespmem:$0x2010]  }
0x4c: {  	v35 =	vld [tilespmem:$0x2020]  }
0x4d: {  	v34 =	vld [tilespmem:$0x2030]  }
0x4e: {  	v33 =	vld [tilespmem:$0x2040]  }
0x4f: {  	v32 =	vld [tilespmem:$0x2050]  }
0x50: {  	v31 =	vld [tilespmem:$0x2060]  }
0x51: {  	v30 =	vld [tilespmem:$0x2070]  }
0x52: {  	v38 =	vld [tilespmem:$0x2080]  }
0x53: {  	v29 =	vld [tilespmem:$0x2090]  }
0x54: {  	v28 =	vld [tilespmem:$0x20A0]  }
0x55: {  	v27 =	vld [tilespmem:$0x20B0]  }
0x56: {  	v26 =	vld [tilespmem:$0x20C0]  }
0x57: {  	v25 =	vld [tilespmem:$0x20D0]  }
0x58: {  	v24 =	vld [tilespmem:$0x20E0]  }
0x59: {  	v23 =	vld [tilespmem:$0x20F0]  }
0x5a: {  	v22 =	vld [tilespmem:$0x2100]  }
0x5b: {  	v21 =	vld [tilespmem:$0x2110]  }
0x5c: {  	v20 =	vld [tilespmem:$0x2120]  }
0x5d: {  	v19 =	vld [tilespmem:$0x2130]  }
0x5e: {  	v18 =	vld [tilespmem:$0x2140]  }
0x5f: {  	v16 =	vld [tilespmem:$0x2150]  }
0x60: {  	s17 =	sand.u32 $0x70, s28;
	s19 =	sand.u32 $0x1C00, s28;
	v13 =	vld [tilespmem:$0x2160]  }
0x61: {  	s30 =	sor.u32 s17, s19;
	v11 =	vld [tilespmem:$0x2170]  }
0x62: {  	v9 =	vld [tilespmem:s30+$0x3000]  }
0x63: {  	v14 =	vld [tilespmem:$0x2180]  }
0x64: {  	v17 =	vld [tilespmem:$0x2190]  }
0x65: {  	v15 =	vld [tilespmem:$0x21A0]  }
0x66: {  	v12 =	vld [tilespmem:$0x21B0]  }
0x67: {  	v10 =	vld [tilespmem:$0x21C0];
	v40 =	vand.u32 $0xF, v9  }
0x68: {  	v8 =	vld [tilespmem:$0x21D0];
	v41 =	vperm.xlane v37, v40  }
0x69: {  	v39 =	vld [tilespmem:$0x21F0];
	v42 =	vperm.xlane v36, v40  }
0x6a: {  	v9 =	vld [tilespmem:$0x21E0];
	v56 =	vperm.xlane v35, v40;
	[tilespmem:s30+$0x5000] =	vst v41  }
0x6b: {  	v57 =	vperm.xlane v34, v40;
	[tilespmem:s30+$0x5080] =	vst v42  }
0x6c: {  	v58 =	vperm.xlane v33, v40;
	[tilespmem:s30+$0x5100] =	vst v56  }
0x6d: {  	v59 =	vperm.xlane v32, v40;
	[tilespmem:s30+$0x5180] =	vst v57  }
0x6e: {  	v60 =	vperm.xlane v31, v40;
	[tilespmem:s30+$0x5200] =	vst v58  }
0x6f: {  	s3 =	sor.u32 s28, s28;
	v61 =	vperm.xlane v30, v40;
	[tilespmem:s30+$0x5280] =	vst v59  }
0x70: {  	s0 =	sor.u32 $0x380, s3;
	v62 =	vperm.xlane v39, v40;
	[tilespmem:s30+$0x5300] =	vst v60  }
0x71: {  	v43 =	vperm.xlane v38, v40;
	[tilespmem:s0+$0x5000] =	vst v61  }
0x72: {  	v63 =	vperm.xlane v29, v40;
	[tilespmem:s30+$0xB380] =	vst v62  }
0x73: {  	v45 =	vperm.xlane v28, v40;
	[tilespmem:s30+$0x7000] =	vst v43  }
0x74: {  	v46 =	vperm.xlane v27, v40;
	[tilespmem:s30+$0x7080] =	vst v63  }
0x75: {  	v47 =	vperm.xlane v26, v40;
	[tilespmem:s30+$0x7100] =	vst v45  }
0x76: {  	v48 =	vperm.xlane v25, v40;
	[tilespmem:s30+$0x7180] =	vst v46  }
0x77: {  	v49 =	vperm.xlane v24, v40;
	[tilespmem:s30+$0x7200] =	vst v47  }
0x78: {  	v50 =	vperm.xlane v23, v40;
	[tilespmem:s30+$0x7280] =	vst v48  }
0x79: {  	v51 =	vperm.xlane v22, v40;
	[tilespmem:s30+$0x7300] =	vst v49  }
0x7a: {  	v52 =	vperm.xlane v21, v40;
	[tilespmem:s30+$0x7380] =	vst v50  }
0x7b: {  	v53 =	vperm.xlane v20, v40;
	[tilespmem:s30+$0x9000] =	vst v51  }
0x7c: {  	v54 =	vperm.xlane v19, v40;
	[tilespmem:s30+$0x9080] =	vst v52  }
0x7d: {  	v55 =	vperm.xlane v18, v40;
	[tilespmem:s30+$0x9100] =	vst v53  }
0x7e: {  	v56 =	vperm.xlane v16, v40;
	[tilespmem:s30+$0x9180] =	vst v54  }
0x7f: {  	s31 =	simm.s32 $0x10;
	v57 =	vperm.xlane v13, v40;
	s0 =	simm.s32 $0x80;
	[tilespmem:s30+$0x9200] =	vst v55  }
0x80: {  	s17 =	sand.u32 $0x70, s31;
	v58 =	vperm.xlane v11, v40;
	s19 =	sand.u32 $0x1C00, s0;
	[tilespmem:s30+$0x9280] =	vst v56  }
0x81: {  	v59 =	vperm.xlane v14, v40;
	[tilespmem:s30+$0x9300] =	vst v57;
	s3 =	sor.u32 s17, s19  }
0x82: {  	v60 =	vperm.xlane v17, v40;
	[tilespmem:s30+$0x9380] =	vst v58;
	v44 =	vld [tilespmem:s3+$0x3000]  }
0x83: {  	v61 =	vperm.xlane v15, v40;
	[tilespmem:s30+$0xB000] =	vst v59  }
0x84: {  	v62 =	vperm.xlane v12, v40;
	[tilespmem:s30+$0xB080] =	vst v60  }
0x85: {  	v63 =	vperm.xlane v10, v40;
	[tilespmem:s30+$0xB100] =	vst v61  }
0x86: {  	v45 =	vperm.xlane v8, v40;
	[tilespmem:s30+$0xB180] =	vst v62  }
0x87: {  	v42 =	vperm.xlane v9, v40;
	[tilespmem:s30+$0xB200] =	vst v63;
	v40 =	vand.u32 $0xF, v44  }
0x88: {  	s1 =	simm.s32 $0x20;
	[tilespmem:s30+$0xB280] =	vst v45;
	v43 =	vperm.xlane v37, v40;
	v41 =	vperm.xlane v38, v40  }
.LBB2_5:
0x89: {  	p0 =	sne.s32 s1, $0x3F0;
	v44 =	vperm.xlane v36, v40;
	v45 =	vperm.xlane v29, v40;
	[tilespmem:s30+$0xB300] =	vst v42;
	s30 =	smov.u32 s3  }
0x8a: {  	v42 =	vperm.xlane v35, v40;
	[tilespmem:s30+$0x5000] =	vst v43;
	v43 =	vperm.xlane v28, v40  }
0x8b: {  	v46 =	vperm.xlane v27, v40;
	[tilespmem:s30+$0x5080] =	vst v44;
	v44 =	vperm.xlane v34, v40  }
0x8c: {  	v47 =	vperm.xlane v26, v40;
	[tilespmem:s30+$0x5100] =	vst v42;
	v42 =	vperm.xlane v33, v40  }
0x8d: {  	v48 =	vperm.xlane v25, v40;
	[tilespmem:s30+$0x5180] =	vst v44;
	v44 =	vperm.xlane v32, v40  }
0x8e: {  	v49 =	vperm.xlane v24, v40;
	[tilespmem:s30+$0x5200] =	vst v42;
	v42 =	vperm.xlane v31, v40  }
0x8f: {  	s3 =	sor.u32 s0, s31;
	v50 =	vperm.xlane v23, v40;
	s31 =	smov.u32 s1;
	[tilespmem:s30+$0x5280] =	vst v44;
	v44 =	vperm.xlane v30, v40  }
0x90: {  	v51 =	vperm.xlane v22, v40;
	s3 =	sor.u32 $0x380, s3;
	[tilespmem:s30+$0x5300] =	vst v42;
	v42 =	vperm.xlane v39, v40  }
0x91: {  	v52 =	vperm.xlane v20, v40;
	[tilespmem:s3+$0x5000] =	vst v44;
	v44 =	vperm.xlane v21, v40  }
0x92: {  	v53 =	vperm.xlane v19, v40;
	v54 =	vperm.xlane v18, v40;
	[tilespmem:s30+$0xB380] =	vst v42  }
0x93: {  	v55 =	vperm.xlane v13, v40;
	[tilespmem:s30+$0x7000] =	vst v41;
	v41 =	vperm.xlane v16, v40  }
0x94: {  	v56 =	vperm.xlane v14, v40;
	[tilespmem:s30+$0x7080] =	vst v45;
	v45 =	vperm.xlane v11, v40  }
0x95: {  	v57 =	vperm.xlane v15, v40;
	[tilespmem:s30+$0x7100] =	vst v43;
	v43 =	vperm.xlane v17, v40  }
0x96: {  	v58 =	vperm.xlane v10, v40;
	[tilespmem:s30+$0x7180] =	vst v46;
	v46 =	vperm.xlane v12, v40  }
0x97: {  	v42 =	vperm.xlane v9, v40;
	[tilespmem:s30+$0x7200] =	vst v47;
	v47 =	vperm.xlane v8, v40  }
0x98: {  	[tilespmem:s30+$0x7280] =	vst v48  }
0x99: {  	[tilespmem:s30+$0x7300] =	vst v49  }
0x9a: {  	[tilespmem:s30+$0x7380] =	vst v50  }
0x9b: {  	[tilespmem:s30+$0x9000] =	vst v51  }
0x9c: {  	[tilespmem:s30+$0x9080] =	vst v44  }
0x9d: {  	[tilespmem:s30+$0x9100] =	vst v52  }
0x9e: {  	[tilespmem:s30+$0x9180] =	vst v53  }
0x9f: {  	s0 =	sadd.s32 $0x80, s0;
	[tilespmem:s30+$0x9200] =	vst v54  }
0xa0: {  	s17 =	sand.u32 $0x1C00, s0;
	s3 =	sand.u32 $0x70, s1;
	[tilespmem:s30+$0x9280] =	vst v41  }
0xa1: {  	s3 =	sor.u32 s3, s17;
	[tilespmem:s30+$0x9300] =	vst v55  }
0xa2: {  	v40 =	vld [tilespmem:s3+$0x3000];
	[tilespmem:s30+$0x9380] =	vst v45  }
0xa3: {  	[tilespmem:s30+$0xB000] =	vst v56  }
.Ltmp1:
0xa4: {  	[tilespmem:s30+$0xB080] =	vst v43;
	(pc) =	sbr.rel @p0 .LBB2_5-.Ltmp1, $4  }
0xa5: {  	[tilespmem:s30+$0xB100] =	vst v57  }
0xa6: {  	[tilespmem:s30+$0xB180] =	vst v46  }
0xa7: {  	v40 =	vand.u32 $0xF, v40;
	[tilespmem:s30+$0xB200] =	vst v58  }
0xa8: {  	s1 =	sadd.s32 $0x10, s1;
	v43 =	vperm.xlane v37, v40;
	v41 =	vperm.xlane v38, v40;
	[tilespmem:s30+$0xB280] =	vst v47  }
0xa9: {  	v36 =	vperm.xlane v36, v40;
	[tilespmem:s30+$0xB300] =	vst v42  }
0xaa: {  	v35 =	vperm.xlane v35, v40;
	[tilespmem:s3+$0x5000] =	vst v43  }
0xab: {  	v34 =	vperm.xlane v34, v40;
	[tilespmem:s3+$0x5080] =	vst v36  }
0xac: {  	v33 =	vperm.xlane v33, v40;
	[tilespmem:s3+$0x5100] =	vst v35  }
0xad: {  	v32 =	vperm.xlane v32, v40;
	[tilespmem:s3+$0x5180] =	vst v34  }
0xae: {  	v31 =	vperm.xlane v31, v40;
	[tilespmem:s3+$0x5200] =	vst v33  }
0xaf: {  	v30 =	vperm.xlane v30, v40;
	s0 =	sor.u32 s0, s31;
	[tilespmem:s3+$0x5280] =	vst v32  }
0xb0: {  	s0 =	sor.u32 $0x380, s0;
	[tilespmem:s3+$0x5300] =	vst v31;
	v31 =	vperm.xlane v39, v40  }
0xb1: {  	[tilespmem:s0+$0x5000] =	vst v30  }
0xb2: {  	v29 =	vperm.xlane v29, v40;
	[tilespmem:s3+$0xB380] =	vst v31  }
0xb3: {  	v28 =	vperm.xlane v28, v40;
	[tilespmem:s3+$0x7000] =	vst v41  }
0xb4: {  	v27 =	vperm.xlane v27, v40;
	[tilespmem:s3+$0x7080] =	vst v29  }
0xb5: {  	v26 =	vperm.xlane v26, v40;
	[tilespmem:s3+$0x7100] =	vst v28  }
0xb6: {  	v25 =	vperm.xlane v25, v40;
	[tilespmem:s3+$0x7180] =	vst v27  }
0xb7: {  	v24 =	vperm.xlane v24, v40;
	[tilespmem:s3+$0x7200] =	vst v26  }
0xb8: {  	v23 =	vperm.xlane v23, v40;
	[tilespmem:s3+$0x7280] =	vst v25  }
0xb9: {  	v22 =	vperm.xlane v22, v40;
	[tilespmem:s3+$0x7300] =	vst v24  }
0xba: {  	v21 =	vperm.xlane v21, v40;
	[tilespmem:s3+$0x7380] =	vst v23  }
0xbb: {  	v20 =	vperm.xlane v20, v40;
	[tilespmem:s3+$0x9000] =	vst v22  }
0xbc: {  	v19 =	vperm.xlane v19, v40;
	[tilespmem:s3+$0x9080] =	vst v21  }
0xbd: {  	v18 =	vperm.xlane v18, v40;
	[tilespmem:s3+$0x9100] =	vst v20  }
0xbe: {  	v16 =	vperm.xlane v16, v40;
	[tilespmem:s3+$0x9180] =	vst v19  }
0xbf: {  	v13 =	vperm.xlane v13, v40;
	[tilespmem:s3+$0x9200] =	vst v18  }
0xc0: {  	v11 =	vperm.xlane v11, v40;
	[tilespmem:s3+$0x9280] =	vst v16  }
0xc1: {  	v14 =	vperm.xlane v14, v40;
	[tilespmem:s3+$0x9300] =	vst v13  }
0xc2: {  	v12 =	vperm.xlane v12, v40;
	[tilespmem:s3+$0x9380] =	vst v11  }
0xc3: {  	v10 =	vperm.xlane v10, v40;
	[tilespmem:s3+$0xB000] =	vst v14  }
0xc4: {  	v8 =	vperm.xlane v8, v40;
	[tilespmem:s3+$0xB180] =	vst v12  }
0xc5: {  	v9 =	vperm.xlane v9, v40;
	[tilespmem:s3+$0xB200] =	vst v10  }
0xc6: {  	v13 =	vperm.xlane v17, v40;
	[tilespmem:s3+$0xB280] =	vst v8  }
0xc7: {  	s17 =	sshll.u32 s29, $0xA;
	v11 =	vperm.xlane v15, v40;
	[tilespmem:s3+$0xB300] =	vst v9  }
0xc8: {  	s30 =	sadd.s32 s8, s17;
	[tilespmem:s3+$0xB080] =	vst v13  }
0xc9: {  	p0 =	seq.s32 s29, $0x0;
	s0 =	sadd.s32 s2, s30;
	[tilespmem:s3+$0xB100] =	vst v11  }
0xca: {  	[hbm4b:s0+s20] =	stream.strided.scatter [tilespmem:s22], [sflag:$0x1], $0x8000, s21, s20, $0x38;
	[tilespmem:$0x15000] =	vst v63  }
0xcb: {  	s0 =	simm.s32 @!p0 $0x2  }
0xcc: {  	_ =	swait.ge @!p0 [sflag:s0], $0x8000  }
0xcd: {  	[sflag:s0] =	ssyncset.done @!p0 $0x0  }
0xce: {  	[sflag:s0] =	ssyncadd.s32 @!p0 $0xFFFF8000  }
0xcf: {  	v37 =	vld [tilespmem:$0x2200]  }
0xd0: {  	v36 =	vld [tilespmem:$0x2210]  }
0xd1: {  	v35 =	vld [tilespmem:$0x2220]  }
0xd2: {  	v34 =	vld [tilespmem:$0x2230]  }
0xd3: {  	v33 =	vld [tilespmem:$0x2240]  }
0xd4: {  	v32 =	vld [tilespmem:$0x2250]  }
0xd5: {  	v31 =	vld [tilespmem:$0x2260]  }
0xd6: {  	v30 =	vld [tilespmem:$0x2270]  }
0xd7: {  	v38 =	vld [tilespmem:$0x2280]  }
0xd8: {  	v29 =	vld [tilespmem:$0x2290]  }
0xd9: {  	v28 =	vld [tilespmem:$0x22A0]  }
0xda: {  	v27 =	vld [tilespmem:$0x22B0]  }
0xdb: {  	v26 =	vld [tilespmem:$0x22C0]  }
0xdc: {  	v25 =	vld [tilespmem:$0x22D0]  }
0xdd: {  	v24 =	vld [tilespmem:$0x22E0]  }
0xde: {  	v23 =	vld [tilespmem:$0x22F0]  }
0xdf: {  	v22 =	vld [tilespmem:$0x2300]  }
0xe0: {  	v21 =	vld [tilespmem:$0x2310]  }
0xe1: {  	v20 =	vld [tilespmem:$0x2320]  }
0xe2: {  	v19 =	vld [tilespmem:$0x2330]  }
0xe3: {  	v17 =	vld [tilespmem:$0x2340]  }
0xe4: {  	s19 =	simm.s32 $0x0;
	v14 =	vld [tilespmem:$0x2350]  }
0xe5: {  	s1 =	sand.u32 $0x70, s19;
	s17 =	sand.u32 $0x1C00, s19;
	v11 =	vld [tilespmem:$0x2360]  }
0xe6: {  	s31 =	sor.u32 s17, s1;
	v12 =	vld [tilespmem:$0x2370]  }
0xe7: {  	v9 =	vld [tilespmem:s31+$0x3080]  }
0xe8: {  	v15 =	vld [tilespmem:$0x2380]  }
0xe9: {  	v18 =	vld [tilespmem:$0x2390]  }
0xea: {  	v16 =	vld [tilespmem:$0x23A0]  }
0xeb: {  	v13 =	vld [tilespmem:$0x23B0]  }
0xec: {  	v10 =	vld [tilespmem:$0x23C0];
	v40 =	vand.u32 $0xF, v9  }
0xed: {  	v8 =	vld [tilespmem:$0x23D0];
	v53 =	vperm.xlane v37, v40  }
0xee: {  	v39 =	vld [tilespmem:$0x23F0];
	v54 =	vperm.xlane v36, v40  }
0xef: {  	v9 =	vld [tilespmem:$0x23E0];
	v55 =	vperm.xlane v35, v40;
	[tilespmem:s31+$0xD000] =	vst v53  }
0xf0: {  	v56 =	vperm.xlane v34, v40;
	[tilespmem:s31+$0xD080] =	vst v54  }
0xf1: {  	v57 =	vperm.xlane v33, v40;
	[tilespmem:s31+$0xD100] =	vst v55  }
0xf2: {  	v58 =	vperm.xlane v32, v40;
	[tilespmem:s31+$0xD180] =	vst v56  }
0xf3: {  	v59 =	vperm.xlane v31, v40;
	[tilespmem:s31+$0xD200] =	vst v57  }
0xf4: {  	s0 =	sor.u32 s19, s19;
	v60 =	vperm.xlane v30, v40;
	[tilespmem:s31+$0xD280] =	vst v58  }
0xf5: {  	s0 =	sor.u32 $0x380, s0;
	v61 =	vperm.xlane v39, v40;
	[tilespmem:s31+$0xD300] =	vst v59  }
0xf6: {  	v62 =	vperm.xlane v38, v40;
	[tilespmem:s0+$0xD000] =	vst v60  }
0xf7: {  	v63 =	vperm.xlane v29, v40;
	[tilespmem:s31+$0x13380] =	vst v61  }
0xf8: {  	v45 =	vperm.xlane v28, v40;
	[tilespmem:s31+$0xF000] =	vst v62  }
0xf9: {  	v46 =	vperm.xlane v27, v40;
	[tilespmem:s31+$0xF080] =	vst v63  }
0xfa: {  	v47 =	vperm.xlane v26, v40;
	[tilespmem:s31+$0xF100] =	vst v45  }
0xfb: {  	v48 =	vperm.xlane v25, v40;
	[tilespmem:s31+$0xF180] =	vst v46  }
0xfc: {  	v49 =	vperm.xlane v24, v40;
	[tilespmem:s31+$0xF200] =	vst v47  }
0xfd: {  	v50 =	vperm.xlane v23, v40;
	[tilespmem:s31+$0xF280] =	vst v48  }
0xfe: {  	v51 =	vperm.xlane v22, v40;
	[tilespmem:s31+$0xF300] =	vst v49  }
0xff: {  	v52 =	vperm.xlane v21, v40;
	[tilespmem:s31+$0xF380] =	vst v50  }
0x100: {  	v53 =	vperm.xlane v20, v40;
	[tilespmem:s31+$0x11000] =	vst v51  }
0x101: {  	v54 =	vperm.xlane v19, v40;
	[tilespmem:s31+$0x11080] =	vst v52  }
0x102: {  	v55 =	vperm.xlane v17, v40;
	[tilespmem:s31+$0x11100] =	vst v53  }
0x103: {  	v56 =	vperm.xlane v14, v40;
	[tilespmem:s31+$0x11180] =	vst v54  }
0x104: {  	s3 =	simm.s32 $0x80;
	v57 =	vperm.xlane v11, v40;
	s0 =	simm.s32 $0x10;
	[tilespmem:s31+$0x11200] =	vst v55  }
0x105: {  	s17 =	sand.u32 $0x1C00, s3;
	v58 =	vperm.xlane v12, v40;
	s19 =	sand.u32 $0x70, s0;
	[tilespmem:s31+$0x11280] =	vst v56  }
0x106: {  	v59 =	vperm.xlane v15, v40;
	[tilespmem:s31+$0x11300] =	vst v57;
	s1 =	sor.u32 s17, s19  }
0x107: {  	v60 =	vperm.xlane v18, v40;
	[tilespmem:s31+$0x11380] =	vst v58;
	v44 =	vld [tilespmem:s1+$0x3080]  }
0x108: {  	v61 =	vperm.xlane v16, v40;
	[tilespmem:s31+$0x13000] =	vst v59  }
0x109: {  	v62 =	vperm.xlane v13, v40;
	[tilespmem:s31+$0x13080] =	vst v60  }
0x10a: {  	v63 =	vperm.xlane v10, v40;
	[tilespmem:s31+$0x13100] =	vst v61  }
0x10b: {  	v45 =	vperm.xlane v8, v40;
	[tilespmem:s31+$0x13180] =	vst v62  }
0x10c: {  	v42 =	vperm.xlane v9, v40;
	[tilespmem:s31+$0x13200] =	vst v63;
	v40 =	vand.u32 $0xF, v44  }
0x10d: {  	s17 =	simm.s32 $0x20;
	[tilespmem:s31+$0x13280] =	vst v45;
	v43 =	vperm.xlane v37, v40;
	v41 =	vperm.xlane v38, v40  }
.LBB2_7:
0x10e: {  	p0 =	sne.s32 s17, $0x3F0;
	v44 =	vperm.xlane v36, v40;
	v45 =	vperm.xlane v29, v40;
	[tilespmem:s31+$0x13300] =	vst v42;
	s31 =	smov.u32 s1  }
0x10f: {  	v42 =	vperm.xlane v35, v40;
	[tilespmem:s31+$0xD000] =	vst v43;
	v43 =	vperm.xlane v28, v40  }
0x110: {  	v46 =	vperm.xlane v27, v40;
	[tilespmem:s31+$0xD080] =	vst v44;
	v44 =	vperm.xlane v34, v40  }
0x111: {  	v47 =	vperm.xlane v26, v40;
	[tilespmem:s31+$0xD100] =	vst v42;
	v42 =	vperm.xlane v33, v40  }
0x112: {  	v48 =	vperm.xlane v25, v40;
	[tilespmem:s31+$0xD180] =	vst v44;
	v44 =	vperm.xlane v32, v40  }
0x113: {  	v49 =	vperm.xlane v24, v40;
	[tilespmem:s31+$0xD200] =	vst v42;
	v42 =	vperm.xlane v31, v40  }
0x114: {  	s1 =	sor.u32 s3, s0;
	v50 =	vperm.xlane v23, v40;
	s0 =	smov.u32 s17;
	[tilespmem:s31+$0xD280] =	vst v44;
	v44 =	vperm.xlane v30, v40  }
0x115: {  	v51 =	vperm.xlane v22, v40;
	s1 =	sor.u32 $0x380, s1;
	[tilespmem:s31+$0xD300] =	vst v42;
	v42 =	vperm.xlane v39, v40  }
0x116: {  	v52 =	vperm.xlane v20, v40;
	[tilespmem:s1+$0xD000] =	vst v44;
	v44 =	vperm.xlane v21, v40  }
0x117: {  	v53 =	vperm.xlane v19, v40;
	v54 =	vperm.xlane v17, v40;
	[tilespmem:s31+$0x13380] =	vst v42  }
0x118: {  	v55 =	vperm.xlane v11, v40;
	[tilespmem:s31+$0xF000] =	vst v41;
	v41 =	vperm.xlane v14, v40  }
0x119: {  	v56 =	vperm.xlane v15, v40;
	[tilespmem:s31+$0xF080] =	vst v45;
	v45 =	vperm.xlane v12, v40  }
0x11a: {  	v57 =	vperm.xlane v16, v40;
	[tilespmem:s31+$0xF100] =	vst v43;
	v43 =	vperm.xlane v18, v40  }
0x11b: {  	v58 =	vperm.xlane v10, v40;
	[tilespmem:s31+$0xF180] =	vst v46;
	v46 =	vperm.xlane v13, v40  }
0x11c: {  	v42 =	vperm.xlane v9, v40;
	[tilespmem:s31+$0xF200] =	vst v47;
	v47 =	vperm.xlane v8, v40  }
0x11d: {  	[tilespmem:s31+$0xF280] =	vst v48  }
0x11e: {  	[tilespmem:s31+$0xF300] =	vst v49  }
0x11f: {  	[tilespmem:s31+$0xF380] =	vst v50  }
0x120: {  	[tilespmem:s31+$0x11000] =	vst v51  }
0x121: {  	[tilespmem:s31+$0x11080] =	vst v44  }
0x122: {  	[tilespmem:s31+$0x11100] =	vst v52  }
0x123: {  	[tilespmem:s31+$0x11180] =	vst v53  }
0x124: {  	s3 =	sadd.s32 $0x80, s3;
	[tilespmem:s31+$0x11200] =	vst v54  }
0x125: {  	s19 =	sand.u32 $0x1C00, s3;
	s1 =	sand.u32 $0x70, s17;
	[tilespmem:s31+$0x11280] =	vst v41  }
0x126: {  	s1 =	sor.u32 s19, s1;
	[tilespmem:s31+$0x11300] =	vst v55  }
0x127: {  	v40 =	vld [tilespmem:s1+$0x3080];
	[tilespmem:s31+$0x11380] =	vst v45  }
0x128: {  	[tilespmem:s31+$0x13000] =	vst v56  }
.Ltmp2:
0x129: {  	[tilespmem:s31+$0x13080] =	vst v43;
	(pc) =	sbr.rel @p0 .LBB2_7-.Ltmp2, $4  }
0x12a: {  	[tilespmem:s31+$0x13100] =	vst v57  }
0x12b: {  	[tilespmem:s31+$0x13180] =	vst v46  }
0x12c: {  	v40 =	vand.u32 $0xF, v40;
	[tilespmem:s31+$0x13200] =	vst v58  }
0x12d: {  	s17 =	sadd.s32 $0x10, s17;
	v43 =	vperm.xlane v37, v40;
	v41 =	vperm.xlane v38, v40;
	[tilespmem:s31+$0x13280] =	vst v47  }
0x12e: {  	v36 =	vperm.xlane v36, v40;
	[tilespmem:s31+$0x13300] =	vst v42  }
0x12f: {  	v35 =	vperm.xlane v35, v40;
	[tilespmem:s1+$0xD000] =	vst v43  }
0x130: {  	v34 =	vperm.xlane v34, v40;
	[tilespmem:s1+$0xD080] =	vst v36  }
0x131: {  	v33 =	vperm.xlane v33, v40;
	[tilespmem:s1+$0xD100] =	vst v35  }
0x132: {  	v32 =	vperm.xlane v32, v40;
	[tilespmem:s1+$0xD180] =	vst v34  }
0x133: {  	v31 =	vperm.xlane v31, v40;
	[tilespmem:s1+$0xD200] =	vst v33  }
0x134: {  	v30 =	vperm.xlane v30, v40;
	s0 =	sor.u32 s3, s0;
	[tilespmem:s1+$0xD280] =	vst v32  }
0x135: {  	s0 =	sor.u32 $0x380, s0;
	[tilespmem:s1+$0xD300] =	vst v31;
	v31 =	vperm.xlane v39, v40  }
0x136: {  	[tilespmem:s0+$0xD000] =	vst v30  }
0x137: {  	v29 =	vperm.xlane v29, v40;
	[tilespmem:s1+$0x13380] =	vst v31  }
0x138: {  	v28 =	vperm.xlane v28, v40;
	[tilespmem:s1+$0xF000] =	vst v41  }
0x139: {  	v27 =	vperm.xlane v27, v40;
	[tilespmem:s1+$0xF080] =	vst v29  }
0x13a: {  	v26 =	vperm.xlane v26, v40;
	[tilespmem:s1+$0xF100] =	vst v28  }
0x13b: {  	v25 =	vperm.xlane v25, v40;
	[tilespmem:s1+$0xF180] =	vst v27  }
0x13c: {  	v24 =	vperm.xlane v24, v40;
	[tilespmem:s1+$0xF200] =	vst v26  }
0x13d: {  	v23 =	vperm.xlane v23, v40;
	[tilespmem:s1+$0xF280] =	vst v25  }
0x13e: {  	v22 =	vperm.xlane v22, v40;
	[tilespmem:s1+$0xF300] =	vst v24  }
0x13f: {  	v21 =	vperm.xlane v21, v40;
	[tilespmem:s1+$0xF380] =	vst v23  }
0x140: {  	v20 =	vperm.xlane v20, v40;
	[tilespmem:s1+$0x11000] =	vst v22  }
0x141: {  	v19 =	vperm.xlane v19, v40;
	[tilespmem:s1+$0x11080] =	vst v21  }
0x142: {  	v17 =	vperm.xlane v17, v40;
	[tilespmem:s1+$0x11100] =	vst v20  }
0x143: {  	v14 =	vperm.xlane v14, v40;
	[tilespmem:s1+$0x11180] =	vst v19  }
0x144: {  	v11 =	vperm.xlane v11, v40;
	[tilespmem:s1+$0x11200] =	vst v17  }
0x145: {  	v12 =	vperm.xlane v12, v40;
	[tilespmem:s1+$0x11280] =	vst v14  }
0x146: {  	v13 =	vperm.xlane v13, v40;
	[tilespmem:s1+$0x11300] =	vst v11  }
0x147: {  	v10 =	vperm.xlane v10, v40;
	[tilespmem:s1+$0x11380] =	vst v12  }
0x148: {  	v8 =	vperm.xlane v8, v40;
	[tilespmem:s1+$0x13180] =	vst v13  }
0x149: {  	v9 =	vperm.xlane v9, v40;
	[tilespmem:s1+$0x13200] =	vst v10  }
0x14a: {  	v14 =	vperm.xlane v15, v40;
	[tilespmem:s1+$0x13280] =	vst v8  }
0x14b: {  	v11 =	vperm.xlane v18, v40;
	[tilespmem:s1+$0x13300] =	vst v9  }
0x14c: {  	v12 =	vperm.xlane v16, v40;
	[tilespmem:s1+$0x13000] =	vst v14  }
0x14d: {  	[tilespmem:s1+$0x13080] =	vst v11  }
0x14e: {  	s17 =	sadd.s32 s30, s9;
	[tilespmem:s1+$0x13100] =	vst v12  }
0x14f: {  	[hbm4b:s17+s20] =	stream.strided.scatter [tilespmem:s23], [sflag:$0x2], $0x8000, s21, s20, $0x38;
	[tilespmem:$0x15000] =	vst v63  }
0x150: {  	_ =	swait.ge [sflag:s24], $0x8000  }
0x151: {  	[sflag:s24] =	ssyncset.done $0x0  }
0x152: {  	[sflag:s24] =	ssyncadd.s32 $0xFFFF8000  }
0x153: {  	v37 =	vld [tilespmem:$0x2400]  }
0x154: {  	v36 =	vld [tilespmem:$0x2410]  }
0x155: {  	v35 =	vld [tilespmem:$0x2420]  }
0x156: {  	v34 =	vld [tilespmem:$0x2430]  }
0x157: {  	v33 =	vld [tilespmem:$0x2440]  }
0x158: {  	v32 =	vld [tilespmem:$0x2450]  }
0x159: {  	v31 =	vld [tilespmem:$0x2460]  }
0x15a: {  	v30 =	vld [tilespmem:$0x2470]  }
0x15b: {  	v38 =	vld [tilespmem:$0x2480]  }
0x15c: {  	v29 =	vld [tilespmem:$0x2490]  }
0x15d: {  	v28 =	vld [tilespmem:$0x24A0]  }
0x15e: {  	v27 =	vld [tilespmem:$0x24B0]  }
0x15f: {  	v26 =	vld [tilespmem:$0x24C0]  }
0x160: {  	v25 =	vld [tilespmem:$0x24D0]  }
0x161: {  	v24 =	vld [tilespmem:$0x24E0]  }
0x162: {  	v23 =	vld [tilespmem:$0x24F0]  }
0x163: {  	v22 =	vld [tilespmem:$0x2500]  }
0x164: {  	v21 =	vld [tilespmem:$0x2510]  }
0x165: {  	v20 =	vld [tilespmem:$0x2520]  }
0x166: {  	v19 =	vld [tilespmem:$0x2530]  }
0x167: {  	v17 =	vld [tilespmem:$0x2540]  }
0x168: {  	s19 =	simm.s32 $0x0;
	v14 =	vld [tilespmem:$0x2550]  }
0x169: {  	s3 =	sand.u32 $0x70, s19;
	s17 =	sand.u32 $0x1C00, s19;
	v11 =	vld [tilespmem:$0x2560]  }
0x16a: {  	s31 =	sor.u32 s17, s3;
	v12 =	vld [tilespmem:$0x2570]  }
0x16b: {  	v9 =	vld [tilespmem:s31+$0x3100]  }
0x16c: {  	v15 =	vld [tilespmem:$0x2580]  }
0x16d: {  	v18 =	vld [tilespmem:$0x2590]  }
0x16e: {  	v16 =	vld [tilespmem:$0x25A0]  }
0x16f: {  	v13 =	vld [tilespmem:$0x25B0]  }
0x170: {  	v10 =	vld [tilespmem:$0x25C0];
	v40 =	vand.u32 $0xF, v9  }
0x171: {  	v8 =	vld [tilespmem:$0x25D0];
	v53 =	vperm.xlane v37, v40  }
0x172: {  	v39 =	vld [tilespmem:$0x25F0];
	v54 =	vperm.xlane v36, v40  }
0x173: {  	v9 =	vld [tilespmem:$0x25E0];
	v55 =	vperm.xlane v35, v40;
	[tilespmem:s31+$0x5000] =	vst v53  }
0x174: {  	v56 =	vperm.xlane v34, v40;
	[tilespmem:s31+$0x5080] =	vst v54  }
0x175: {  	v57 =	vperm.xlane v33, v40;
	[tilespmem:s31+$0x5100] =	vst v55  }
0x176: {  	v58 =	vperm.xlane v32, v40;
	[tilespmem:s31+$0x5180] =	vst v56  }
0x177: {  	v59 =	vperm.xlane v31, v40;
	[tilespmem:s31+$0x5200] =	vst v57  }
0x178: {  	s0 =	sor.u32 s19, s19;
	v60 =	vperm.xlane v30, v40;
	[tilespmem:s31+$0x5280] =	vst v58  }
0x179: {  	s0 =	sor.u32 $0x380, s0;
	v61 =	vperm.xlane v39, v40;
	[tilespmem:s31+$0x5300] =	vst v59  }
0x17a: {  	v62 =	vperm.xlane v38, v40;
	[tilespmem:s0+$0x5000] =	vst v60  }
0x17b: {  	v63 =	vperm.xlane v29, v40;
	[tilespmem:s31+$0xB380] =	vst v61  }
0x17c: {  	v45 =	vperm.xlane v28, v40;
	[tilespmem:s31+$0x7000] =	vst v62  }
0x17d: {  	v46 =	vperm.xlane v27, v40;
	[tilespmem:s31+$0x7080] =	vst v63  }
0x17e: {  	v47 =	vperm.xlane v26, v40;
	[tilespmem:s31+$0x7100] =	vst v45  }
0x17f: {  	v48 =	vperm.xlane v25, v40;
	[tilespmem:s31+$0x7180] =	vst v46  }
0x180: {  	v49 =	vperm.xlane v24, v40;
	[tilespmem:s31+$0x7200] =	vst v47  }
0x181: {  	v50 =	vperm.xlane v23, v40;
	[tilespmem:s31+$0x7280] =	vst v48  }
0x182: {  	v51 =	vperm.xlane v22, v40;
	[tilespmem:s31+$0x7300] =	vst v49  }
0x183: {  	v52 =	vperm.xlane v21, v40;
	[tilespmem:s31+$0x7380] =	vst v50  }
0x184: {  	v53 =	vperm.xlane v20, v40;
	[tilespmem:s31+$0x9000] =	vst v51  }
0x185: {  	v54 =	vperm.xlane v19, v40;
	[tilespmem:s31+$0x9080] =	vst v52  }
0x186: {  	v55 =	vperm.xlane v17, v40;
	[tilespmem:s31+$0x9100] =	vst v53  }
0x187: {  	v56 =	vperm.xlane v14, v40;
	[tilespmem:s31+$0x9180] =	vst v54  }
0x188: {  	s3 =	simm.s32 $0x80;
	v57 =	vperm.xlane v11, v40;
	s0 =	simm.s32 $0x10;
	[tilespmem:s31+$0x9200] =	vst v55  }
0x189: {  	s17 =	sand.u32 $0x1C00, s3;
	v58 =	vperm.xlane v12, v40;
	s19 =	sand.u32 $0x70, s0;
	[tilespmem:s31+$0x9280] =	vst v56  }
0x18a: {  	v59 =	vperm.xlane v15, v40;
	[tilespmem:s31+$0x9300] =	vst v57;
	s1 =	sor.u32 s17, s19  }
0x18b: {  	v60 =	vperm.xlane v18, v40;
	[tilespmem:s31+$0x9380] =	vst v58;
	v44 =	vld [tilespmem:s1+$0x3100]  }
0x18c: {  	v61 =	vperm.xlane v16, v40;
	[tilespmem:s31+$0xB000] =	vst v59  }
0x18d: {  	v62 =	vperm.xlane v13, v40;
	[tilespmem:s31+$0xB080] =	vst v60  }
0x18e: {  	v63 =	vperm.xlane v10, v40;
	[tilespmem:s31+$0xB100] =	vst v61  }
0x18f: {  	v45 =	vperm.xlane v8, v40;
	[tilespmem:s31+$0xB180] =	vst v62  }
0x190: {  	v42 =	vperm.xlane v9, v40;
	[tilespmem:s31+$0xB200] =	vst v63;
	v40 =	vand.u32 $0xF, v44  }
0x191: {  	s17 =	simm.s32 $0x20;
	[tilespmem:s31+$0xB280] =	vst v45;
	v43 =	vperm.xlane v37, v40;
	v41 =	vperm.xlane v38, v40  }
.LBB2_9:
0x192: {  	p0 =	sne.s32 s17, $0x3F0;
	v44 =	vperm.xlane v36, v40;
	v45 =	vperm.xlane v29, v40;
	[tilespmem:s31+$0xB300] =	vst v42;
	s31 =	smov.u32 s1  }
0x193: {  	v42 =	vperm.xlane v35, v40;
	[tilespmem:s31+$0x5000] =	vst v43;
	v43 =	vperm.xlane v28, v40  }
0x194: {  	v46 =	vperm.xlane v27, v40;
	[tilespmem:s31+$0x5080] =	vst v44;
	v44 =	vperm.xlane v34, v40  }
0x195: {  	v47 =	vperm.xlane v26, v40;
	[tilespmem:s31+$0x5100] =	vst v42;
	v42 =	vperm.xlane v33, v40  }
0x196: {  	v48 =	vperm.xlane v25, v40;
	[tilespmem:s31+$0x5180] =	vst v44;
	v44 =	vperm.xlane v32, v40  }
0x197: {  	v49 =	vperm.xlane v24, v40;
	[tilespmem:s31+$0x5200] =	vst v42;
	v42 =	vperm.xlane v31, v40  }
0x198: {  	s1 =	sor.u32 s3, s0;
	v50 =	vperm.xlane v23, v40;
	s0 =	smov.u32 s17;
	[tilespmem:s31+$0x5280] =	vst v44;
	v44 =	vperm.xlane v30, v40  }
0x199: {  	v51 =	vperm.xlane v22, v40;
	s1 =	sor.u32 $0x380, s1;
	[tilespmem:s31+$0x5300] =	vst v42;
	v42 =	vperm.xlane v39, v40  }
0x19a: {  	v52 =	vperm.xlane v20, v40;
	[tilespmem:s1+$0x5000] =	vst v44;
	v44 =	vperm.xlane v21, v40  }
0x19b: {  	v53 =	vperm.xlane v19, v40;
	v54 =	vperm.xlane v17, v40;
	[tilespmem:s31+$0xB380] =	vst v42  }
0x19c: {  	v55 =	vperm.xlane v11, v40;
	[tilespmem:s31+$0x7000] =	vst v41;
	v41 =	vperm.xlane v14, v40  }
0x19d: {  	v56 =	vperm.xlane v15, v40;
	[tilespmem:s31+$0x7080] =	vst v45;
	v45 =	vperm.xlane v12, v40  }
0x19e: {  	v57 =	vperm.xlane v16, v40;
	[tilespmem:s31+$0x7100] =	vst v43;
	v43 =	vperm.xlane v18, v40  }
0x19f: {  	v58 =	vperm.xlane v10, v40;
	[tilespmem:s31+$0x7180] =	vst v46;
	v46 =	vperm.xlane v13, v40  }
0x1a0: {  	v42 =	vperm.xlane v9, v40;
	[tilespmem:s31+$0x7200] =	vst v47;
	v47 =	vperm.xlane v8, v40  }
0x1a1: {  	[tilespmem:s31+$0x7280] =	vst v48  }
0x1a2: {  	[tilespmem:s31+$0x7300] =	vst v49  }
0x1a3: {  	[tilespmem:s31+$0x7380] =	vst v50  }
0x1a4: {  	[tilespmem:s31+$0x9000] =	vst v51  }
0x1a5: {  	[tilespmem:s31+$0x9080] =	vst v44  }
0x1a6: {  	[tilespmem:s31+$0x9100] =	vst v52  }
0x1a7: {  	[tilespmem:s31+$0x9180] =	vst v53  }
0x1a8: {  	s3 =	sadd.s32 $0x80, s3;
	[tilespmem:s31+$0x9200] =	vst v54  }
0x1a9: {  	s19 =	sand.u32 $0x1C00, s3;
	s1 =	sand.u32 $0x70, s17;
	[tilespmem:s31+$0x9280] =	vst v41  }
0x1aa: {  	s1 =	sor.u32 s19, s1;
	[tilespmem:s31+$0x9300] =	vst v55  }
0x1ab: {  	v40 =	vld [tilespmem:s1+$0x3100];
	[tilespmem:s31+$0x9380] =	vst v45  }
0x1ac: {  	[tilespmem:s31+$0xB000] =	vst v56  }
.Ltmp3:
0x1ad: {  	[tilespmem:s31+$0xB080] =	vst v43;
	(pc) =	sbr.rel @p0 .LBB2_9-.Ltmp3, $4  }
0x1ae: {  	[tilespmem:s31+$0xB100] =	vst v57  }
0x1af: {  	[tilespmem:s31+$0xB180] =	vst v46  }
0x1b0: {  	v40 =	vand.u32 $0xF, v40;
	[tilespmem:s31+$0xB200] =	vst v58  }
0x1b1: {  	s17 =	sadd.s32 $0x10, s17;
	v43 =	vperm.xlane v37, v40;
	v41 =	vperm.xlane v38, v40;
	[tilespmem:s31+$0xB280] =	vst v47  }
0x1b2: {  	v36 =	vperm.xlane v36, v40;
	[tilespmem:s31+$0xB300] =	vst v42  }
0x1b3: {  	v35 =	vperm.xlane v35, v40;
	[tilespmem:s1+$0x5000] =	vst v43  }
0x1b4: {  	v34 =	vperm.xlane v34, v40;
	[tilespmem:s1+$0x5080] =	vst v36  }
0x1b5: {  	v33 =	vperm.xlane v33, v40;
	[tilespmem:s1+$0x5100] =	vst v35  }
0x1b6: {  	v32 =	vperm.xlane v32, v40;
	[tilespmem:s1+$0x5180] =	vst v34  }
0x1b7: {  	v31 =	vperm.xlane v31, v40;
	[tilespmem:s1+$0x5200] =	vst v33  }
0x1b8: {  	v30 =	vperm.xlane v30, v40;
	s0 =	sor.u32 s3, s0;
	[tilespmem:s1+$0x5280] =	vst v32  }
0x1b9: {  	s0 =	sor.u32 $0x380, s0;
	[tilespmem:s1+$0x5300] =	vst v31;
	v31 =	vperm.xlane v39, v40  }
0x1ba: {  	[tilespmem:s0+$0x5000] =	vst v30  }
0x1bb: {  	v29 =	vperm.xlane v29, v40;
	[tilespmem:s1+$0xB380] =	vst v31  }
0x1bc: {  	v28 =	vperm.xlane v28, v40;
	[tilespmem:s1+$0x7000] =	vst v41  }
0x1bd: {  	v27 =	vperm.xlane v27, v40;
	[tilespmem:s1+$0x7080] =	vst v29  }
0x1be: {  	v26 =	vperm.xlane v26, v40;
	[tilespmem:s1+$0x7100] =	vst v28  }
0x1bf: {  	v25 =	vperm.xlane v25, v40;
	[tilespmem:s1+$0x7180] =	vst v27  }
0x1c0: {  	v24 =	vperm.xlane v24, v40;
	[tilespmem:s1+$0x7200] =	vst v26  }
0x1c1: {  	v23 =	vperm.xlane v23, v40;
	[tilespmem:s1+$0x7280] =	vst v25  }
0x1c2: {  	v22 =	vperm.xlane v22, v40;
	[tilespmem:s1+$0x7300] =	vst v24  }
0x1c3: {  	v21 =	vperm.xlane v21, v40;
	[tilespmem:s1+$0x7380] =	vst v23  }
0x1c4: {  	v20 =	vperm.xlane v20, v40;
	[tilespmem:s1+$0x9000] =	vst v22  }
0x1c5: {  	v19 =	vperm.xlane v19, v40;
	[tilespmem:s1+$0x9080] =	vst v21  }
0x1c6: {  	v17 =	vperm.xlane v17, v40;
	[tilespmem:s1+$0x9100] =	vst v20  }
0x1c7: {  	v14 =	vperm.xlane v14, v40;
	[tilespmem:s1+$0x9180] =	vst v19  }
0x1c8: {  	v11 =	vperm.xlane v11, v40;
	[tilespmem:s1+$0x9200] =	vst v17  }
0x1c9: {  	v12 =	vperm.xlane v12, v40;
	[tilespmem:s1+$0x9280] =	vst v14  }
0x1ca: {  	v13 =	vperm.xlane v13, v40;
	[tilespmem:s1+$0x9300] =	vst v11  }
0x1cb: {  	v10 =	vperm.xlane v10, v40;
	[tilespmem:s1+$0x9380] =	vst v12  }
0x1cc: {  	v8 =	vperm.xlane v8, v40;
	[tilespmem:s1+$0xB180] =	vst v13  }
0x1cd: {  	v9 =	vperm.xlane v9, v40;
	[tilespmem:s1+$0xB200] =	vst v10  }
0x1ce: {  	v14 =	vperm.xlane v15, v40;
	[tilespmem:s1+$0xB280] =	vst v8  }
0x1cf: {  	v11 =	vperm.xlane v18, v40;
	[tilespmem:s1+$0xB300] =	vst v9  }
0x1d0: {  	v12 =	vperm.xlane v16, v40;
	[tilespmem:s1+$0xB000] =	vst v14  }
0x1d1: {  	[tilespmem:s1+$0xB080] =	vst v11  }
0x1d2: {  	s17 =	sadd.s32 s30, s10;
	[tilespmem:s1+$0xB100] =	vst v12  }
0x1d3: {  	[hbm4b:s17+s20] =	stream.strided.scatter [tilespmem:s22], [sflag:$0x1], $0x8000, s21, s20, $0x38;
	[tilespmem:$0x15000] =	vst v63  }
0x1d4: {  	_ =	swait.ge [sflag:s25], $0x8000  }
0x1d5: {  	[sflag:s25] =	ssyncset.done $0x0  }
0x1d6: {  	[sflag:s25] =	ssyncadd.s32 $0xFFFF8000  }
0x1d7: {  	v37 =	vld [tilespmem:$0x2600]  }
0x1d8: {  	v36 =	vld [tilespmem:$0x2610]  }
0x1d9: {  	v35 =	vld [tilespmem:$0x2620]  }
0x1da: {  	v34 =	vld [tilespmem:$0x2630]  }
0x1db: {  	v33 =	vld [tilespmem:$0x2640]  }
0x1dc: {  	v32 =	vld [tilespmem:$0x2650]  }
0x1dd: {  	v31 =	vld [tilespmem:$0x2660]  }
0x1de: {  	v30 =	vld [tilespmem:$0x2670]  }
0x1df: {  	v38 =	vld [tilespmem:$0x2680]  }
0x1e0: {  	v29 =	vld [tilespmem:$0x2690]  }
0x1e1: {  	v28 =	vld [tilespmem:$0x26A0]  }
0x1e2: {  	v27 =	vld [tilespmem:$0x26B0]  }
0x1e3: {  	v26 =	vld [tilespmem:$0x26C0]  }
0x1e4: {  	v25 =	vld [tilespmem:$0x26D0]  }
0x1e5: {  	v24 =	vld [tilespmem:$0x26E0]  }
0x1e6: {  	v23 =	vld [tilespmem:$0x26F0]  }
0x1e7: {  	v22 =	vld [tilespmem:$0x2700]  }
0x1e8: {  	v21 =	vld [tilespmem:$0x2710]  }
0x1e9: {  	v20 =	vld [tilespmem:$0x2720]  }
0x1ea: {  	v19 =	vld [tilespmem:$0x2730]  }
0x1eb: {  	v17 =	vld [tilespmem:$0x2740]  }
0x1ec: {  	s19 =	simm.s32 $0x0;
	v14 =	vld [tilespmem:$0x2750]  }
0x1ed: {  	s3 =	sand.u32 $0x70, s19;
	s17 =	sand.u32 $0x1C00, s19;
	v11 =	vld [tilespmem:$0x2760]  }
0x1ee: {  	s31 =	sor.u32 s17, s3;
	v12 =	vld [tilespmem:$0x2770]  }
0x1ef: {  	v9 =	vld [tilespmem:s31+$0x3180]  }
0x1f0: {  	v15 =	vld [tilespmem:$0x2780]  }
0x1f1: {  	v18 =	vld [tilespmem:$0x2790]  }
0x1f2: {  	v16 =	vld [tilespmem:$0x27A0]  }
0x1f3: {  	v13 =	vld [tilespmem:$0x27B0]  }
0x1f4: {  	v10 =	vld [tilespmem:$0x27C0];
	v40 =	vand.u32 $0xF, v9  }
0x1f5: {  	v8 =	vld [tilespmem:$0x27D0];
	v53 =	vperm.xlane v37, v40  }
0x1f6: {  	v39 =	vld [tilespmem:$0x27F0];
	v54 =	vperm.xlane v36, v40  }
0x1f7: {  	v9 =	vld [tilespmem:$0x27E0];
	v55 =	vperm.xlane v35, v40;
	[tilespmem:s31+$0xD000] =	vst v53  }
0x1f8: {  	v56 =	vperm.xlane v34, v40;
	[tilespmem:s31+$0xD080] =	vst v54  }
0x1f9: {  	v57 =	vperm.xlane v33, v40;
	[tilespmem:s31+$0xD100] =	vst v55  }
0x1fa: {  	v58 =	vperm.xlane v32, v40;
	[tilespmem:s31+$0xD180] =	vst v56  }
0x1fb: {  	v59 =	vperm.xlane v31, v40;
	[tilespmem:s31+$0xD200] =	vst v57  }
0x1fc: {  	s0 =	sor.u32 s19, s19;
	v60 =	vperm.xlane v30, v40;
	[tilespmem:s31+$0xD280] =	vst v58  }
0x1fd: {  	s0 =	sor.u32 $0x380, s0;
	v61 =	vperm.xlane v39, v40;
	[tilespmem:s31+$0xD300] =	vst v59  }
0x1fe: {  	v62 =	vperm.xlane v38, v40;
	[tilespmem:s0+$0xD000] =	vst v60  }
0x1ff: {  	v63 =	vperm.xlane v29, v40;
	[tilespmem:s31+$0x13380] =	vst v61  }
0x200: {  	v45 =	vperm.xlane v28, v40;
	[tilespmem:s31+$0xF000] =	vst v62  }
0x201: {  	v46 =	vperm.xlane v27, v40;
	[tilespmem:s31+$0xF080] =	vst v63  }
0x202: {  	v47 =	vperm.xlane v26, v40;
	[tilespmem:s31+$0xF100] =	vst v45  }
0x203: {  	v48 =	vperm.xlane v25, v40;
	[tilespmem:s31+$0xF180] =	vst v46  }
0x204: {  	v49 =	vperm.xlane v24, v40;
	[tilespmem:s31+$0xF200] =	vst v47  }
0x205: {  	v50 =	vperm.xlane v23, v40;
	[tilespmem:s31+$0xF280] =	vst v48  }
0x206: {  	v51 =	vperm.xlane v22, v40;
	[tilespmem:s31+$0xF300] =	vst v49  }
0x207: {  	v52 =	vperm.xlane v21, v40;
	[tilespmem:s31+$0xF380] =	vst v50  }
0x208: {  	v53 =	vperm.xlane v20, v40;
	[tilespmem:s31+$0x11000] =	vst v51  }
0x209: {  	v54 =	vperm.xlane v19, v40;
	[tilespmem:s31+$0x11080] =	vst v52  }
0x20a: {  	v55 =	vperm.xlane v17, v40;
	[tilespmem:s31+$0x11100] =	vst v53  }
0x20b: {  	v56 =	vperm.xlane v14, v40;
	[tilespmem:s31+$0x11180] =	vst v54  }
0x20c: {  	s3 =	simm.s32 $0x80;
	v57 =	vperm.xlane v11, v40;
	s0 =	simm.s32 $0x10;
	[tilespmem:s31+$0x11200] =	vst v55  }
0x20d: {  	s17 =	sand.u32 $0x1C00, s3;
	v58 =	vperm.xlane v12, v40;
	s19 =	sand.u32 $0x70, s0;
	[tilespmem:s31+$0x11280] =	vst v56  }
0x20e: {  	v59 =	vperm.xlane v15, v40;
	[tilespmem:s31+$0x11300] =	vst v57;
	s1 =	sor.u32 s17, s19  }
0x20f: {  	v60 =	vperm.xlane v18, v40;
	[tilespmem:s31+$0x11380] =	vst v58;
	v44 =	vld [tilespmem:s1+$0x3180]  }
0x210: {  	v61 =	vperm.xlane v16, v40;
	[tilespmem:s31+$0x13000] =	vst v59  }
0x211: {  	v62 =	vperm.xlane v13, v40;
	[tilespmem:s31+$0x13080] =	vst v60  }
0x212: {  	v63 =	vperm.xlane v10, v40;
	[tilespmem:s31+$0x13100] =	vst v61  }
0x213: {  	v45 =	vperm.xlane v8, v40;
	[tilespmem:s31+$0x13180] =	vst v62  }
0x214: {  	v42 =	vperm.xlane v9, v40;
	[tilespmem:s31+$0x13200] =	vst v63;
	v40 =	vand.u32 $0xF, v44  }
0x215: {  	s17 =	simm.s32 $0x20;
	[tilespmem:s31+$0x13280] =	vst v45;
	v43 =	vperm.xlane v37, v40;
	v41 =	vperm.xlane v38, v40  }
.LBB2_11:
0x216: {  	p0 =	sne.s32 s17, $0x3F0;
	v44 =	vperm.xlane v36, v40;
	v45 =	vperm.xlane v29, v40;
	[tilespmem:s31+$0x13300] =	vst v42;
	s31 =	smov.u32 s1  }
0x217: {  	v42 =	vperm.xlane v35, v40;
	[tilespmem:s31+$0xD000] =	vst v43;
	v43 =	vperm.xlane v28, v40  }
0x218: {  	v46 =	vperm.xlane v27, v40;
	[tilespmem:s31+$0xD080] =	vst v44;
	v44 =	vperm.xlane v34, v40  }
0x219: {  	v47 =	vperm.xlane v26, v40;
	[tilespmem:s31+$0xD100] =	vst v42;
	v42 =	vperm.xlane v33, v40  }
0x21a: {  	v48 =	vperm.xlane v25, v40;
	[tilespmem:s31+$0xD180] =	vst v44;
	v44 =	vperm.xlane v32, v40  }
0x21b: {  	v49 =	vperm.xlane v24, v40;
	[tilespmem:s31+$0xD200] =	vst v42;
	v42 =	vperm.xlane v31, v40  }
0x21c: {  	s1 =	sor.u32 s3, s0;
	v50 =	vperm.xlane v23, v40;
	s0 =	smov.u32 s17;
	[tilespmem:s31+$0xD280] =	vst v44;
	v44 =	vperm.xlane v30, v40  }
0x21d: {  	v51 =	vperm.xlane v22, v40;
	s1 =	sor.u32 $0x380, s1;
	[tilespmem:s31+$0xD300] =	vst v42;
	v42 =	vperm.xlane v39, v40  }
0x21e: {  	v52 =	vperm.xlane v20, v40;
	[tilespmem:s1+$0xD000] =	vst v44;
	v44 =	vperm.xlane v21, v40  }
0x21f: {  	v53 =	vperm.xlane v19, v40;
	v54 =	vperm.xlane v17, v40;
	[tilespmem:s31+$0x13380] =	vst v42  }
0x220: {  	v55 =	vperm.xlane v11, v40;
	[tilespmem:s31+$0xF000] =	vst v41;
	v41 =	vperm.xlane v14, v40  }
0x221: {  	v56 =	vperm.xlane v15, v40;
	[tilespmem:s31+$0xF080] =	vst v45;
	v45 =	vperm.xlane v12, v40  }
0x222: {  	v57 =	vperm.xlane v16, v40;
	[tilespmem:s31+$0xF100] =	vst v43;
	v43 =	vperm.xlane v18, v40  }
0x223: {  	v58 =	vperm.xlane v10, v40;
	[tilespmem:s31+$0xF180] =	vst v46;
	v46 =	vperm.xlane v13, v40  }
0x224: {  	v42 =	vperm.xlane v9, v40;
	[tilespmem:s31+$0xF200] =	vst v47;
	v47 =	vperm.xlane v8, v40  }
0x225: {  	[tilespmem:s31+$0xF280] =	vst v48  }
0x226: {  	[tilespmem:s31+$0xF300] =	vst v49  }
0x227: {  	[tilespmem:s31+$0xF380] =	vst v50  }
0x228: {  	[tilespmem:s31+$0x11000] =	vst v51  }
0x229: {  	[tilespmem:s31+$0x11080] =	vst v44  }
0x22a: {  	[tilespmem:s31+$0x11100] =	vst v52  }
0x22b: {  	[tilespmem:s31+$0x11180] =	vst v53  }
0x22c: {  	s3 =	sadd.s32 $0x80, s3;
	[tilespmem:s31+$0x11200] =	vst v54  }
0x22d: {  	s19 =	sand.u32 $0x1C00, s3;
	s1 =	sand.u32 $0x70, s17;
	[tilespmem:s31+$0x11280] =	vst v41  }
0x22e: {  	s1 =	sor.u32 s19, s1;
	[tilespmem:s31+$0x11300] =	vst v55  }
0x22f: {  	v40 =	vld [tilespmem:s1+$0x3180];
	[tilespmem:s31+$0x11380] =	vst v45  }
0x230: {  	[tilespmem:s31+$0x13000] =	vst v56  }
.Ltmp4:
0x231: {  	[tilespmem:s31+$0x13080] =	vst v43;
	(pc) =	sbr.rel @p0 .LBB2_11-.Ltmp4, $4  }
0x232: {  	[tilespmem:s31+$0x13100] =	vst v57  }
0x233: {  	[tilespmem:s31+$0x13180] =	vst v46  }
0x234: {  	v40 =	vand.u32 $0xF, v40;
	[tilespmem:s31+$0x13200] =	vst v58  }
0x235: {  	s17 =	sadd.s32 $0x10, s17;
	v43 =	vperm.xlane v37, v40;
	v41 =	vperm.xlane v38, v40;
	[tilespmem:s31+$0x13280] =	vst v47  }
0x236: {  	v36 =	vperm.xlane v36, v40;
	[tilespmem:s31+$0x13300] =	vst v42  }
0x237: {  	v35 =	vperm.xlane v35, v40;
	[tilespmem:s1+$0xD000] =	vst v43  }
0x238: {  	v34 =	vperm.xlane v34, v40;
	[tilespmem:s1+$0xD080] =	vst v36  }
0x239: {  	v33 =	vperm.xlane v33, v40;
	[tilespmem:s1+$0xD100] =	vst v35  }
0x23a: {  	v32 =	vperm.xlane v32, v40;
	[tilespmem:s1+$0xD180] =	vst v34  }
0x23b: {  	v31 =	vperm.xlane v31, v40;
	[tilespmem:s1+$0xD200] =	vst v33  }
0x23c: {  	v30 =	vperm.xlane v30, v40;
	s0 =	sor.u32 s3, s0;
	[tilespmem:s1+$0xD280] =	vst v32  }
0x23d: {  	s0 =	sor.u32 $0x380, s0;
	[tilespmem:s1+$0xD300] =	vst v31;
	v31 =	vperm.xlane v39, v40  }
0x23e: {  	[tilespmem:s0+$0xD000] =	vst v30  }
0x23f: {  	v29 =	vperm.xlane v29, v40;
	[tilespmem:s1+$0x13380] =	vst v31  }
0x240: {  	v28 =	vperm.xlane v28, v40;
	[tilespmem:s1+$0xF000] =	vst v41  }
0x241: {  	v27 =	vperm.xlane v27, v40;
	[tilespmem:s1+$0xF080] =	vst v29  }
0x242: {  	v26 =	vperm.xlane v26, v40;
	[tilespmem:s1+$0xF100] =	vst v28  }
0x243: {  	v25 =	vperm.xlane v25, v40;
	[tilespmem:s1+$0xF180] =	vst v27  }
0x244: {  	v24 =	vperm.xlane v24, v40;
	[tilespmem:s1+$0xF200] =	vst v26  }
0x245: {  	v23 =	vperm.xlane v23, v40;
	[tilespmem:s1+$0xF280] =	vst v25  }
0x246: {  	v22 =	vperm.xlane v22, v40;
	[tilespmem:s1+$0xF300] =	vst v24  }
0x247: {  	v21 =	vperm.xlane v21, v40;
	[tilespmem:s1+$0xF380] =	vst v23  }
0x248: {  	v20 =	vperm.xlane v20, v40;
	[tilespmem:s1+$0x11000] =	vst v22  }
0x249: {  	v19 =	vperm.xlane v19, v40;
	[tilespmem:s1+$0x11080] =	vst v21  }
0x24a: {  	v17 =	vperm.xlane v17, v40;
	[tilespmem:s1+$0x11100] =	vst v20  }
0x24b: {  	v14 =	vperm.xlane v14, v40;
	[tilespmem:s1+$0x11180] =	vst v19  }
0x24c: {  	v11 =	vperm.xlane v11, v40;
	[tilespmem:s1+$0x11200] =	vst v17  }
0x24d: {  	v12 =	vperm.xlane v12, v40;
	[tilespmem:s1+$0x11280] =	vst v14  }
0x24e: {  	v13 =	vperm.xlane v13, v40;
	[tilespmem:s1+$0x11300] =	vst v11  }
0x24f: {  	v10 =	vperm.xlane v10, v40;
	[tilespmem:s1+$0x11380] =	vst v12  }
0x250: {  	v8 =	vperm.xlane v8, v40;
	[tilespmem:s1+$0x13180] =	vst v13  }
0x251: {  	v9 =	vperm.xlane v9, v40;
	[tilespmem:s1+$0x13200] =	vst v10  }
0x252: {  	v14 =	vperm.xlane v15, v40;
	[tilespmem:s1+$0x13280] =	vst v8  }
0x253: {  	v11 =	vperm.xlane v18, v40;
	[tilespmem:s1+$0x13300] =	vst v9  }
0x254: {  	v12 =	vperm.xlane v16, v40;
	[tilespmem:s1+$0x13000] =	vst v14  }
0x255: {  	[tilespmem:s1+$0x13080] =	vst v11  }
0x256: {  	s17 =	sadd.s32 s30, s11;
	[tilespmem:s1+$0x13100] =	vst v12  }
0x257: {  	[hbm4b:s17+s20] =	stream.strided.scatter [tilespmem:s23], [sflag:$0x2], $0x8000, s21, s20, $0x38;
	[tilespmem:$0x15000] =	vst v63  }
0x258: {  	_ =	swait.ge [sflag:s24], $0x8000  }
0x259: {  	[sflag:s24] =	ssyncset.done $0x0  }
0x25a: {  	[sflag:s24] =	ssyncadd.s32 $0xFFFF8000  }
0x25b: {  	v37 =	vld [tilespmem:$0x2800]  }
0x25c: {  	v36 =	vld [tilespmem:$0x2810]  }
0x25d: {  	v35 =	vld [tilespmem:$0x2820]  }
0x25e: {  	v34 =	vld [tilespmem:$0x2830]  }
0x25f: {  	v33 =	vld [tilespmem:$0x2840]  }
0x260: {  	v32 =	vld [tilespmem:$0x2850]  }
0x261: {  	v31 =	vld [tilespmem:$0x2860]  }
0x262: {  	v30 =	vld [tilespmem:$0x2870]  }
0x263: {  	v38 =	vld [tilespmem:$0x2880]  }
0x264: {  	v29 =	vld [tilespmem:$0x2890]  }
0x265: {  	v28 =	vld [tilespmem:$0x28A0]  }
0x266: {  	v27 =	vld [tilespmem:$0x28B0]  }
0x267: {  	v26 =	vld [tilespmem:$0x28C0]  }
0x268: {  	v25 =	vld [tilespmem:$0x28D0]  }
0x269: {  	v24 =	vld [tilespmem:$0x28E0]  }
0x26a: {  	v23 =	vld [tilespmem:$0x28F0]  }
0x26b: {  	v22 =	vld [tilespmem:$0x2900]  }
0x26c: {  	v21 =	vld [tilespmem:$0x2910]  }
0x26d: {  	v20 =	vld [tilespmem:$0x2920]  }
0x26e: {  	v19 =	vld [tilespmem:$0x2930]  }
0x26f: {  	v17 =	vld [tilespmem:$0x2940]  }
0x270: {  	s19 =	simm.s32 $0x0;
	v14 =	vld [tilespmem:$0x2950]  }
0x271: {  	s3 =	sand.u32 $0x70, s19;
	s17 =	sand.u32 $0x1C00, s19;
	v11 =	vld [tilespmem:$0x2960]  }
0x272: {  	s31 =	sor.u32 s17, s3;
	v12 =	vld [tilespmem:$0x2970]  }
0x273: {  	v9 =	vld [tilespmem:s31+$0x3200]  }
0x274: {  	v15 =	vld [tilespmem:$0x2980]  }
0x275: {  	v18 =	vld [tilespmem:$0x2990]  }
0x276: {  	v16 =	vld [tilespmem:$0x29A0]  }
0x277: {  	v13 =	vld [tilespmem:$0x29B0]  }
0x278: {  	v10 =	vld [tilespmem:$0x29C0];
	v40 =	vand.u32 $0xF, v9  }
0x279: {  	v8 =	vld [tilespmem:$0x29D0];
	v53 =	vperm.xlane v37, v40  }
0x27a: {  	v39 =	vld [tilespmem:$0x29F0];
	v54 =	vperm.xlane v36, v40  }
0x27b: {  	v9 =	vld [tilespmem:$0x29E0];
	v55 =	vperm.xlane v35, v40;
	[tilespmem:s31+$0x5000] =	vst v53  }
0x27c: {  	v56 =	vperm.xlane v34, v40;
	[tilespmem:s31+$0x5080] =	vst v54  }
0x27d: {  	v57 =	vperm.xlane v33, v40;
	[tilespmem:s31+$0x5100] =	vst v55  }
0x27e: {  	v58 =	vperm.xlane v32, v40;
	[tilespmem:s31+$0x5180] =	vst v56  }
0x27f: {  	v59 =	vperm.xlane v31, v40;
	[tilespmem:s31+$0x5200] =	vst v57  }
0x280: {  	s0 =	sor.u32 s19, s19;
	v60 =	vperm.xlane v30, v40;
	[tilespmem:s31+$0x5280] =	vst v58  }
0x281: {  	s0 =	sor.u32 $0x380, s0;
	v61 =	vperm.xlane v39, v40;
	[tilespmem:s31+$0x5300] =	vst v59  }
0x282: {  	v62 =	vperm.xlane v38, v40;
	[tilespmem:s0+$0x5000] =	vst v60  }
0x283: {  	v63 =	vperm.xlane v29, v40;
	[tilespmem:s31+$0xB380] =	vst v61  }
0x284: {  	v45 =	vperm.xlane v28, v40;
	[tilespmem:s31+$0x7000] =	vst v62  }
0x285: {  	v46 =	vperm.xlane v27, v40;
	[tilespmem:s31+$0x7080] =	vst v63  }
0x286: {  	v47 =	vperm.xlane v26, v40;
	[tilespmem:s31+$0x7100] =	vst v45  }
0x287: {  	v48 =	vperm.xlane v25, v40;
	[tilespmem:s31+$0x7180] =	vst v46  }
0x288: {  	v49 =	vperm.xlane v24, v40;
	[tilespmem:s31+$0x7200] =	vst v47  }
0x289: {  	v50 =	vperm.xlane v23, v40;
	[tilespmem:s31+$0x7280] =	vst v48  }
0x28a: {  	v51 =	vperm.xlane v22, v40;
	[tilespmem:s31+$0x7300] =	vst v49  }
0x28b: {  	v52 =	vperm.xlane v21, v40;
	[tilespmem:s31+$0x7380] =	vst v50  }
0x28c: {  	v53 =	vperm.xlane v20, v40;
	[tilespmem:s31+$0x9000] =	vst v51  }
0x28d: {  	v54 =	vperm.xlane v19, v40;
	[tilespmem:s31+$0x9080] =	vst v52  }
0x28e: {  	v55 =	vperm.xlane v17, v40;
	[tilespmem:s31+$0x9100] =	vst v53  }
0x28f: {  	v56 =	vperm.xlane v14, v40;
	[tilespmem:s31+$0x9180] =	vst v54  }
0x290: {  	s3 =	simm.s32 $0x80;
	v57 =	vperm.xlane v11, v40;
	s0 =	simm.s32 $0x10;
	[tilespmem:s31+$0x9200] =	vst v55  }
0x291: {  	s17 =	sand.u32 $0x1C00, s3;
	v58 =	vperm.xlane v12, v40;
	s19 =	sand.u32 $0x70, s0;
	[tilespmem:s31+$0x9280] =	vst v56  }
0x292: {  	v59 =	vperm.xlane v15, v40;
	[tilespmem:s31+$0x9300] =	vst v57;
	s1 =	sor.u32 s17, s19  }
0x293: {  	v60 =	vperm.xlane v18, v40;
	[tilespmem:s31+$0x9380] =	vst v58;
	v44 =	vld [tilespmem:s1+$0x3200]  }
0x294: {  	v61 =	vperm.xlane v16, v40;
	[tilespmem:s31+$0xB000] =	vst v59  }
0x295: {  	v62 =	vperm.xlane v13, v40;
	[tilespmem:s31+$0xB080] =	vst v60  }
0x296: {  	v63 =	vperm.xlane v10, v40;
	[tilespmem:s31+$0xB100] =	vst v61  }
0x297: {  	v45 =	vperm.xlane v8, v40;
	[tilespmem:s31+$0xB180] =	vst v62  }
0x298: {  	v42 =	vperm.xlane v9, v40;
	[tilespmem:s31+$0xB200] =	vst v63;
	v40 =	vand.u32 $0xF, v44  }
0x299: {  	s17 =	simm.s32 $0x20;
	[tilespmem:s31+$0xB280] =	vst v45;
	v43 =	vperm.xlane v37, v40;
	v41 =	vperm.xlane v38, v40  }
.LBB2_13:
0x29a: {  	p0 =	sne.s32 s17, $0x3F0;
	v44 =	vperm.xlane v36, v40;
	v45 =	vperm.xlane v29, v40;
	[tilespmem:s31+$0xB300] =	vst v42;
	s31 =	smov.u32 s1  }
0x29b: {  	v42 =	vperm.xlane v35, v40;
	[tilespmem:s31+$0x5000] =	vst v43;
	v43 =	vperm.xlane v28, v40  }
0x29c: {  	v46 =	vperm.xlane v27, v40;
	[tilespmem:s31+$0x5080] =	vst v44;
	v44 =	vperm.xlane v34, v40  }
0x29d: {  	v47 =	vperm.xlane v26, v40;
	[tilespmem:s31+$0x5100] =	vst v42;
	v42 =	vperm.xlane v33, v40  }
0x29e: {  	v48 =	vperm.xlane v25, v40;
	[tilespmem:s31+$0x5180] =	vst v44;
	v44 =	vperm.xlane v32, v40  }
0x29f: {  	v49 =	vperm.xlane v24, v40;
	[tilespmem:s31+$0x5200] =	vst v42;
	v42 =	vperm.xlane v31, v40  }
0x2a0: {  	s1 =	sor.u32 s3, s0;
	v50 =	vperm.xlane v23, v40;
	s0 =	smov.u32 s17;
	[tilespmem:s31+$0x5280] =	vst v44;
	v44 =	vperm.xlane v30, v40  }
0x2a1: {  	v51 =	vperm.xlane v22, v40;
	s1 =	sor.u32 $0x380, s1;
	[tilespmem:s31+$0x5300] =	vst v42;
	v42 =	vperm.xlane v39, v40  }
0x2a2: {  	v52 =	vperm.xlane v20, v40;
	[tilespmem:s1+$0x5000] =	vst v44;
	v44 =	vperm.xlane v21, v40  }
0x2a3: {  	v53 =	vperm.xlane v19, v40;
	v54 =	vperm.xlane v17, v40;
	[tilespmem:s31+$0xB380] =	vst v42  }
0x2a4: {  	v55 =	vperm.xlane v11, v40;
	[tilespmem:s31+$0x7000] =	vst v41;
	v41 =	vperm.xlane v14, v40  }
0x2a5: {  	v56 =	vperm.xlane v15, v40;
	[tilespmem:s31+$0x7080] =	vst v45;
	v45 =	vperm.xlane v12, v40  }
0x2a6: {  	v57 =	vperm.xlane v16, v40;
	[tilespmem:s31+$0x7100] =	vst v43;
	v43 =	vperm.xlane v18, v40  }
0x2a7: {  	v58 =	vperm.xlane v10, v40;
	[tilespmem:s31+$0x7180] =	vst v46;
	v46 =	vperm.xlane v13, v40  }
0x2a8: {  	v42 =	vperm.xlane v9, v40;
	[tilespmem:s31+$0x7200] =	vst v47;
	v47 =	vperm.xlane v8, v40  }
0x2a9: {  	[tilespmem:s31+$0x7280] =	vst v48  }
0x2aa: {  	[tilespmem:s31+$0x7300] =	vst v49  }
0x2ab: {  	[tilespmem:s31+$0x7380] =	vst v50  }
0x2ac: {  	[tilespmem:s31+$0x9000] =	vst v51  }
0x2ad: {  	[tilespmem:s31+$0x9080] =	vst v44  }
0x2ae: {  	[tilespmem:s31+$0x9100] =	vst v52  }
0x2af: {  	[tilespmem:s31+$0x9180] =	vst v53  }
0x2b0: {  	s3 =	sadd.s32 $0x80, s3;
	[tilespmem:s31+$0x9200] =	vst v54  }
0x2b1: {  	s19 =	sand.u32 $0x1C00, s3;
	s1 =	sand.u32 $0x70, s17;
	[tilespmem:s31+$0x9280] =	vst v41  }
0x2b2: {  	s1 =	sor.u32 s19, s1;
	[tilespmem:s31+$0x9300] =	vst v55  }
0x2b3: {  	v40 =	vld [tilespmem:s1+$0x3200];
	[tilespmem:s31+$0x9380] =	vst v45  }
0x2b4: {  	[tilespmem:s31+$0xB000] =	vst v56  }
.Ltmp5:
0x2b5: {  	[tilespmem:s31+$0xB080] =	vst v43;
	(pc) =	sbr.rel @p0 .LBB2_13-.Ltmp5, $4  }
0x2b6: {  	[tilespmem:s31+$0xB100] =	vst v57  }
0x2b7: {  	[tilespmem:s31+$0xB180] =	vst v46  }
0x2b8: {  	v40 =	vand.u32 $0xF, v40;
	[tilespmem:s31+$0xB200] =	vst v58  }
0x2b9: {  	s17 =	sadd.s32 $0x10, s17;
	v43 =	vperm.xlane v37, v40;
	v41 =	vperm.xlane v38, v40;
	[tilespmem:s31+$0xB280] =	vst v47  }
0x2ba: {  	v36 =	vperm.xlane v36, v40;
	[tilespmem:s31+$0xB300] =	vst v42  }
0x2bb: {  	v35 =	vperm.xlane v35, v40;
	[tilespmem:s1+$0x5000] =	vst v43  }
0x2bc: {  	v34 =	vperm.xlane v34, v40;
	[tilespmem:s1+$0x5080] =	vst v36  }
0x2bd: {  	v33 =	vperm.xlane v33, v40;
	[tilespmem:s1+$0x5100] =	vst v35  }
0x2be: {  	v32 =	vperm.xlane v32, v40;
	[tilespmem:s1+$0x5180] =	vst v34  }
0x2bf: {  	v31 =	vperm.xlane v31, v40;
	[tilespmem:s1+$0x5200] =	vst v33  }
0x2c0: {  	v30 =	vperm.xlane v30, v40;
	s0 =	sor.u32 s3, s0;
	[tilespmem:s1+$0x5280] =	vst v32  }
0x2c1: {  	s0 =	sor.u32 $0x380, s0;
	[tilespmem:s1+$0x5300] =	vst v31;
	v31 =	vperm.xlane v39, v40  }
0x2c2: {  	[tilespmem:s0+$0x5000] =	vst v30  }
0x2c3: {  	v29 =	vperm.xlane v29, v40;
	[tilespmem:s1+$0xB380] =	vst v31  }
0x2c4: {  	v28 =	vperm.xlane v28, v40;
	[tilespmem:s1+$0x7000] =	vst v41  }
0x2c5: {  	v27 =	vperm.xlane v27, v40;
	[tilespmem:s1+$0x7080] =	vst v29  }
0x2c6: {  	v26 =	vperm.xlane v26, v40;
	[tilespmem:s1+$0x7100] =	vst v28  }
0x2c7: {  	v25 =	vperm.xlane v25, v40;
	[tilespmem:s1+$0x7180] =	vst v27  }
0x2c8: {  	v24 =	vperm.xlane v24, v40;
	[tilespmem:s1+$0x7200] =	vst v26  }
0x2c9: {  	v23 =	vperm.xlane v23, v40;
	[tilespmem:s1+$0x7280] =	vst v25  }
0x2ca: {  	v22 =	vperm.xlane v22, v40;
	[tilespmem:s1+$0x7300] =	vst v24  }
0x2cb: {  	v21 =	vperm.xlane v21, v40;
	[tilespmem:s1+$0x7380] =	vst v23  }
0x2cc: {  	v20 =	vperm.xlane v20, v40;
	[tilespmem:s1+$0x9000] =	vst v22  }
0x2cd: {  	v19 =	vperm.xlane v19, v40;
	[tilespmem:s1+$0x9080] =	vst v21  }
0x2ce: {  	v17 =	vperm.xlane v17, v40;
	[tilespmem:s1+$0x9100] =	vst v20  }
0x2cf: {  	v14 =	vperm.xlane v14, v40;
	[tilespmem:s1+$0x9180] =	vst v19  }
0x2d0: {  	v11 =	vperm.xlane v11, v40;
	[tilespmem:s1+$0x9200] =	vst v17  }
0x2d1: {  	v12 =	vperm.xlane v12, v40;
	[tilespmem:s1+$0x9280] =	vst v14  }
0x2d2: {  	v13 =	vperm.xlane v13, v40;
	[tilespmem:s1+$0x9300] =	vst v11  }
0x2d3: {  	v10 =	vperm.xlane v10, v40;
	[tilespmem:s1+$0x9380] =	vst v12  }
0x2d4: {  	v8 =	vperm.xlane v8, v40;
	[tilespmem:s1+$0xB180] =	vst v13  }
0x2d5: {  	v9 =	vperm.xlane v9, v40;
	[tilespmem:s1+$0xB200] =	vst v10  }
0x2d6: {  	v14 =	vperm.xlane v15, v40;
	[tilespmem:s1+$0xB280] =	vst v8  }
0x2d7: {  	v11 =	vperm.xlane v18, v40;
	[tilespmem:s1+$0xB300] =	vst v9  }
0x2d8: {  	v12 =	vperm.xlane v16, v40;
	[tilespmem:s1+$0xB000] =	vst v14  }
0x2d9: {  	[tilespmem:s1+$0xB080] =	vst v11  }
0x2da: {  	s17 =	sadd.s32 s30, s12;
	[tilespmem:s1+$0xB100] =	vst v12  }
0x2db: {  	[hbm4b:s17+s20] =	stream.strided.scatter [tilespmem:s22], [sflag:$0x1], $0x8000, s21, s20, $0x38;
	[tilespmem:$0x15000] =	vst v63  }
0x2dc: {  	_ =	swait.ge [sflag:s25], $0x8000  }
0x2dd: {  	[sflag:s25] =	ssyncset.done $0x0  }
0x2de: {  	[sflag:s25] =	ssyncadd.s32 $0xFFFF8000  }
0x2df: {  	v37 =	vld [tilespmem:$0x2A00]  }
0x2e0: {  	v36 =	vld [tilespmem:$0x2A10]  }
0x2e1: {  	v35 =	vld [tilespmem:$0x2A20]  }
0x2e2: {  	v34 =	vld [tilespmem:$0x2A30]  }
0x2e3: {  	v33 =	vld [tilespmem:$0x2A40]  }
0x2e4: {  	v32 =	vld [tilespmem:$0x2A50]  }
0x2e5: {  	v31 =	vld [tilespmem:$0x2A60]  }
0x2e6: {  	v30 =	vld [tilespmem:$0x2A70]  }
0x2e7: {  	v38 =	vld [tilespmem:$0x2A80]  }
0x2e8: {  	v29 =	vld [tilespmem:$0x2A90]  }
0x2e9: {  	v28 =	vld [tilespmem:$0x2AA0]  }
0x2ea: {  	v27 =	vld [tilespmem:$0x2AB0]  }
0x2eb: {  	v26 =	vld [tilespmem:$0x2AC0]  }
0x2ec: {  	v25 =	vld [tilespmem:$0x2AD0]  }
0x2ed: {  	v24 =	vld [tilespmem:$0x2AE0]  }
0x2ee: {  	v23 =	vld [tilespmem:$0x2AF0]  }
0x2ef: {  	v22 =	vld [tilespmem:$0x2B00]  }
0x2f0: {  	v21 =	vld [tilespmem:$0x2B10]  }
0x2f1: {  	v20 =	vld [tilespmem:$0x2B20]  }
0x2f2: {  	v19 =	vld [tilespmem:$0x2B30]  }
0x2f3: {  	v17 =	vld [tilespmem:$0x2B40]  }
0x2f4: {  	s19 =	simm.s32 $0x0;
	v14 =	vld [tilespmem:$0x2B50]  }
0x2f5: {  	s3 =	sand.u32 $0x70, s19;
	s17 =	sand.u32 $0x1C00, s19;
	v11 =	vld [tilespmem:$0x2B60]  }
0x2f6: {  	s31 =	sor.u32 s17, s3;
	v12 =	vld [tilespmem:$0x2B70]  }
0x2f7: {  	v9 =	vld [tilespmem:s31+$0x3280]  }
0x2f8: {  	v15 =	vld [tilespmem:$0x2B80]  }
0x2f9: {  	v18 =	vld [tilespmem:$0x2B90]  }
0x2fa: {  	v16 =	vld [tilespmem:$0x2BA0]  }
0x2fb: {  	v13 =	vld [tilespmem:$0x2BB0]  }
0x2fc: {  	v10 =	vld [tilespmem:$0x2BC0];
	v40 =	vand.u32 $0xF, v9  }
0x2fd: {  	v8 =	vld [tilespmem:$0x2BD0];
	v53 =	vperm.xlane v37, v40  }
0x2fe: {  	v39 =	vld [tilespmem:$0x2BF0];
	v54 =	vperm.xlane v36, v40  }
0x2ff: {  	v9 =	vld [tilespmem:$0x2BE0];
	v55 =	vperm.xlane v35, v40;
	[tilespmem:s31+$0xD000] =	vst v53  }
0x300: {  	v56 =	vperm.xlane v34, v40;
	[tilespmem:s31+$0xD080] =	vst v54  }
0x301: {  	v57 =	vperm.xlane v33, v40;
	[tilespmem:s31+$0xD100] =	vst v55  }
0x302: {  	v58 =	vperm.xlane v32, v40;
	[tilespmem:s31+$0xD180] =	vst v56  }
0x303: {  	v59 =	vperm.xlane v31, v40;
	[tilespmem:s31+$0xD200] =	vst v57  }
0x304: {  	s0 =	sor.u32 s19, s19;
	v60 =	vperm.xlane v30, v40;
	[tilespmem:s31+$0xD280] =	vst v58  }
0x305: {  	s0 =	sor.u32 $0x380, s0;
	v61 =	vperm.xlane v39, v40;
	[tilespmem:s31+$0xD300] =	vst v59  }
0x306: {  	v62 =	vperm.xlane v38, v40;
	[tilespmem:s0+$0xD000] =	vst v60  }
0x307: {  	v63 =	vperm.xlane v29, v40;
	[tilespmem:s31+$0x13380] =	vst v61  }
0x308: {  	v45 =	vperm.xlane v28, v40;
	[tilespmem:s31+$0xF000] =	vst v62  }
0x309: {  	v46 =	vperm.xlane v27, v40;
	[tilespmem:s31+$0xF080] =	vst v63  }
0x30a: {  	v47 =	vperm.xlane v26, v40;
	[tilespmem:s31+$0xF100] =	vst v45  }
0x30b: {  	v48 =	vperm.xlane v25, v40;
	[tilespmem:s31+$0xF180] =	vst v46  }
0x30c: {  	v49 =	vperm.xlane v24, v40;
	[tilespmem:s31+$0xF200] =	vst v47  }
0x30d: {  	v50 =	vperm.xlane v23, v40;
	[tilespmem:s31+$0xF280] =	vst v48  }
0x30e: {  	v51 =	vperm.xlane v22, v40;
	[tilespmem:s31+$0xF300] =	vst v49  }
0x30f: {  	v52 =	vperm.xlane v21, v40;
	[tilespmem:s31+$0xF380] =	vst v50  }
0x310: {  	v53 =	vperm.xlane v20, v40;
	[tilespmem:s31+$0x11000] =	vst v51  }
0x311: {  	v54 =	vperm.xlane v19, v40;
	[tilespmem:s31+$0x11080] =	vst v52  }
0x312: {  	v55 =	vperm.xlane v17, v40;
	[tilespmem:s31+$0x11100] =	vst v53  }
0x313: {  	v56 =	vperm.xlane v14, v40;
	[tilespmem:s31+$0x11180] =	vst v54  }
0x314: {  	s3 =	simm.s32 $0x80;
	v57 =	vperm.xlane v11, v40;
	s0 =	simm.s32 $0x10;
	[tilespmem:s31+$0x11200] =	vst v55  }
0x315: {  	s17 =	sand.u32 $0x1C00, s3;
	v58 =	vperm.xlane v12, v40;
	s19 =	sand.u32 $0x70, s0;
	[tilespmem:s31+$0x11280] =	vst v56  }
0x316: {  	v59 =	vperm.xlane v15, v40;
	[tilespmem:s31+$0x11300] =	vst v57;
	s1 =	sor.u32 s17, s19  }
0x317: {  	v60 =	vperm.xlane v18, v40;
	[tilespmem:s31+$0x11380] =	vst v58;
	v44 =	vld [tilespmem:s1+$0x3280]  }
0x318: {  	v61 =	vperm.xlane v16, v40;
	[tilespmem:s31+$0x13000] =	vst v59  }
0x319: {  	v62 =	vperm.xlane v13, v40;
	[tilespmem:s31+$0x13080] =	vst v60  }
0x31a: {  	v63 =	vperm.xlane v10, v40;
	[tilespmem:s31+$0x13100] =	vst v61  }
0x31b: {  	v45 =	vperm.xlane v8, v40;
	[tilespmem:s31+$0x13180] =	vst v62  }
0x31c: {  	v42 =	vperm.xlane v9, v40;
	[tilespmem:s31+$0x13200] =	vst v63;
	v40 =	vand.u32 $0xF, v44  }
0x31d: {  	s17 =	simm.s32 $0x20;
	[tilespmem:s31+$0x13280] =	vst v45;
	v43 =	vperm.xlane v37, v40;
	v41 =	vperm.xlane v38, v40  }
.LBB2_15:
0x31e: {  	p0 =	sne.s32 s17, $0x3F0;
	v44 =	vperm.xlane v36, v40;
	v45 =	vperm.xlane v29, v40;
	[tilespmem:s31+$0x13300] =	vst v42;
	s31 =	smov.u32 s1  }
0x31f: {  	v42 =	vperm.xlane v35, v40;
	[tilespmem:s31+$0xD000] =	vst v43;
	v43 =	vperm.xlane v28, v40  }
0x320: {  	v46 =	vperm.xlane v27, v40;
	[tilespmem:s31+$0xD080] =	vst v44;
	v44 =	vperm.xlane v34, v40  }
0x321: {  	v47 =	vperm.xlane v26, v40;
	[tilespmem:s31+$0xD100] =	vst v42;
	v42 =	vperm.xlane v33, v40  }
0x322: {  	v48 =	vperm.xlane v25, v40;
	[tilespmem:s31+$0xD180] =	vst v44;
	v44 =	vperm.xlane v32, v40  }
0x323: {  	v49 =	vperm.xlane v24, v40;
	[tilespmem:s31+$0xD200] =	vst v42;
	v42 =	vperm.xlane v31, v40  }
0x324: {  	s1 =	sor.u32 s3, s0;
	v50 =	vperm.xlane v23, v40;
	s0 =	smov.u32 s17;
	[tilespmem:s31+$0xD280] =	vst v44;
	v44 =	vperm.xlane v30, v40  }
0x325: {  	v51 =	vperm.xlane v22, v40;
	s1 =	sor.u32 $0x380, s1;
	[tilespmem:s31+$0xD300] =	vst v42;
	v42 =	vperm.xlane v39, v40  }
0x326: {  	v52 =	vperm.xlane v20, v40;
	[tilespmem:s1+$0xD000] =	vst v44;
	v44 =	vperm.xlane v21, v40  }
0x327: {  	v53 =	vperm.xlane v19, v40;
	v54 =	vperm.xlane v17, v40;
	[tilespmem:s31+$0x13380] =	vst v42  }
0x328: {  	v55 =	vperm.xlane v11, v40;
	[tilespmem:s31+$0xF000] =	vst v41;
	v41 =	vperm.xlane v14, v40  }
0x329: {  	v56 =	vperm.xlane v15, v40;
	[tilespmem:s31+$0xF080] =	vst v45;
	v45 =	vperm.xlane v12, v40  }
0x32a: {  	v57 =	vperm.xlane v16, v40;
	[tilespmem:s31+$0xF100] =	vst v43;
	v43 =	vperm.xlane v18, v40  }
0x32b: {  	v58 =	vperm.xlane v10, v40;
	[tilespmem:s31+$0xF180] =	vst v46;
	v46 =	vperm.xlane v13, v40  }
0x32c: {  	v42 =	vperm.xlane v9, v40;
	[tilespmem:s31+$0xF200] =	vst v47;
	v47 =	vperm.xlane v8, v40  }
0x32d: {  	[tilespmem:s31+$0xF280] =	vst v48  }
0x32e: {  	[tilespmem:s31+$0xF300] =	vst v49  }
0x32f: {  	[tilespmem:s31+$0xF380] =	vst v50  }
0x330: {  	[tilespmem:s31+$0x11000] =	vst v51  }
0x331: {  	[tilespmem:s31+$0x11080] =	vst v44  }
0x332: {  	[tilespmem:s31+$0x11100] =	vst v52  }
0x333: {  	[tilespmem:s31+$0x11180] =	vst v53  }
0x334: {  	s3 =	sadd.s32 $0x80, s3;
	[tilespmem:s31+$0x11200] =	vst v54  }
0x335: {  	s19 =	sand.u32 $0x1C00, s3;
	s1 =	sand.u32 $0x70, s17;
	[tilespmem:s31+$0x11280] =	vst v41  }
0x336: {  	s1 =	sor.u32 s19, s1;
	[tilespmem:s31+$0x11300] =	vst v55  }
0x337: {  	v40 =	vld [tilespmem:s1+$0x3280];
	[tilespmem:s31+$0x11380] =	vst v45  }
0x338: {  	[tilespmem:s31+$0x13000] =	vst v56  }
.Ltmp6:
0x339: {  	[tilespmem:s31+$0x13080] =	vst v43;
	(pc) =	sbr.rel @p0 .LBB2_15-.Ltmp6, $4  }
0x33a: {  	[tilespmem:s31+$0x13100] =	vst v57  }
0x33b: {  	[tilespmem:s31+$0x13180] =	vst v46  }
0x33c: {  	v40 =	vand.u32 $0xF, v40;
	[tilespmem:s31+$0x13200] =	vst v58  }
0x33d: {  	s17 =	sadd.s32 $0x10, s17;
	v43 =	vperm.xlane v37, v40;
	v41 =	vperm.xlane v38, v40;
	[tilespmem:s31+$0x13280] =	vst v47  }
0x33e: {  	v36 =	vperm.xlane v36, v40;
	[tilespmem:s31+$0x13300] =	vst v42  }
0x33f: {  	v35 =	vperm.xlane v35, v40;
	[tilespmem:s1+$0xD000] =	vst v43  }
0x340: {  	v34 =	vperm.xlane v34, v40;
	[tilespmem:s1+$0xD080] =	vst v36  }
0x341: {  	v33 =	vperm.xlane v33, v40;
	[tilespmem:s1+$0xD100] =	vst v35  }
0x342: {  	v32 =	vperm.xlane v32, v40;
	[tilespmem:s1+$0xD180] =	vst v34  }
0x343: {  	v31 =	vperm.xlane v31, v40;
	[tilespmem:s1+$0xD200] =	vst v33  }
0x344: {  	v30 =	vperm.xlane v30, v40;
	s0 =	sor.u32 s3, s0;
	[tilespmem:s1+$0xD280] =	vst v32  }
0x345: {  	s0 =	sor.u32 $0x380, s0;
	[tilespmem:s1+$0xD300] =	vst v31;
	v31 =	vperm.xlane v39, v40  }
0x346: {  	[tilespmem:s0+$0xD000] =	vst v30  }
0x347: {  	v29 =	vperm.xlane v29, v40;
	[tilespmem:s1+$0x13380] =	vst v31  }
0x348: {  	v28 =	vperm.xlane v28, v40;
	[tilespmem:s1+$0xF000] =	vst v41  }
0x349: {  	v27 =	vperm.xlane v27, v40;
	[tilespmem:s1+$0xF080] =	vst v29  }
0x34a: {  	v26 =	vperm.xlane v26, v40;
	[tilespmem:s1+$0xF100] =	vst v28  }
0x34b: {  	v25 =	vperm.xlane v25, v40;
	[tilespmem:s1+$0xF180] =	vst v27  }
0x34c: {  	v24 =	vperm.xlane v24, v40;
	[tilespmem:s1+$0xF200] =	vst v26  }
0x34d: {  	v23 =	vperm.xlane v23, v40;
	[tilespmem:s1+$0xF280] =	vst v25  }
0x34e: {  	v22 =	vperm.xlane v22, v40;
	[tilespmem:s1+$0xF300] =	vst v24  }
0x34f: {  	v21 =	vperm.xlane v21, v40;
	[tilespmem:s1+$0xF380] =	vst v23  }
0x350: {  	v20 =	vperm.xlane v20, v40;
	[tilespmem:s1+$0x11000] =	vst v22  }
0x351: {  	v19 =	vperm.xlane v19, v40;
	[tilespmem:s1+$0x11080] =	vst v21  }
0x352: {  	v17 =	vperm.xlane v17, v40;
	[tilespmem:s1+$0x11100] =	vst v20  }
0x353: {  	v14 =	vperm.xlane v14, v40;
	[tilespmem:s1+$0x11180] =	vst v19  }
0x354: {  	v11 =	vperm.xlane v11, v40;
	[tilespmem:s1+$0x11200] =	vst v17  }
0x355: {  	v12 =	vperm.xlane v12, v40;
	[tilespmem:s1+$0x11280] =	vst v14  }
0x356: {  	v13 =	vperm.xlane v13, v40;
	[tilespmem:s1+$0x11300] =	vst v11  }
0x357: {  	v10 =	vperm.xlane v10, v40;
	[tilespmem:s1+$0x11380] =	vst v12  }
0x358: {  	v8 =	vperm.xlane v8, v40;
	[tilespmem:s1+$0x13180] =	vst v13  }
0x359: {  	v9 =	vperm.xlane v9, v40;
	[tilespmem:s1+$0x13200] =	vst v10  }
0x35a: {  	v14 =	vperm.xlane v15, v40;
	[tilespmem:s1+$0x13280] =	vst v8  }
0x35b: {  	v11 =	vperm.xlane v18, v40;
	[tilespmem:s1+$0x13300] =	vst v9  }
0x35c: {  	v12 =	vperm.xlane v16, v40;
	[tilespmem:s1+$0x13000] =	vst v14  }
0x35d: {  	[tilespmem:s1+$0x13080] =	vst v11  }
0x35e: {  	s17 =	sadd.s32 s30, s13;
	[tilespmem:s1+$0x13100] =	vst v12  }
0x35f: {  	[hbm4b:s17+s20] =	stream.strided.scatter [tilespmem:s23], [sflag:$0x2], $0x8000, s21, s20, $0x38;
	[tilespmem:$0x15000] =	vst v63  }
0x360: {  	_ =	swait.ge [sflag:s24], $0x8000  }
0x361: {  	[sflag:s24] =	ssyncset.done $0x0  }
0x362: {  	[sflag:s24] =	ssyncadd.s32 $0xFFFF8000  }
0x363: {  	v37 =	vld [tilespmem:$0x2C00]  }
0x364: {  	v36 =	vld [tilespmem:$0x2C10]  }
0x365: {  	v35 =	vld [tilespmem:$0x2C20]  }
0x366: {  	v34 =	vld [tilespmem:$0x2C30]  }
0x367: {  	v33 =	vld [tilespmem:$0x2C40]  }
0x368: {  	v32 =	vld [tilespmem:$0x2C50]  }
0x369: {  	v31 =	vld [tilespmem:$0x2C60]  }
0x36a: {  	v30 =	vld [tilespmem:$0x2C70]  }
0x36b: {  	v38 =	vld [tilespmem:$0x2C80]  }
0x36c: {  	v29 =	vld [tilespmem:$0x2C90]  }
0x36d: {  	v28 =	vld [tilespmem:$0x2CA0]  }
0x36e: {  	v27 =	vld [tilespmem:$0x2CB0]  }
0x36f: {  	v26 =	vld [tilespmem:$0x2CC0]  }
0x370: {  	v25 =	vld [tilespmem:$0x2CD0]  }
0x371: {  	v24 =	vld [tilespmem:$0x2CE0]  }
0x372: {  	v23 =	vld [tilespmem:$0x2CF0]  }
0x373: {  	v22 =	vld [tilespmem:$0x2D00]  }
0x374: {  	v21 =	vld [tilespmem:$0x2D10]  }
0x375: {  	v20 =	vld [tilespmem:$0x2D20]  }
0x376: {  	v19 =	vld [tilespmem:$0x2D30]  }
0x377: {  	v17 =	vld [tilespmem:$0x2D40]  }
0x378: {  	s19 =	simm.s32 $0x0;
	v14 =	vld [tilespmem:$0x2D50]  }
0x379: {  	s3 =	sand.u32 $0x70, s19;
	s17 =	sand.u32 $0x1C00, s19;
	v11 =	vld [tilespmem:$0x2D60]  }
0x37a: {  	s31 =	sor.u32 s17, s3;
	v12 =	vld [tilespmem:$0x2D70]  }
0x37b: {  	v9 =	vld [tilespmem:s31+$0x3300]  }
0x37c: {  	v15 =	vld [tilespmem:$0x2D80]  }
0x37d: {  	v18 =	vld [tilespmem:$0x2D90]  }
0x37e: {  	v16 =	vld [tilespmem:$0x2DA0]  }
0x37f: {  	v13 =	vld [tilespmem:$0x2DB0]  }
0x380: {  	v10 =	vld [tilespmem:$0x2DC0];
	v40 =	vand.u32 $0xF, v9  }
0x381: {  	v8 =	vld [tilespmem:$0x2DD0];
	v53 =	vperm.xlane v37, v40  }
0x382: {  	v39 =	vld [tilespmem:$0x2DF0];
	v54 =	vperm.xlane v36, v40  }
0x383: {  	v9 =	vld [tilespmem:$0x2DE0];
	v55 =	vperm.xlane v35, v40;
	[tilespmem:s31+$0x5000] =	vst v53  }
0x384: {  	v56 =	vperm.xlane v34, v40;
	[tilespmem:s31+$0x5080] =	vst v54  }
0x385: {  	v57 =	vperm.xlane v33, v40;
	[tilespmem:s31+$0x5100] =	vst v55  }
0x386: {  	v58 =	vperm.xlane v32, v40;
	[tilespmem:s31+$0x5180] =	vst v56  }
0x387: {  	v59 =	vperm.xlane v31, v40;
	[tilespmem:s31+$0x5200] =	vst v57  }
0x388: {  	s0 =	sor.u32 s19, s19;
	v60 =	vperm.xlane v30, v40;
	[tilespmem:s31+$0x5280] =	vst v58  }
0x389: {  	s0 =	sor.u32 $0x380, s0;
	v61 =	vperm.xlane v39, v40;
	[tilespmem:s31+$0x5300] =	vst v59  }
0x38a: {  	v62 =	vperm.xlane v38, v40;
	[tilespmem:s0+$0x5000] =	vst v60  }
0x38b: {  	v63 =	vperm.xlane v29, v40;
	[tilespmem:s31+$0xB380] =	vst v61  }
0x38c: {  	v45 =	vperm.xlane v28, v40;
	[tilespmem:s31+$0x7000] =	vst v62  }
0x38d: {  	v46 =	vperm.xlane v27, v40;
	[tilespmem:s31+$0x7080] =	vst v63  }
0x38e: {  	v47 =	vperm.xlane v26, v40;
	[tilespmem:s31+$0x7100] =	vst v45  }
0x38f: {  	v48 =	vperm.xlane v25, v40;
	[tilespmem:s31+$0x7180] =	vst v46  }
0x390: {  	v49 =	vperm.xlane v24, v40;
	[tilespmem:s31+$0x7200] =	vst v47  }
0x391: {  	v50 =	vperm.xlane v23, v40;
	[tilespmem:s31+$0x7280] =	vst v48  }
0x392: {  	v51 =	vperm.xlane v22, v40;
	[tilespmem:s31+$0x7300] =	vst v49  }
0x393: {  	v52 =	vperm.xlane v21, v40;
	[tilespmem:s31+$0x7380] =	vst v50  }
0x394: {  	v53 =	vperm.xlane v20, v40;
	[tilespmem:s31+$0x9000] =	vst v51  }
0x395: {  	v54 =	vperm.xlane v19, v40;
	[tilespmem:s31+$0x9080] =	vst v52  }
0x396: {  	v55 =	vperm.xlane v17, v40;
	[tilespmem:s31+$0x9100] =	vst v53  }
0x397: {  	v56 =	vperm.xlane v14, v40;
	[tilespmem:s31+$0x9180] =	vst v54  }
0x398: {  	s3 =	simm.s32 $0x80;
	v57 =	vperm.xlane v11, v40;
	s0 =	simm.s32 $0x10;
	[tilespmem:s31+$0x9200] =	vst v55  }
0x399: {  	s17 =	sand.u32 $0x1C00, s3;
	v58 =	vperm.xlane v12, v40;
	s19 =	sand.u32 $0x70, s0;
	[tilespmem:s31+$0x9280] =	vst v56  }
0x39a: {  	v59 =	vperm.xlane v15, v40;
	[tilespmem:s31+$0x9300] =	vst v57;
	s1 =	sor.u32 s17, s19  }
0x39b: {  	v60 =	vperm.xlane v18, v40;
	[tilespmem:s31+$0x9380] =	vst v58;
	v44 =	vld [tilespmem:s1+$0x3300]  }
0x39c: {  	v61 =	vperm.xlane v16, v40;
	[tilespmem:s31+$0xB000] =	vst v59  }
0x39d: {  	v62 =	vperm.xlane v13, v40;
	[tilespmem:s31+$0xB080] =	vst v60  }
0x39e: {  	v63 =	vperm.xlane v10, v40;
	[tilespmem:s31+$0xB100] =	vst v61  }
0x39f: {  	v45 =	vperm.xlane v8, v40;
	[tilespmem:s31+$0xB180] =	vst v62  }
0x3a0: {  	v42 =	vperm.xlane v9, v40;
	[tilespmem:s31+$0xB200] =	vst v63;
	v40 =	vand.u32 $0xF, v44  }
0x3a1: {  	s17 =	simm.s32 $0x20;
	[tilespmem:s31+$0xB280] =	vst v45;
	v43 =	vperm.xlane v37, v40;
	v41 =	vperm.xlane v38, v40  }
.LBB2_17:
0x3a2: {  	p0 =	sne.s32 s17, $0x3F0;
	v44 =	vperm.xlane v36, v40;
	v45 =	vperm.xlane v29, v40;
	[tilespmem:s31+$0xB300] =	vst v42;
	s31 =	smov.u32 s1  }
0x3a3: {  	v42 =	vperm.xlane v35, v40;
	[tilespmem:s31+$0x5000] =	vst v43;
	v43 =	vperm.xlane v28, v40  }
0x3a4: {  	v46 =	vperm.xlane v27, v40;
	[tilespmem:s31+$0x5080] =	vst v44;
	v44 =	vperm.xlane v34, v40  }
0x3a5: {  	v47 =	vperm.xlane v26, v40;
	[tilespmem:s31+$0x5100] =	vst v42;
	v42 =	vperm.xlane v33, v40  }
0x3a6: {  	v48 =	vperm.xlane v25, v40;
	[tilespmem:s31+$0x5180] =	vst v44;
	v44 =	vperm.xlane v32, v40  }
0x3a7: {  	v49 =	vperm.xlane v24, v40;
	[tilespmem:s31+$0x5200] =	vst v42;
	v42 =	vperm.xlane v31, v40  }
0x3a8: {  	s1 =	sor.u32 s3, s0;
	v50 =	vperm.xlane v23, v40;
	s0 =	smov.u32 s17;
	[tilespmem:s31+$0x5280] =	vst v44;
	v44 =	vperm.xlane v30, v40  }
0x3a9: {  	v51 =	vperm.xlane v22, v40;
	s1 =	sor.u32 $0x380, s1;
	[tilespmem:s31+$0x5300] =	vst v42;
	v42 =	vperm.xlane v39, v40  }
0x3aa: {  	v52 =	vperm.xlane v20, v40;
	[tilespmem:s1+$0x5000] =	vst v44;
	v44 =	vperm.xlane v21, v40  }
0x3ab: {  	v53 =	vperm.xlane v19, v40;
	v54 =	vperm.xlane v17, v40;
	[tilespmem:s31+$0xB380] =	vst v42  }
0x3ac: {  	v55 =	vperm.xlane v11, v40;
	[tilespmem:s31+$0x7000] =	vst v41;
	v41 =	vperm.xlane v14, v40  }
0x3ad: {  	v56 =	vperm.xlane v15, v40;
	[tilespmem:s31+$0x7080] =	vst v45;
	v45 =	vperm.xlane v12, v40  }
0x3ae: {  	v57 =	vperm.xlane v16, v40;
	[tilespmem:s31+$0x7100] =	vst v43;
	v43 =	vperm.xlane v18, v40  }
0x3af: {  	v58 =	vperm.xlane v10, v40;
	[tilespmem:s31+$0x7180] =	vst v46;
	v46 =	vperm.xlane v13, v40  }
0x3b0: {  	v42 =	vperm.xlane v9, v40;
	[tilespmem:s31+$0x7200] =	vst v47;
	v47 =	vperm.xlane v8, v40  }
0x3b1: {  	[tilespmem:s31+$0x7280] =	vst v48  }
0x3b2: {  	[tilespmem:s31+$0x7300] =	vst v49  }
0x3b3: {  	[tilespmem:s31+$0x7380] =	vst v50  }
0x3b4: {  	[tilespmem:s31+$0x9000] =	vst v51  }
0x3b5: {  	[tilespmem:s31+$0x9080] =	vst v44  }
0x3b6: {  	[tilespmem:s31+$0x9100] =	vst v52  }
0x3b7: {  	[tilespmem:s31+$0x9180] =	vst v53  }
0x3b8: {  	s3 =	sadd.s32 $0x80, s3;
	[tilespmem:s31+$0x9200] =	vst v54  }
0x3b9: {  	s19 =	sand.u32 $0x1C00, s3;
	s1 =	sand.u32 $0x70, s17;
	[tilespmem:s31+$0x9280] =	vst v41  }
0x3ba: {  	s1 =	sor.u32 s19, s1;
	[tilespmem:s31+$0x9300] =	vst v55  }
0x3bb: {  	v40 =	vld [tilespmem:s1+$0x3300];
	[tilespmem:s31+$0x9380] =	vst v45  }
0x3bc: {  	[tilespmem:s31+$0xB000] =	vst v56  }
.Ltmp7:
0x3bd: {  	[tilespmem:s31+$0xB080] =	vst v43;
	(pc) =	sbr.rel @p0 .LBB2_17-.Ltmp7, $4  }
0x3be: {  	[tilespmem:s31+$0xB100] =	vst v57  }
0x3bf: {  	[tilespmem:s31+$0xB180] =	vst v46  }
0x3c0: {  	v40 =	vand.u32 $0xF, v40;
	[tilespmem:s31+$0xB200] =	vst v58  }
0x3c1: {  	s17 =	sadd.s32 $0x10, s17;
	v43 =	vperm.xlane v37, v40;
	v41 =	vperm.xlane v38, v40;
	[tilespmem:s31+$0xB280] =	vst v47  }
0x3c2: {  	v36 =	vperm.xlane v36, v40;
	[tilespmem:s31+$0xB300] =	vst v42  }
0x3c3: {  	v35 =	vperm.xlane v35, v40;
	[tilespmem:s1+$0x5000] =	vst v43  }
0x3c4: {  	v34 =	vperm.xlane v34, v40;
	[tilespmem:s1+$0x5080] =	vst v36  }
0x3c5: {  	v33 =	vperm.xlane v33, v40;
	[tilespmem:s1+$0x5100] =	vst v35  }
0x3c6: {  	v32 =	vperm.xlane v32, v40;
	[tilespmem:s1+$0x5180] =	vst v34  }
0x3c7: {  	v31 =	vperm.xlane v31, v40;
	[tilespmem:s1+$0x5200] =	vst v33  }
0x3c8: {  	v30 =	vperm.xlane v30, v40;
	s0 =	sor.u32 s3, s0;
	[tilespmem:s1+$0x5280] =	vst v32  }
0x3c9: {  	s0 =	sor.u32 $0x380, s0;
	[tilespmem:s1+$0x5300] =	vst v31;
	v31 =	vperm.xlane v39, v40  }
0x3ca: {  	[tilespmem:s0+$0x5000] =	vst v30  }
0x3cb: {  	v29 =	vperm.xlane v29, v40;
	[tilespmem:s1+$0xB380] =	vst v31  }
0x3cc: {  	v28 =	vperm.xlane v28, v40;
	[tilespmem:s1+$0x7000] =	vst v41  }
0x3cd: {  	v27 =	vperm.xlane v27, v40;
	[tilespmem:s1+$0x7080] =	vst v29  }
0x3ce: {  	v26 =	vperm.xlane v26, v40;
	[tilespmem:s1+$0x7100] =	vst v28  }
0x3cf: {  	v25 =	vperm.xlane v25, v40;
	[tilespmem:s1+$0x7180] =	vst v27  }
0x3d0: {  	v24 =	vperm.xlane v24, v40;
	[tilespmem:s1+$0x7200] =	vst v26  }
0x3d1: {  	v23 =	vperm.xlane v23, v40;
	[tilespmem:s1+$0x7280] =	vst v25  }
0x3d2: {  	v22 =	vperm.xlane v22, v40;
	[tilespmem:s1+$0x7300] =	vst v24  }
0x3d3: {  	v21 =	vperm.xlane v21, v40;
	[tilespmem:s1+$0x7380] =	vst v23  }
0x3d4: {  	v20 =	vperm.xlane v20, v40;
	[tilespmem:s1+$0x9000] =	vst v22  }
0x3d5: {  	v19 =	vperm.xlane v19, v40;
	[tilespmem:s1+$0x9080] =	vst v21  }
0x3d6: {  	v17 =	vperm.xlane v17, v40;
	[tilespmem:s1+$0x9100] =	vst v20  }
0x3d7: {  	v14 =	vperm.xlane v14, v40;
	[tilespmem:s1+$0x9180] =	vst v19  }
0x3d8: {  	v11 =	vperm.xlane v11, v40;
	[tilespmem:s1+$0x9200] =	vst v17  }
0x3d9: {  	v12 =	vperm.xlane v12, v40;
	[tilespmem:s1+$0x9280] =	vst v14  }
0x3da: {  	v13 =	vperm.xlane v13, v40;
	[tilespmem:s1+$0x9300] =	vst v11  }
0x3db: {  	v10 =	vperm.xlane v10, v40;
	[tilespmem:s1+$0x9380] =	vst v12  }
0x3dc: {  	v8 =	vperm.xlane v8, v40;
	[tilespmem:s1+$0xB180] =	vst v13  }
0x3dd: {  	v9 =	vperm.xlane v9, v40;
	[tilespmem:s1+$0xB200] =	vst v10  }
0x3de: {  	v14 =	vperm.xlane v15, v40;
	[tilespmem:s1+$0xB280] =	vst v8  }
0x3df: {  	v11 =	vperm.xlane v18, v40;
	[tilespmem:s1+$0xB300] =	vst v9  }
0x3e0: {  	v12 =	vperm.xlane v16, v40;
	[tilespmem:s1+$0xB000] =	vst v14  }
0x3e1: {  	[tilespmem:s1+$0xB080] =	vst v11  }
0x3e2: {  	[tilespmem:s1+$0xB100] =	vst v12;
	s1 =	sadd.s32 s30, s14  }
0x3e3: {  	[hbm4b:s1+s20] =	stream.strided.scatter [tilespmem:s22], [sflag:$0x1], $0x8000, s21, s20, $0x38;
	[tilespmem:$0x15000] =	vst v63  }
0x3e4: {  	_ =	swait.ge [sflag:s25], $0x8000  }
0x3e5: {  	[sflag:s25] =	ssyncset.done $0x0  }
0x3e6: {  	[sflag:s25] =	ssyncadd.s32 $0xFFFF8000  }
0x3e7: {  	v37 =	vld [tilespmem:$0x2E00]  }
0x3e8: {  	v36 =	vld [tilespmem:$0x2E10]  }
0x3e9: {  	v35 =	vld [tilespmem:$0x2E20]  }
0x3ea: {  	v34 =	vld [tilespmem:$0x2E30]  }
0x3eb: {  	v33 =	vld [tilespmem:$0x2E40]  }
0x3ec: {  	v32 =	vld [tilespmem:$0x2E50]  }
0x3ed: {  	v31 =	vld [tilespmem:$0x2E60]  }
0x3ee: {  	v30 =	vld [tilespmem:$0x2E70]  }
0x3ef: {  	v38 =	vld [tilespmem:$0x2E80]  }
0x3f0: {  	v29 =	vld [tilespmem:$0x2E90]  }
0x3f1: {  	v28 =	vld [tilespmem:$0x2EA0]  }
0x3f2: {  	v27 =	vld [tilespmem:$0x2EB0]  }
0x3f3: {  	v26 =	vld [tilespmem:$0x2EC0]  }
0x3f4: {  	v25 =	vld [tilespmem:$0x2ED0]  }
0x3f5: {  	v24 =	vld [tilespmem:$0x2EE0]  }
0x3f6: {  	v23 =	vld [tilespmem:$0x2EF0]  }
0x3f7: {  	v22 =	vld [tilespmem:$0x2F00]  }
0x3f8: {  	v21 =	vld [tilespmem:$0x2F10]  }
0x3f9: {  	v20 =	vld [tilespmem:$0x2F20]  }
0x3fa: {  	v19 =	vld [tilespmem:$0x2F30]  }
0x3fb: {  	v18 =	vld [tilespmem:$0x2F40]  }
0x3fc: {  	s3 =	simm.s32 $0x0;
	v16 =	vld [tilespmem:$0x2F50]  }
0x3fd: {  	s17 =	sor.u32 s3, s3;
	v12 =	vld [tilespmem:$0x2F60]  }
0x3fe: {  	s1 =	sor.u32 $0x380, s17;
	v13 =	vld [tilespmem:$0x2F70]  }
0x3ff: {  	v9 =	vld [tilespmem:s1+$0x3000]  }
0x400: {  	v14 =	vld [tilespmem:$0x2F80]  }
0x401: {  	v17 =	vld [tilespmem:$0x2F90]  }
0x402: {  	v15 =	vld [tilespmem:$0x2FA0]  }
0x403: {  	v11 =	vld [tilespmem:$0x2FB0]  }
0x404: {  	v10 =	vld [tilespmem:$0x2FC0];
	v40 =	vand.u32 $0xF, v9  }
0x405: {  	s19 =	sand.u32 $0x70, s3;
	s0 =	sand.u32 $0x1C00, s3;
	v8 =	vld [tilespmem:$0x2FD0];
	v53 =	vperm.xlane v37, v40  }
0x406: {  	s31 =	sor.u32 s19, s0;
	v39 =	vld [tilespmem:$0x2FF0];
	v54 =	vperm.xlane v36, v40  }
0x407: {  	v9 =	vld [tilespmem:$0x2FE0];
	v55 =	vperm.xlane v35, v40;
	[tilespmem:s31+$0xD000] =	vst v53  }
0x408: {  	v56 =	vperm.xlane v34, v40;
	[tilespmem:s31+$0xD080] =	vst v54  }
0x409: {  	v57 =	vperm.xlane v33, v40;
	[tilespmem:s31+$0xD100] =	vst v55  }
0x40a: {  	v58 =	vperm.xlane v32, v40;
	[tilespmem:s31+$0xD180] =	vst v56  }
0x40b: {  	v59 =	vperm.xlane v31, v40;
	[tilespmem:s31+$0xD200] =	vst v57  }
0x40c: {  	v60 =	vperm.xlane v30, v40;
	[tilespmem:s31+$0xD280] =	vst v58  }
0x40d: {  	v61 =	vperm.xlane v39, v40;
	[tilespmem:s31+$0xD300] =	vst v59  }
0x40e: {  	v62 =	vperm.xlane v38, v40;
	[tilespmem:s1+$0xD000] =	vst v60  }
0x40f: {  	v63 =	vperm.xlane v29, v40;
	[tilespmem:s31+$0x13380] =	vst v61  }
0x410: {  	v45 =	vperm.xlane v28, v40;
	[tilespmem:s31+$0xF000] =	vst v62  }
0x411: {  	v46 =	vperm.xlane v27, v40;
	[tilespmem:s31+$0xF080] =	vst v63  }
0x412: {  	v47 =	vperm.xlane v26, v40;
	[tilespmem:s31+$0xF100] =	vst v45  }
0x413: {  	v48 =	vperm.xlane v25, v40;
	[tilespmem:s31+$0xF180] =	vst v46  }
0x414: {  	v49 =	vperm.xlane v24, v40;
	[tilespmem:s31+$0xF200] =	vst v47  }
0x415: {  	v50 =	vperm.xlane v23, v40;
	[tilespmem:s31+$0xF280] =	vst v48  }
0x416: {  	v51 =	vperm.xlane v22, v40;
	[tilespmem:s31+$0xF300] =	vst v49  }
0x417: {  	v52 =	vperm.xlane v21, v40;
	[tilespmem:s31+$0xF380] =	vst v50  }
0x418: {  	v53 =	vperm.xlane v20, v40;
	[tilespmem:s31+$0x11000] =	vst v51  }
0x419: {  	v54 =	vperm.xlane v19, v40;
	[tilespmem:s31+$0x11080] =	vst v52  }
0x41a: {  	v55 =	vperm.xlane v18, v40;
	[tilespmem:s31+$0x11100] =	vst v53  }
0x41b: {  	v56 =	vperm.xlane v16, v40;
	[tilespmem:s31+$0x11180] =	vst v54  }
0x41c: {  	s0 =	simm.s32 $0x80;
	s17 =	simm.s32 $0x10;
	v57 =	vperm.xlane v12, v40;
	[tilespmem:s31+$0x11200] =	vst v55  }
0x41d: {  	s19 =	sor.u32 s0, s17;
	v58 =	vperm.xlane v13, v40;
	[tilespmem:s31+$0x11280] =	vst v56  }
0x41e: {  	s3 =	sor.u32 $0x380, s19;
	v59 =	vperm.xlane v14, v40;
	[tilespmem:s31+$0x11300] =	vst v57  }
0x41f: {  	v44 =	vld [tilespmem:s3+$0x3000];
	v60 =	vperm.xlane v17, v40;
	[tilespmem:s31+$0x11380] =	vst v58  }
0x420: {  	v61 =	vperm.xlane v15, v40;
	[tilespmem:s31+$0x13000] =	vst v59  }
0x421: {  	v62 =	vperm.xlane v11, v40;
	[tilespmem:s31+$0x13080] =	vst v60  }
0x422: {  	v63 =	vperm.xlane v10, v40;
	[tilespmem:s31+$0x13100] =	vst v61  }
0x423: {  	v45 =	vperm.xlane v8, v40;
	[tilespmem:s31+$0x13180] =	vst v62  }
0x424: {  	v42 =	vperm.xlane v9, v40;
	v40 =	vand.u32 $0xF, v44;
	[tilespmem:s31+$0x13200] =	vst v63  }
0x425: {  	s17 =	sand.u32 $0x70, s17;
	s19 =	sand.u32 $0x1C00, s0;
	s1 =	simm.s32 $0x20;
	v43 =	vperm.xlane v37, v40;
	v41 =	vperm.xlane v38, v40;
	[tilespmem:s31+$0x13280] =	vst v45  }
.LBB2_19:
0x426: {  	p0 =	sne.s32 s1, $0x3F0;
	v44 =	vperm.xlane v36, v40;
	v45 =	vperm.xlane v29, v40;
	[tilespmem:s31+$0x13300] =	vst v42;
	s31 =	sor.u32 s17, s19  }
0x427: {  	v42 =	vperm.xlane v35, v40;
	[tilespmem:s31+$0xD000] =	vst v43;
	v43 =	vperm.xlane v28, v40  }
0x428: {  	v46 =	vperm.xlane v27, v40;
	[tilespmem:s31+$0xD080] =	vst v44;
	v44 =	vperm.xlane v34, v40  }
0x429: {  	v47 =	vperm.xlane v26, v40;
	[tilespmem:s31+$0xD100] =	vst v42;
	v42 =	vperm.xlane v33, v40  }
0x42a: {  	v48 =	vperm.xlane v25, v40;
	[tilespmem:s31+$0xD180] =	vst v44;
	v44 =	vperm.xlane v32, v40  }
0x42b: {  	v49 =	vperm.xlane v24, v40;
	[tilespmem:s31+$0xD200] =	vst v42;
	v42 =	vperm.xlane v31, v40  }
0x42c: {  	v50 =	vperm.xlane v23, v40;
	[tilespmem:s31+$0xD280] =	vst v44;
	v44 =	vperm.xlane v30, v40  }
0x42d: {  	v51 =	vperm.xlane v22, v40;
	[tilespmem:s31+$0xD300] =	vst v42;
	v42 =	vperm.xlane v39, v40  }
0x42e: {  	v52 =	vperm.xlane v20, v40;
	[tilespmem:s3+$0xD000] =	vst v44;
	v44 =	vperm.xlane v21, v40  }
0x42f: {  	v53 =	vperm.xlane v19, v40;
	v54 =	vperm.xlane v18, v40;
	[tilespmem:s31+$0x13380] =	vst v42  }
0x430: {  	v55 =	vperm.xlane v12, v40;
	[tilespmem:s31+$0xF000] =	vst v41;
	v41 =	vperm.xlane v16, v40  }
0x431: {  	v56 =	vperm.xlane v14, v40;
	[tilespmem:s31+$0xF080] =	vst v45;
	v45 =	vperm.xlane v13, v40  }
0x432: {  	v57 =	vperm.xlane v15, v40;
	[tilespmem:s31+$0xF100] =	vst v43;
	v43 =	vperm.xlane v17, v40  }
0x433: {  	v58 =	vperm.xlane v10, v40;
	[tilespmem:s31+$0xF180] =	vst v46;
	v46 =	vperm.xlane v11, v40  }
0x434: {  	v42 =	vperm.xlane v9, v40;
	[tilespmem:s31+$0xF200] =	vst v47;
	v47 =	vperm.xlane v8, v40  }
0x435: {  	[tilespmem:s31+$0xF280] =	vst v48  }
0x436: {  	[tilespmem:s31+$0xF300] =	vst v49  }
0x437: {  	[tilespmem:s31+$0xF380] =	vst v50  }
0x438: {  	[tilespmem:s31+$0x11000] =	vst v51  }
0x439: {  	[tilespmem:s31+$0x11080] =	vst v44  }
0x43a: {  	[tilespmem:s31+$0x11100] =	vst v52  }
0x43b: {  	[tilespmem:s31+$0x11180] =	vst v53  }
0x43c: {  	s0 =	sadd.s32 $0x80, s0;
	[tilespmem:s31+$0x11200] =	vst v54  }
0x43d: {  	s3 =	sor.u32 s0, s1;
	[tilespmem:s31+$0x11280] =	vst v41  }
0x43e: {  	s3 =	sor.u32 $0x380, s3;
	[tilespmem:s31+$0x11300] =	vst v55  }
0x43f: {  	v40 =	vld [tilespmem:s3+$0x3000];
	[tilespmem:s31+$0x11380] =	vst v45  }
0x440: {  	[tilespmem:s31+$0x13000] =	vst v56  }
.Ltmp8:
0x441: {  	[tilespmem:s31+$0x13080] =	vst v43;
	(pc) =	sbr.rel @p0 .LBB2_19-.Ltmp8, $4  }
0x442: {  	[tilespmem:s31+$0x13100] =	vst v57  }
0x443: {  	[tilespmem:s31+$0x13180] =	vst v46  }
0x444: {  	v40 =	vand.u32 $0xF, v40;
	[tilespmem:s31+$0x13200] =	vst v58  }
0x445: {  	s17 =	sand.u32 $0x70, s1;
	s19 =	sand.u32 $0x1C00, s0;
	s1 =	sadd.s32 $0x10, s1;
	v43 =	vperm.xlane v37, v40;
	v41 =	vperm.xlane v38, v40;
	[tilespmem:s31+$0x13280] =	vst v47  }
0x446: {  	s0 =	sor.u32 s17, s19;
	v36 =	vperm.xlane v36, v40;
	[tilespmem:s31+$0x13300] =	vst v42  }
0x447: {  	v35 =	vperm.xlane v35, v40;
	[tilespmem:s0+$0xD000] =	vst v43  }
0x448: {  	v34 =	vperm.xlane v34, v40;
	[tilespmem:s0+$0xD080] =	vst v36  }
0x449: {  	v33 =	vperm.xlane v33, v40;
	[tilespmem:s0+$0xD100] =	vst v35  }
0x44a: {  	v32 =	vperm.xlane v32, v40;
	[tilespmem:s0+$0xD180] =	vst v34  }
0x44b: {  	v31 =	vperm.xlane v31, v40;
	[tilespmem:s0+$0xD200] =	vst v33  }
0x44c: {  	v30 =	vperm.xlane v30, v40;
	[tilespmem:s0+$0xD280] =	vst v32  }
0x44d: {  	v61 =	vperm.xlane v39, v40;
	[tilespmem:s0+$0xD300] =	vst v31  }
0x44e: {  	[tilespmem:s3+$0xD000] =	vst v30  }
0x44f: {  	v29 =	vperm.xlane v29, v40;
	[tilespmem:s0+$0x13380] =	vst v61  }
0x450: {  	v28 =	vperm.xlane v28, v40;
	[tilespmem:s0+$0xF000] =	vst v41  }
0x451: {  	v27 =	vperm.xlane v27, v40;
	[tilespmem:s0+$0xF080] =	vst v29  }
0x452: {  	v26 =	vperm.xlane v26, v40;
	[tilespmem:s0+$0xF100] =	vst v28  }
0x453: {  	v25 =	vperm.xlane v25, v40;
	[tilespmem:s0+$0xF180] =	vst v27  }
0x454: {  	v24 =	vperm.xlane v24, v40;
	[tilespmem:s0+$0xF200] =	vst v26  }
0x455: {  	v23 =	vperm.xlane v23, v40;
	[tilespmem:s0+$0xF280] =	vst v25  }
0x456: {  	v22 =	vperm.xlane v22, v40;
	[tilespmem:s0+$0xF300] =	vst v24  }
0x457: {  	v21 =	vperm.xlane v21, v40;
	[tilespmem:s0+$0xF380] =	vst v23  }
0x458: {  	v20 =	vperm.xlane v20, v40;
	[tilespmem:s0+$0x11000] =	vst v22  }
0x459: {  	v19 =	vperm.xlane v19, v40;
	[tilespmem:s0+$0x11080] =	vst v21  }
0x45a: {  	v18 =	vperm.xlane v18, v40;
	[tilespmem:s0+$0x11100] =	vst v20  }
0x45b: {  	v16 =	vperm.xlane v16, v40;
	[tilespmem:s0+$0x11180] =	vst v19  }
0x45c: {  	v12 =	vperm.xlane v12, v40;
	[tilespmem:s0+$0x11200] =	vst v18  }
0x45d: {  	v13 =	vperm.xlane v13, v40;
	[tilespmem:s0+$0x11280] =	vst v16  }
0x45e: {  	v14 =	vperm.xlane v14, v40;
	[tilespmem:s0+$0x11300] =	vst v12  }
0x45f: {  	v62 =	vperm.xlane v17, v40;
	[tilespmem:s0+$0x11380] =	vst v13  }
0x460: {  	v63 =	vperm.xlane v15, v40;
	[tilespmem:s0+$0x13000] =	vst v14  }
0x461: {  	v11 =	vperm.xlane v11, v40;
	s29 =	sadd.s32 $0x1, s29;
	[tilespmem:s0+$0x13080] =	vst v62  }
0x462: {  	v10 =	vperm.xlane v10, v40;
	p0 =	sne.s32 s29, $0x4;
	[tilespmem:s0+$0x13100] =	vst v63  }
.Ltmp9:
0x463: {  	v8 =	vperm.xlane v8, v40;
	[tilespmem:s0+$0x13180] =	vst v11;
	(pc) =	sbr.rel @p0 .LBB2_4-.Ltmp9, $4  }
0x464: {  	v9 =	vperm.xlane v9, v40;
	[tilespmem:s0+$0x13200] =	vst v10  }
0x465: {  	[tilespmem:s0+$0x13280] =	vst v8  }
0x466: {  	s31 =	sadd.s32 s30, s15;
	[tilespmem:s0+$0x13300] =	vst v9  }
0x467: {  	[hbm4b:s31+s20] =	stream.strided.scatter [tilespmem:s23], [sflag:$0x2], $0x8000, s21, s20, $0x38;
	[tilespmem:$0x15000] =	vst v63  }
0x468: {  	s26 =	sadd.s32 $0x1, s26  }
0x469: {  	_ =	swait.ge [sflag:s24], $0x8000;
	p0 =	sne.s32 s26, s16  }
.Ltmp10:
0x46a: {  	[sflag:s24] =	ssyncset.done $0x0;
	(pc) =	sbr.rel @p0 .LBB2_1-.Ltmp10, $4  }
0x46b: {  	[sflag:s24] =	ssyncadd.s32 $0xFFFF8000  }
0x46c: {  	_ =	swait.ge [sflag:s25], $0x8000  }
0x46d: {  	[sflag:s25] =	ssyncset.done $0x0  }
0x46e: {  	[sflag:s25] =	ssyncadd.s32 $0xFFFF8000  }
0x46f: {  	_ =	sfence.sel $0x180000  }
0x470: {  	[bflag:$0x0] =	sbarrier.arrive $0xFFFF  }
0x471: {  	_ =	strace $0x90000047  }
0x472: {  	s0 =	stileid.u32;
	[bflag:$0x2] =	sbarrier.arrive $0xFFFF  }
0x473: {  	p0 =	sne.s32 s0, $0x0;
	s0 =	rddreg [dreg:$0x4]  }
0x474: {  	s0 =	sadd.s32 @!p0 $0x100000, s0  }
0x475: {  	[sflag:s0] =	ssyncadd.tile.s32 @!p0 $0x1;
	_ =	shalt  }
.Lfunc_end2:
_tile_overlayer_lowered:
.L_overlay_start_2:
0x476: {  	(tag) =	ssettag $0x2  }
0x477: {  	s0 =	rddreg [dreg:$0x0];
	s2 =	stileid.u32  }
0x478: {  	s1 =	rddreg [dreg:$0x1];
	p0 =	sne.s32 s2, $0x0  }
0x479: {  	s3 =	rddreg [dreg:$0x2];
	[bflag:$0x3] =	sbarrier.arrive $0xFFFF;
	s2 =	simm.s32 @!p0 $0x1C04  }
0x47a: {  	[timem:s3], [sflag:s2] =	dma.local @!p0 [hbm:s0], s1  }
0x47b: {  	s0 =	simm.s32 @!p0 $0x4  }
0x47c: {  	_ =	swait.ge @!p0 [sflag:s0], s1  }
0x47d: {  	s1 =	ssub.s32 @!p0 $0x0, s1;
	[sflag:s0] =	ssyncset.done @!p0 $0x0  }
0x47e: {  	[sflag:s0] =	ssyncadd.s32 @!p0 s1  }
0x47f: {  	[bflag:$0x3] =	sbarrier.arrive $0xFFFF  }
0x480: {  	_ =	shalt  }

</sc_bundles>
